<compile_context>
chip_gen: v7x
topology: tpu7x:2x2x1
jax: 0.10.2.dev20260603
libtpu: 0.0.44.dev20260713+nightly
codegen_flags: <defaults>
</compile_context>

<pallas_src>
import jax
import jax.numpy as jnp
from jax import lax
from jax.experimental import pallas as pl
from jax.experimental.pallas import tpu as pltpu
from jax.experimental.pallas import tpu_sc as plsc

B = 16384
CLASS_NUM = 2
D = 1024
LANES = 16
NC = 2
NS = 16
NW = NC * NS

BS = 2048
BT = B - BS
RS = BS // NW
CHUNK = 32
NCHUNK = RS // CHUNK
NJ = D // LANES
NGRP = 4
GW = NJ // NGRP


def _sc_body(feat_hbm, cen_hbm, a0p_hbm, pdp_hbm, cen_v, cd_v, fb0, fb1,
             a0p_v, pdp_v, sem0, sem1):
    wid = lax.axis_index("s") * NC + lax.axis_index("c")
    base = wid * RS

    pltpu.sync_copy(cen_hbm, cen_v)
    for j in range(NJ):
        c0 = cen_v[pl.ds(j * LANES, LANES)]
        c1 = cen_v[pl.ds(D + j * LANES, LANES)]
        cd_v[pl.ds(j * LANES, LANES)] = c0 - c1

    def process(g, fb):
        for jg in range(NGRP):
            cvals = tuple(
                cen_v[pl.ds((jg * GW + m) * LANES, LANES)] for m in range(GW)
            ) + tuple(
                cd_v[pl.ds((jg * GW + m) * LANES, LANES)] for m in range(GW)
            )

            def row_body(r, carry, _jg=jg):
                rr = g * CHUNK + r
                a0 = jnp.zeros((LANES,), jnp.float32)
                pd = jnp.zeros((LANES,), jnp.float32)
                for m in range(GW):
                    f = fb[r, pl.ds((_jg * GW + m) * LANES, LANES)]
                    diff = f - carry[m]
                    a0 = a0 + diff * diff
                    pd = pd + f * carry[GW + m]
                if _jg == 0:
                    a0p_v[rr, :] = a0
                    pdp_v[rr, :] = pd
                else:
                    a0p_v[rr, :] = a0p_v[rr, :] + a0
                    pdp_v[rr, :] = pdp_v[rr, :] + pd
                return carry

            lax.fori_loop(0, CHUNK, row_body, cvals)

    pltpu.async_copy(feat_hbm.at[pl.ds(base, CHUNK), :], fb0, sem0)

    def pair_body(k, _):
        g0 = 2 * k
        g1 = 2 * k + 1
        pltpu.async_copy(
            feat_hbm.at[pl.ds(base + g1 * CHUNK, CHUNK), :], fb1, sem1)
        pltpu.make_async_copy(
            feat_hbm.at[pl.ds(0, CHUNK), :], fb0, sem0).wait()
        process(g0, fb0)
        nxt = jnp.minimum(g0 + 2, NCHUNK - 1)
        pltpu.async_copy(
            feat_hbm.at[pl.ds(base + nxt * CHUNK, CHUNK), :], fb0, sem0)
        pltpu.make_async_copy(
            feat_hbm.at[pl.ds(0, CHUNK), :], fb1, sem1).wait()
        process(g1, fb1)
        return 0

    lax.fori_loop(0, NCHUNK // 2, pair_body, 0)
    pltpu.make_async_copy(feat_hbm.at[pl.ds(0, CHUNK), :], fb0, sem0).wait()

    pltpu.sync_copy(a0p_v, a0p_hbm.at[pl.ds(base, RS), :])
    pltpu.sync_copy(pdp_v, pdp_hbm.at[pl.ds(base, RS), :])


def _sc_partials(feat, cen_flat):
    mesh = plsc.VectorSubcoreMesh(core_axis_name="c", subcore_axis_name="s")
    return pl.kernel(
        _sc_body,
        mesh=mesh,
        out_type=[
            jax.ShapeDtypeStruct((BS, LANES), jnp.float32),
            jax.ShapeDtypeStruct((BS, LANES), jnp.float32),
        ],
        scratch_types=[
            pltpu.VMEM((CLASS_NUM * D,), jnp.float32),
            pltpu.VMEM((D,), jnp.float32),
            pltpu.VMEM((CHUNK, D), jnp.float32),
            pltpu.VMEM((CHUNK, D), jnp.float32),
            pltpu.VMEM((RS, LANES), jnp.float32),
            pltpu.VMEM((RS, LANES), jnp.float32),
            pltpu.SemaphoreType.DMA,
            pltpu.SemaphoreType.DMA,
        ],
    )(feat, cen_flat)


TBLK = 2048
TNBLK = BT // TBLK
SOFF = BS // TBLK


def _tc_main_body(tag_ref, feat_ref, center_ref, out_ref):
    i = pl.program_id(0)
    t = tag_ref[0, 0, :]
    f = feat_ref[...]
    c0 = center_ref[0, :]
    c1 = center_ref[1, :]
    sel = (t[:, None] == 0)
    c = jnp.where(sel, c0[None, :], c1[None, :])
    diff = f - c
    q = jnp.sum(diff * diff, axis=1)
    d = jnp.sqrt(q)
    tf = t.astype(jnp.float32)
    s1 = jnp.sum(d * tf)
    s_all = jnp.sum(d)
    n1 = jnp.sum(tf)

    @pl.when(i == 0)
    def _():
        out_ref[0] = 0.0
        out_ref[1] = 0.0
        out_ref[2] = 0.0

    out_ref[0] += s_all - s1
    out_ref[1] += s1
    out_ref[2] += n1


def _tc_main(tag, feature, center):
    tag3 = tag.reshape(B // TBLK, 1, TBLK)
    return pl.pallas_call(
        _tc_main_body,
        grid=(TNBLK,),
        in_specs=[
            pl.BlockSpec((1, 1, TBLK), lambda i: (i + SOFF, 0, 0)),
            pl.BlockSpec((TBLK, D), lambda i: (i + SOFF, 0)),
            pl.BlockSpec((CLASS_NUM, D), lambda i: (0, 0)),
        ],
        out_specs=pl.BlockSpec(memory_space=pltpu.MemorySpace.SMEM),
        out_shape=jax.ShapeDtypeStruct((3,), jnp.float32),
    )(tag3, feature, center)


FBLK = 2048
FNBLK = BS // FBLK


def _tc_finish_body(tag_ref, a0p_ref, pdp_ref, cen_ref, tcp_ref, out_ref,
                    acc_ref):
    i = pl.program_id(0)
    t = tag_ref[0, 0, :].astype(jnp.float32)
    a0 = jnp.sum(a0p_ref[...], axis=1)
    pd = jnp.sum(pdp_ref[...], axis=1)
    cs = jnp.sum(cen_ref[...] * cen_ref[...], axis=1)
    dcs = cs[1] - cs[0]
    d2 = a0 + t * (2.0 * pd + dcs)
    d = jnp.sqrt(jnp.maximum(d2, 0.0))
    s1 = jnp.sum(d * t)
    s_all = jnp.sum(d)
    n1 = jnp.sum(t)

    @pl.when(i == 0)
    def _():
        acc_ref[0] = 0.0
        acc_ref[1] = 0.0
        acc_ref[2] = 0.0

    acc_ref[0] += s_all - s1
    acc_ref[1] += s1
    acc_ref[2] += n1

    @pl.when(i == FNBLK - 1)
    def _():
        s0_t = acc_ref[0] + tcp_ref[0]
        s1_t = acc_ref[1] + tcp_ref[1]
        n1_t = acc_ref[2] + tcp_ref[2]
        n0_t = jnp.float32(B) - n1_t
        l0 = jnp.where(n0_t > 0, s0_t / jnp.maximum(n0_t, 1.0), 0.0)
        l1 = jnp.where(n1_t > 0, s1_t / jnp.maximum(n1_t, 1.0), 0.0)
        out_ref[0] = l0 + l1


def kernel(tag, feature, center):
    a0p, pdp = _sc_partials(feature, center.reshape(-1))
    tcp = _tc_main(tag, feature, center)
    tag3s = tag[:BS].reshape(FNBLK, 1, FBLK)
    out = pl.pallas_call(
        _tc_finish_body,
        grid=(FNBLK,),
        in_specs=[
            pl.BlockSpec((1, 1, FBLK), lambda i: (i, 0, 0)),
            pl.BlockSpec((FBLK, LANES), lambda i: (i, 0)),
            pl.BlockSpec((FBLK, LANES), lambda i: (i, 0)),
            pl.BlockSpec((CLASS_NUM, D), lambda i: (0, 0)),
            pl.BlockSpec(memory_space=pltpu.MemorySpace.SMEM),
        ],
        out_specs=pl.BlockSpec(memory_space=pltpu.MemorySpace.SMEM),
        out_shape=jax.ShapeDtypeStruct((1,), jnp.float32),
        scratch_shapes=[pltpu.SMEM((3,), jnp.float32)],
    )(tag3s, a0p, pdp, center, tcp)
    return out[0]

# --- scband reference (transcript-rebuilt; emitter-appended) ---
"""Pipeline reference for scband-center-loss-16604343566558 (READ-ONLY COPY).

The authoritative reference and input builder live on the scoring server;
editing this copy changes nothing except your own understanding.
"""

import jax, jax.numpy as jnp
import numpy as np

B = 16384
CLASS_NUM = 2
FEATURE_DIM = 1024


def setup_inputs(seed: int = 0) -> dict:
    key = jax.random.key(seed)
    k1, k2, k3 = jax.random.split(key, 3)
    tag = jax.random.randint(k1, (B,), 0, CLASS_NUM, dtype=jnp.int32)
    feature = jax.random.normal(k2, (B, FEATURE_DIM), dtype=jnp.float32)
    # learned parameter: class centers [class_num, feature_dim]
    center = jax.random.normal(k3, (CLASS_NUM, FEATURE_DIM), dtype=jnp.float32)
    return {"tag": tag, "feature": feature, "center": center}


def reference(tag, feature, center):
    # c = self.center[tag]  (gather rows of center by class label)
    c = jnp.take(center, tag, axis=0)
    # _n = torch.histc(tag.float(), 2): with tag values in {0,1}, histc over
    # [min,max]=[0,1] with 2 bins is exactly the per-class count.
    _n = jnp.bincount(tag, length=CLASS_NUM).astype(feature.dtype)
    # n = _n[tag]  (gather per-sample class count)
    n = jnp.take(_n, tag, axis=0)
    # d = ((feature - c) ** 2).sum(1) ** 0.5
    d = jnp.sum((feature - c) ** 2, axis=1) ** 0.5
    # loss = (d / n).sum()
    loss = jnp.sum(d / n)
    return loss

if __name__ == "__main__":
    import jax
    _d = setup_inputs()
    print(jax.jit(kernel)(*tuple(_d.values())))

</pallas_src>

<mosaic_0001>
#map = affine_map<(d0, d1) -> (0, 0)>
#map1 = affine_map<(d0, d1) -> (0)>
module attributes {stable_mosaic.version = 14 : i64} {
  func.func @_sc_body(%arg0: i32, %arg1: i32, %arg2: memref<16384x1024xf32, #tpu.memory_space<hbm>>, %arg3: memref<2048xf32, #tpu.memory_space<hbm>>, %arg4: memref<2048x16xf32, #tpu.memory_space<hbm>>, %arg5: memref<2048x16xf32, #tpu.memory_space<hbm>>, %arg6: memref<2048xf32, #tpu.memory_space<vmem>>, %arg7: memref<1024xf32, #tpu.memory_space<vmem>>, %arg8: memref<32x1024xf32, #tpu.memory_space<vmem>>, %arg9: memref<32x1024xf32, #tpu.memory_space<vmem>>, %arg10: memref<64x16xf32, #tpu.memory_space<vmem>>, %arg11: memref<64x16xf32, #tpu.memory_space<vmem>>, %arg12: memref<!tpu.dma_semaphore, #tpu.memory_space<semaphore_mem>>, %arg13: memref<!tpu.dma_semaphore, #tpu.memory_space<semaphore_mem>>) attributes {dimension_semantics = [#tpu.dimension_semantics<core_parallel>, #tpu.dimension_semantics<subcore_parallel>], iteration_bounds = array<i64: 2, 16>, scalar_prefetch = 0 : i64, scratch_operands = 8 : i64, tpu.core_type = #tpu.core_type<sc_vector_subcore>, window_params = [{transform_indices = #map}, {transform_indices = #map1}, {transform_indices = #map}, {transform_indices = #map}]} {
    %mul3A = arith.constant 2 : i32
    %mul3A_0 = arith.muli %arg1, %mul3A : i32
    %add3A = arith.addi %mul3A_0, %arg0 : i32
    %mul3A_1 = arith.constant 64 : i32
    %mul3A_2 = arith.muli %add3A, %mul3A_1 : i32
    "tpu.region"() ({
      %run_scoped3A = tpu.sem_alloc : memref<!tpu.dma_semaphore, #tpu.memory_space<semaphore_mem>>
      tpu.enqueue_dma source(%arg3 : memref<2048xf32, #tpu.memory_space<hbm>>) target(%arg6 : memref<2048xf32, #tpu.memory_space<vmem>>) target_semaphore(%run_scoped3A : memref<!tpu.dma_semaphore, #tpu.memory_space<semaphore_mem>>)
      tpu.wait_dma2 semaphore(%run_scoped3A : memref<!tpu.dma_semaphore, #tpu.memory_space<semaphore_mem>>) src(%arg3 : memref<2048xf32, #tpu.memory_space<hbm>>) dst(%arg6 : memref<2048xf32, #tpu.memory_space<vmem>>)
      tpu.yield
    }) : () -> ()
    %get3A = arith.constant 0 : index
    %get3A_3 = tpu.vector_load %arg6[%get3A] {strides = array<i32>} : memref<2048xf32, #tpu.memory_space<vmem>>, vector<16xf32>,
    %get3A_4 = vector.shape_cast %get3A_3 : vector<16xf32> to vector<16xf32>
    %get3A_5 = arith.constant 1024 : index
    %get3A_6 = tpu.vector_load %arg6[%get3A_5] {strides = array<i32>} : memref<2048xf32, #tpu.memory_space<vmem>>, vector<16xf32>,
    %get3A_7 = vector.shape_cast %get3A_6 : vector<16xf32> to vector<16xf32>
    %sub3A = arith.subf %get3A_4, %get3A_7 : vector<16xf32>
    %swap3A = arith.constant 0 : index
    %swap3A_8 = tpu.vector_load %arg7[%swap3A] {strides = array<i32>} : memref<1024xf32, #tpu.memory_space<vmem>>, vector<16xf32>,
    %swap3A_9 = vector.shape_cast %swap3A_8 : vector<16xf32> to vector<16xf32>
    %swap3A_10 = vector.shape_cast %sub3A : vector<16xf32> to vector<16xf32>
    tpu.vector_store %arg7[%swap3A], %swap3A_10 {strides = array<i32>} : memref<1024xf32, #tpu.memory_space<vmem>>, vector<16xf32>,
    %get3A_11 = arith.constant 16 : index
    %get3A_12 = tpu.vector_load %arg6[%get3A_11] {strides = array<i32>} : memref<2048xf32, #tpu.memory_space<vmem>>, vector<16xf32>,
    %get3A_13 = vector.shape_cast %get3A_12 : vector<16xf32> to vector<16xf32>
    %get3A_14 = arith.constant 1040 : index
    %get3A_15 = tpu.vector_load %arg6[%get3A_14] {strides = array<i32>} : memref<2048xf32, #tpu.memory_space<vmem>>, vector<16xf32>,
    %get3A_16 = vector.shape_cast %get3A_15 : vector<16xf32> to vector<16xf32>
    %sub3A_17 = arith.subf %get3A_13, %get3A_16 : vector<16xf32>
    %swap3A_18 = arith.constant 16 : index
    %swap3A_19 = tpu.vector_load %arg7[%swap3A_18] {strides = array<i32>} : memref<1024xf32, #tpu.memory_space<vmem>>, vector<16xf32>,
    %swap3A_20 = vector.shape_cast %swap3A_19 : vector<16xf32> to vector<16xf32>
    %swap3A_21 = vector.shape_cast %sub3A_17 : vector<16xf32> to vector<16xf32>
    tpu.vector_store %arg7[%swap3A_18], %swap3A_21 {strides = array<i32>} : memref<1024xf32, #tpu.memory_space<vmem>>, vector<16xf32>,
    %get3A_22 = arith.constant 32 : index
    %get3A_23 = tpu.vector_load %arg6[%get3A_22] {strides = array<i32>} : memref<2048xf32, #tpu.memory_space<vmem>>, vector<16xf32>,
    %get3A_24 = vector.shape_cast %get3A_23 : vector<16xf32> to vector<16xf32>
    %get3A_25 = arith.constant 1056 : index
    %get3A_26 = tpu.vector_load %arg6[%get3A_25] {strides = array<i32>} : memref<2048xf32, #tpu.memory_space<vmem>>, vector<16xf32>,
    %get3A_27 = vector.shape_cast %get3A_26 : vector<16xf32> to vector<16xf32>
    %sub3A_28 = arith.subf %get3A_24, %get3A_27 : vector<16xf32>
    %swap3A_29 = arith.constant 32 : index
    %swap3A_30 = tpu.vector_load %arg7[%swap3A_29] {strides = array<i32>} : memref<1024xf32, #tpu.memory_space<vmem>>, vector<16xf32>,
    %swap3A_31 = vector.shape_cast %swap3A_30 : vector<16xf32> to vector<16xf32>
    %swap3A_32 = vector.shape_cast %sub3A_28 : vector<16xf32> to vector<16xf32>
    tpu.vector_store %arg7[%swap3A_29], %swap3A_32 {strides = array<i32>} : memref<1024xf32, #tpu.memory_space<vmem>>, vector<16xf32>,
    %get3A_33 = arith.constant 48 : index
    %get3A_34 = tpu.vector_load %arg6[%get3A_33] {strides = array<i32>} : memref<2048xf32, #tpu.memory_space<vmem>>, vector<16xf32>,
    %get3A_35 = vector.shape_cast %get3A_34 : vector<16xf32> to vector<16xf32>
    %get3A_36 = arith.constant 1072 : index
    %get3A_37 = tpu.vector_load %arg6[%get3A_36] {strides = array<i32>} : memref<2048xf32, #tpu.memory_space<vmem>>, vector<16xf32>,
    %get3A_38 = vector.shape_cast %get3A_37 : vector<16xf32> to vector<16xf32>
    %sub3A_39 = arith.subf %get3A_35, %get3A_38 : vector<16xf32>
    %swap3A_40 = arith.constant 48 : index
    %swap3A_41 = tpu.vector_load %arg7[%swap3A_40] {strides = array<i32>} : memref<1024xf32, #tpu.memory_space<vmem>>, vector<16xf32>,
    %swap3A_42 = vector.shape_cast %swap3A_41 : vector<16xf32> to vector<16xf32>
    %swap3A_43 = vector.shape_cast %sub3A_39 : vector<16xf32> to vector<16xf32>
    tpu.vector_store %arg7[%swap3A_40], %swap3A_43 {strides = array<i32>} : memref<1024xf32, #tpu.memory_space<vmem>>, vector<16xf32>,
    %get3A_44 = arith.constant 64 : index
    %get3A_45 = tpu.vector_load %arg6[%get3A_44] {strides = array<i32>} : memref<2048xf32, #tpu.memory_space<vmem>>, vector<16xf32>,
    %get3A_46 = vector.shape_cast %get3A_45 : vector<16xf32> to vector<16xf32>
    %get3A_47 = arith.constant 1088 : index
    %get3A_48 = tpu.vector_load %arg6[%get3A_47] {strides = array<i32>} : memref<2048xf32, #tpu.memory_space<vmem>>, vector<16xf32>,
    %get3A_49 = vector.shape_cast %get3A_48 : vector<16xf32> to vector<16xf32>
    %sub3A_50 = arith.subf %get3A_46, %get3A_49 : vector<16xf32>
    %swap3A_51 = arith.constant 64 : index
    %swap3A_52 = tpu.vector_load %arg7[%swap3A_51] {strides = array<i32>} : memref<1024xf32, #tpu.memory_space<vmem>>, vector<16xf32>,
    %swap3A_53 = vector.shape_cast %swap3A_52 : vector<16xf32> to vector<16xf32>
    %swap3A_54 = vector.shape_cast %sub3A_50 : vector<16xf32> to vector<16xf32>
    tpu.vector_store %arg7[%swap3A_51], %swap3A_54 {strides = array<i32>} : memref<1024xf32, #tpu.memory_space<vmem>>, vector<16xf32>,
    %get3A_55 = arith.constant 80 : index
    %get3A_56 = tpu.vector_load %arg6[%get3A_55] {strides = array<i32>} : memref<2048xf32, #tpu.memory_space<vmem>>, vector<16xf32>,
    %get3A_57 = vector.shape_cast %get3A_56 : vector<16xf32> to vector<16xf32>
    %get3A_58 = arith.constant 1104 : index
    %get3A_59 = tpu.vector_load %arg6[%get3A_58] {strides = array<i32>} : memref<2048xf32, #tpu.memory_space<vmem>>, vector<16xf32>,
    %get3A_60 = vector.shape_cast %get3A_59 : vector<16xf32> to vector<16xf32>
    %sub3A_61 = arith.subf %get3A_57, %get3A_60 : vector<16xf32>
    %swap3A_62 = arith.constant 80 : index
    %swap3A_63 = tpu.vector_load %arg7[%swap3A_62] {strides = array<i32>} : memref<1024xf32, #tpu.memory_space<vmem>>, vector<16xf32>,
    %swap3A_64 = vector.shape_cast %swap3A_63 : vector<16xf32> to vector<16xf32>
    %swap3A_65 = vector.shape_cast %sub3A_61 : vector<16xf32> to vector<16xf32>
    tpu.vector_store %arg7[%swap3A_62], %swap3A_65 {strides = array<i32>} : memref<1024xf32, #tpu.memory_space<vmem>>, vector<16xf32>,
    %get3A_66 = arith.constant 96 : index
    %get3A_67 = tpu.vector_load %arg6[%get3A_66] {strides = array<i32>} : memref<2048xf32, #tpu.memory_space<vmem>>, vector<16xf32>,
    %get3A_68 = vector.shape_cast %get3A_67 : vector<16xf32> to vector<16xf32>
    %get3A_69 = arith.constant 1120 : index
    %get3A_70 = tpu.vector_load %arg6[%get3A_69] {strides = array<i32>} : memref<2048xf32, #tpu.memory_space<vmem>>, vector<16xf32>,
    %get3A_71 = vector.shape_cast %get3A_70 : vector<16xf32> to vector<16xf32>
    %sub3A_72 = arith.subf %get3A_68, %get3A_71 : vector<16xf32>
    %swap3A_73 = arith.constant 96 : index
    %swap3A_74 = tpu.vector_load %arg7[%swap3A_73] {strides = array<i32>} : memref<1024xf32, #tpu.memory_space<vmem>>, vector<16xf32>,
    %swap3A_75 = vector.shape_cast %swap3A_74 : vector<16xf32> to vector<16xf32>
    %swap3A_76 = vector.shape_cast %sub3A_72 : vector<16xf32> to vector<16xf32>
    tpu.vector_store %arg7[%swap3A_73], %swap3A_76 {strides = array<i32>} : memref<1024xf32, #tpu.memory_space<vmem>>, vector<16xf32>,
    %get3A_77 = arith.constant 112 : index
    %get3A_78 = tpu.vector_load %arg6[%get3A_77] {strides = array<i32>} : memref<2048xf32, #tpu.memory_space<vmem>>, vector<16xf32>,
    %get3A_79 = vector.shape_cast %get3A_78 : vector<16xf32> to vector<16xf32>
    %get3A_80 = arith.constant 1136 : index
    %get3A_81 = tpu.vector_load %arg6[%get3A_80] {strides = array<i32>} : memref<2048xf32, #tpu.memory_space<vmem>>, vector<16xf32>,
    %get3A_82 = vector.shape_cast %get3A_81 : vector<16xf32> to vector<16xf32>
    %sub3A_83 = arith.subf %get3A_79, %get3A_82 : vector<16xf32>
    %swap3A_84 = arith.constant 112 : index
    %swap3A_85 = tpu.vector_load %arg7[%swap3A_84] {strides = array<i32>} : memref<1024xf32, #tpu.memory_space<vmem>>, vector<16xf32>,
    %swap3A_86 = vector.shape_cast %swap3A_85 : vector<16xf32> to vector<16xf32>
    %swap3A_87 = vector.shape_cast %sub3A_83 : vector<16xf32> to vector<16xf32>
    tpu.vector_store %arg7[%swap3A_84], %swap3A_87 {strides = array<i32>} : memref<1024xf32, #tpu.memory_space<vmem>>, vector<16xf32>,
    %get3A_88 = arith.constant 128 : index
    %get3A_89 = tpu.vector_load %arg6[%get3A_88] {strides = array<i32>} : memref<2048xf32, #tpu.memory_space<vmem>>, vector<16xf32>,
    %get3A_90 = vector.shape_cast %get3A_89 : vector<16xf32> to vector<16xf32>
    %get3A_91 = arith.constant 1152 : index
    %get3A_92 = tpu.vector_load %arg6[%get3A_91] {strides = array<i32>} : memref<2048xf32, #tpu.memory_space<vmem>>, vector<16xf32>,
    %get3A_93 = vector.shape_cast %get3A_92 : vector<16xf32> to vector<16xf32>
    %sub3A_94 = arith.subf %get3A_90, %get3A_93 : vector<16xf32>
    %swap3A_95 = arith.constant 128 : index
    %swap3A_96 = tpu.vector_load %arg7[%swap3A_95] {strides = array<i32>} : memref<1024xf32, #tpu.memory_space<vmem>>, vector<16xf32>,
    %swap3A_97 = vector.shape_cast %swap3A_96 : vector<16xf32> to vector<16xf32>
    %swap3A_98 = vector.shape_cast %sub3A_94 : vector<16xf32> to vector<16xf32>
    tpu.vector_store %arg7[%swap3A_95], %swap3A_98 {strides = array<i32>} : memref<1024xf32, #tpu.memory_space<vmem>>, vector<16xf32>,
    %get3A_99 = arith.constant 144 : index
    %get3A_100 = tpu.vector_load %arg6[%get3A_99] {strides = array<i32>} : memref<2048xf32, #tpu.memory_space<vmem>>, vector<16xf32>,
    %get3A_101 = vector.shape_cast %get3A_100 : vector<16xf32> to vector<16xf32>
    %get3A_102 = arith.constant 1168 : index
    %get3A_103 = tpu.vector_load %arg6[%get3A_102] {strides = array<i32>} : memref<2048xf32, #tpu.memory_space<vmem>>, vector<16xf32>,
    %get3A_104 = vector.shape_cast %get3A_103 : vector<16xf32> to vector<16xf32>
    %sub3A_105 = arith.subf %get3A_101, %get3A_104 : vector<16xf32>
    %swap3A_106 = arith.constant 144 : index
    %swap3A_107 = tpu.vector_load %arg7[%swap3A_106] {strides = array<i32>} : memref<1024xf32, #tpu.memory_space<vmem>>, vector<16xf32>,
    %swap3A_108 = vector.shape_cast %swap3A_107 : vector<16xf32> to vector<16xf32>
    %swap3A_109 = vector.shape_cast %sub3A_105 : vector<16xf32> to vector<16xf32>
    tpu.vector_store %arg7[%swap3A_106], %swap3A_109 {strides = array<i32>} : memref<1024xf32, #tpu.memory_space<vmem>>, vector<16xf32>,
    %get3A_110 = arith.constant 160 : index
    %get3A_111 = tpu.vector_load %arg6[%get3A_110] {strides = array<i32>} : memref<2048xf32, #tpu.memory_space<vmem>>, vector<16xf32>,
    %get3A_112 = vector.shape_cast %get3A_111 : vector<16xf32> to vector<16xf32>
    %get3A_113 = arith.constant 1184 : index
    %get3A_114 = tpu.vector_load %arg6[%get3A_113] {strides = array<i32>} : memref<2048xf32, #tpu.memory_space<vmem>>, vector<16xf32>,
    %get3A_115 = vector.shape_cast %get3A_114 : vector<16xf32> to vector<16xf32>
    %sub3A_116 = arith.subf %get3A_112, %get3A_115 : vector<16xf32>
    %swap3A_117 = arith.constant 160 : index
    %swap3A_118 = tpu.vector_load %arg7[%swap3A_117] {strides = array<i32>} : memref<1024xf32, #tpu.memory_space<vmem>>, vector<16xf32>,
    %swap3A_119 = vector.shape_cast %swap3A_118 : vector<16xf32> to vector<16xf32>
    %swap3A_120 = vector.shape_cast %sub3A_116 : vector<16xf32> to vector<16xf32>
    tpu.vector_store %arg7[%swap3A_117], %swap3A_120 {strides = array<i32>} : memref<1024xf32, #tpu.memory_space<vmem>>, vector<16xf32>,
    %get3A_121 = arith.constant 176 : index
    %get3A_122 = tpu.vector_load %arg6[%get3A_121] {strides = array<i32>} : memref<2048xf32, #tpu.memory_space<vmem>>, vector<16xf32>,
    %get3A_123 = vector.shape_cast %get3A_122 : vector<16xf32> to vector<16xf32>
    %get3A_124 = arith.constant 1200 : index
    %get3A_125 = tpu.vector_load %arg6[%get3A_124] {strides = array<i32>} : memref<2048xf32, #tpu.memory_space<vmem>>, vector<16xf32>,
    %get3A_126 = vector.shape_cast %get3A_125 : vector<16xf32> to vector<16xf32>
    %sub3A_127 = arith.subf %get3A_123, %get3A_126 : vector<16xf32>
    %swap3A_128 = arith.constant 176 : index
    %swap3A_129 = tpu.vector_load %arg7[%swap3A_128] {strides = array<i32>} : memref<1024xf32, #tpu.memory_space<vmem>>, vector<16xf32>,
    %swap3A_130 = vector.shape_cast %swap3A_129 : vector<16xf32> to vector<16xf32>
    %swap3A_131 = vector.shape_cast %sub3A_127 : vector<16xf32> to vector<16xf32>
    tpu.vector_store %arg7[%swap3A_128], %swap3A_131 {strides = array<i32>} : memref<1024xf32, #tpu.memory_space<vmem>>, vector<16xf32>,
    %get3A_132 = arith.constant 192 : index
    %get3A_133 = tpu.vector_load %arg6[%get3A_132] {strides = array<i32>} : memref<2048xf32, #tpu.memory_space<vmem>>, vector<16xf32>,
    %get3A_134 = vector.shape_cast %get3A_133 : vector<16xf32> to vector<16xf32>
    %get3A_135 = arith.constant 1216 : index
    %get3A_136 = tpu.vector_load %arg6[%get3A_135] {strides = array<i32>} : memref<2048xf32, #tpu.memory_space<vmem>>, vector<16xf32>,
    %get3A_137 = vector.shape_cast %get3A_136 : vector<16xf32> to vector<16xf32>
    %sub3A_138 = arith.subf %get3A_134, %get3A_137 : vector<16xf32>
    %swap3A_139 = arith.constant 192 : index
    %swap3A_140 = tpu.vector_load %arg7[%swap3A_139] {strides = array<i32>} : memref<1024xf32, #tpu.memory_space<vmem>>, vector<16xf32>,
    %swap3A_141 = vector.shape_cast %swap3A_140 : vector<16xf32> to vector<16xf32>
    %swap3A_142 = vector.shape_cast %sub3A_138 : vector<16xf32> to vector<16xf32>
    tpu.vector_store %arg7[%swap3A_139], %swap3A_142 {strides = array<i32>} : memref<1024xf32, #tpu.memory_space<vmem>>, vector<16xf32>,
    %get3A_143 = arith.constant 208 : index
    %get3A_144 = tpu.vector_load %arg6[%get3A_143] {strides = array<i32>} : memref<2048xf32, #tpu.memory_space<vmem>>, vector<16xf32>,
    %get3A_145 = vector.shape_cast %get3A_144 : vector<16xf32> to vector<16xf32>
    %get3A_146 = arith.constant 1232 : index
    %get3A_147 = tpu.vector_load %arg6[%get3A_146] {strides = array<i32>} : memref<2048xf32, #tpu.memory_space<vmem>>, vector<16xf32>,
    %get3A_148 = vector.shape_cast %get3A_147 : vector<16xf32> to vector<16xf32>
    %sub3A_149 = arith.subf %get3A_145, %get3A_148 : vector<16xf32>
    %swap3A_150 = arith.constant 208 : index
    %swap3A_151 = tpu.vector_load %arg7[%swap3A_150] {strides = array<i32>} : memref<1024xf32, #tpu.memory_space<vmem>>, vector<16xf32>,
    %swap3A_152 = vector.shape_cast %swap3A_151 : vector<16xf32> to vector<16xf32>
    %swap3A_153 = vector.shape_cast %sub3A_149 : vector<16xf32> to vector<16xf32>
    tpu.vector_store %arg7[%swap3A_150], %swap3A_153 {strides = array<i32>} : memref<1024xf32, #tpu.memory_space<vmem>>, vector<16xf32>,
    %get3A_154 = arith.constant 224 : index
    %get3A_155 = tpu.vector_load %arg6[%get3A_154] {strides = array<i32>} : memref<2048xf32, #tpu.memory_space<vmem>>, vector<16xf32>,
    %get3A_156 = vector.shape_cast %get3A_155 : vector<16xf32> to vector<16xf32>
    %get3A_157 = arith.constant 1248 : index
    %get3A_158 = tpu.vector_load %arg6[%get3A_157] {strides = array<i32>} : memref<2048xf32, #tpu.memory_space<vmem>>, vector<16xf32>,
    %get3A_159 = vector.shape_cast %get3A_158 : vector<16xf32> to vector<16xf32>
    %sub3A_160 = arith.subf %get3A_156, %get3A_159 : vector<16xf32>
    %swap3A_161 = arith.constant 224 : index
    %swap3A_162 = tpu.vector_load %arg7[%swap3A_161] {strides = array<i32>} : memref<1024xf32, #tpu.memory_space<vmem>>, vector<16xf32>,
    %swap3A_163 = vector.shape_cast %swap3A_162 : vector<16xf32> to vector<16xf32>
    %swap3A_164 = vector.shape_cast %sub3A_160 : vector<16xf32> to vector<16xf32>
    tpu.vector_store %arg7[%swap3A_161], %swap3A_164 {strides = array<i32>} : memref<1024xf32, #tpu.memory_space<vmem>>, vector<16xf32>,
    %get3A_165 = arith.constant 240 : index
    %get3A_166 = tpu.vector_load %arg6[%get3A_165] {strides = array<i32>} : memref<2048xf32, #tpu.memory_space<vmem>>, vector<16xf32>,
    %get3A_167 = vector.shape_cast %get3A_166 : vector<16xf32> to vector<16xf32>
    %get3A_168 = arith.constant 1264 : index
    %get3A_169 = tpu.vector_load %arg6[%get3A_168] {strides = array<i32>} : memref<2048xf32, #tpu.memory_space<vmem>>, vector<16xf32>,
    %get3A_170 = vector.shape_cast %get3A_169 : vector<16xf32> to vector<16xf32>
    %sub3A_171 = arith.subf %get3A_167, %get3A_170 : vector<16xf32>
    %swap3A_172 = arith.constant 240 : index
    %swap3A_173 = tpu.vector_load %arg7[%swap3A_172] {strides = array<i32>} : memref<1024xf32, #tpu.memory_space<vmem>>, vector<16xf32>,
    %swap3A_174 = vector.shape_cast %swap3A_173 : vector<16xf32> to vector<16xf32>
    %swap3A_175 = vector.shape_cast %sub3A_171 : vector<16xf32> to vector<16xf32>
    tpu.vector_store %arg7[%swap3A_172], %swap3A_175 {strides = array<i32>} : memref<1024xf32, #tpu.memory_space<vmem>>, vector<16xf32>,
    %get3A_176 = arith.constant 256 : index
    %get3A_177 = tpu.vector_load %arg6[%get3A_176] {strides = array<i32>} : memref<2048xf32, #tpu.memory_space<vmem>>, vector<16xf32>,
    %get3A_178 = vector.shape_cast %get3A_177 : vector<16xf32> to vector<16xf32>
    %get3A_179 = arith.constant 1280 : index
    %get3A_180 = tpu.vector_load %arg6[%get3A_179] {strides = array<i32>} : memref<2048xf32, #tpu.memory_space<vmem>>, vector<16xf32>,
    %get3A_181 = vector.shape_cast %get3A_180 : vector<16xf32> to vector<16xf32>
    %sub3A_182 = arith.subf %get3A_178, %get3A_181 : vector<16xf32>
    %swap3A_183 = arith.constant 256 : index
    %swap3A_184 = tpu.vector_load %arg7[%swap3A_183] {strides = array<i32>} : memref<1024xf32, #tpu.memory_space<vmem>>, vector<16xf32>,
    %swap3A_185 = vector.shape_cast %swap3A_184 : vector<16xf32> to vector<16xf32>
    %swap3A_186 = vector.shape_cast %sub3A_182 : vector<16xf32> to vector<16xf32>
    tpu.vector_store %arg7[%swap3A_183], %swap3A_186 {strides = array<i32>} : memref<1024xf32, #tpu.memory_space<vmem>>, vector<16xf32>,
    %get3A_187 = arith.constant 272 : index
    %get3A_188 = tpu.vector_load %arg6[%get3A_187] {strides = array<i32>} : memref<2048xf32, #tpu.memory_space<vmem>>, vector<16xf32>,
    %get3A_189 = vector.shape_cast %get3A_188 : vector<16xf32> to vector<16xf32>
    %get3A_190 = arith.constant 1296 : index
    %get3A_191 = tpu.vector_load %arg6[%get3A_190] {strides = array<i32>} : memref<2048xf32, #tpu.memory_space<vmem>>, vector<16xf32>,
    %get3A_192 = vector.shape_cast %get3A_191 : vector<16xf32> to vector<16xf32>
    %sub3A_193 = arith.subf %get3A_189, %get3A_192 : vector<16xf32>
    %swap3A_194 = arith.constant 272 : index
    %swap3A_195 = tpu.vector_load %arg7[%swap3A_194] {strides = array<i32>} : memref<1024xf32, #tpu.memory_space<vmem>>, vector<16xf32>,
    %swap3A_196 = vector.shape_cast %swap3A_195 : vector<16xf32> to vector<16xf32>
    %swap3A_197 = vector.shape_cast %sub3A_193 : vector<16xf32> to vector<16xf32>
    tpu.vector_store %arg7[%swap3A_194], %swap3A_197 {strides = array<i32>} : memref<1024xf32, #tpu.memory_space<vmem>>, vector<16xf32>,
    %get3A_198 = arith.constant 288 : index
    %get3A_199 = tpu.vector_load %arg6[%get3A_198] {strides = array<i32>} : memref<2048xf32, #tpu.memory_space<vmem>>, vector<16xf32>,
    %get3A_200 = vector.shape_cast %get3A_199 : vector<16xf32> to vector<16xf32>
    %get3A_201 = arith.constant 1312 : index
    %get3A_202 = tpu.vector_load %arg6[%get3A_201] {strides = array<i32>} : memref<2048xf32, #tpu.memory_space<vmem>>, vector<16xf32>,
    %get3A_203 = vector.shape_cast %get3A_202 : vector<16xf32> to vector<16xf32>
    %sub3A_204 = arith.subf %get3A_200, %get3A_203 : vector<16xf32>
    %swap3A_205 = arith.constant 288 : index
    %swap3A_206 = tpu.vector_load %arg7[%swap3A_205] {strides = array<i32>} : memref<1024xf32, #tpu.memory_space<vmem>>, vector<16xf32>,
    %swap3A_207 = vector.shape_cast %swap3A_206 : vector<16xf32> to vector<16xf32>
    %swap3A_208 = vector.shape_cast %sub3A_204 : vector<16xf32> to vector<16xf32>
    tpu.vector_store %arg7[%swap3A_205], %swap3A_208 {strides = array<i32>} : memref<1024xf32, #tpu.memory_space<vmem>>, vector<16xf32>,
    %get3A_209 = arith.constant 304 : index
    %get3A_210 = tpu.vector_load %arg6[%get3A_209] {strides = array<i32>} : memref<2048xf32, #tpu.memory_space<vmem>>, vector<16xf32>,
    %get3A_211 = vector.shape_cast %get3A_210 : vector<16xf32> to vector<16xf32>
    %get3A_212 = arith.constant 1328 : index
    %get3A_213 = tpu.vector_load %arg6[%get3A_212] {strides = array<i32>} : memref<2048xf32, #tpu.memory_space<vmem>>, vector<16xf32>,
    %get3A_214 = vector.shape_cast %get3A_213 : vector<16xf32> to vector<16xf32>
    %sub3A_215 = arith.subf %get3A_211, %get3A_214 : vector<16xf32>
    %swap3A_216 = arith.constant 304 : index
    %swap3A_217 = tpu.vector_load %arg7[%swap3A_216] {strides = array<i32>} : memref<1024xf32, #tpu.memory_space<vmem>>, vector<16xf32>,
    %swap3A_218 = vector.shape_cast %swap3A_217 : vector<16xf32> to vector<16xf32>
    %swap3A_219 = vector.shape_cast %sub3A_215 : vector<16xf32> to vector<16xf32>
    tpu.vector_store %arg7[%swap3A_216], %swap3A_219 {strides = array<i32>} : memref<1024xf32, #tpu.memory_space<vmem>>, vector<16xf32>,
    %get3A_220 = arith.constant 320 : index
    %get3A_221 = tpu.vector_load %arg6[%get3A_220] {strides = array<i32>} : memref<2048xf32, #tpu.memory_space<vmem>>, vector<16xf32>,
    %get3A_222 = vector.shape_cast %get3A_221 : vector<16xf32> to vector<16xf32>
    %get3A_223 = arith.constant 1344 : index
    %get3A_224 = tpu.vector_load %arg6[%get3A_223] {strides = array<i32>} : memref<2048xf32, #tpu.memory_space<vmem>>, vector<16xf32>,
    %get3A_225 = vector.shape_cast %get3A_224 : vector<16xf32> to vector<16xf32>
    %sub3A_226 = arith.subf %get3A_222, %get3A_225 : vector<16xf32>
    %swap3A_227 = arith.constant 320 : index
    %swap3A_228 = tpu.vector_load %arg7[%swap3A_227] {strides = array<i32>} : memref<1024xf32, #tpu.memory_space<vmem>>, vector<16xf32>,
    %swap3A_229 = vector.shape_cast %swap3A_228 : vector<16xf32> to vector<16xf32>
    %swap3A_230 = vector.shape_cast %sub3A_226 : vector<16xf32> to vector<16xf32>
    tpu.vector_store %arg7[%swap3A_227], %swap3A_230 {strides = array<i32>} : memref<1024xf32, #tpu.memory_space<vmem>>, vector<16xf32>,
    %get3A_231 = arith.constant 336 : index
    %get3A_232 = tpu.vector_load %arg6[%get3A_231] {strides = array<i32>} : memref<2048xf32, #tpu.memory_space<vmem>>, vector<16xf32>,
    %get3A_233 = vector.shape_cast %get3A_232 : vector<16xf32> to vector<16xf32>
    %get3A_234 = arith.constant 1360 : index
    %get3A_235 = tpu.vector_load %arg6[%get3A_234] {strides = array<i32>} : memref<2048xf32, #tpu.memory_space<vmem>>, vector<16xf32>,
    %get3A_236 = vector.shape_cast %get3A_235 : vector<16xf32> to vector<16xf32>
    %sub3A_237 = arith.subf %get3A_233, %get3A_236 : vector<16xf32>
    %swap3A_238 = arith.constant 336 : index
    %swap3A_239 = tpu.vector_load %arg7[%swap3A_238] {strides = array<i32>} : memref<1024xf32, #tpu.memory_space<vmem>>, vector<16xf32>,
    %swap3A_240 = vector.shape_cast %swap3A_239 : vector<16xf32> to vector<16xf32>
    %swap3A_241 = vector.shape_cast %sub3A_237 : vector<16xf32> to vector<16xf32>
    tpu.vector_store %arg7[%swap3A_238], %swap3A_241 {strides = array<i32>} : memref<1024xf32, #tpu.memory_space<vmem>>, vector<16xf32>,
    %get3A_242 = arith.constant 352 : index
    %get3A_243 = tpu.vector_load %arg6[%get3A_242] {strides = array<i32>} : memref<2048xf32, #tpu.memory_space<vmem>>, vector<16xf32>,
    %get3A_244 = vector.shape_cast %get3A_243 : vector<16xf32> to vector<16xf32>
    %get3A_245 = arith.constant 1376 : index
    %get3A_246 = tpu.vector_load %arg6[%get3A_245] {strides = array<i32>} : memref<2048xf32, #tpu.memory_space<vmem>>, vector<16xf32>,
    %get3A_247 = vector.shape_cast %get3A_246 : vector<16xf32> to vector<16xf32>
    %sub3A_248 = arith.subf %get3A_244, %get3A_247 : vector<16xf32>
    %swap3A_249 = arith.constant 352 : index
    %swap3A_250 = tpu.vector_load %arg7[%swap3A_249] {strides = array<i32>} : memref<1024xf32, #tpu.memory_space<vmem>>, vector<16xf32>,
    %swap3A_251 = vector.shape_cast %swap3A_250 : vector<16xf32> to vector<16xf32>
    %swap3A_252 = vector.shape_cast %sub3A_248 : vector<16xf32> to vector<16xf32>
    tpu.vector_store %arg7[%swap3A_249], %swap3A_252 {strides = array<i32>} : memref<1024xf32, #tpu.memory_space<vmem>>, vector<16xf32>,
    %get3A_253 = arith.constant 368 : index
    %get3A_254 = tpu.vector_load %arg6[%get3A_253] {strides = array<i32>} : memref<2048xf32, #tpu.memory_space<vmem>>, vector<16xf32>,
    %get3A_255 = vector.shape_cast %get3A_254 : vector<16xf32> to vector<16xf32>
    %get3A_256 = arith.constant 1392 : index
    %get3A_257 = tpu.vector_load %arg6[%get3A_256] {strides = array<i32>} : memref<2048xf32, #tpu.memory_space<vmem>>, vector<16xf32>,
    %get3A_258 = vector.shape_cast %get3A_257 : vector<16xf32> to vector<16xf32>
    %sub3A_259 = arith.subf %get3A_255, %get3A_258 : vector<16xf32>
    %swap3A_260 = arith.constant 368 : index
    %swap3A_261 = tpu.vector_load %arg7[%swap3A_260] {strides = array<i32>} : memref<1024xf32, #tpu.memory_space<vmem>>, vector<16xf32>,
    %swap3A_262 = vector.shape_cast %swap3A_261 : vector<16xf32> to vector<16xf32>
    %swap3A_263 = vector.shape_cast %sub3A_259 : vector<16xf32> to vector<16xf32>
    tpu.vector_store %arg7[%swap3A_260], %swap3A_263 {strides = array<i32>} : memref<1024xf32, #tpu.memory_space<vmem>>, vector<16xf32>,
    %get3A_264 = arith.constant 384 : index
    %get3A_265 = tpu.vector_load %arg6[%get3A_264] {strides = array<i32>} : memref<2048xf32, #tpu.memory_space<vmem>>, vector<16xf32>,
    %get3A_266 = vector.shape_cast %get3A_265 : vector<16xf32> to vector<16xf32>
    %get3A_267 = arith.constant 1408 : index
    %get3A_268 = tpu.vector_load %arg6[%get3A_267] {strides = array<i32>} : memref<2048xf32, #tpu.memory_space<vmem>>, vector<16xf32>,
    %get3A_269 = vector.shape_cast %get3A_268 : vector<16xf32> to vector<16xf32>
    %sub3A_270 = arith.subf %get3A_266, %get3A_269 : vector<16xf32>
    %swap3A_271 = arith.constant 384 : index
    %swap3A_272 = tpu.vector_load %arg7[%swap3A_271] {strides = array<i32>} : memref<1024xf32, #tpu.memory_space<vmem>>, vector<16xf32>,
    %swap3A_273 = vector.shape_cast %swap3A_272 : vector<16xf32> to vector<16xf32>
    %swap3A_274 = vector.shape_cast %sub3A_270 : vector<16xf32> to vector<16xf32>
    tpu.vector_store %arg7[%swap3A_271], %swap3A_274 {strides = array<i32>} : memref<1024xf32, #tpu.memory_space<vmem>>, vector<16xf32>,
    %get3A_275 = arith.constant 400 : index
    %get3A_276 = tpu.vector_load %arg6[%get3A_275] {strides = array<i32>} : memref<2048xf32, #tpu.memory_space<vmem>>, vector<16xf32>,
    %get3A_277 = vector.shape_cast %get3A_276 : vector<16xf32> to vector<16xf32>
    %get3A_278 = arith.constant 1424 : index
    %get3A_279 = tpu.vector_load %arg6[%get3A_278] {strides = array<i32>} : memref<2048xf32, #tpu.memory_space<vmem>>, vector<16xf32>,
    %get3A_280 = vector.shape_cast %get3A_279 : vector<16xf32> to vector<16xf32>
    %sub3A_281 = arith.subf %get3A_277, %get3A_280 : vector<16xf32>
    %swap3A_282 = arith.constant 400 : index
    %swap3A_283 = tpu.vector_load %arg7[%swap3A_282] {strides = array<i32>} : memref<1024xf32, #tpu.memory_space<vmem>>, vector<16xf32>,
    %swap3A_284 = vector.shape_cast %swap3A_283 : vector<16xf32> to vector<16xf32>
    %swap3A_285 = vector.shape_cast %sub3A_281 : vector<16xf32> to vector<16xf32>
    tpu.vector_store %arg7[%swap3A_282], %swap3A_285 {strides = array<i32>} : memref<1024xf32, #tpu.memory_space<vmem>>, vector<16xf32>,
    %get3A_286 = arith.constant 416 : index
    %get3A_287 = tpu.vector_load %arg6[%get3A_286] {strides = array<i32>} : memref<2048xf32, #tpu.memory_space<vmem>>, vector<16xf32>,
    %get3A_288 = vector.shape_cast %get3A_287 : vector<16xf32> to vector<16xf32>
    %get3A_289 = arith.constant 1440 : index
    %get3A_290 = tpu.vector_load %arg6[%get3A_289] {strides = array<i32>} : memref<2048xf32, #tpu.memory_space<vmem>>, vector<16xf32>,
    %get3A_291 = vector.shape_cast %get3A_290 : vector<16xf32> to vector<16xf32>
    %sub3A_292 = arith.subf %get3A_288, %get3A_291 : vector<16xf32>
    %swap3A_293 = arith.constant 416 : index
    %swap3A_294 = tpu.vector_load %arg7[%swap3A_293] {strides = array<i32>} : memref<1024xf32, #tpu.memory_space<vmem>>, vector<16xf32>,
    %swap3A_295 = vector.shape_cast %swap3A_294 : vector<16xf32> to vector<16xf32>
    %swap3A_296 = vector.shape_cast %sub3A_292 : vector<16xf32> to vector<16xf32>
    tpu.vector_store %arg7[%swap3A_293], %swap3A_296 {strides = array<i32>} : memref<1024xf32, #tpu.memory_space<vmem>>, vector<16xf32>,
    %get3A_297 = arith.constant 432 : index
    %get3A_298 = tpu.vector_load %arg6[%get3A_297] {strides = array<i32>} : memref<2048xf32, #tpu.memory_space<vmem>>, vector<16xf32>,
    %get3A_299 = vector.shape_cast %get3A_298 : vector<16xf32> to vector<16xf32>
    %get3A_300 = arith.constant 1456 : index
    %get3A_301 = tpu.vector_load %arg6[%get3A_300] {strides = array<i32>} : memref<2048xf32, #tpu.memory_space<vmem>>, vector<16xf32>,
    %get3A_302 = vector.shape_cast %get3A_301 : vector<16xf32> to vector<16xf32>
    %sub3A_303 = arith.subf %get3A_299, %get3A_302 : vector<16xf32>
    %swap3A_304 = arith.constant 432 : index
    %swap3A_305 = tpu.vector_load %arg7[%swap3A_304] {strides = array<i32>} : memref<1024xf32, #tpu.memory_space<vmem>>, vector<16xf32>,
    %swap3A_306 = vector.shape_cast %swap3A_305 : vector<16xf32> to vector<16xf32>
    %swap3A_307 = vector.shape_cast %sub3A_303 : vector<16xf32> to vector<16xf32>
    tpu.vector_store %arg7[%swap3A_304], %swap3A_307 {strides = array<i32>} : memref<1024xf32, #tpu.memory_space<vmem>>, vector<16xf32>,
    %get3A_308 = arith.constant 448 : index
    %get3A_309 = tpu.vector_load %arg6[%get3A_308] {strides = array<i32>} : memref<2048xf32, #tpu.memory_space<vmem>>, vector<16xf32>,
    %get3A_310 = vector.shape_cast %get3A_309 : vector<16xf32> to vector<16xf32>
    %get3A_311 = arith.constant 1472 : index
    %get3A_312 = tpu.vector_load %arg6[%get3A_311] {strides = array<i32>} : memref<2048xf32, #tpu.memory_space<vmem>>, vector<16xf32>,
    %get3A_313 = vector.shape_cast %get3A_312 : vector<16xf32> to vector<16xf32>
    %sub3A_314 = arith.subf %get3A_310, %get3A_313 : vector<16xf32>
    %swap3A_315 = arith.constant 448 : index
    %swap3A_316 = tpu.vector_load %arg7[%swap3A_315] {strides = array<i32>} : memref<1024xf32, #tpu.memory_space<vmem>>, vector<16xf32>,
    %swap3A_317 = vector.shape_cast %swap3A_316 : vector<16xf32> to vector<16xf32>
    %swap3A_318 = vector.shape_cast %sub3A_314 : vector<16xf32> to vector<16xf32>
    tpu.vector_store %arg7[%swap3A_315], %swap3A_318 {strides = array<i32>} : memref<1024xf32, #tpu.memory_space<vmem>>, vector<16xf32>,
    %get3A_319 = arith.constant 464 : index
    %get3A_320 = tpu.vector_load %arg6[%get3A_319] {strides = array<i32>} : memref<2048xf32, #tpu.memory_space<vmem>>, vector<16xf32>,
    %get3A_321 = vector.shape_cast %get3A_320 : vector<16xf32> to vector<16xf32>
    %get3A_322 = arith.constant 1488 : index
    %get3A_323 = tpu.vector_load %arg6[%get3A_322] {strides = array<i32>} : memref<2048xf32, #tpu.memory_space<vmem>>, vector<16xf32>,
    %get3A_324 = vector.shape_cast %get3A_323 : vector<16xf32> to vector<16xf32>
    %sub3A_325 = arith.subf %get3A_321, %get3A_324 : vector<16xf32>
    %swap3A_326 = arith.constant 464 : index
    %swap3A_327 = tpu.vector_load %arg7[%swap3A_326] {strides = array<i32>} : memref<1024xf32, #tpu.memory_space<vmem>>, vector<16xf32>,
    %swap3A_328 = vector.shape_cast %swap3A_327 : vector<16xf32> to vector<16xf32>
    %swap3A_329 = vector.shape_cast %sub3A_325 : vector<16xf32> to vector<16xf32>
    tpu.vector_store %arg7[%swap3A_326], %swap3A_329 {strides = array<i32>} : memref<1024xf32, #tpu.memory_space<vmem>>, vector<16xf32>,
    %get3A_330 = arith.constant 480 : index
    %get3A_331 = tpu.vector_load %arg6[%get3A_330] {strides = array<i32>} : memref<2048xf32, #tpu.memory_space<vmem>>, vector<16xf32>,
    %get3A_332 = vector.shape_cast %get3A_331 : vector<16xf32> to vector<16xf32>
    %get3A_333 = arith.constant 1504 : index
    %get3A_334 = tpu.vector_load %arg6[%get3A_333] {strides = array<i32>} : memref<2048xf32, #tpu.memory_space<vmem>>, vector<16xf32>,
    %get3A_335 = vector.shape_cast %get3A_334 : vector<16xf32> to vector<16xf32>
    %sub3A_336 = arith.subf %get3A_332, %get3A_335 : vector<16xf32>
    %swap3A_337 = arith.constant 480 : index
    %swap3A_338 = tpu.vector_load %arg7[%swap3A_337] {strides = array<i32>} : memref<1024xf32, #tpu.memory_space<vmem>>, vector<16xf32>,
    %swap3A_339 = vector.shape_cast %swap3A_338 : vector<16xf32> to vector<16xf32>
    %swap3A_340 = vector.shape_cast %sub3A_336 : vector<16xf32> to vector<16xf32>
    tpu.vector_store %arg7[%swap3A_337], %swap3A_340 {strides = array<i32>} : memref<1024xf32, #tpu.memory_space<vmem>>, vector<16xf32>,
    %get3A_341 = arith.constant 496 : index
    %get3A_342 = tpu.vector_load %arg6[%get3A_341] {strides = array<i32>} : memref<2048xf32, #tpu.memory_space<vmem>>, vector<16xf32>,
    %get3A_343 = vector.shape_cast %get3A_342 : vector<16xf32> to vector<16xf32>
    %get3A_344 = arith.constant 1520 : index
    %get3A_345 = tpu.vector_load %arg6[%get3A_344] {strides = array<i32>} : memref<2048xf32, #tpu.memory_space<vmem>>, vector<16xf32>,
    %get3A_346 = vector.shape_cast %get3A_345 : vector<16xf32> to vector<16xf32>
    %sub3A_347 = arith.subf %get3A_343, %get3A_346 : vector<16xf32>
    %swap3A_348 = arith.constant 496 : index
    %swap3A_349 = tpu.vector_load %arg7[%swap3A_348] {strides = array<i32>} : memref<1024xf32, #tpu.memory_space<vmem>>, vector<16xf32>,
    %swap3A_350 = vector.shape_cast %swap3A_349 : vector<16xf32> to vector<16xf32>
    %swap3A_351 = vector.shape_cast %sub3A_347 : vector<16xf32> to vector<16xf32>
    tpu.vector_store %arg7[%swap3A_348], %swap3A_351 {strides = array<i32>} : memref<1024xf32, #tpu.memory_space<vmem>>, vector<16xf32>,
    %get3A_352 = arith.constant 512 : index
    %get3A_353 = tpu.vector_load %arg6[%get3A_352] {strides = array<i32>} : memref<2048xf32, #tpu.memory_space<vmem>>, vector<16xf32>,
    %get3A_354 = vector.shape_cast %get3A_353 : vector<16xf32> to vector<16xf32>
    %get3A_355 = arith.constant 1536 : index
    %get3A_356 = tpu.vector_load %arg6[%get3A_355] {strides = array<i32>} : memref<2048xf32, #tpu.memory_space<vmem>>, vector<16xf32>,
    %get3A_357 = vector.shape_cast %get3A_356 : vector<16xf32> to vector<16xf32>
    %sub3A_358 = arith.subf %get3A_354, %get3A_357 : vector<16xf32>
    %swap3A_359 = arith.constant 512 : index
    %swap3A_360 = tpu.vector_load %arg7[%swap3A_359] {strides = array<i32>} : memref<1024xf32, #tpu.memory_space<vmem>>, vector<16xf32>,
    %swap3A_361 = vector.shape_cast %swap3A_360 : vector<16xf32> to vector<16xf32>
    %swap3A_362 = vector.shape_cast %sub3A_358 : vector<16xf32> to vector<16xf32>
    tpu.vector_store %arg7[%swap3A_359], %swap3A_362 {strides = array<i32>} : memref<1024xf32, #tpu.memory_space<vmem>>, vector<16xf32>,
    %get3A_363 = arith.constant 528 : index
    %get3A_364 = tpu.vector_load %arg6[%get3A_363] {strides = array<i32>} : memref<2048xf32, #tpu.memory_space<vmem>>, vector<16xf32>,
    %get3A_365 = vector.shape_cast %get3A_364 : vector<16xf32> to vector<16xf32>
    %get3A_366 = arith.constant 1552 : index
    %get3A_367 = tpu.vector_load %arg6[%get3A_366] {strides = array<i32>} : memref<2048xf32, #tpu.memory_space<vmem>>, vector<16xf32>,
    %get3A_368 = vector.shape_cast %get3A_367 : vector<16xf32> to vector<16xf32>
    %sub3A_369 = arith.subf %get3A_365, %get3A_368 : vector<16xf32>
    %swap3A_370 = arith.constant 528 : index
    %swap3A_371 = tpu.vector_load %arg7[%swap3A_370] {strides = array<i32>} : memref<1024xf32, #tpu.memory_space<vmem>>, vector<16xf32>,
    %swap3A_372 = vector.shape_cast %swap3A_371 : vector<16xf32> to vector<16xf32>
    %swap3A_373 = vector.shape_cast %sub3A_369 : vector<16xf32> to vector<16xf32>
    tpu.vector_store %arg7[%swap3A_370], %swap3A_373 {strides = array<i32>} : memref<1024xf32, #tpu.memory_space<vmem>>, vector<16xf32>,
    %get3A_374 = arith.constant 544 : index
    %get3A_375 = tpu.vector_load %arg6[%get3A_374] {strides = array<i32>} : memref<2048xf32, #tpu.memory_space<vmem>>, vector<16xf32>,
    %get3A_376 = vector.shape_cast %get3A_375 : vector<16xf32> to vector<16xf32>
    %get3A_377 = arith.constant 1568 : index
    %get3A_378 = tpu.vector_load %arg6[%get3A_377] {strides = array<i32>} : memref<2048xf32, #tpu.memory_space<vmem>>, vector<16xf32>,
    %get3A_379 = vector.shape_cast %get3A_378 : vector<16xf32> to vector<16xf32>
    %sub3A_380 = arith.subf %get3A_376, %get3A_379 : vector<16xf32>
    %swap3A_381 = arith.constant 544 : index
    %swap3A_382 = tpu.vector_load %arg7[%swap3A_381] {strides = array<i32>} : memref<1024xf32, #tpu.memory_space<vmem>>, vector<16xf32>,
    %swap3A_383 = vector.shape_cast %swap3A_382 : vector<16xf32> to vector<16xf32>
    %swap3A_384 = vector.shape_cast %sub3A_380 : vector<16xf32> to vector<16xf32>
    tpu.vector_store %arg7[%swap3A_381], %swap3A_384 {strides = array<i32>} : memref<1024xf32, #tpu.memory_space<vmem>>, vector<16xf32>,
    %get3A_385 = arith.constant 560 : index
    %get3A_386 = tpu.vector_load %arg6[%get3A_385] {strides = array<i32>} : memref<2048xf32, #tpu.memory_space<vmem>>, vector<16xf32>,
    %get3A_387 = vector.shape_cast %get3A_386 : vector<16xf32> to vector<16xf32>
    %get3A_388 = arith.constant 1584 : index
    %get3A_389 = tpu.vector_load %arg6[%get3A_388] {strides = array<i32>} : memref<2048xf32, #tpu.memory_space<vmem>>, vector<16xf32>,
    %get3A_390 = vector.shape_cast %get3A_389 : vector<16xf32> to vector<16xf32>
    %sub3A_391 = arith.subf %get3A_387, %get3A_390 : vector<16xf32>
    %swap3A_392 = arith.constant 560 : index
    %swap3A_393 = tpu.vector_load %arg7[%swap3A_392] {strides = array<i32>} : memref<1024xf32, #tpu.memory_space<vmem>>, vector<16xf32>,
    %swap3A_394 = vector.shape_cast %swap3A_393 : vector<16xf32> to vector<16xf32>
    %swap3A_395 = vector.shape_cast %sub3A_391 : vector<16xf32> to vector<16xf32>
    tpu.vector_store %arg7[%swap3A_392], %swap3A_395 {strides = array<i32>} : memref<1024xf32, #tpu.memory_space<vmem>>, vector<16xf32>,
    %get3A_396 = arith.constant 576 : index
    %get3A_397 = tpu.vector_load %arg6[%get3A_396] {strides = array<i32>} : memref<2048xf32, #tpu.memory_space<vmem>>, vector<16xf32>,
    %get3A_398 = vector.shape_cast %get3A_397 : vector<16xf32> to vector<16xf32>
    %get3A_399 = arith.constant 1600 : index
    %get3A_400 = tpu.vector_load %arg6[%get3A_399] {strides = array<i32>} : memref<2048xf32, #tpu.memory_space<vmem>>, vector<16xf32>,
    %get3A_401 = vector.shape_cast %get3A_400 : vector<16xf32> to vector<16xf32>
    %sub3A_402 = arith.subf %get3A_398, %get3A_401 : vector<16xf32>
    %swap3A_403 = arith.constant 576 : index
    %swap3A_404 = tpu.vector_load %arg7[%swap3A_403] {strides = array<i32>} : memref<1024xf32, #tpu.memory_space<vmem>>, vector<16xf32>,
    %swap3A_405 = vector.shape_cast %swap3A_404 : vector<16xf32> to vector<16xf32>
    %swap3A_406 = vector.shape_cast %sub3A_402 : vector<16xf32> to vector<16xf32>
    tpu.vector_store %arg7[%swap3A_403], %swap3A_406 {strides = array<i32>} : memref<1024xf32, #tpu.memory_space<vmem>>, vector<16xf32>,
    %get3A_407 = arith.constant 592 : index
    %get3A_408 = tpu.vector_load %arg6[%get3A_407] {strides = array<i32>} : memref<2048xf32, #tpu.memory_space<vmem>>, vector<16xf32>,
    %get3A_409 = vector.shape_cast %get3A_408 : vector<16xf32> to vector<16xf32>
    %get3A_410 = arith.constant 1616 : index
    %get3A_411 = tpu.vector_load %arg6[%get3A_410] {strides = array<i32>} : memref<2048xf32, #tpu.memory_space<vmem>>, vector<16xf32>,
    %get3A_412 = vector.shape_cast %get3A_411 : vector<16xf32> to vector<16xf32>
    %sub3A_413 = arith.subf %get3A_409, %get3A_412 : vector<16xf32>
    %swap3A_414 = arith.constant 592 : index
    %swap3A_415 = tpu.vector_load %arg7[%swap3A_414] {strides = array<i32>} : memref<1024xf32, #tpu.memory_space<vmem>>, vector<16xf32>,
    %swap3A_416 = vector.shape_cast %swap3A_415 : vector<16xf32> to vector<16xf32>
    %swap3A_417 = vector.shape_cast %sub3A_413 : vector<16xf32> to vector<16xf32>
    tpu.vector_store %arg7[%swap3A_414], %swap3A_417 {strides = array<i32>} : memref<1024xf32, #tpu.memory_space<vmem>>, vector<16xf32>,
    %get3A_418 = arith.constant 608 : index
    %get3A_419 = tpu.vector_load %arg6[%get3A_418] {strides = array<i32>} : memref<2048xf32, #tpu.memory_space<vmem>>, vector<16xf32>,
    %get3A_420 = vector.shape_cast %get3A_419 : vector<16xf32> to vector<16xf32>
    %get3A_421 = arith.constant 1632 : index
    %get3A_422 = tpu.vector_load %arg6[%get3A_421] {strides = array<i32>} : memref<2048xf32, #tpu.memory_space<vmem>>, vector<16xf32>,
    %get3A_423 = vector.shape_cast %get3A_422 : vector<16xf32> to vector<16xf32>
    %sub3A_424 = arith.subf %get3A_420, %get3A_423 : vector<16xf32>
    %swap3A_425 = arith.constant 608 : index
    %swap3A_426 = tpu.vector_load %arg7[%swap3A_425] {strides = array<i32>} : memref<1024xf32, #tpu.memory_space<vmem>>, vector<16xf32>,
    %swap3A_427 = vector.shape_cast %swap3A_426 : vector<16xf32> to vector<16xf32>
    %swap3A_428 = vector.shape_cast %sub3A_424 : vector<16xf32> to vector<16xf32>
    tpu.vector_store %arg7[%swap3A_425], %swap3A_428 {strides = array<i32>} : memref<1024xf32, #tpu.memory_space<vmem>>, vector<16xf32>,
    %get3A_429 = arith.constant 624 : index
    %get3A_430 = tpu.vector_load %arg6[%get3A_429] {strides = array<i32>} : memref<2048xf32, #tpu.memory_space<vmem>>, vector<16xf32>,
    %get3A_431 = vector.shape_cast %get3A_430 : vector<16xf32> to vector<16xf32>
    %get3A_432 = arith.constant 1648 : index
    %get3A_433 = tpu.vector_load %arg6[%get3A_432] {strides = array<i32>} : memref<2048xf32, #tpu.memory_space<vmem>>, vector<16xf32>,
    %get3A_434 = vector.shape_cast %get3A_433 : vector<16xf32> to vector<16xf32>
    %sub3A_435 = arith.subf %get3A_431, %get3A_434 : vector<16xf32>
    %swap3A_436 = arith.constant 624 : index
    %swap3A_437 = tpu.vector_load %arg7[%swap3A_436] {strides = array<i32>} : memref<1024xf32, #tpu.memory_space<vmem>>, vector<16xf32>,
    %swap3A_438 = vector.shape_cast %swap3A_437 : vector<16xf32> to vector<16xf32>
    %swap3A_439 = vector.shape_cast %sub3A_435 : vector<16xf32> to vector<16xf32>
    tpu.vector_store %arg7[%swap3A_436], %swap3A_439 {strides = array<i32>} : memref<1024xf32, #tpu.memory_space<vmem>>, vector<16xf32>,
    %get3A_440 = arith.constant 640 : index
    %get3A_441 = tpu.vector_load %arg6[%get3A_440] {strides = array<i32>} : memref<2048xf32, #tpu.memory_space<vmem>>, vector<16xf32>,
    %get3A_442 = vector.shape_cast %get3A_441 : vector<16xf32> to vector<16xf32>
    %get3A_443 = arith.constant 1664 : index
    %get3A_444 = tpu.vector_load %arg6[%get3A_443] {strides = array<i32>} : memref<2048xf32, #tpu.memory_space<vmem>>, vector<16xf32>,
    %get3A_445 = vector.shape_cast %get3A_444 : vector<16xf32> to vector<16xf32>
    %sub3A_446 = arith.subf %get3A_442, %get3A_445 : vector<16xf32>
    %swap3A_447 = arith.constant 640 : index
    %swap3A_448 = tpu.vector_load %arg7[%swap3A_447] {strides = array<i32>} : memref<1024xf32, #tpu.memory_space<vmem>>, vector<16xf32>,
    %swap3A_449 = vector.shape_cast %swap3A_448 : vector<16xf32> to vector<16xf32>
    %swap3A_450 = vector.shape_cast %sub3A_446 : vector<16xf32> to vector<16xf32>
    tpu.vector_store %arg7[%swap3A_447], %swap3A_450 {strides = array<i32>} : memref<1024xf32, #tpu.memory_space<vmem>>, vector<16xf32>,
    %get3A_451 = arith.constant 656 : index
    %get3A_452 = tpu.vector_load %arg6[%get3A_451] {strides = array<i32>} : memref<2048xf32, #tpu.memory_space<vmem>>, vector<16xf32>,
    %get3A_453 = vector.shape_cast %get3A_452 : vector<16xf32> to vector<16xf32>
    %get3A_454 = arith.constant 1680 : index
    %get3A_455 = tpu.vector_load %arg6[%get3A_454] {strides = array<i32>} : memref<2048xf32, #tpu.memory_space<vmem>>, vector<16xf32>,
    %get3A_456 = vector.shape_cast %get3A_455 : vector<16xf32> to vector<16xf32>
    %sub3A_457 = arith.subf %get3A_453, %get3A_456 : vector<16xf32>
    %swap3A_458 = arith.constant 656 : index
    %swap3A_459 = tpu.vector_load %arg7[%swap3A_458] {strides = array<i32>} : memref<1024xf32, #tpu.memory_space<vmem>>, vector<16xf32>,
    %swap3A_460 = vector.shape_cast %swap3A_459 : vector<16xf32> to vector<16xf32>
    %swap3A_461 = vector.shape_cast %sub3A_457 : vector<16xf32> to vector<16xf32>
    tpu.vector_store %arg7[%swap3A_458], %swap3A_461 {strides = array<i32>} : memref<1024xf32, #tpu.memory_space<vmem>>, vector<16xf32>,
    %get3A_462 = arith.constant 672 : index
    %get3A_463 = tpu.vector_load %arg6[%get3A_462] {strides = array<i32>} : memref<2048xf32, #tpu.memory_space<vmem>>, vector<16xf32>,
    %get3A_464 = vector.shape_cast %get3A_463 : vector<16xf32> to vector<16xf32>
    %get3A_465 = arith.constant 1696 : index
    %get3A_466 = tpu.vector_load %arg6[%get3A_465] {strides = array<i32>} : memref<2048xf32, #tpu.memory_space<vmem>>, vector<16xf32>,
    %get3A_467 = vector.shape_cast %get3A_466 : vector<16xf32> to vector<16xf32>
    %sub3A_468 = arith.subf %get3A_464, %get3A_467 : vector<16xf32>
    %swap3A_469 = arith.constant 672 : index
    %swap3A_470 = tpu.vector_load %arg7[%swap3A_469] {strides = array<i32>} : memref<1024xf32, #tpu.memory_space<vmem>>, vector<16xf32>,
    %swap3A_471 = vector.shape_cast %swap3A_470 : vector<16xf32> to vector<16xf32>
    %swap3A_472 = vector.shape_cast %sub3A_468 : vector<16xf32> to vector<16xf32>
    tpu.vector_store %arg7[%swap3A_469], %swap3A_472 {strides = array<i32>} : memref<1024xf32, #tpu.memory_space<vmem>>, vector<16xf32>,
    %get3A_473 = arith.constant 688 : index
    %get3A_474 = tpu.vector_load %arg6[%get3A_473] {strides = array<i32>} : memref<2048xf32, #tpu.memory_space<vmem>>, vector<16xf32>,
    %get3A_475 = vector.shape_cast %get3A_474 : vector<16xf32> to vector<16xf32>
    %get3A_476 = arith.constant 1712 : index
    %get3A_477 = tpu.vector_load %arg6[%get3A_476] {strides = array<i32>} : memref<2048xf32, #tpu.memory_space<vmem>>, vector<16xf32>,
    %get3A_478 = vector.shape_cast %get3A_477 : vector<16xf32> to vector<16xf32>
    %sub3A_479 = arith.subf %get3A_475, %get3A_478 : vector<16xf32>
    %swap3A_480 = arith.constant 688 : index
    %swap3A_481 = tpu.vector_load %arg7[%swap3A_480] {strides = array<i32>} : memref<1024xf32, #tpu.memory_space<vmem>>, vector<16xf32>,
    %swap3A_482 = vector.shape_cast %swap3A_481 : vector<16xf32> to vector<16xf32>
    %swap3A_483 = vector.shape_cast %sub3A_479 : vector<16xf32> to vector<16xf32>
    tpu.vector_store %arg7[%swap3A_480], %swap3A_483 {strides = array<i32>} : memref<1024xf32, #tpu.memory_space<vmem>>, vector<16xf32>,
    %get3A_484 = arith.constant 704 : index
    %get3A_485 = tpu.vector_load %arg6[%get3A_484] {strides = array<i32>} : memref<2048xf32, #tpu.memory_space<vmem>>, vector<16xf32>,
    %get3A_486 = vector.shape_cast %get3A_485 : vector<16xf32> to vector<16xf32>
    %get3A_487 = arith.constant 1728 : index
    %get3A_488 = tpu.vector_load %arg6[%get3A_487] {strides = array<i32>} : memref<2048xf32, #tpu.memory_space<vmem>>, vector<16xf32>,
    %get3A_489 = vector.shape_cast %get3A_488 : vector<16xf32> to vector<16xf32>
    %sub3A_490 = arith.subf %get3A_486, %get3A_489 : vector<16xf32>
    %swap3A_491 = arith.constant 704 : index
    %swap3A_492 = tpu.vector_load %arg7[%swap3A_491] {strides = array<i32>} : memref<1024xf32, #tpu.memory_space<vmem>>, vector<16xf32>,
    %swap3A_493 = vector.shape_cast %swap3A_492 : vector<16xf32> to vector<16xf32>
    %swap3A_494 = vector.shape_cast %sub3A_490 : vector<16xf32> to vector<16xf32>
    tpu.vector_store %arg7[%swap3A_491], %swap3A_494 {strides = array<i32>} : memref<1024xf32, #tpu.memory_space<vmem>>, vector<16xf32>,
    %get3A_495 = arith.constant 720 : index
    %get3A_496 = tpu.vector_load %arg6[%get3A_495] {strides = array<i32>} : memref<2048xf32, #tpu.memory_space<vmem>>, vector<16xf32>,
    %get3A_497 = vector.shape_cast %get3A_496 : vector<16xf32> to vector<16xf32>
    %get3A_498 = arith.constant 1744 : index
    %get3A_499 = tpu.vector_load %arg6[%get3A_498] {strides = array<i32>} : memref<2048xf32, #tpu.memory_space<vmem>>, vector<16xf32>,
    %get3A_500 = vector.shape_cast %get3A_499 : vector<16xf32> to vector<16xf32>
    %sub3A_501 = arith.subf %get3A_497, %get3A_500 : vector<16xf32>
    %swap3A_502 = arith.constant 720 : index
    %swap3A_503 = tpu.vector_load %arg7[%swap3A_502] {strides = array<i32>} : memref<1024xf32, #tpu.memory_space<vmem>>, vector<16xf32>,
    %swap3A_504 = vector.shape_cast %swap3A_503 : vector<16xf32> to vector<16xf32>
    %swap3A_505 = vector.shape_cast %sub3A_501 : vector<16xf32> to vector<16xf32>
    tpu.vector_store %arg7[%swap3A_502], %swap3A_505 {strides = array<i32>} : memref<1024xf32, #tpu.memory_space<vmem>>, vector<16xf32>,
    %get3A_506 = arith.constant 736 : index
    %get3A_507 = tpu.vector_load %arg6[%get3A_506] {strides = array<i32>} : memref<2048xf32, #tpu.memory_space<vmem>>, vector<16xf32>,
    %get3A_508 = vector.shape_cast %get3A_507 : vector<16xf32> to vector<16xf32>
    %get3A_509 = arith.constant 1760 : index
    %get3A_510 = tpu.vector_load %arg6[%get3A_509] {strides = array<i32>} : memref<2048xf32, #tpu.memory_space<vmem>>, vector<16xf32>,
    %get3A_511 = vector.shape_cast %get3A_510 : vector<16xf32> to vector<16xf32>
    %sub3A_512 = arith.subf %get3A_508, %get3A_511 : vector<16xf32>
    %swap3A_513 = arith.constant 736 : index
    %swap3A_514 = tpu.vector_load %arg7[%swap3A_513] {strides = array<i32>} : memref<1024xf32, #tpu.memory_space<vmem>>, vector<16xf32>,
    %swap3A_515 = vector.shape_cast %swap3A_514 : vector<16xf32> to vector<16xf32>
    %swap3A_516 = vector.shape_cast %sub3A_512 : vector<16xf32> to vector<16xf32>
    tpu.vector_store %arg7[%swap3A_513], %swap3A_516 {strides = array<i32>} : memref<1024xf32, #tpu.memory_space<vmem>>, vector<16xf32>,
    %get3A_517 = arith.constant 752 : index
    %get3A_518 = tpu.vector_load %arg6[%get3A_517] {strides = array<i32>} : memref<2048xf32, #tpu.memory_space<vmem>>, vector<16xf32>,
    %get3A_519 = vector.shape_cast %get3A_518 : vector<16xf32> to vector<16xf32>
    %get3A_520 = arith.constant 1776 : index
    %get3A_521 = tpu.vector_load %arg6[%get3A_520] {strides = array<i32>} : memref<2048xf32, #tpu.memory_space<vmem>>, vector<16xf32>,
    %get3A_522 = vector.shape_cast %get3A_521 : vector<16xf32> to vector<16xf32>
    %sub3A_523 = arith.subf %get3A_519, %get3A_522 : vector<16xf32>
    %swap3A_524 = arith.constant 752 : index
    %swap3A_525 = tpu.vector_load %arg7[%swap3A_524] {strides = array<i32>} : memref<1024xf32, #tpu.memory_space<vmem>>, vector<16xf32>,
    %swap3A_526 = vector.shape_cast %swap3A_525 : vector<16xf32> to vector<16xf32>
    %swap3A_527 = vector.shape_cast %sub3A_523 : vector<16xf32> to vector<16xf32>
    tpu.vector_store %arg7[%swap3A_524], %swap3A_527 {strides = array<i32>} : memref<1024xf32, #tpu.memory_space<vmem>>, vector<16xf32>,
    %get3A_528 = arith.constant 768 : index
    %get3A_529 = tpu.vector_load %arg6[%get3A_528] {strides = array<i32>} : memref<2048xf32, #tpu.memory_space<vmem>>, vector<16xf32>,
    %get3A_530 = vector.shape_cast %get3A_529 : vector<16xf32> to vector<16xf32>
    %get3A_531 = arith.constant 1792 : index
    %get3A_532 = tpu.vector_load %arg6[%get3A_531] {strides = array<i32>} : memref<2048xf32, #tpu.memory_space<vmem>>, vector<16xf32>,
    %get3A_533 = vector.shape_cast %get3A_532 : vector<16xf32> to vector<16xf32>
    %sub3A_534 = arith.subf %get3A_530, %get3A_533 : vector<16xf32>
    %swap3A_535 = arith.constant 768 : index
    %swap3A_536 = tpu.vector_load %arg7[%swap3A_535] {strides = array<i32>} : memref<1024xf32, #tpu.memory_space<vmem>>, vector<16xf32>,
    %swap3A_537 = vector.shape_cast %swap3A_536 : vector<16xf32> to vector<16xf32>
    %swap3A_538 = vector.shape_cast %sub3A_534 : vector<16xf32> to vector<16xf32>
    tpu.vector_store %arg7[%swap3A_535], %swap3A_538 {strides = array<i32>} : memref<1024xf32, #tpu.memory_space<vmem>>, vector<16xf32>,
    %get3A_539 = arith.constant 784 : index
    %get3A_540 = tpu.vector_load %arg6[%get3A_539] {strides = array<i32>} : memref<2048xf32, #tpu.memory_space<vmem>>, vector<16xf32>,
    %get3A_541 = vector.shape_cast %get3A_540 : vector<16xf32> to vector<16xf32>
    %get3A_542 = arith.constant 1808 : index
    %get3A_543 = tpu.vector_load %arg6[%get3A_542] {strides = array<i32>} : memref<2048xf32, #tpu.memory_space<vmem>>, vector<16xf32>,
    %get3A_544 = vector.shape_cast %get3A_543 : vector<16xf32> to vector<16xf32>
    %sub3A_545 = arith.subf %get3A_541, %get3A_544 : vector<16xf32>
    %swap3A_546 = arith.constant 784 : index
    %swap3A_547 = tpu.vector_load %arg7[%swap3A_546] {strides = array<i32>} : memref<1024xf32, #tpu.memory_space<vmem>>, vector<16xf32>,
    %swap3A_548 = vector.shape_cast %swap3A_547 : vector<16xf32> to vector<16xf32>
    %swap3A_549 = vector.shape_cast %sub3A_545 : vector<16xf32> to vector<16xf32>
    tpu.vector_store %arg7[%swap3A_546], %swap3A_549 {strides = array<i32>} : memref<1024xf32, #tpu.memory_space<vmem>>, vector<16xf32>,
    %get3A_550 = arith.constant 800 : index
    %get3A_551 = tpu.vector_load %arg6[%get3A_550] {strides = array<i32>} : memref<2048xf32, #tpu.memory_space<vmem>>, vector<16xf32>,
    %get3A_552 = vector.shape_cast %get3A_551 : vector<16xf32> to vector<16xf32>
    %get3A_553 = arith.constant 1824 : index
    %get3A_554 = tpu.vector_load %arg6[%get3A_553] {strides = array<i32>} : memref<2048xf32, #tpu.memory_space<vmem>>, vector<16xf32>,
    %get3A_555 = vector.shape_cast %get3A_554 : vector<16xf32> to vector<16xf32>
    %sub3A_556 = arith.subf %get3A_552, %get3A_555 : vector<16xf32>
    %swap3A_557 = arith.constant 800 : index
    %swap3A_558 = tpu.vector_load %arg7[%swap3A_557] {strides = array<i32>} : memref<1024xf32, #tpu.memory_space<vmem>>, vector<16xf32>,
    %swap3A_559 = vector.shape_cast %swap3A_558 : vector<16xf32> to vector<16xf32>
    %swap3A_560 = vector.shape_cast %sub3A_556 : vector<16xf32> to vector<16xf32>
    tpu.vector_store %arg7[%swap3A_557], %swap3A_560 {strides = array<i32>} : memref<1024xf32, #tpu.memory_space<vmem>>, vector<16xf32>,
    %get3A_561 = arith.constant 816 : index
    %get3A_562 = tpu.vector_load %arg6[%get3A_561] {strides = array<i32>} : memref<2048xf32, #tpu.memory_space<vmem>>, vector<16xf32>,
    %get3A_563 = vector.shape_cast %get3A_562 : vector<16xf32> to vector<16xf32>
    %get3A_564 = arith.constant 1840 : index
    %get3A_565 = tpu.vector_load %arg6[%get3A_564] {strides = array<i32>} : memref<2048xf32, #tpu.memory_space<vmem>>, vector<16xf32>,
    %get3A_566 = vector.shape_cast %get3A_565 : vector<16xf32> to vector<16xf32>
    %sub3A_567 = arith.subf %get3A_563, %get3A_566 : vector<16xf32>
    %swap3A_568 = arith.constant 816 : index
    %swap3A_569 = tpu.vector_load %arg7[%swap3A_568] {strides = array<i32>} : memref<1024xf32, #tpu.memory_space<vmem>>, vector<16xf32>,
    %swap3A_570 = vector.shape_cast %swap3A_569 : vector<16xf32> to vector<16xf32>
    %swap3A_571 = vector.shape_cast %sub3A_567 : vector<16xf32> to vector<16xf32>
    tpu.vector_store %arg7[%swap3A_568], %swap3A_571 {strides = array<i32>} : memref<1024xf32, #tpu.memory_space<vmem>>, vector<16xf32>,
    %get3A_572 = arith.constant 832 : index
    %get3A_573 = tpu.vector_load %arg6[%get3A_572] {strides = array<i32>} : memref<2048xf32, #tpu.memory_space<vmem>>, vector<16xf32>,
    %get3A_574 = vector.shape_cast %get3A_573 : vector<16xf32> to vector<16xf32>
    %get3A_575 = arith.constant 1856 : index
    %get3A_576 = tpu.vector_load %arg6[%get3A_575] {strides = array<i32>} : memref<2048xf32, #tpu.memory_space<vmem>>, vector<16xf32>,
    %get3A_577 = vector.shape_cast %get3A_576 : vector<16xf32> to vector<16xf32>
    %sub3A_578 = arith.subf %get3A_574, %get3A_577 : vector<16xf32>
    %swap3A_579 = arith.constant 832 : index
    %swap3A_580 = tpu.vector_load %arg7[%swap3A_579] {strides = array<i32>} : memref<1024xf32, #tpu.memory_space<vmem>>, vector<16xf32>,
    %swap3A_581 = vector.shape_cast %swap3A_580 : vector<16xf32> to vector<16xf32>
    %swap3A_582 = vector.shape_cast %sub3A_578 : vector<16xf32> to vector<16xf32>
    tpu.vector_store %arg7[%swap3A_579], %swap3A_582 {strides = array<i32>} : memref<1024xf32, #tpu.memory_space<vmem>>, vector<16xf32>,
    %get3A_583 = arith.constant 848 : index
    %get3A_584 = tpu.vector_load %arg6[%get3A_583] {strides = array<i32>} : memref<2048xf32, #tpu.memory_space<vmem>>, vector<16xf32>,
    %get3A_585 = vector.shape_cast %get3A_584 : vector<16xf32> to vector<16xf32>
    %get3A_586 = arith.constant 1872 : index
    %get3A_587 = tpu.vector_load %arg6[%get3A_586] {strides = array<i32>} : memref<2048xf32, #tpu.memory_space<vmem>>, vector<16xf32>,
    %get3A_588 = vector.shape_cast %get3A_587 : vector<16xf32> to vector<16xf32>
    %sub3A_589 = arith.subf %get3A_585, %get3A_588 : vector<16xf32>
    %swap3A_590 = arith.constant 848 : index
    %swap3A_591 = tpu.vector_load %arg7[%swap3A_590] {strides = array<i32>} : memref<1024xf32, #tpu.memory_space<vmem>>, vector<16xf32>,
    %swap3A_592 = vector.shape_cast %swap3A_591 : vector<16xf32> to vector<16xf32>
    %swap3A_593 = vector.shape_cast %sub3A_589 : vector<16xf32> to vector<16xf32>
    tpu.vector_store %arg7[%swap3A_590], %swap3A_593 {strides = array<i32>} : memref<1024xf32, #tpu.memory_space<vmem>>, vector<16xf32>,
    %get3A_594 = arith.constant 864 : index
    %get3A_595 = tpu.vector_load %arg6[%get3A_594] {strides = array<i32>} : memref<2048xf32, #tpu.memory_space<vmem>>, vector<16xf32>,
    %get3A_596 = vector.shape_cast %get3A_595 : vector<16xf32> to vector<16xf32>
    %get3A_597 = arith.constant 1888 : index
    %get3A_598 = tpu.vector_load %arg6[%get3A_597] {strides = array<i32>} : memref<2048xf32, #tpu.memory_space<vmem>>, vector<16xf32>,
    %get3A_599 = vector.shape_cast %get3A_598 : vector<16xf32> to vector<16xf32>
    %sub3A_600 = arith.subf %get3A_596, %get3A_599 : vector<16xf32>
    %swap3A_601 = arith.constant 864 : index
    %swap3A_602 = tpu.vector_load %arg7[%swap3A_601] {strides = array<i32>} : memref<1024xf32, #tpu.memory_space<vmem>>, vector<16xf32>,
    %swap3A_603 = vector.shape_cast %swap3A_602 : vector<16xf32> to vector<16xf32>
    %swap3A_604 = vector.shape_cast %sub3A_600 : vector<16xf32> to vector<16xf32>
    tpu.vector_store %arg7[%swap3A_601], %swap3A_604 {strides = array<i32>} : memref<1024xf32, #tpu.memory_space<vmem>>, vector<16xf32>,
    %get3A_605 = arith.constant 880 : index
    %get3A_606 = tpu.vector_load %arg6[%get3A_605] {strides = array<i32>} : memref<2048xf32, #tpu.memory_space<vmem>>, vector<16xf32>,
    %get3A_607 = vector.shape_cast %get3A_606 : vector<16xf32> to vector<16xf32>
    %get3A_608 = arith.constant 1904 : index
    %get3A_609 = tpu.vector_load %arg6[%get3A_608] {strides = array<i32>} : memref<2048xf32, #tpu.memory_space<vmem>>, vector<16xf32>,
    %get3A_610 = vector.shape_cast %get3A_609 : vector<16xf32> to vector<16xf32>
    %sub3A_611 = arith.subf %get3A_607, %get3A_610 : vector<16xf32>
    %swap3A_612 = arith.constant 880 : index
    %swap3A_613 = tpu.vector_load %arg7[%swap3A_612] {strides = array<i32>} : memref<1024xf32, #tpu.memory_space<vmem>>, vector<16xf32>,
    %swap3A_614 = vector.shape_cast %swap3A_613 : vector<16xf32> to vector<16xf32>
    %swap3A_615 = vector.shape_cast %sub3A_611 : vector<16xf32> to vector<16xf32>
    tpu.vector_store %arg7[%swap3A_612], %swap3A_615 {strides = array<i32>} : memref<1024xf32, #tpu.memory_space<vmem>>, vector<16xf32>,
    %get3A_616 = arith.constant 896 : index
    %get3A_617 = tpu.vector_load %arg6[%get3A_616] {strides = array<i32>} : memref<2048xf32, #tpu.memory_space<vmem>>, vector<16xf32>,
    %get3A_618 = vector.shape_cast %get3A_617 : vector<16xf32> to vector<16xf32>
    %get3A_619 = arith.constant 1920 : index
    %get3A_620 = tpu.vector_load %arg6[%get3A_619] {strides = array<i32>} : memref<2048xf32, #tpu.memory_space<vmem>>, vector<16xf32>,
    %get3A_621 = vector.shape_cast %get3A_620 : vector<16xf32> to vector<16xf32>
    %sub3A_622 = arith.subf %get3A_618, %get3A_621 : vector<16xf32>
    %swap3A_623 = arith.constant 896 : index
    %swap3A_624 = tpu.vector_load %arg7[%swap3A_623] {strides = array<i32>} : memref<1024xf32, #tpu.memory_space<vmem>>, vector<16xf32>,
    %swap3A_625 = vector.shape_cast %swap3A_624 : vector<16xf32> to vector<16xf32>
    %swap3A_626 = vector.shape_cast %sub3A_622 : vector<16xf32> to vector<16xf32>
    tpu.vector_store %arg7[%swap3A_623], %swap3A_626 {strides = array<i32>} : memref<1024xf32, #tpu.memory_space<vmem>>, vector<16xf32>,
    %get3A_627 = arith.constant 912 : index
    %get3A_628 = tpu.vector_load %arg6[%get3A_627] {strides = array<i32>} : memref<2048xf32, #tpu.memory_space<vmem>>, vector<16xf32>,
    %get3A_629 = vector.shape_cast %get3A_628 : vector<16xf32> to vector<16xf32>
    %get3A_630 = arith.constant 1936 : index
    %get3A_631 = tpu.vector_load %arg6[%get3A_630] {strides = array<i32>} : memref<2048xf32, #tpu.memory_space<vmem>>, vector<16xf32>,
    %get3A_632 = vector.shape_cast %get3A_631 : vector<16xf32> to vector<16xf32>
    %sub3A_633 = arith.subf %get3A_629, %get3A_632 : vector<16xf32>
    %swap3A_634 = arith.constant 912 : index
    %swap3A_635 = tpu.vector_load %arg7[%swap3A_634] {strides = array<i32>} : memref<1024xf32, #tpu.memory_space<vmem>>, vector<16xf32>,
    %swap3A_636 = vector.shape_cast %swap3A_635 : vector<16xf32> to vector<16xf32>
    %swap3A_637 = vector.shape_cast %sub3A_633 : vector<16xf32> to vector<16xf32>
    tpu.vector_store %arg7[%swap3A_634], %swap3A_637 {strides = array<i32>} : memref<1024xf32, #tpu.memory_space<vmem>>, vector<16xf32>,
    %get3A_638 = arith.constant 928 : index
    %get3A_639 = tpu.vector_load %arg6[%get3A_638] {strides = array<i32>} : memref<2048xf32, #tpu.memory_space<vmem>>, vector<16xf32>,
    %get3A_640 = vector.shape_cast %get3A_639 : vector<16xf32> to vector<16xf32>
    %get3A_641 = arith.constant 1952 : index
    %get3A_642 = tpu.vector_load %arg6[%get3A_641] {strides = array<i32>} : memref<2048xf32, #tpu.memory_space<vmem>>, vector<16xf32>,
    %get3A_643 = vector.shape_cast %get3A_642 : vector<16xf32> to vector<16xf32>
    %sub3A_644 = arith.subf %get3A_640, %get3A_643 : vector<16xf32>
    %swap3A_645 = arith.constant 928 : index
    %swap3A_646 = tpu.vector_load %arg7[%swap3A_645] {strides = array<i32>} : memref<1024xf32, #tpu.memory_space<vmem>>, vector<16xf32>,
    %swap3A_647 = vector.shape_cast %swap3A_646 : vector<16xf32> to vector<16xf32>
    %swap3A_648 = vector.shape_cast %sub3A_644 : vector<16xf32> to vector<16xf32>
    tpu.vector_store %arg7[%swap3A_645], %swap3A_648 {strides = array<i32>} : memref<1024xf32, #tpu.memory_space<vmem>>, vector<16xf32>,
    %get3A_649 = arith.constant 944 : index
    %get3A_650 = tpu.vector_load %arg6[%get3A_649] {strides = array<i32>} : memref<2048xf32, #tpu.memory_space<vmem>>, vector<16xf32>,
    %get3A_651 = vector.shape_cast %get3A_650 : vector<16xf32> to vector<16xf32>
    %get3A_652 = arith.constant 1968 : index
    %get3A_653 = tpu.vector_load %arg6[%get3A_652] {strides = array<i32>} : memref<2048xf32, #tpu.memory_space<vmem>>, vector<16xf32>,
    %get3A_654 = vector.shape_cast %get3A_653 : vector<16xf32> to vector<16xf32>
    %sub3A_655 = arith.subf %get3A_651, %get3A_654 : vector<16xf32>
    %swap3A_656 = arith.constant 944 : index
    %swap3A_657 = tpu.vector_load %arg7[%swap3A_656] {strides = array<i32>} : memref<1024xf32, #tpu.memory_space<vmem>>, vector<16xf32>,
    %swap3A_658 = vector.shape_cast %swap3A_657 : vector<16xf32> to vector<16xf32>
    %swap3A_659 = vector.shape_cast %sub3A_655 : vector<16xf32> to vector<16xf32>
    tpu.vector_store %arg7[%swap3A_656], %swap3A_659 {strides = array<i32>} : memref<1024xf32, #tpu.memory_space<vmem>>, vector<16xf32>,
    %get3A_660 = arith.constant 960 : index
    %get3A_661 = tpu.vector_load %arg6[%get3A_660] {strides = array<i32>} : memref<2048xf32, #tpu.memory_space<vmem>>, vector<16xf32>,
    %get3A_662 = vector.shape_cast %get3A_661 : vector<16xf32> to vector<16xf32>
    %get3A_663 = arith.constant 1984 : index
    %get3A_664 = tpu.vector_load %arg6[%get3A_663] {strides = array<i32>} : memref<2048xf32, #tpu.memory_space<vmem>>, vector<16xf32>,
    %get3A_665 = vector.shape_cast %get3A_664 : vector<16xf32> to vector<16xf32>
    %sub3A_666 = arith.subf %get3A_662, %get3A_665 : vector<16xf32>
    %swap3A_667 = arith.constant 960 : index
    %swap3A_668 = tpu.vector_load %arg7[%swap3A_667] {strides = array<i32>} : memref<1024xf32, #tpu.memory_space<vmem>>, vector<16xf32>,
    %swap3A_669 = vector.shape_cast %swap3A_668 : vector<16xf32> to vector<16xf32>
    %swap3A_670 = vector.shape_cast %sub3A_666 : vector<16xf32> to vector<16xf32>
    tpu.vector_store %arg7[%swap3A_667], %swap3A_670 {strides = array<i32>} : memref<1024xf32, #tpu.memory_space<vmem>>, vector<16xf32>,
    %get3A_671 = arith.constant 976 : index
    %get3A_672 = tpu.vector_load %arg6[%get3A_671] {strides = array<i32>} : memref<2048xf32, #tpu.memory_space<vmem>>, vector<16xf32>,
    %get3A_673 = vector.shape_cast %get3A_672 : vector<16xf32> to vector<16xf32>
    %get3A_674 = arith.constant 2000 : index
    %get3A_675 = tpu.vector_load %arg6[%get3A_674] {strides = array<i32>} : memref<2048xf32, #tpu.memory_space<vmem>>, vector<16xf32>,
    %get3A_676 = vector.shape_cast %get3A_675 : vector<16xf32> to vector<16xf32>
    %sub3A_677 = arith.subf %get3A_673, %get3A_676 : vector<16xf32>
    %swap3A_678 = arith.constant 976 : index
    %swap3A_679 = tpu.vector_load %arg7[%swap3A_678] {strides = array<i32>} : memref<1024xf32, #tpu.memory_space<vmem>>, vector<16xf32>,
    %swap3A_680 = vector.shape_cast %swap3A_679 : vector<16xf32> to vector<16xf32>
    %swap3A_681 = vector.shape_cast %sub3A_677 : vector<16xf32> to vector<16xf32>
    tpu.vector_store %arg7[%swap3A_678], %swap3A_681 {strides = array<i32>} : memref<1024xf32, #tpu.memory_space<vmem>>, vector<16xf32>,
    %get3A_682 = arith.constant 992 : index
    %get3A_683 = tpu.vector_load %arg6[%get3A_682] {strides = array<i32>} : memref<2048xf32, #tpu.memory_space<vmem>>, vector<16xf32>,
    %get3A_684 = vector.shape_cast %get3A_683 : vector<16xf32> to vector<16xf32>
    %get3A_685 = arith.constant 2016 : index
    %get3A_686 = tpu.vector_load %arg6[%get3A_685] {strides = array<i32>} : memref<2048xf32, #tpu.memory_space<vmem>>, vector<16xf32>,
    %get3A_687 = vector.shape_cast %get3A_686 : vector<16xf32> to vector<16xf32>
    %sub3A_688 = arith.subf %get3A_684, %get3A_687 : vector<16xf32>
    %swap3A_689 = arith.constant 992 : index
    %swap3A_690 = tpu.vector_load %arg7[%swap3A_689] {strides = array<i32>} : memref<1024xf32, #tpu.memory_space<vmem>>, vector<16xf32>,
    %swap3A_691 = vector.shape_cast %swap3A_690 : vector<16xf32> to vector<16xf32>
    %swap3A_692 = vector.shape_cast %sub3A_688 : vector<16xf32> to vector<16xf32>
    tpu.vector_store %arg7[%swap3A_689], %swap3A_692 {strides = array<i32>} : memref<1024xf32, #tpu.memory_space<vmem>>, vector<16xf32>,
    %get3A_693 = arith.constant 1008 : index
    %get3A_694 = tpu.vector_load %arg6[%get3A_693] {strides = array<i32>} : memref<2048xf32, #tpu.memory_space<vmem>>, vector<16xf32>,
    %get3A_695 = vector.shape_cast %get3A_694 : vector<16xf32> to vector<16xf32>
    %get3A_696 = arith.constant 2032 : index
    %get3A_697 = tpu.vector_load %arg6[%get3A_696] {strides = array<i32>} : memref<2048xf32, #tpu.memory_space<vmem>>, vector<16xf32>,
    %get3A_698 = vector.shape_cast %get3A_697 : vector<16xf32> to vector<16xf32>
    %sub3A_699 = arith.subf %get3A_695, %get3A_698 : vector<16xf32>
    %swap3A_700 = arith.constant 1008 : index
    %swap3A_701 = tpu.vector_load %arg7[%swap3A_700] {strides = array<i32>} : memref<1024xf32, #tpu.memory_space<vmem>>, vector<16xf32>,
    %swap3A_702 = vector.shape_cast %swap3A_701 : vector<16xf32> to vector<16xf32>
    %swap3A_703 = vector.shape_cast %sub3A_699 : vector<16xf32> to vector<16xf32>
    tpu.vector_store %arg7[%swap3A_700], %swap3A_703 {strides = array<i32>} : memref<1024xf32, #tpu.memory_space<vmem>>, vector<16xf32>,
    %dma_start3A = arith.constant 0 : i32
    %dma_start3A_704 = tpu.memref_slice %arg2[%mul3A_2, %dma_start3A] : memref<16384x1024xf32, #tpu.memory_space<hbm>> -> memref<32x1024xf32, #tpu.memory_space<hbm>>
    %dma_start3A_705 = arith.constant 0 : i32
    %dma_start3A_706 = tpu.memref_slice %arg2[%mul3A_2, %dma_start3A_705] : memref<16384x1024xf32, #tpu.memory_space<hbm>> -> memref<32x1024xf32, #tpu.memory_space<hbm>>
    tpu.enqueue_dma source(%dma_start3A_706 : memref<32x1024xf32, #tpu.memory_space<hbm>>) target(%arg8 : memref<32x1024xf32, #tpu.memory_space<vmem>>) target_semaphore(%arg12 : memref<!tpu.dma_semaphore, #tpu.memory_space<semaphore_mem>>)
    %scan3A = arith.constant 0 : i32
    %scan3A_707 = arith.constant 0 : i32
    %mul3A_708 = arith.constant 2 : i32
    %mul3A_709 = arith.muli %mul3A_708, %scan3A_707 : i32
    %mul3A_710 = arith.constant 2 : i32
    %mul3A_711 = arith.muli %mul3A_710, %scan3A_707 : i32
    %add3A_712 = arith.constant 1 : i32
    %add3A_713 = arith.addi %mul3A_711, %add3A_712 : i32
    %mul3A_714 = arith.constant 32 : i32
    %mul3A_715 = arith.muli %add3A_713, %mul3A_714 : i32
    %add3A_716 = arith.addi %mul3A_2, %mul3A_715 : i32
    %dma_start3A_717 = arith.constant 0 : i32
    %dma_start3A_718 = tpu.memref_slice %arg2[%add3A_716, %dma_start3A_717] : memref<16384x1024xf32, #tpu.memory_space<hbm>> -> memref<32x1024xf32, #tpu.memory_space<hbm>>
    %dma_start3A_719 = arith.constant 0 : i32
    %dma_start3A_720 = tpu.memref_slice %arg2[%add3A_716, %dma_start3A_719] : memref<16384x1024xf32, #tpu.memory_space<hbm>> -> memref<32x1024xf32, #tpu.memory_space<hbm>>
    tpu.enqueue_dma source(%dma_start3A_720 : memref<32x1024xf32, #tpu.memory_space<hbm>>) target(%arg9 : memref<32x1024xf32, #tpu.memory_space<vmem>>) target_semaphore(%arg13 : memref<!tpu.dma_semaphore, #tpu.memory_space<semaphore_mem>>)
    %dma_wait3A = arith.constant 0 : i32
    %dma_wait3A_721 = arith.constant 0 : i32
    %dma_wait3A_722 = tpu.memref_slice %arg2[%dma_wait3A, %dma_wait3A_721] : memref<16384x1024xf32, #tpu.memory_space<hbm>> -> memref<32x1024xf32, #tpu.memory_space<hbm>>
    %dma_wait3A_723 = arith.constant 0 : i32
    %dma_wait3A_724 = arith.constant 0 : i32
    %dma_wait3A_725 = tpu.memref_slice %arg2[%dma_wait3A_723, %dma_wait3A_724] : memref<16384x1024xf32, #tpu.memory_space<hbm>> -> memref<32x1024xf32, #tpu.memory_space<hbm>>
    tpu.wait_dma2 semaphore(%arg12 : memref<!tpu.dma_semaphore, #tpu.memory_space<semaphore_mem>>) src(%dma_wait3A_725 : memref<32x1024xf32, #tpu.memory_space<hbm>>) dst(%arg8 : memref<32x1024xf32, #tpu.memory_space<vmem>>)
    %get3A_726 = arith.constant 0 : index
    %get3A_727 = tpu.vector_load %arg6[%get3A_726] {strides = array<i32>} : memref<2048xf32, #tpu.memory_space<vmem>>, vector<16xf32>,
    %get3A_728 = vector.shape_cast %get3A_727 : vector<16xf32> to vector<16xf32>
    %get3A_729 = arith.constant 16 : index
    %get3A_730 = tpu.vector_load %arg6[%get3A_729] {strides = array<i32>} : memref<2048xf32, #tpu.memory_space<vmem>>, vector<16xf32>,
    %get3A_731 = vector.shape_cast %get3A_730 : vector<16xf32> to vector<16xf32>
    %get3A_732 = arith.constant 32 : index
    %get3A_733 = tpu.vector_load %arg6[%get3A_732] {strides = array<i32>} : memref<2048xf32, #tpu.memory_space<vmem>>, vector<16xf32>,
    %get3A_734 = vector.shape_cast %get3A_733 : vector<16xf32> to vector<16xf32>
    %get3A_735 = arith.constant 48 : index
    %get3A_736 = tpu.vector_load %arg6[%get3A_735] {strides = array<i32>} : memref<2048xf32, #tpu.memory_space<vmem>>, vector<16xf32>,
    %get3A_737 = vector.shape_cast %get3A_736 : vector<16xf32> to vector<16xf32>
    %get3A_738 = arith.constant 64 : index
    %get3A_739 = tpu.vector_load %arg6[%get3A_738] {strides = array<i32>} : memref<2048xf32, #tpu.memory_space<vmem>>, vector<16xf32>,
    %get3A_740 = vector.shape_cast %get3A_739 : vector<16xf32> to vector<16xf32>
    %get3A_741 = arith.constant 80 : index
    %get3A_742 = tpu.vector_load %arg6[%get3A_741] {strides = array<i32>} : memref<2048xf32, #tpu.memory_space<vmem>>, vector<16xf32>,
    %get3A_743 = vector.shape_cast %get3A_742 : vector<16xf32> to vector<16xf32>
    %get3A_744 = arith.constant 96 : index
    %get3A_745 = tpu.vector_load %arg6[%get3A_744] {strides = array<i32>} : memref<2048xf32, #tpu.memory_space<vmem>>, vector<16xf32>,
    %get3A_746 = vector.shape_cast %get3A_745 : vector<16xf32> to vector<16xf32>
    %get3A_747 = arith.constant 112 : index
    %get3A_748 = tpu.vector_load %arg6[%get3A_747] {strides = array<i32>} : memref<2048xf32, #tpu.memory_space<vmem>>, vector<16xf32>,
    %get3A_749 = vector.shape_cast %get3A_748 : vector<16xf32> to vector<16xf32>
    %get3A_750 = arith.constant 128 : index
    %get3A_751 = tpu.vector_load %arg6[%get3A_750] {strides = array<i32>} : memref<2048xf32, #tpu.memory_space<vmem>>, vector<16xf32>,
    %get3A_752 = vector.shape_cast %get3A_751 : vector<16xf32> to vector<16xf32>
    %get3A_753 = arith.constant 144 : index
    %get3A_754 = tpu.vector_load %arg6[%get3A_753] {strides = array<i32>} : memref<2048xf32, #tpu.memory_space<vmem>>, vector<16xf32>,
    %get3A_755 = vector.shape_cast %get3A_754 : vector<16xf32> to vector<16xf32>
    %get3A_756 = arith.constant 160 : index
    %get3A_757 = tpu.vector_load %arg6[%get3A_756] {strides = array<i32>} : memref<2048xf32, #tpu.memory_space<vmem>>, vector<16xf32>,
    %get3A_758 = vector.shape_cast %get3A_757 : vector<16xf32> to vector<16xf32>
    %get3A_759 = arith.constant 176 : index
    %get3A_760 = tpu.vector_load %arg6[%get3A_759] {strides = array<i32>} : memref<2048xf32, #tpu.memory_space<vmem>>, vector<16xf32>,
    %get3A_761 = vector.shape_cast %get3A_760 : vector<16xf32> to vector<16xf32>
    %get3A_762 = arith.constant 192 : index
    %get3A_763 = tpu.vector_load %arg6[%get3A_762] {strides = array<i32>} : memref<2048xf32, #tpu.memory_space<vmem>>, vector<16xf32>,
    %get3A_764 = vector.shape_cast %get3A_763 : vector<16xf32> to vector<16xf32>
    %get3A_765 = arith.constant 208 : index
    %get3A_766 = tpu.vector_load %arg6[%get3A_765] {strides = array<i32>} : memref<2048xf32, #tpu.memory_space<vmem>>, vector<16xf32>,
    %get3A_767 = vector.shape_cast %get3A_766 : vector<16xf32> to vector<16xf32>
    %get3A_768 = arith.constant 224 : index
    %get3A_769 = tpu.vector_load %arg6[%get3A_768] {strides = array<i32>} : memref<2048xf32, #tpu.memory_space<vmem>>, vector<16xf32>,
    %get3A_770 = vector.shape_cast %get3A_769 : vector<16xf32> to vector<16xf32>
    %get3A_771 = arith.constant 240 : index
    %get3A_772 = tpu.vector_load %arg6[%get3A_771] {strides = array<i32>} : memref<2048xf32, #tpu.memory_space<vmem>>, vector<16xf32>,
    %get3A_773 = vector.shape_cast %get3A_772 : vector<16xf32> to vector<16xf32>
    %get3A_774 = arith.constant 0 : index
    %get3A_775 = tpu.vector_load %arg7[%get3A_774] {strides = array<i32>} : memref<1024xf32, #tpu.memory_space<vmem>>, vector<16xf32>,
    %get3A_776 = vector.shape_cast %get3A_775 : vector<16xf32> to vector<16xf32>
    %get3A_777 = arith.constant 16 : index
    %get3A_778 = tpu.vector_load %arg7[%get3A_777] {strides = array<i32>} : memref<1024xf32, #tpu.memory_space<vmem>>, vector<16xf32>,
    %get3A_779 = vector.shape_cast %get3A_778 : vector<16xf32> to vector<16xf32>
    %get3A_780 = arith.constant 32 : index
    %get3A_781 = tpu.vector_load %arg7[%get3A_780] {strides = array<i32>} : memref<1024xf32, #tpu.memory_space<vmem>>, vector<16xf32>,
    %get3A_782 = vector.shape_cast %get3A_781 : vector<16xf32> to vector<16xf32>
    %get3A_783 = arith.constant 48 : index
    %get3A_784 = tpu.vector_load %arg7[%get3A_783] {strides = array<i32>} : memref<1024xf32, #tpu.memory_space<vmem>>, vector<16xf32>,
    %get3A_785 = vector.shape_cast %get3A_784 : vector<16xf32> to vector<16xf32>
    %get3A_786 = arith.constant 64 : index
    %get3A_787 = tpu.vector_load %arg7[%get3A_786] {strides = array<i32>} : memref<1024xf32, #tpu.memory_space<vmem>>, vector<16xf32>,
    %get3A_788 = vector.shape_cast %get3A_787 : vector<16xf32> to vector<16xf32>
    %get3A_789 = arith.constant 80 : index
    %get3A_790 = tpu.vector_load %arg7[%get3A_789] {strides = array<i32>} : memref<1024xf32, #tpu.memory_space<vmem>>, vector<16xf32>,
    %get3A_791 = vector.shape_cast %get3A_790 : vector<16xf32> to vector<16xf32>
    %get3A_792 = arith.constant 96 : index
    %get3A_793 = tpu.vector_load %arg7[%get3A_792] {strides = array<i32>} : memref<1024xf32, #tpu.memory_space<vmem>>, vector<16xf32>,
    %get3A_794 = vector.shape_cast %get3A_793 : vector<16xf32> to vector<16xf32>
    %get3A_795 = arith.constant 112 : index
    %get3A_796 = tpu.vector_load %arg7[%get3A_795] {strides = array<i32>} : memref<1024xf32, #tpu.memory_space<vmem>>, vector<16xf32>,
    %get3A_797 = vector.shape_cast %get3A_796 : vector<16xf32> to vector<16xf32>
    %get3A_798 = arith.constant 128 : index
    %get3A_799 = tpu.vector_load %arg7[%get3A_798] {strides = array<i32>} : memref<1024xf32, #tpu.memory_space<vmem>>, vector<16xf32>,
    %get3A_800 = vector.shape_cast %get3A_799 : vector<16xf32> to vector<16xf32>
    %get3A_801 = arith.constant 144 : index
    %get3A_802 = tpu.vector_load %arg7[%get3A_801] {strides = array<i32>} : memref<1024xf32, #tpu.memory_space<vmem>>, vector<16xf32>,
    %get3A_803 = vector.shape_cast %get3A_802 : vector<16xf32> to vector<16xf32>
    %get3A_804 = arith.constant 160 : index
    %get3A_805 = tpu.vector_load %arg7[%get3A_804] {strides = array<i32>} : memref<1024xf32, #tpu.memory_space<vmem>>, vector<16xf32>,
    %get3A_806 = vector.shape_cast %get3A_805 : vector<16xf32> to vector<16xf32>
    %get3A_807 = arith.constant 176 : index
    %get3A_808 = tpu.vector_load %arg7[%get3A_807] {strides = array<i32>} : memref<1024xf32, #tpu.memory_space<vmem>>, vector<16xf32>,
    %get3A_809 = vector.shape_cast %get3A_808 : vector<16xf32> to vector<16xf32>
    %get3A_810 = arith.constant 192 : index
    %get3A_811 = tpu.vector_load %arg7[%get3A_810] {strides = array<i32>} : memref<1024xf32, #tpu.memory_space<vmem>>, vector<16xf32>,
    %get3A_812 = vector.shape_cast %get3A_811 : vector<16xf32> to vector<16xf32>
    %get3A_813 = arith.constant 208 : index
    %get3A_814 = tpu.vector_load %arg7[%get3A_813] {strides = array<i32>} : memref<1024xf32, #tpu.memory_space<vmem>>, vector<16xf32>,
    %get3A_815 = vector.shape_cast %get3A_814 : vector<16xf32> to vector<16xf32>
    %get3A_816 = arith.constant 224 : index
    %get3A_817 = tpu.vector_load %arg7[%get3A_816] {strides = array<i32>} : memref<1024xf32, #tpu.memory_space<vmem>>, vector<16xf32>,
    %get3A_818 = vector.shape_cast %get3A_817 : vector<16xf32> to vector<16xf32>
    %get3A_819 = arith.constant 240 : index
    %get3A_820 = tpu.vector_load %arg7[%get3A_819] {strides = array<i32>} : memref<1024xf32, #tpu.memory_space<vmem>>, vector<16xf32>,
    %get3A_821 = vector.shape_cast %get3A_820 : vector<16xf32> to vector<16xf32>
    %scan3A_822 = arith.constant 0 : i32
    %scan3A_823 = arith.constant 32 : i32
    %scan3A_824 = arith.addi %scan3A_822, %scan3A_823 : i32
    %scan3A_825 = arith.constant 1 : i32
    scf.for %scan3A_1558 = %scan3A_822 to %scan3A_824 step %scan3A_825  : i32 {
      %mul3A_1559 = arith.constant 32 : i32
      %mul3A_1560 = arith.muli %mul3A_709, %mul3A_1559 : i32
      %add3A_1561 = arith.addi %mul3A_1560, %scan3A_1558 : i32
      %broadcast_in_dim3A = arith.constant 0.000000e+00 : f32
      %broadcast_in_dim3A_1562 = vector.broadcast %broadcast_in_dim3A : f32 to vector<16xf32>
      %broadcast_in_dim3A_1563 = arith.constant 0.000000e+00 : f32
      %broadcast_in_dim3A_1564 = vector.broadcast %broadcast_in_dim3A_1563 : f32 to vector<16xf32>
      %get3A_1565 = arith.index_cast %scan3A_1558 : i32 to index
      %get3A_1566 = arith.constant 0 : index
      %get3A_1567 = tpu.vector_load %arg8[%get3A_1565, %get3A_1566] {strides = array<i32>} : memref<32x1024xf32, #tpu.memory_space<vmem>>, vector<1x16xf32>,
      %get3A_1568 = vector.shape_cast %get3A_1567 : vector<1x16xf32> to vector<16xf32>
      %sub3A_1569 = arith.subf %get3A_1568, %get3A_728 : vector<16xf32>
      %mul3A_1570 = arith.mulf %sub3A_1569, %sub3A_1569 : vector<16xf32>
      %add3A_1571 = arith.addf %broadcast_in_dim3A_1562, %mul3A_1570 : vector<16xf32>
      %mul3A_1572 = arith.mulf %get3A_1568, %get3A_776 : vector<16xf32>
      %add3A_1573 = arith.addf %broadcast_in_dim3A_1564, %mul3A_1572 : vector<16xf32>
      %get3A_1574 = arith.index_cast %scan3A_1558 : i32 to index
      %get3A_1575 = arith.constant 16 : index
      %get3A_1576 = tpu.vector_load %arg8[%get3A_1574, %get3A_1575] {strides = array<i32>} : memref<32x1024xf32, #tpu.memory_space<vmem>>, vector<1x16xf32>,
      %get3A_1577 = vector.shape_cast %get3A_1576 : vector<1x16xf32> to vector<16xf32>
      %sub3A_1578 = arith.subf %get3A_1577, %get3A_731 : vector<16xf32>
      %mul3A_1579 = arith.mulf %sub3A_1578, %sub3A_1578 : vector<16xf32>
      %add3A_1580 = arith.addf %add3A_1571, %mul3A_1579 : vector<16xf32>
      %mul3A_1581 = arith.mulf %get3A_1577, %get3A_779 : vector<16xf32>
      %add3A_1582 = arith.addf %add3A_1573, %mul3A_1581 : vector<16xf32>
      %get3A_1583 = arith.index_cast %scan3A_1558 : i32 to index
      %get3A_1584 = arith.constant 32 : index
      %get3A_1585 = tpu.vector_load %arg8[%get3A_1583, %get3A_1584] {strides = array<i32>} : memref<32x1024xf32, #tpu.memory_space<vmem>>, vector<1x16xf32>,
      %get3A_1586 = vector.shape_cast %get3A_1585 : vector<1x16xf32> to vector<16xf32>
      %sub3A_1587 = arith.subf %get3A_1586, %get3A_734 : vector<16xf32>
      %mul3A_1588 = arith.mulf %sub3A_1587, %sub3A_1587 : vector<16xf32>
      %add3A_1589 = arith.addf %add3A_1580, %mul3A_1588 : vector<16xf32>
      %mul3A_1590 = arith.mulf %get3A_1586, %get3A_782 : vector<16xf32>
      %add3A_1591 = arith.addf %add3A_1582, %mul3A_1590 : vector<16xf32>
      %get3A_1592 = arith.index_cast %scan3A_1558 : i32 to index
      %get3A_1593 = arith.constant 48 : index
      %get3A_1594 = tpu.vector_load %arg8[%get3A_1592, %get3A_1593] {strides = array<i32>} : memref<32x1024xf32, #tpu.memory_space<vmem>>, vector<1x16xf32>,
      %get3A_1595 = vector.shape_cast %get3A_1594 : vector<1x16xf32> to vector<16xf32>
      %sub3A_1596 = arith.subf %get3A_1595, %get3A_737 : vector<16xf32>
      %mul3A_1597 = arith.mulf %sub3A_1596, %sub3A_1596 : vector<16xf32>
      %add3A_1598 = arith.addf %add3A_1589, %mul3A_1597 : vector<16xf32>
      %mul3A_1599 = arith.mulf %get3A_1595, %get3A_785 : vector<16xf32>
      %add3A_1600 = arith.addf %add3A_1591, %mul3A_1599 : vector<16xf32>
      %get3A_1601 = arith.index_cast %scan3A_1558 : i32 to index
      %get3A_1602 = arith.constant 64 : index
      %get3A_1603 = tpu.vector_load %arg8[%get3A_1601, %get3A_1602] {strides = array<i32>} : memref<32x1024xf32, #tpu.memory_space<vmem>>, vector<1x16xf32>,
      %get3A_1604 = vector.shape_cast %get3A_1603 : vector<1x16xf32> to vector<16xf32>
      %sub3A_1605 = arith.subf %get3A_1604, %get3A_740 : vector<16xf32>
      %mul3A_1606 = arith.mulf %sub3A_1605, %sub3A_1605 : vector<16xf32>
      %add3A_1607 = arith.addf %add3A_1598, %mul3A_1606 : vector<16xf32>
      %mul3A_1608 = arith.mulf %get3A_1604, %get3A_788 : vector<16xf32>
      %add3A_1609 = arith.addf %add3A_1600, %mul3A_1608 : vector<16xf32>
      %get3A_1610 = arith.index_cast %scan3A_1558 : i32 to index
      %get3A_1611 = arith.constant 80 : index
      %get3A_1612 = tpu.vector_load %arg8[%get3A_1610, %get3A_1611] {strides = array<i32>} : memref<32x1024xf32, #tpu.memory_space<vmem>>, vector<1x16xf32>,
      %get3A_1613 = vector.shape_cast %get3A_1612 : vector<1x16xf32> to vector<16xf32>
      %sub3A_1614 = arith.subf %get3A_1613, %get3A_743 : vector<16xf32>
      %mul3A_1615 = arith.mulf %sub3A_1614, %sub3A_1614 : vector<16xf32>
      %add3A_1616 = arith.addf %add3A_1607, %mul3A_1615 : vector<16xf32>
      %mul3A_1617 = arith.mulf %get3A_1613, %get3A_791 : vector<16xf32>
      %add3A_1618 = arith.addf %add3A_1609, %mul3A_1617 : vector<16xf32>
      %get3A_1619 = arith.index_cast %scan3A_1558 : i32 to index
      %get3A_1620 = arith.constant 96 : index
      %get3A_1621 = tpu.vector_load %arg8[%get3A_1619, %get3A_1620] {strides = array<i32>} : memref<32x1024xf32, #tpu.memory_space<vmem>>, vector<1x16xf32>,
      %get3A_1622 = vector.shape_cast %get3A_1621 : vector<1x16xf32> to vector<16xf32>
      %sub3A_1623 = arith.subf %get3A_1622, %get3A_746 : vector<16xf32>
      %mul3A_1624 = arith.mulf %sub3A_1623, %sub3A_1623 : vector<16xf32>
      %add3A_1625 = arith.addf %add3A_1616, %mul3A_1624 : vector<16xf32>
      %mul3A_1626 = arith.mulf %get3A_1622, %get3A_794 : vector<16xf32>
      %add3A_1627 = arith.addf %add3A_1618, %mul3A_1626 : vector<16xf32>
      %get3A_1628 = arith.index_cast %scan3A_1558 : i32 to index
      %get3A_1629 = arith.constant 112 : index
      %get3A_1630 = tpu.vector_load %arg8[%get3A_1628, %get3A_1629] {strides = array<i32>} : memref<32x1024xf32, #tpu.memory_space<vmem>>, vector<1x16xf32>,
      %get3A_1631 = vector.shape_cast %get3A_1630 : vector<1x16xf32> to vector<16xf32>
      %sub3A_1632 = arith.subf %get3A_1631, %get3A_749 : vector<16xf32>
      %mul3A_1633 = arith.mulf %sub3A_1632, %sub3A_1632 : vector<16xf32>
      %add3A_1634 = arith.addf %add3A_1625, %mul3A_1633 : vector<16xf32>
      %mul3A_1635 = arith.mulf %get3A_1631, %get3A_797 : vector<16xf32>
      %add3A_1636 = arith.addf %add3A_1627, %mul3A_1635 : vector<16xf32>
      %get3A_1637 = arith.index_cast %scan3A_1558 : i32 to index
      %get3A_1638 = arith.constant 128 : index
      %get3A_1639 = tpu.vector_load %arg8[%get3A_1637, %get3A_1638] {strides = array<i32>} : memref<32x1024xf32, #tpu.memory_space<vmem>>, vector<1x16xf32>,
      %get3A_1640 = vector.shape_cast %get3A_1639 : vector<1x16xf32> to vector<16xf32>
      %sub3A_1641 = arith.subf %get3A_1640, %get3A_752 : vector<16xf32>
      %mul3A_1642 = arith.mulf %sub3A_1641, %sub3A_1641 : vector<16xf32>
      %add3A_1643 = arith.addf %add3A_1634, %mul3A_1642 : vector<16xf32>
      %mul3A_1644 = arith.mulf %get3A_1640, %get3A_800 : vector<16xf32>
      %add3A_1645 = arith.addf %add3A_1636, %mul3A_1644 : vector<16xf32>
      %get3A_1646 = arith.index_cast %scan3A_1558 : i32 to index
      %get3A_1647 = arith.constant 144 : index
      %get3A_1648 = tpu.vector_load %arg8[%get3A_1646, %get3A_1647] {strides = array<i32>} : memref<32x1024xf32, #tpu.memory_space<vmem>>, vector<1x16xf32>,
      %get3A_1649 = vector.shape_cast %get3A_1648 : vector<1x16xf32> to vector<16xf32>
      %sub3A_1650 = arith.subf %get3A_1649, %get3A_755 : vector<16xf32>
      %mul3A_1651 = arith.mulf %sub3A_1650, %sub3A_1650 : vector<16xf32>
      %add3A_1652 = arith.addf %add3A_1643, %mul3A_1651 : vector<16xf32>
      %mul3A_1653 = arith.mulf %get3A_1649, %get3A_803 : vector<16xf32>
      %add3A_1654 = arith.addf %add3A_1645, %mul3A_1653 : vector<16xf32>
      %get3A_1655 = arith.index_cast %scan3A_1558 : i32 to index
      %get3A_1656 = arith.constant 160 : index
      %get3A_1657 = tpu.vector_load %arg8[%get3A_1655, %get3A_1656] {strides = array<i32>} : memref<32x1024xf32, #tpu.memory_space<vmem>>, vector<1x16xf32>,
      %get3A_1658 = vector.shape_cast %get3A_1657 : vector<1x16xf32> to vector<16xf32>
      %sub3A_1659 = arith.subf %get3A_1658, %get3A_758 : vector<16xf32>
      %mul3A_1660 = arith.mulf %sub3A_1659, %sub3A_1659 : vector<16xf32>
      %add3A_1661 = arith.addf %add3A_1652, %mul3A_1660 : vector<16xf32>
      %mul3A_1662 = arith.mulf %get3A_1658, %get3A_806 : vector<16xf32>
      %add3A_1663 = arith.addf %add3A_1654, %mul3A_1662 : vector<16xf32>
      %get3A_1664 = arith.index_cast %scan3A_1558 : i32 to index
      %get3A_1665 = arith.constant 176 : index
      %get3A_1666 = tpu.vector_load %arg8[%get3A_1664, %get3A_1665] {strides = array<i32>} : memref<32x1024xf32, #tpu.memory_space<vmem>>, vector<1x16xf32>,
      %get3A_1667 = vector.shape_cast %get3A_1666 : vector<1x16xf32> to vector<16xf32>
      %sub3A_1668 = arith.subf %get3A_1667, %get3A_761 : vector<16xf32>
      %mul3A_1669 = arith.mulf %sub3A_1668, %sub3A_1668 : vector<16xf32>
      %add3A_1670 = arith.addf %add3A_1661, %mul3A_1669 : vector<16xf32>
      %mul3A_1671 = arith.mulf %get3A_1667, %get3A_809 : vector<16xf32>
      %add3A_1672 = arith.addf %add3A_1663, %mul3A_1671 : vector<16xf32>
      %get3A_1673 = arith.index_cast %scan3A_1558 : i32 to index
      %get3A_1674 = arith.constant 192 : index
      %get3A_1675 = tpu.vector_load %arg8[%get3A_1673, %get3A_1674] {strides = array<i32>} : memref<32x1024xf32, #tpu.memory_space<vmem>>, vector<1x16xf32>,
      %get3A_1676 = vector.shape_cast %get3A_1675 : vector<1x16xf32> to vector<16xf32>
      %sub3A_1677 = arith.subf %get3A_1676, %get3A_764 : vector<16xf32>
      %mul3A_1678 = arith.mulf %sub3A_1677, %sub3A_1677 : vector<16xf32>
      %add3A_1679 = arith.addf %add3A_1670, %mul3A_1678 : vector<16xf32>
      %mul3A_1680 = arith.mulf %get3A_1676, %get3A_812 : vector<16xf32>
      %add3A_1681 = arith.addf %add3A_1672, %mul3A_1680 : vector<16xf32>
      %get3A_1682 = arith.index_cast %scan3A_1558 : i32 to index
      %get3A_1683 = arith.constant 208 : index
      %get3A_1684 = tpu.vector_load %arg8[%get3A_1682, %get3A_1683] {strides = array<i32>} : memref<32x1024xf32, #tpu.memory_space<vmem>>, vector<1x16xf32>,
      %get3A_1685 = vector.shape_cast %get3A_1684 : vector<1x16xf32> to vector<16xf32>
      %sub3A_1686 = arith.subf %get3A_1685, %get3A_767 : vector<16xf32>
      %mul3A_1687 = arith.mulf %sub3A_1686, %sub3A_1686 : vector<16xf32>
      %add3A_1688 = arith.addf %add3A_1679, %mul3A_1687 : vector<16xf32>
      %mul3A_1689 = arith.mulf %get3A_1685, %get3A_815 : vector<16xf32>
      %add3A_1690 = arith.addf %add3A_1681, %mul3A_1689 : vector<16xf32>
      %get3A_1691 = arith.index_cast %scan3A_1558 : i32 to index
      %get3A_1692 = arith.constant 224 : index
      %get3A_1693 = tpu.vector_load %arg8[%get3A_1691, %get3A_1692] {strides = array<i32>} : memref<32x1024xf32, #tpu.memory_space<vmem>>, vector<1x16xf32>,
      %get3A_1694 = vector.shape_cast %get3A_1693 : vector<1x16xf32> to vector<16xf32>
      %sub3A_1695 = arith.subf %get3A_1694, %get3A_770 : vector<16xf32>
      %mul3A_1696 = arith.mulf %sub3A_1695, %sub3A_1695 : vector<16xf32>
      %add3A_1697 = arith.addf %add3A_1688, %mul3A_1696 : vector<16xf32>
      %mul3A_1698 = arith.mulf %get3A_1694, %get3A_818 : vector<16xf32>
      %add3A_1699 = arith.addf %add3A_1690, %mul3A_1698 : vector<16xf32>
      %get3A_1700 = arith.index_cast %scan3A_1558 : i32 to index
      %get3A_1701 = arith.constant 240 : index
      %get3A_1702 = tpu.vector_load %arg8[%get3A_1700, %get3A_1701] {strides = array<i32>} : memref<32x1024xf32, #tpu.memory_space<vmem>>, vector<1x16xf32>,
      %get3A_1703 = vector.shape_cast %get3A_1702 : vector<1x16xf32> to vector<16xf32>
      %sub3A_1704 = arith.subf %get3A_1703, %get3A_773 : vector<16xf32>
      %mul3A_1705 = arith.mulf %sub3A_1704, %sub3A_1704 : vector<16xf32>
      %add3A_1706 = arith.addf %add3A_1697, %mul3A_1705 : vector<16xf32>
      %mul3A_1707 = arith.mulf %get3A_1703, %get3A_821 : vector<16xf32>
      %add3A_1708 = arith.addf %add3A_1699, %mul3A_1707 : vector<16xf32>
      %swap3A_1709 = arith.index_cast %add3A_1561 : i32 to index
      %swap3A_1710 = arith.constant 0 : index
      %swap3A_1711 = tpu.vector_load %arg10[%swap3A_1709, %swap3A_1710] {strides = array<i32>} : memref<64x16xf32, #tpu.memory_space<vmem>>, vector<1x16xf32>,
      %swap3A_1712 = vector.shape_cast %swap3A_1711 : vector<1x16xf32> to vector<16xf32>
      %swap3A_1713 = vector.shape_cast %add3A_1706 : vector<16xf32> to vector<1x16xf32>
      tpu.vector_store %arg10[%swap3A_1709, %swap3A_1710], %swap3A_1713 {strides = array<i32>} : memref<64x16xf32, #tpu.memory_space<vmem>>, vector<1x16xf32>,
      %swap3A_1714 = arith.index_cast %add3A_1561 : i32 to index
      %swap3A_1715 = arith.constant 0 : index
      %swap3A_1716 = tpu.vector_load %arg11[%swap3A_1714, %swap3A_1715] {strides = array<i32>} : memref<64x16xf32, #tpu.memory_space<vmem>>, vector<1x16xf32>,
      %swap3A_1717 = vector.shape_cast %swap3A_1716 : vector<1x16xf32> to vector<16xf32>
      %swap3A_1718 = vector.shape_cast %add3A_1708 : vector<16xf32> to vector<1x16xf32>
      tpu.vector_store %arg11[%swap3A_1714, %swap3A_1715], %swap3A_1718 {strides = array<i32>} : memref<64x16xf32, #tpu.memory_space<vmem>>, vector<1x16xf32>,
    }
    %scan3A_826 = arith.constant 32 : i32
    %get3A_827 = arith.constant 256 : index
    %get3A_828 = tpu.vector_load %arg6[%get3A_827] {strides = array<i32>} : memref<2048xf32, #tpu.memory_space<vmem>>, vector<16xf32>,
    %get3A_829 = vector.shape_cast %get3A_828 : vector<16xf32> to vector<16xf32>
    %get3A_830 = arith.constant 272 : index
    %get3A_831 = tpu.vector_load %arg6[%get3A_830] {strides = array<i32>} : memref<2048xf32, #tpu.memory_space<vmem>>, vector<16xf32>,
    %get3A_832 = vector.shape_cast %get3A_831 : vector<16xf32> to vector<16xf32>
    %get3A_833 = arith.constant 288 : index
    %get3A_834 = tpu.vector_load %arg6[%get3A_833] {strides = array<i32>} : memref<2048xf32, #tpu.memory_space<vmem>>, vector<16xf32>,
    %get3A_835 = vector.shape_cast %get3A_834 : vector<16xf32> to vector<16xf32>
    %get3A_836 = arith.constant 304 : index
    %get3A_837 = tpu.vector_load %arg6[%get3A_836] {strides = array<i32>} : memref<2048xf32, #tpu.memory_space<vmem>>, vector<16xf32>,
    %get3A_838 = vector.shape_cast %get3A_837 : vector<16xf32> to vector<16xf32>
    %get3A_839 = arith.constant 320 : index
    %get3A_840 = tpu.vector_load %arg6[%get3A_839] {strides = array<i32>} : memref<2048xf32, #tpu.memory_space<vmem>>, vector<16xf32>,
    %get3A_841 = vector.shape_cast %get3A_840 : vector<16xf32> to vector<16xf32>
    %get3A_842 = arith.constant 336 : index
    %get3A_843 = tpu.vector_load %arg6[%get3A_842] {strides = array<i32>} : memref<2048xf32, #tpu.memory_space<vmem>>, vector<16xf32>,
    %get3A_844 = vector.shape_cast %get3A_843 : vector<16xf32> to vector<16xf32>
    %get3A_845 = arith.constant 352 : index
    %get3A_846 = tpu.vector_load %arg6[%get3A_845] {strides = array<i32>} : memref<2048xf32, #tpu.memory_space<vmem>>, vector<16xf32>,
    %get3A_847 = vector.shape_cast %get3A_846 : vector<16xf32> to vector<16xf32>
    %get3A_848 = arith.constant 368 : index
    %get3A_849 = tpu.vector_load %arg6[%get3A_848] {strides = array<i32>} : memref<2048xf32, #tpu.memory_space<vmem>>, vector<16xf32>,
    %get3A_850 = vector.shape_cast %get3A_849 : vector<16xf32> to vector<16xf32>
    %get3A_851 = arith.constant 384 : index
    %get3A_852 = tpu.vector_load %arg6[%get3A_851] {strides = array<i32>} : memref<2048xf32, #tpu.memory_space<vmem>>, vector<16xf32>,
    %get3A_853 = vector.shape_cast %get3A_852 : vector<16xf32> to vector<16xf32>
    %get3A_854 = arith.constant 400 : index
    %get3A_855 = tpu.vector_load %arg6[%get3A_854] {strides = array<i32>} : memref<2048xf32, #tpu.memory_space<vmem>>, vector<16xf32>,
    %get3A_856 = vector.shape_cast %get3A_855 : vector<16xf32> to vector<16xf32>
    %get3A_857 = arith.constant 416 : index
    %get3A_858 = tpu.vector_load %arg6[%get3A_857] {strides = array<i32>} : memref<2048xf32, #tpu.memory_space<vmem>>, vector<16xf32>,
    %get3A_859 = vector.shape_cast %get3A_858 : vector<16xf32> to vector<16xf32>
    %get3A_860 = arith.constant 432 : index
    %get3A_861 = tpu.vector_load %arg6[%get3A_860] {strides = array<i32>} : memref<2048xf32, #tpu.memory_space<vmem>>, vector<16xf32>,
    %get3A_862 = vector.shape_cast %get3A_861 : vector<16xf32> to vector<16xf32>
    %get3A_863 = arith.constant 448 : index
    %get3A_864 = tpu.vector_load %arg6[%get3A_863] {strides = array<i32>} : memref<2048xf32, #tpu.memory_space<vmem>>, vector<16xf32>,
    %get3A_865 = vector.shape_cast %get3A_864 : vector<16xf32> to vector<16xf32>
    %get3A_866 = arith.constant 464 : index
    %get3A_867 = tpu.vector_load %arg6[%get3A_866] {strides = array<i32>} : memref<2048xf32, #tpu.memory_space<vmem>>, vector<16xf32>,
    %get3A_868 = vector.shape_cast %get3A_867 : vector<16xf32> to vector<16xf32>
    %get3A_869 = arith.constant 480 : index
    %get3A_870 = tpu.vector_load %arg6[%get3A_869] {strides = array<i32>} : memref<2048xf32, #tpu.memory_space<vmem>>, vector<16xf32>,
    %get3A_871 = vector.shape_cast %get3A_870 : vector<16xf32> to vector<16xf32>
    %get3A_872 = arith.constant 496 : index
    %get3A_873 = tpu.vector_load %arg6[%get3A_872] {strides = array<i32>} : memref<2048xf32, #tpu.memory_space<vmem>>, vector<16xf32>,
    %get3A_874 = vector.shape_cast %get3A_873 : vector<16xf32> to vector<16xf32>
    %get3A_875 = arith.constant 256 : index
    %get3A_876 = tpu.vector_load %arg7[%get3A_875] {strides = array<i32>} : memref<1024xf32, #tpu.memory_space<vmem>>, vector<16xf32>,
    %get3A_877 = vector.shape_cast %get3A_876 : vector<16xf32> to vector<16xf32>
    %get3A_878 = arith.constant 272 : index
    %get3A_879 = tpu.vector_load %arg7[%get3A_878] {strides = array<i32>} : memref<1024xf32, #tpu.memory_space<vmem>>, vector<16xf32>,
    %get3A_880 = vector.shape_cast %get3A_879 : vector<16xf32> to vector<16xf32>
    %get3A_881 = arith.constant 288 : index
    %get3A_882 = tpu.vector_load %arg7[%get3A_881] {strides = array<i32>} : memref<1024xf32, #tpu.memory_space<vmem>>, vector<16xf32>,
    %get3A_883 = vector.shape_cast %get3A_882 : vector<16xf32> to vector<16xf32>
    %get3A_884 = arith.constant 304 : index
    %get3A_885 = tpu.vector_load %arg7[%get3A_884] {strides = array<i32>} : memref<1024xf32, #tpu.memory_space<vmem>>, vector<16xf32>,
    %get3A_886 = vector.shape_cast %get3A_885 : vector<16xf32> to vector<16xf32>
    %get3A_887 = arith.constant 320 : index
    %get3A_888 = tpu.vector_load %arg7[%get3A_887] {strides = array<i32>} : memref<1024xf32, #tpu.memory_space<vmem>>, vector<16xf32>,
    %get3A_889 = vector.shape_cast %get3A_888 : vector<16xf32> to vector<16xf32>
    %get3A_890 = arith.constant 336 : index
    %get3A_891 = tpu.vector_load %arg7[%get3A_890] {strides = array<i32>} : memref<1024xf32, #tpu.memory_space<vmem>>, vector<16xf32>,
    %get3A_892 = vector.shape_cast %get3A_891 : vector<16xf32> to vector<16xf32>
    %get3A_893 = arith.constant 352 : index
    %get3A_894 = tpu.vector_load %arg7[%get3A_893] {strides = array<i32>} : memref<1024xf32, #tpu.memory_space<vmem>>, vector<16xf32>,
    %get3A_895 = vector.shape_cast %get3A_894 : vector<16xf32> to vector<16xf32>
    %get3A_896 = arith.constant 368 : index
    %get3A_897 = tpu.vector_load %arg7[%get3A_896] {strides = array<i32>} : memref<1024xf32, #tpu.memory_space<vmem>>, vector<16xf32>,
    %get3A_898 = vector.shape_cast %get3A_897 : vector<16xf32> to vector<16xf32>
    %get3A_899 = arith.constant 384 : index
    %get3A_900 = tpu.vector_load %arg7[%get3A_899] {strides = array<i32>} : memref<1024xf32, #tpu.memory_space<vmem>>, vector<16xf32>,
    %get3A_901 = vector.shape_cast %get3A_900 : vector<16xf32> to vector<16xf32>
    %get3A_902 = arith.constant 400 : index
    %get3A_903 = tpu.vector_load %arg7[%get3A_902] {strides = array<i32>} : memref<1024xf32, #tpu.memory_space<vmem>>, vector<16xf32>,
    %get3A_904 = vector.shape_cast %get3A_903 : vector<16xf32> to vector<16xf32>
    %get3A_905 = arith.constant 416 : index
    %get3A_906 = tpu.vector_load %arg7[%get3A_905] {strides = array<i32>} : memref<1024xf32, #tpu.memory_space<vmem>>, vector<16xf32>,
    %get3A_907 = vector.shape_cast %get3A_906 : vector<16xf32> to vector<16xf32>
    %get3A_908 = arith.constant 432 : index
    %get3A_909 = tpu.vector_load %arg7[%get3A_908] {strides = array<i32>} : memref<1024xf32, #tpu.memory_space<vmem>>, vector<16xf32>,
    %get3A_910 = vector.shape_cast %get3A_909 : vector<16xf32> to vector<16xf32>
    %get3A_911 = arith.constant 448 : index
    %get3A_912 = tpu.vector_load %arg7[%get3A_911] {strides = array<i32>} : memref<1024xf32, #tpu.memory_space<vmem>>, vector<16xf32>,
    %get3A_913 = vector.shape_cast %get3A_912 : vector<16xf32> to vector<16xf32>
    %get3A_914 = arith.constant 464 : index
    %get3A_915 = tpu.vector_load %arg7[%get3A_914] {strides = array<i32>} : memref<1024xf32, #tpu.memory_space<vmem>>, vector<16xf32>,
    %get3A_916 = vector.shape_cast %get3A_915 : vector<16xf32> to vector<16xf32>
    %get3A_917 = arith.constant 480 : index
    %get3A_918 = tpu.vector_load %arg7[%get3A_917] {strides = array<i32>} : memref<1024xf32, #tpu.memory_space<vmem>>, vector<16xf32>,
    %get3A_919 = vector.shape_cast %get3A_918 : vector<16xf32> to vector<16xf32>
    %get3A_920 = arith.constant 496 : index
    %get3A_921 = tpu.vector_load %arg7[%get3A_920] {strides = array<i32>} : memref<1024xf32, #tpu.memory_space<vmem>>, vector<16xf32>,
    %get3A_922 = vector.shape_cast %get3A_921 : vector<16xf32> to vector<16xf32>
    %scan3A_923 = arith.constant 0 : i32
    %scan3A_924 = arith.constant 32 : i32
    %scan3A_925 = arith.addi %scan3A_923, %scan3A_924 : i32
    %scan3A_926 = arith.constant 1 : i32
    scf.for %scan3A_1558 = %scan3A_923 to %scan3A_925 step %scan3A_926  : i32 {
      %mul3A_1559 = arith.constant 32 : i32
      %mul3A_1560 = arith.muli %mul3A_709, %mul3A_1559 : i32
      %add3A_1561 = arith.addi %mul3A_1560, %scan3A_1558 : i32
      %broadcast_in_dim3A = arith.constant 0.000000e+00 : f32
      %broadcast_in_dim3A_1562 = vector.broadcast %broadcast_in_dim3A : f32 to vector<16xf32>
      %broadcast_in_dim3A_1563 = arith.constant 0.000000e+00 : f32
      %broadcast_in_dim3A_1564 = vector.broadcast %broadcast_in_dim3A_1563 : f32 to vector<16xf32>
      %get3A_1565 = arith.index_cast %scan3A_1558 : i32 to index
      %get3A_1566 = arith.constant 256 : index
      %get3A_1567 = tpu.vector_load %arg8[%get3A_1565, %get3A_1566] {strides = array<i32>} : memref<32x1024xf32, #tpu.memory_space<vmem>>, vector<1x16xf32>,
      %get3A_1568 = vector.shape_cast %get3A_1567 : vector<1x16xf32> to vector<16xf32>
      %sub3A_1569 = arith.subf %get3A_1568, %get3A_829 : vector<16xf32>
      %mul3A_1570 = arith.mulf %sub3A_1569, %sub3A_1569 : vector<16xf32>
      %add3A_1571 = arith.addf %broadcast_in_dim3A_1562, %mul3A_1570 : vector<16xf32>
      %mul3A_1572 = arith.mulf %get3A_1568, %get3A_877 : vector<16xf32>
      %add3A_1573 = arith.addf %broadcast_in_dim3A_1564, %mul3A_1572 : vector<16xf32>
      %get3A_1574 = arith.index_cast %scan3A_1558 : i32 to index
      %get3A_1575 = arith.constant 272 : index
      %get3A_1576 = tpu.vector_load %arg8[%get3A_1574, %get3A_1575] {strides = array<i32>} : memref<32x1024xf32, #tpu.memory_space<vmem>>, vector<1x16xf32>,
      %get3A_1577 = vector.shape_cast %get3A_1576 : vector<1x16xf32> to vector<16xf32>
      %sub3A_1578 = arith.subf %get3A_1577, %get3A_832 : vector<16xf32>
      %mul3A_1579 = arith.mulf %sub3A_1578, %sub3A_1578 : vector<16xf32>
      %add3A_1580 = arith.addf %add3A_1571, %mul3A_1579 : vector<16xf32>
      %mul3A_1581 = arith.mulf %get3A_1577, %get3A_880 : vector<16xf32>
      %add3A_1582 = arith.addf %add3A_1573, %mul3A_1581 : vector<16xf32>
      %get3A_1583 = arith.index_cast %scan3A_1558 : i32 to index
      %get3A_1584 = arith.constant 288 : index
      %get3A_1585 = tpu.vector_load %arg8[%get3A_1583, %get3A_1584] {strides = array<i32>} : memref<32x1024xf32, #tpu.memory_space<vmem>>, vector<1x16xf32>,
      %get3A_1586 = vector.shape_cast %get3A_1585 : vector<1x16xf32> to vector<16xf32>
      %sub3A_1587 = arith.subf %get3A_1586, %get3A_835 : vector<16xf32>
      %mul3A_1588 = arith.mulf %sub3A_1587, %sub3A_1587 : vector<16xf32>
      %add3A_1589 = arith.addf %add3A_1580, %mul3A_1588 : vector<16xf32>
      %mul3A_1590 = arith.mulf %get3A_1586, %get3A_883 : vector<16xf32>
      %add3A_1591 = arith.addf %add3A_1582, %mul3A_1590 : vector<16xf32>
      %get3A_1592 = arith.index_cast %scan3A_1558 : i32 to index
      %get3A_1593 = arith.constant 304 : index
      %get3A_1594 = tpu.vector_load %arg8[%get3A_1592, %get3A_1593] {strides = array<i32>} : memref<32x1024xf32, #tpu.memory_space<vmem>>, vector<1x16xf32>,
      %get3A_1595 = vector.shape_cast %get3A_1594 : vector<1x16xf32> to vector<16xf32>
      %sub3A_1596 = arith.subf %get3A_1595, %get3A_838 : vector<16xf32>
      %mul3A_1597 = arith.mulf %sub3A_1596, %sub3A_1596 : vector<16xf32>
      %add3A_1598 = arith.addf %add3A_1589, %mul3A_1597 : vector<16xf32>
      %mul3A_1599 = arith.mulf %get3A_1595, %get3A_886 : vector<16xf32>
      %add3A_1600 = arith.addf %add3A_1591, %mul3A_1599 : vector<16xf32>
      %get3A_1601 = arith.index_cast %scan3A_1558 : i32 to index
      %get3A_1602 = arith.constant 320 : index
      %get3A_1603 = tpu.vector_load %arg8[%get3A_1601, %get3A_1602] {strides = array<i32>} : memref<32x1024xf32, #tpu.memory_space<vmem>>, vector<1x16xf32>,
      %get3A_1604 = vector.shape_cast %get3A_1603 : vector<1x16xf32> to vector<16xf32>
      %sub3A_1605 = arith.subf %get3A_1604, %get3A_841 : vector<16xf32>
      %mul3A_1606 = arith.mulf %sub3A_1605, %sub3A_1605 : vector<16xf32>
      %add3A_1607 = arith.addf %add3A_1598, %mul3A_1606 : vector<16xf32>
      %mul3A_1608 = arith.mulf %get3A_1604, %get3A_889 : vector<16xf32>
      %add3A_1609 = arith.addf %add3A_1600, %mul3A_1608 : vector<16xf32>
      %get3A_1610 = arith.index_cast %scan3A_1558 : i32 to index
      %get3A_1611 = arith.constant 336 : index
      %get3A_1612 = tpu.vector_load %arg8[%get3A_1610, %get3A_1611] {strides = array<i32>} : memref<32x1024xf32, #tpu.memory_space<vmem>>, vector<1x16xf32>,
      %get3A_1613 = vector.shape_cast %get3A_1612 : vector<1x16xf32> to vector<16xf32>
      %sub3A_1614 = arith.subf %get3A_1613, %get3A_844 : vector<16xf32>
      %mul3A_1615 = arith.mulf %sub3A_1614, %sub3A_1614 : vector<16xf32>
      %add3A_1616 = arith.addf %add3A_1607, %mul3A_1615 : vector<16xf32>
      %mul3A_1617 = arith.mulf %get3A_1613, %get3A_892 : vector<16xf32>
      %add3A_1618 = arith.addf %add3A_1609, %mul3A_1617 : vector<16xf32>
      %get3A_1619 = arith.index_cast %scan3A_1558 : i32 to index
      %get3A_1620 = arith.constant 352 : index
      %get3A_1621 = tpu.vector_load %arg8[%get3A_1619, %get3A_1620] {strides = array<i32>} : memref<32x1024xf32, #tpu.memory_space<vmem>>, vector<1x16xf32>,
      %get3A_1622 = vector.shape_cast %get3A_1621 : vector<1x16xf32> to vector<16xf32>
      %sub3A_1623 = arith.subf %get3A_1622, %get3A_847 : vector<16xf32>
      %mul3A_1624 = arith.mulf %sub3A_1623, %sub3A_1623 : vector<16xf32>
      %add3A_1625 = arith.addf %add3A_1616, %mul3A_1624 : vector<16xf32>
      %mul3A_1626 = arith.mulf %get3A_1622, %get3A_895 : vector<16xf32>
      %add3A_1627 = arith.addf %add3A_1618, %mul3A_1626 : vector<16xf32>
      %get3A_1628 = arith.index_cast %scan3A_1558 : i32 to index
      %get3A_1629 = arith.constant 368 : index
      %get3A_1630 = tpu.vector_load %arg8[%get3A_1628, %get3A_1629] {strides = array<i32>} : memref<32x1024xf32, #tpu.memory_space<vmem>>, vector<1x16xf32>,
      %get3A_1631 = vector.shape_cast %get3A_1630 : vector<1x16xf32> to vector<16xf32>
      %sub3A_1632 = arith.subf %get3A_1631, %get3A_850 : vector<16xf32>
      %mul3A_1633 = arith.mulf %sub3A_1632, %sub3A_1632 : vector<16xf32>
      %add3A_1634 = arith.addf %add3A_1625, %mul3A_1633 : vector<16xf32>
      %mul3A_1635 = arith.mulf %get3A_1631, %get3A_898 : vector<16xf32>
      %add3A_1636 = arith.addf %add3A_1627, %mul3A_1635 : vector<16xf32>
      %get3A_1637 = arith.index_cast %scan3A_1558 : i32 to index
      %get3A_1638 = arith.constant 384 : index
      %get3A_1639 = tpu.vector_load %arg8[%get3A_1637, %get3A_1638] {strides = array<i32>} : memref<32x1024xf32, #tpu.memory_space<vmem>>, vector<1x16xf32>,
      %get3A_1640 = vector.shape_cast %get3A_1639 : vector<1x16xf32> to vector<16xf32>
      %sub3A_1641 = arith.subf %get3A_1640, %get3A_853 : vector<16xf32>
      %mul3A_1642 = arith.mulf %sub3A_1641, %sub3A_1641 : vector<16xf32>
      %add3A_1643 = arith.addf %add3A_1634, %mul3A_1642 : vector<16xf32>
      %mul3A_1644 = arith.mulf %get3A_1640, %get3A_901 : vector<16xf32>
      %add3A_1645 = arith.addf %add3A_1636, %mul3A_1644 : vector<16xf32>
      %get3A_1646 = arith.index_cast %scan3A_1558 : i32 to index
      %get3A_1647 = arith.constant 400 : index
      %get3A_1648 = tpu.vector_load %arg8[%get3A_1646, %get3A_1647] {strides = array<i32>} : memref<32x1024xf32, #tpu.memory_space<vmem>>, vector<1x16xf32>,
      %get3A_1649 = vector.shape_cast %get3A_1648 : vector<1x16xf32> to vector<16xf32>
      %sub3A_1650 = arith.subf %get3A_1649, %get3A_856 : vector<16xf32>
      %mul3A_1651 = arith.mulf %sub3A_1650, %sub3A_1650 : vector<16xf32>
      %add3A_1652 = arith.addf %add3A_1643, %mul3A_1651 : vector<16xf32>
      %mul3A_1653 = arith.mulf %get3A_1649, %get3A_904 : vector<16xf32>
      %add3A_1654 = arith.addf %add3A_1645, %mul3A_1653 : vector<16xf32>
      %get3A_1655 = arith.index_cast %scan3A_1558 : i32 to index
      %get3A_1656 = arith.constant 416 : index
      %get3A_1657 = tpu.vector_load %arg8[%get3A_1655, %get3A_1656] {strides = array<i32>} : memref<32x1024xf32, #tpu.memory_space<vmem>>, vector<1x16xf32>,
      %get3A_1658 = vector.shape_cast %get3A_1657 : vector<1x16xf32> to vector<16xf32>
      %sub3A_1659 = arith.subf %get3A_1658, %get3A_859 : vector<16xf32>
      %mul3A_1660 = arith.mulf %sub3A_1659, %sub3A_1659 : vector<16xf32>
      %add3A_1661 = arith.addf %add3A_1652, %mul3A_1660 : vector<16xf32>
      %mul3A_1662 = arith.mulf %get3A_1658, %get3A_907 : vector<16xf32>
      %add3A_1663 = arith.addf %add3A_1654, %mul3A_1662 : vector<16xf32>
      %get3A_1664 = arith.index_cast %scan3A_1558 : i32 to index
      %get3A_1665 = arith.constant 432 : index
      %get3A_1666 = tpu.vector_load %arg8[%get3A_1664, %get3A_1665] {strides = array<i32>} : memref<32x1024xf32, #tpu.memory_space<vmem>>, vector<1x16xf32>,
      %get3A_1667 = vector.shape_cast %get3A_1666 : vector<1x16xf32> to vector<16xf32>
      %sub3A_1668 = arith.subf %get3A_1667, %get3A_862 : vector<16xf32>
      %mul3A_1669 = arith.mulf %sub3A_1668, %sub3A_1668 : vector<16xf32>
      %add3A_1670 = arith.addf %add3A_1661, %mul3A_1669 : vector<16xf32>
      %mul3A_1671 = arith.mulf %get3A_1667, %get3A_910 : vector<16xf32>
      %add3A_1672 = arith.addf %add3A_1663, %mul3A_1671 : vector<16xf32>
      %get3A_1673 = arith.index_cast %scan3A_1558 : i32 to index
      %get3A_1674 = arith.constant 448 : index
      %get3A_1675 = tpu.vector_load %arg8[%get3A_1673, %get3A_1674] {strides = array<i32>} : memref<32x1024xf32, #tpu.memory_space<vmem>>, vector<1x16xf32>,
      %get3A_1676 = vector.shape_cast %get3A_1675 : vector<1x16xf32> to vector<16xf32>
      %sub3A_1677 = arith.subf %get3A_1676, %get3A_865 : vector<16xf32>
      %mul3A_1678 = arith.mulf %sub3A_1677, %sub3A_1677 : vector<16xf32>
      %add3A_1679 = arith.addf %add3A_1670, %mul3A_1678 : vector<16xf32>
      %mul3A_1680 = arith.mulf %get3A_1676, %get3A_913 : vector<16xf32>
      %add3A_1681 = arith.addf %add3A_1672, %mul3A_1680 : vector<16xf32>
      %get3A_1682 = arith.index_cast %scan3A_1558 : i32 to index
      %get3A_1683 = arith.constant 464 : index
      %get3A_1684 = tpu.vector_load %arg8[%get3A_1682, %get3A_1683] {strides = array<i32>} : memref<32x1024xf32, #tpu.memory_space<vmem>>, vector<1x16xf32>,
      %get3A_1685 = vector.shape_cast %get3A_1684 : vector<1x16xf32> to vector<16xf32>
      %sub3A_1686 = arith.subf %get3A_1685, %get3A_868 : vector<16xf32>
      %mul3A_1687 = arith.mulf %sub3A_1686, %sub3A_1686 : vector<16xf32>
      %add3A_1688 = arith.addf %add3A_1679, %mul3A_1687 : vector<16xf32>
      %mul3A_1689 = arith.mulf %get3A_1685, %get3A_916 : vector<16xf32>
      %add3A_1690 = arith.addf %add3A_1681, %mul3A_1689 : vector<16xf32>
      %get3A_1691 = arith.index_cast %scan3A_1558 : i32 to index
      %get3A_1692 = arith.constant 480 : index
      %get3A_1693 = tpu.vector_load %arg8[%get3A_1691, %get3A_1692] {strides = array<i32>} : memref<32x1024xf32, #tpu.memory_space<vmem>>, vector<1x16xf32>,
      %get3A_1694 = vector.shape_cast %get3A_1693 : vector<1x16xf32> to vector<16xf32>
      %sub3A_1695 = arith.subf %get3A_1694, %get3A_871 : vector<16xf32>
      %mul3A_1696 = arith.mulf %sub3A_1695, %sub3A_1695 : vector<16xf32>
      %add3A_1697 = arith.addf %add3A_1688, %mul3A_1696 : vector<16xf32>
      %mul3A_1698 = arith.mulf %get3A_1694, %get3A_919 : vector<16xf32>
      %add3A_1699 = arith.addf %add3A_1690, %mul3A_1698 : vector<16xf32>
      %get3A_1700 = arith.index_cast %scan3A_1558 : i32 to index
      %get3A_1701 = arith.constant 496 : index
      %get3A_1702 = tpu.vector_load %arg8[%get3A_1700, %get3A_1701] {strides = array<i32>} : memref<32x1024xf32, #tpu.memory_space<vmem>>, vector<1x16xf32>,
      %get3A_1703 = vector.shape_cast %get3A_1702 : vector<1x16xf32> to vector<16xf32>
      %sub3A_1704 = arith.subf %get3A_1703, %get3A_874 : vector<16xf32>
      %mul3A_1705 = arith.mulf %sub3A_1704, %sub3A_1704 : vector<16xf32>
      %add3A_1706 = arith.addf %add3A_1697, %mul3A_1705 : vector<16xf32>
      %mul3A_1707 = arith.mulf %get3A_1703, %get3A_922 : vector<16xf32>
      %add3A_1708 = arith.addf %add3A_1699, %mul3A_1707 : vector<16xf32>
      %get3A_1709 = arith.index_cast %add3A_1561 : i32 to index
      %get3A_1710 = arith.constant 0 : index
      %get3A_1711 = tpu.vector_load %arg10[%get3A_1709, %get3A_1710] {strides = array<i32>} : memref<64x16xf32, #tpu.memory_space<vmem>>, vector<1x16xf32>,
      %get3A_1712 = vector.shape_cast %get3A_1711 : vector<1x16xf32> to vector<16xf32>
      %add3A_1713 = arith.addf %get3A_1712, %add3A_1706 : vector<16xf32>
      %swap3A_1714 = arith.index_cast %add3A_1561 : i32 to index
      %swap3A_1715 = arith.constant 0 : index
      %swap3A_1716 = tpu.vector_load %arg10[%swap3A_1714, %swap3A_1715] {strides = array<i32>} : memref<64x16xf32, #tpu.memory_space<vmem>>, vector<1x16xf32>,
      %swap3A_1717 = vector.shape_cast %swap3A_1716 : vector<1x16xf32> to vector<16xf32>
      %swap3A_1718 = vector.shape_cast %add3A_1713 : vector<16xf32> to vector<1x16xf32>
      tpu.vector_store %arg10[%swap3A_1714, %swap3A_1715], %swap3A_1718 {strides = array<i32>} : memref<64x16xf32, #tpu.memory_space<vmem>>, vector<1x16xf32>,
      %get3A_1719 = arith.index_cast %add3A_1561 : i32 to index
      %get3A_1720 = arith.constant 0 : index
      %get3A_1721 = tpu.vector_load %arg11[%get3A_1719, %get3A_1720] {strides = array<i32>} : memref<64x16xf32, #tpu.memory_space<vmem>>, vector<1x16xf32>,
      %get3A_1722 = vector.shape_cast %get3A_1721 : vector<1x16xf32> to vector<16xf32>
      %add3A_1723 = arith.addf %get3A_1722, %add3A_1708 : vector<16xf32>
      %swap3A_1724 = arith.index_cast %add3A_1561 : i32 to index
      %swap3A_1725 = arith.constant 0 : index
      %swap3A_1726 = tpu.vector_load %arg11[%swap3A_1724, %swap3A_1725] {strides = array<i32>} : memref<64x16xf32, #tpu.memory_space<vmem>>, vector<1x16xf32>,
      %swap3A_1727 = vector.shape_cast %swap3A_1726 : vector<1x16xf32> to vector<16xf32>
      %swap3A_1728 = vector.shape_cast %add3A_1723 : vector<16xf32> to vector<1x16xf32>
      tpu.vector_store %arg11[%swap3A_1724, %swap3A_1725], %swap3A_1728 {strides = array<i32>} : memref<64x16xf32, #tpu.memory_space<vmem>>, vector<1x16xf32>,
    }
    %scan3A_927 = arith.constant 32 : i32
    %get3A_928 = arith.constant 512 : index
    %get3A_929 = tpu.vector_load %arg6[%get3A_928] {strides = array<i32>} : memref<2048xf32, #tpu.memory_space<vmem>>, vector<16xf32>,
    %get3A_930 = vector.shape_cast %get3A_929 : vector<16xf32> to vector<16xf32>
    %get3A_931 = arith.constant 528 : index
    %get3A_932 = tpu.vector_load %arg6[%get3A_931] {strides = array<i32>} : memref<2048xf32, #tpu.memory_space<vmem>>, vector<16xf32>,
    %get3A_933 = vector.shape_cast %get3A_932 : vector<16xf32> to vector<16xf32>
    %get3A_934 = arith.constant 544 : index
    %get3A_935 = tpu.vector_load %arg6[%get3A_934] {strides = array<i32>} : memref<2048xf32, #tpu.memory_space<vmem>>, vector<16xf32>,
    %get3A_936 = vector.shape_cast %get3A_935 : vector<16xf32> to vector<16xf32>
    %get3A_937 = arith.constant 560 : index
    %get3A_938 = tpu.vector_load %arg6[%get3A_937] {strides = array<i32>} : memref<2048xf32, #tpu.memory_space<vmem>>, vector<16xf32>,
    %get3A_939 = vector.shape_cast %get3A_938 : vector<16xf32> to vector<16xf32>
    %get3A_940 = arith.constant 576 : index
    %get3A_941 = tpu.vector_load %arg6[%get3A_940] {strides = array<i32>} : memref<2048xf32, #tpu.memory_space<vmem>>, vector<16xf32>,
    %get3A_942 = vector.shape_cast %get3A_941 : vector<16xf32> to vector<16xf32>
    %get3A_943 = arith.constant 592 : index
    %get3A_944 = tpu.vector_load %arg6[%get3A_943] {strides = array<i32>} : memref<2048xf32, #tpu.memory_space<vmem>>, vector<16xf32>,
    %get3A_945 = vector.shape_cast %get3A_944 : vector<16xf32> to vector<16xf32>
    %get3A_946 = arith.constant 608 : index
    %get3A_947 = tpu.vector_load %arg6[%get3A_946] {strides = array<i32>} : memref<2048xf32, #tpu.memory_space<vmem>>, vector<16xf32>,
    %get3A_948 = vector.shape_cast %get3A_947 : vector<16xf32> to vector<16xf32>
    %get3A_949 = arith.constant 624 : index
    %get3A_950 = tpu.vector_load %arg6[%get3A_949] {strides = array<i32>} : memref<2048xf32, #tpu.memory_space<vmem>>, vector<16xf32>,
    %get3A_951 = vector.shape_cast %get3A_950 : vector<16xf32> to vector<16xf32>
    %get3A_952 = arith.constant 640 : index
    %get3A_953 = tpu.vector_load %arg6[%get3A_952] {strides = array<i32>} : memref<2048xf32, #tpu.memory_space<vmem>>, vector<16xf32>,
    %get3A_954 = vector.shape_cast %get3A_953 : vector<16xf32> to vector<16xf32>
    %get3A_955 = arith.constant 656 : index
    %get3A_956 = tpu.vector_load %arg6[%get3A_955] {strides = array<i32>} : memref<2048xf32, #tpu.memory_space<vmem>>, vector<16xf32>,
    %get3A_957 = vector.shape_cast %get3A_956 : vector<16xf32> to vector<16xf32>
    %get3A_958 = arith.constant 672 : index
    %get3A_959 = tpu.vector_load %arg6[%get3A_958] {strides = array<i32>} : memref<2048xf32, #tpu.memory_space<vmem>>, vector<16xf32>,
    %get3A_960 = vector.shape_cast %get3A_959 : vector<16xf32> to vector<16xf32>
    %get3A_961 = arith.constant 688 : index
    %get3A_962 = tpu.vector_load %arg6[%get3A_961] {strides = array<i32>} : memref<2048xf32, #tpu.memory_space<vmem>>, vector<16xf32>,
    %get3A_963 = vector.shape_cast %get3A_962 : vector<16xf32> to vector<16xf32>
    %get3A_964 = arith.constant 704 : index
    %get3A_965 = tpu.vector_load %arg6[%get3A_964] {strides = array<i32>} : memref<2048xf32, #tpu.memory_space<vmem>>, vector<16xf32>,
    %get3A_966 = vector.shape_cast %get3A_965 : vector<16xf32> to vector<16xf32>
    %get3A_967 = arith.constant 720 : index
    %get3A_968 = tpu.vector_load %arg6[%get3A_967] {strides = array<i32>} : memref<2048xf32, #tpu.memory_space<vmem>>, vector<16xf32>,
    %get3A_969 = vector.shape_cast %get3A_968 : vector<16xf32> to vector<16xf32>
    %get3A_970 = arith.constant 736 : index
    %get3A_971 = tpu.vector_load %arg6[%get3A_970] {strides = array<i32>} : memref<2048xf32, #tpu.memory_space<vmem>>, vector<16xf32>,
    %get3A_972 = vector.shape_cast %get3A_971 : vector<16xf32> to vector<16xf32>
    %get3A_973 = arith.constant 752 : index
    %get3A_974 = tpu.vector_load %arg6[%get3A_973] {strides = array<i32>} : memref<2048xf32, #tpu.memory_space<vmem>>, vector<16xf32>,
    %get3A_975 = vector.shape_cast %get3A_974 : vector<16xf32> to vector<16xf32>
    %get3A_976 = arith.constant 512 : index
    %get3A_977 = tpu.vector_load %arg7[%get3A_976] {strides = array<i32>} : memref<1024xf32, #tpu.memory_space<vmem>>, vector<16xf32>,
    %get3A_978 = vector.shape_cast %get3A_977 : vector<16xf32> to vector<16xf32>
    %get3A_979 = arith.constant 528 : index
    %get3A_980 = tpu.vector_load %arg7[%get3A_979] {strides = array<i32>} : memref<1024xf32, #tpu.memory_space<vmem>>, vector<16xf32>,
    %get3A_981 = vector.shape_cast %get3A_980 : vector<16xf32> to vector<16xf32>
    %get3A_982 = arith.constant 544 : index
    %get3A_983 = tpu.vector_load %arg7[%get3A_982] {strides = array<i32>} : memref<1024xf32, #tpu.memory_space<vmem>>, vector<16xf32>,
    %get3A_984 = vector.shape_cast %get3A_983 : vector<16xf32> to vector<16xf32>
    %get3A_985 = arith.constant 560 : index
    %get3A_986 = tpu.vector_load %arg7[%get3A_985] {strides = array<i32>} : memref<1024xf32, #tpu.memory_space<vmem>>, vector<16xf32>,
    %get3A_987 = vector.shape_cast %get3A_986 : vector<16xf32> to vector<16xf32>
    %get3A_988 = arith.constant 576 : index
    %get3A_989 = tpu.vector_load %arg7[%get3A_988] {strides = array<i32>} : memref<1024xf32, #tpu.memory_space<vmem>>, vector<16xf32>,
    %get3A_990 = vector.shape_cast %get3A_989 : vector<16xf32> to vector<16xf32>
    %get3A_991 = arith.constant 592 : index
    %get3A_992 = tpu.vector_load %arg7[%get3A_991] {strides = array<i32>} : memref<1024xf32, #tpu.memory_space<vmem>>, vector<16xf32>,
    %get3A_993 = vector.shape_cast %get3A_992 : vector<16xf32> to vector<16xf32>
    %get3A_994 = arith.constant 608 : index
    %get3A_995 = tpu.vector_load %arg7[%get3A_994] {strides = array<i32>} : memref<1024xf32, #tpu.memory_space<vmem>>, vector<16xf32>,
    %get3A_996 = vector.shape_cast %get3A_995 : vector<16xf32> to vector<16xf32>
    %get3A_997 = arith.constant 624 : index
    %get3A_998 = tpu.vector_load %arg7[%get3A_997] {strides = array<i32>} : memref<1024xf32, #tpu.memory_space<vmem>>, vector<16xf32>,
    %get3A_999 = vector.shape_cast %get3A_998 : vector<16xf32> to vector<16xf32>
    %get3A_1000 = arith.constant 640 : index
    %get3A_1001 = tpu.vector_load %arg7[%get3A_1000] {strides = array<i32>} : memref<1024xf32, #tpu.memory_space<vmem>>, vector<16xf32>,
    %get3A_1002 = vector.shape_cast %get3A_1001 : vector<16xf32> to vector<16xf32>
    %get3A_1003 = arith.constant 656 : index
    %get3A_1004 = tpu.vector_load %arg7[%get3A_1003] {strides = array<i32>} : memref<1024xf32, #tpu.memory_space<vmem>>, vector<16xf32>,
    %get3A_1005 = vector.shape_cast %get3A_1004 : vector<16xf32> to vector<16xf32>
    %get3A_1006 = arith.constant 672 : index
    %get3A_1007 = tpu.vector_load %arg7[%get3A_1006] {strides = array<i32>} : memref<1024xf32, #tpu.memory_space<vmem>>, vector<16xf32>,
    %get3A_1008 = vector.shape_cast %get3A_1007 : vector<16xf32> to vector<16xf32>
    %get3A_1009 = arith.constant 688 : index
    %get3A_1010 = tpu.vector_load %arg7[%get3A_1009] {strides = array<i32>} : memref<1024xf32, #tpu.memory_space<vmem>>, vector<16xf32>,
    %get3A_1011 = vector.shape_cast %get3A_1010 : vector<16xf32> to vector<16xf32>
    %get3A_1012 = arith.constant 704 : index
    %get3A_1013 = tpu.vector_load %arg7[%get3A_1012] {strides = array<i32>} : memref<1024xf32, #tpu.memory_space<vmem>>, vector<16xf32>,
    %get3A_1014 = vector.shape_cast %get3A_1013 : vector<16xf32> to vector<16xf32>
    %get3A_1015 = arith.constant 720 : index
    %get3A_1016 = tpu.vector_load %arg7[%get3A_1015] {strides = array<i32>} : memref<1024xf32, #tpu.memory_space<vmem>>, vector<16xf32>,
    %get3A_1017 = vector.shape_cast %get3A_1016 : vector<16xf32> to vector<16xf32>
    %get3A_1018 = arith.constant 736 : index
    %get3A_1019 = tpu.vector_load %arg7[%get3A_1018] {strides = array<i32>} : memref<1024xf32, #tpu.memory_space<vmem>>, vector<16xf32>,
    %get3A_1020 = vector.shape_cast %get3A_1019 : vector<16xf32> to vector<16xf32>
    %get3A_1021 = arith.constant 752 : index
    %get3A_1022 = tpu.vector_load %arg7[%get3A_1021] {strides = array<i32>} : memref<1024xf32, #tpu.memory_space<vmem>>, vector<16xf32>,
    %get3A_1023 = vector.shape_cast %get3A_1022 : vector<16xf32> to vector<16xf32>
    %scan3A_1024 = arith.constant 0 : i32
    %scan3A_1025 = arith.constant 32 : i32
    %scan3A_1026 = arith.addi %scan3A_1024, %scan3A_1025 : i32
    %scan3A_1027 = arith.constant 1 : i32
    scf.for %scan3A_1558 = %scan3A_1024 to %scan3A_1026 step %scan3A_1027  : i32 {
      %mul3A_1559 = arith.constant 32 : i32
      %mul3A_1560 = arith.muli %mul3A_709, %mul3A_1559 : i32
      %add3A_1561 = arith.addi %mul3A_1560, %scan3A_1558 : i32
      %broadcast_in_dim3A = arith.constant 0.000000e+00 : f32
      %broadcast_in_dim3A_1562 = vector.broadcast %broadcast_in_dim3A : f32 to vector<16xf32>
      %broadcast_in_dim3A_1563 = arith.constant 0.000000e+00 : f32
      %broadcast_in_dim3A_1564 = vector.broadcast %broadcast_in_dim3A_1563 : f32 to vector<16xf32>
      %get3A_1565 = arith.index_cast %scan3A_1558 : i32 to index
      %get3A_1566 = arith.constant 512 : index
      %get3A_1567 = tpu.vector_load %arg8[%get3A_1565, %get3A_1566] {strides = array<i32>} : memref<32x1024xf32, #tpu.memory_space<vmem>>, vector<1x16xf32>,
      %get3A_1568 = vector.shape_cast %get3A_1567 : vector<1x16xf32> to vector<16xf32>
      %sub3A_1569 = arith.subf %get3A_1568, %get3A_930 : vector<16xf32>
      %mul3A_1570 = arith.mulf %sub3A_1569, %sub3A_1569 : vector<16xf32>
      %add3A_1571 = arith.addf %broadcast_in_dim3A_1562, %mul3A_1570 : vector<16xf32>
      %mul3A_1572 = arith.mulf %get3A_1568, %get3A_978 : vector<16xf32>
      %add3A_1573 = arith.addf %broadcast_in_dim3A_1564, %mul3A_1572 : vector<16xf32>
      %get3A_1574 = arith.index_cast %scan3A_1558 : i32 to index
      %get3A_1575 = arith.constant 528 : index
      %get3A_1576 = tpu.vector_load %arg8[%get3A_1574, %get3A_1575] {strides = array<i32>} : memref<32x1024xf32, #tpu.memory_space<vmem>>, vector<1x16xf32>,
      %get3A_1577 = vector.shape_cast %get3A_1576 : vector<1x16xf32> to vector<16xf32>
      %sub3A_1578 = arith.subf %get3A_1577, %get3A_933 : vector<16xf32>
      %mul3A_1579 = arith.mulf %sub3A_1578, %sub3A_1578 : vector<16xf32>
      %add3A_1580 = arith.addf %add3A_1571, %mul3A_1579 : vector<16xf32>
      %mul3A_1581 = arith.mulf %get3A_1577, %get3A_981 : vector<16xf32>
      %add3A_1582 = arith.addf %add3A_1573, %mul3A_1581 : vector<16xf32>
      %get3A_1583 = arith.index_cast %scan3A_1558 : i32 to index
      %get3A_1584 = arith.constant 544 : index
      %get3A_1585 = tpu.vector_load %arg8[%get3A_1583, %get3A_1584] {strides = array<i32>} : memref<32x1024xf32, #tpu.memory_space<vmem>>, vector<1x16xf32>,
      %get3A_1586 = vector.shape_cast %get3A_1585 : vector<1x16xf32> to vector<16xf32>
      %sub3A_1587 = arith.subf %get3A_1586, %get3A_936 : vector<16xf32>
      %mul3A_1588 = arith.mulf %sub3A_1587, %sub3A_1587 : vector<16xf32>
      %add3A_1589 = arith.addf %add3A_1580, %mul3A_1588 : vector<16xf32>
      %mul3A_1590 = arith.mulf %get3A_1586, %get3A_984 : vector<16xf32>
      %add3A_1591 = arith.addf %add3A_1582, %mul3A_1590 : vector<16xf32>
      %get3A_1592 = arith.index_cast %scan3A_1558 : i32 to index
      %get3A_1593 = arith.constant 560 : index
      %get3A_1594 = tpu.vector_load %arg8[%get3A_1592, %get3A_1593] {strides = array<i32>} : memref<32x1024xf32, #tpu.memory_space<vmem>>, vector<1x16xf32>,
      %get3A_1595 = vector.shape_cast %get3A_1594 : vector<1x16xf32> to vector<16xf32>
      %sub3A_1596 = arith.subf %get3A_1595, %get3A_939 : vector<16xf32>
      %mul3A_1597 = arith.mulf %sub3A_1596, %sub3A_1596 : vector<16xf32>
      %add3A_1598 = arith.addf %add3A_1589, %mul3A_1597 : vector<16xf32>
      %mul3A_1599 = arith.mulf %get3A_1595, %get3A_987 : vector<16xf32>
      %add3A_1600 = arith.addf %add3A_1591, %mul3A_1599 : vector<16xf32>
      %get3A_1601 = arith.index_cast %scan3A_1558 : i32 to index
      %get3A_1602 = arith.constant 576 : index
      %get3A_1603 = tpu.vector_load %arg8[%get3A_1601, %get3A_1602] {strides = array<i32>} : memref<32x1024xf32, #tpu.memory_space<vmem>>, vector<1x16xf32>,
      %get3A_1604 = vector.shape_cast %get3A_1603 : vector<1x16xf32> to vector<16xf32>
      %sub3A_1605 = arith.subf %get3A_1604, %get3A_942 : vector<16xf32>
      %mul3A_1606 = arith.mulf %sub3A_1605, %sub3A_1605 : vector<16xf32>
      %add3A_1607 = arith.addf %add3A_1598, %mul3A_1606 : vector<16xf32>
      %mul3A_1608 = arith.mulf %get3A_1604, %get3A_990 : vector<16xf32>
      %add3A_1609 = arith.addf %add3A_1600, %mul3A_1608 : vector<16xf32>
      %get3A_1610 = arith.index_cast %scan3A_1558 : i32 to index
      %get3A_1611 = arith.constant 592 : index
      %get3A_1612 = tpu.vector_load %arg8[%get3A_1610, %get3A_1611] {strides = array<i32>} : memref<32x1024xf32, #tpu.memory_space<vmem>>, vector<1x16xf32>,
      %get3A_1613 = vector.shape_cast %get3A_1612 : vector<1x16xf32> to vector<16xf32>
      %sub3A_1614 = arith.subf %get3A_1613, %get3A_945 : vector<16xf32>
      %mul3A_1615 = arith.mulf %sub3A_1614, %sub3A_1614 : vector<16xf32>
      %add3A_1616 = arith.addf %add3A_1607, %mul3A_1615 : vector<16xf32>
      %mul3A_1617 = arith.mulf %get3A_1613, %get3A_993 : vector<16xf32>
      %add3A_1618 = arith.addf %add3A_1609, %mul3A_1617 : vector<16xf32>
      %get3A_1619 = arith.index_cast %scan3A_1558 : i32 to index
      %get3A_1620 = arith.constant 608 : index
      %get3A_1621 = tpu.vector_load %arg8[%get3A_1619, %get3A_1620] {strides = array<i32>} : memref<32x1024xf32, #tpu.memory_space<vmem>>, vector<1x16xf32>,
      %get3A_1622 = vector.shape_cast %get3A_1621 : vector<1x16xf32> to vector<16xf32>
      %sub3A_1623 = arith.subf %get3A_1622, %get3A_948 : vector<16xf32>
      %mul3A_1624 = arith.mulf %sub3A_1623, %sub3A_1623 : vector<16xf32>
      %add3A_1625 = arith.addf %add3A_1616, %mul3A_1624 : vector<16xf32>
      %mul3A_1626 = arith.mulf %get3A_1622, %get3A_996 : vector<16xf32>
      %add3A_1627 = arith.addf %add3A_1618, %mul3A_1626 : vector<16xf32>
      %get3A_1628 = arith.index_cast %scan3A_1558 : i32 to index
      %get3A_1629 = arith.constant 624 : index
      %get3A_1630 = tpu.vector_load %arg8[%get3A_1628, %get3A_1629] {strides = array<i32>} : memref<32x1024xf32, #tpu.memory_space<vmem>>, vector<1x16xf32>,
      %get3A_1631 = vector.shape_cast %get3A_1630 : vector<1x16xf32> to vector<16xf32>
      %sub3A_1632 = arith.subf %get3A_1631, %get3A_951 : vector<16xf32>
      %mul3A_1633 = arith.mulf %sub3A_1632, %sub3A_1632 : vector<16xf32>
      %add3A_1634 = arith.addf %add3A_1625, %mul3A_1633 : vector<16xf32>
      %mul3A_1635 = arith.mulf %get3A_1631, %get3A_999 : vector<16xf32>
      %add3A_1636 = arith.addf %add3A_1627, %mul3A_1635 : vector<16xf32>
      %get3A_1637 = arith.index_cast %scan3A_1558 : i32 to index
      %get3A_1638 = arith.constant 640 : index
      %get3A_1639 = tpu.vector_load %arg8[%get3A_1637, %get3A_1638] {strides = array<i32>} : memref<32x1024xf32, #tpu.memory_space<vmem>>, vector<1x16xf32>,
      %get3A_1640 = vector.shape_cast %get3A_1639 : vector<1x16xf32> to vector<16xf32>
      %sub3A_1641 = arith.subf %get3A_1640, %get3A_954 : vector<16xf32>
      %mul3A_1642 = arith.mulf %sub3A_1641, %sub3A_1641 : vector<16xf32>
      %add3A_1643 = arith.addf %add3A_1634, %mul3A_1642 : vector<16xf32>
      %mul3A_1644 = arith.mulf %get3A_1640, %get3A_1002 : vector<16xf32>
      %add3A_1645 = arith.addf %add3A_1636, %mul3A_1644 : vector<16xf32>
      %get3A_1646 = arith.index_cast %scan3A_1558 : i32 to index
      %get3A_1647 = arith.constant 656 : index
      %get3A_1648 = tpu.vector_load %arg8[%get3A_1646, %get3A_1647] {strides = array<i32>} : memref<32x1024xf32, #tpu.memory_space<vmem>>, vector<1x16xf32>,
      %get3A_1649 = vector.shape_cast %get3A_1648 : vector<1x16xf32> to vector<16xf32>
      %sub3A_1650 = arith.subf %get3A_1649, %get3A_957 : vector<16xf32>
      %mul3A_1651 = arith.mulf %sub3A_1650, %sub3A_1650 : vector<16xf32>
      %add3A_1652 = arith.addf %add3A_1643, %mul3A_1651 : vector<16xf32>
      %mul3A_1653 = arith.mulf %get3A_1649, %get3A_1005 : vector<16xf32>
      %add3A_1654 = arith.addf %add3A_1645, %mul3A_1653 : vector<16xf32>
      %get3A_1655 = arith.index_cast %scan3A_1558 : i32 to index
      %get3A_1656 = arith.constant 672 : index
      %get3A_1657 = tpu.vector_load %arg8[%get3A_1655, %get3A_1656] {strides = array<i32>} : memref<32x1024xf32, #tpu.memory_space<vmem>>, vector<1x16xf32>,
      %get3A_1658 = vector.shape_cast %get3A_1657 : vector<1x16xf32> to vector<16xf32>
      %sub3A_1659 = arith.subf %get3A_1658, %get3A_960 : vector<16xf32>
      %mul3A_1660 = arith.mulf %sub3A_1659, %sub3A_1659 : vector<16xf32>
      %add3A_1661 = arith.addf %add3A_1652, %mul3A_1660 : vector<16xf32>
      %mul3A_1662 = arith.mulf %get3A_1658, %get3A_1008 : vector<16xf32>
      %add3A_1663 = arith.addf %add3A_1654, %mul3A_1662 : vector<16xf32>
      %get3A_1664 = arith.index_cast %scan3A_1558 : i32 to index
      %get3A_1665 = arith.constant 688 : index
      %get3A_1666 = tpu.vector_load %arg8[%get3A_1664, %get3A_1665] {strides = array<i32>} : memref<32x1024xf32, #tpu.memory_space<vmem>>, vector<1x16xf32>,
      %get3A_1667 = vector.shape_cast %get3A_1666 : vector<1x16xf32> to vector<16xf32>
      %sub3A_1668 = arith.subf %get3A_1667, %get3A_963 : vector<16xf32>
      %mul3A_1669 = arith.mulf %sub3A_1668, %sub3A_1668 : vector<16xf32>
      %add3A_1670 = arith.addf %add3A_1661, %mul3A_1669 : vector<16xf32>
      %mul3A_1671 = arith.mulf %get3A_1667, %get3A_1011 : vector<16xf32>
      %add3A_1672 = arith.addf %add3A_1663, %mul3A_1671 : vector<16xf32>
      %get3A_1673 = arith.index_cast %scan3A_1558 : i32 to index
      %get3A_1674 = arith.constant 704 : index
      %get3A_1675 = tpu.vector_load %arg8[%get3A_1673, %get3A_1674] {strides = array<i32>} : memref<32x1024xf32, #tpu.memory_space<vmem>>, vector<1x16xf32>,
      %get3A_1676 = vector.shape_cast %get3A_1675 : vector<1x16xf32> to vector<16xf32>
      %sub3A_1677 = arith.subf %get3A_1676, %get3A_966 : vector<16xf32>
      %mul3A_1678 = arith.mulf %sub3A_1677, %sub3A_1677 : vector<16xf32>
      %add3A_1679 = arith.addf %add3A_1670, %mul3A_1678 : vector<16xf32>
      %mul3A_1680 = arith.mulf %get3A_1676, %get3A_1014 : vector<16xf32>
      %add3A_1681 = arith.addf %add3A_1672, %mul3A_1680 : vector<16xf32>
      %get3A_1682 = arith.index_cast %scan3A_1558 : i32 to index
      %get3A_1683 = arith.constant 720 : index
      %get3A_1684 = tpu.vector_load %arg8[%get3A_1682, %get3A_1683] {strides = array<i32>} : memref<32x1024xf32, #tpu.memory_space<vmem>>, vector<1x16xf32>,
      %get3A_1685 = vector.shape_cast %get3A_1684 : vector<1x16xf32> to vector<16xf32>
      %sub3A_1686 = arith.subf %get3A_1685, %get3A_969 : vector<16xf32>
      %mul3A_1687 = arith.mulf %sub3A_1686, %sub3A_1686 : vector<16xf32>
      %add3A_1688 = arith.addf %add3A_1679, %mul3A_1687 : vector<16xf32>
      %mul3A_1689 = arith.mulf %get3A_1685, %get3A_1017 : vector<16xf32>
      %add3A_1690 = arith.addf %add3A_1681, %mul3A_1689 : vector<16xf32>
      %get3A_1691 = arith.index_cast %scan3A_1558 : i32 to index
      %get3A_1692 = arith.constant 736 : index
      %get3A_1693 = tpu.vector_load %arg8[%get3A_1691, %get3A_1692] {strides = array<i32>} : memref<32x1024xf32, #tpu.memory_space<vmem>>, vector<1x16xf32>,
      %get3A_1694 = vector.shape_cast %get3A_1693 : vector<1x16xf32> to vector<16xf32>
      %sub3A_1695 = arith.subf %get3A_1694, %get3A_972 : vector<16xf32>
      %mul3A_1696 = arith.mulf %sub3A_1695, %sub3A_1695 : vector<16xf32>
      %add3A_1697 = arith.addf %add3A_1688, %mul3A_1696 : vector<16xf32>
      %mul3A_1698 = arith.mulf %get3A_1694, %get3A_1020 : vector<16xf32>
      %add3A_1699 = arith.addf %add3A_1690, %mul3A_1698 : vector<16xf32>
      %get3A_1700 = arith.index_cast %scan3A_1558 : i32 to index
      %get3A_1701 = arith.constant 752 : index
      %get3A_1702 = tpu.vector_load %arg8[%get3A_1700, %get3A_1701] {strides = array<i32>} : memref<32x1024xf32, #tpu.memory_space<vmem>>, vector<1x16xf32>,
      %get3A_1703 = vector.shape_cast %get3A_1702 : vector<1x16xf32> to vector<16xf32>
      %sub3A_1704 = arith.subf %get3A_1703, %get3A_975 : vector<16xf32>
      %mul3A_1705 = arith.mulf %sub3A_1704, %sub3A_1704 : vector<16xf32>
      %add3A_1706 = arith.addf %add3A_1697, %mul3A_1705 : vector<16xf32>
      %mul3A_1707 = arith.mulf %get3A_1703, %get3A_1023 : vector<16xf32>
      %add3A_1708 = arith.addf %add3A_1699, %mul3A_1707 : vector<16xf32>
      %get3A_1709 = arith.index_cast %add3A_1561 : i32 to index
      %get3A_1710 = arith.constant 0 : index
      %get3A_1711 = tpu.vector_load %arg10[%get3A_1709, %get3A_1710] {strides = array<i32>} : memref<64x16xf32, #tpu.memory_space<vmem>>, vector<1x16xf32>,
      %get3A_1712 = vector.shape_cast %get3A_1711 : vector<1x16xf32> to vector<16xf32>
      %add3A_1713 = arith.addf %get3A_1712, %add3A_1706 : vector<16xf32>
      %swap3A_1714 = arith.index_cast %add3A_1561 : i32 to index
      %swap3A_1715 = arith.constant 0 : index
      %swap3A_1716 = tpu.vector_load %arg10[%swap3A_1714, %swap3A_1715] {strides = array<i32>} : memref<64x16xf32, #tpu.memory_space<vmem>>, vector<1x16xf32>,
      %swap3A_1717 = vector.shape_cast %swap3A_1716 : vector<1x16xf32> to vector<16xf32>
      %swap3A_1718 = vector.shape_cast %add3A_1713 : vector<16xf32> to vector<1x16xf32>
      tpu.vector_store %arg10[%swap3A_1714, %swap3A_1715], %swap3A_1718 {strides = array<i32>} : memref<64x16xf32, #tpu.memory_space<vmem>>, vector<1x16xf32>,
      %get3A_1719 = arith.index_cast %add3A_1561 : i32 to index
      %get3A_1720 = arith.constant 0 : index
      %get3A_1721 = tpu.vector_load %arg11[%get3A_1719, %get3A_1720] {strides = array<i32>} : memref<64x16xf32, #tpu.memory_space<vmem>>, vector<1x16xf32>,
      %get3A_1722 = vector.shape_cast %get3A_1721 : vector<1x16xf32> to vector<16xf32>
      %add3A_1723 = arith.addf %get3A_1722, %add3A_1708 : vector<16xf32>
      %swap3A_1724 = arith.index_cast %add3A_1561 : i32 to index
      %swap3A_1725 = arith.constant 0 : index
      %swap3A_1726 = tpu.vector_load %arg11[%swap3A_1724, %swap3A_1725] {strides = array<i32>} : memref<64x16xf32, #tpu.memory_space<vmem>>, vector<1x16xf32>,
      %swap3A_1727 = vector.shape_cast %swap3A_1726 : vector<1x16xf32> to vector<16xf32>
      %swap3A_1728 = vector.shape_cast %add3A_1723 : vector<16xf32> to vector<1x16xf32>
      tpu.vector_store %arg11[%swap3A_1724, %swap3A_1725], %swap3A_1728 {strides = array<i32>} : memref<64x16xf32, #tpu.memory_space<vmem>>, vector<1x16xf32>,
    }
    %scan3A_1028 = arith.constant 32 : i32
    %get3A_1029 = arith.constant 768 : index
    %get3A_1030 = tpu.vector_load %arg6[%get3A_1029] {strides = array<i32>} : memref<2048xf32, #tpu.memory_space<vmem>>, vector<16xf32>,
    %get3A_1031 = vector.shape_cast %get3A_1030 : vector<16xf32> to vector<16xf32>
    %get3A_1032 = arith.constant 784 : index
    %get3A_1033 = tpu.vector_load %arg6[%get3A_1032] {strides = array<i32>} : memref<2048xf32, #tpu.memory_space<vmem>>, vector<16xf32>,
    %get3A_1034 = vector.shape_cast %get3A_1033 : vector<16xf32> to vector<16xf32>
    %get3A_1035 = arith.constant 800 : index
    %get3A_1036 = tpu.vector_load %arg6[%get3A_1035] {strides = array<i32>} : memref<2048xf32, #tpu.memory_space<vmem>>, vector<16xf32>,
    %get3A_1037 = vector.shape_cast %get3A_1036 : vector<16xf32> to vector<16xf32>
    %get3A_1038 = arith.constant 816 : index
    %get3A_1039 = tpu.vector_load %arg6[%get3A_1038] {strides = array<i32>} : memref<2048xf32, #tpu.memory_space<vmem>>, vector<16xf32>,
    %get3A_1040 = vector.shape_cast %get3A_1039 : vector<16xf32> to vector<16xf32>
    %get3A_1041 = arith.constant 832 : index
    %get3A_1042 = tpu.vector_load %arg6[%get3A_1041] {strides = array<i32>} : memref<2048xf32, #tpu.memory_space<vmem>>, vector<16xf32>,
    %get3A_1043 = vector.shape_cast %get3A_1042 : vector<16xf32> to vector<16xf32>
    %get3A_1044 = arith.constant 848 : index
    %get3A_1045 = tpu.vector_load %arg6[%get3A_1044] {strides = array<i32>} : memref<2048xf32, #tpu.memory_space<vmem>>, vector<16xf32>,
    %get3A_1046 = vector.shape_cast %get3A_1045 : vector<16xf32> to vector<16xf32>
    %get3A_1047 = arith.constant 864 : index
    %get3A_1048 = tpu.vector_load %arg6[%get3A_1047] {strides = array<i32>} : memref<2048xf32, #tpu.memory_space<vmem>>, vector<16xf32>,
    %get3A_1049 = vector.shape_cast %get3A_1048 : vector<16xf32> to vector<16xf32>
    %get3A_1050 = arith.constant 880 : index
    %get3A_1051 = tpu.vector_load %arg6[%get3A_1050] {strides = array<i32>} : memref<2048xf32, #tpu.memory_space<vmem>>, vector<16xf32>,
    %get3A_1052 = vector.shape_cast %get3A_1051 : vector<16xf32> to vector<16xf32>
    %get3A_1053 = arith.constant 896 : index
    %get3A_1054 = tpu.vector_load %arg6[%get3A_1053] {strides = array<i32>} : memref<2048xf32, #tpu.memory_space<vmem>>, vector<16xf32>,
    %get3A_1055 = vector.shape_cast %get3A_1054 : vector<16xf32> to vector<16xf32>
    %get3A_1056 = arith.constant 912 : index
    %get3A_1057 = tpu.vector_load %arg6[%get3A_1056] {strides = array<i32>} : memref<2048xf32, #tpu.memory_space<vmem>>, vector<16xf32>,
    %get3A_1058 = vector.shape_cast %get3A_1057 : vector<16xf32> to vector<16xf32>
    %get3A_1059 = arith.constant 928 : index
    %get3A_1060 = tpu.vector_load %arg6[%get3A_1059] {strides = array<i32>} : memref<2048xf32, #tpu.memory_space<vmem>>, vector<16xf32>,
    %get3A_1061 = vector.shape_cast %get3A_1060 : vector<16xf32> to vector<16xf32>
    %get3A_1062 = arith.constant 944 : index
    %get3A_1063 = tpu.vector_load %arg6[%get3A_1062] {strides = array<i32>} : memref<2048xf32, #tpu.memory_space<vmem>>, vector<16xf32>,
    %get3A_1064 = vector.shape_cast %get3A_1063 : vector<16xf32> to vector<16xf32>
    %get3A_1065 = arith.constant 960 : index
    %get3A_1066 = tpu.vector_load %arg6[%get3A_1065] {strides = array<i32>} : memref<2048xf32, #tpu.memory_space<vmem>>, vector<16xf32>,
    %get3A_1067 = vector.shape_cast %get3A_1066 : vector<16xf32> to vector<16xf32>
    %get3A_1068 = arith.constant 976 : index
    %get3A_1069 = tpu.vector_load %arg6[%get3A_1068] {strides = array<i32>} : memref<2048xf32, #tpu.memory_space<vmem>>, vector<16xf32>,
    %get3A_1070 = vector.shape_cast %get3A_1069 : vector<16xf32> to vector<16xf32>
    %get3A_1071 = arith.constant 992 : index
    %get3A_1072 = tpu.vector_load %arg6[%get3A_1071] {strides = array<i32>} : memref<2048xf32, #tpu.memory_space<vmem>>, vector<16xf32>,
    %get3A_1073 = vector.shape_cast %get3A_1072 : vector<16xf32> to vector<16xf32>
    %get3A_1074 = arith.constant 1008 : index
    %get3A_1075 = tpu.vector_load %arg6[%get3A_1074] {strides = array<i32>} : memref<2048xf32, #tpu.memory_space<vmem>>, vector<16xf32>,
    %get3A_1076 = vector.shape_cast %get3A_1075 : vector<16xf32> to vector<16xf32>
    %get3A_1077 = arith.constant 768 : index
    %get3A_1078 = tpu.vector_load %arg7[%get3A_1077] {strides = array<i32>} : memref<1024xf32, #tpu.memory_space<vmem>>, vector<16xf32>,
    %get3A_1079 = vector.shape_cast %get3A_1078 : vector<16xf32> to vector<16xf32>
    %get3A_1080 = arith.constant 784 : index
    %get3A_1081 = tpu.vector_load %arg7[%get3A_1080] {strides = array<i32>} : memref<1024xf32, #tpu.memory_space<vmem>>, vector<16xf32>,
    %get3A_1082 = vector.shape_cast %get3A_1081 : vector<16xf32> to vector<16xf32>
    %get3A_1083 = arith.constant 800 : index
    %get3A_1084 = tpu.vector_load %arg7[%get3A_1083] {strides = array<i32>} : memref<1024xf32, #tpu.memory_space<vmem>>, vector<16xf32>,
    %get3A_1085 = vector.shape_cast %get3A_1084 : vector<16xf32> to vector<16xf32>
    %get3A_1086 = arith.constant 816 : index
    %get3A_1087 = tpu.vector_load %arg7[%get3A_1086] {strides = array<i32>} : memref<1024xf32, #tpu.memory_space<vmem>>, vector<16xf32>,
    %get3A_1088 = vector.shape_cast %get3A_1087 : vector<16xf32> to vector<16xf32>
    %get3A_1089 = arith.constant 832 : index
    %get3A_1090 = tpu.vector_load %arg7[%get3A_1089] {strides = array<i32>} : memref<1024xf32, #tpu.memory_space<vmem>>, vector<16xf32>,
    %get3A_1091 = vector.shape_cast %get3A_1090 : vector<16xf32> to vector<16xf32>
    %get3A_1092 = arith.constant 848 : index
    %get3A_1093 = tpu.vector_load %arg7[%get3A_1092] {strides = array<i32>} : memref<1024xf32, #tpu.memory_space<vmem>>, vector<16xf32>,
    %get3A_1094 = vector.shape_cast %get3A_1093 : vector<16xf32> to vector<16xf32>
    %get3A_1095 = arith.constant 864 : index
    %get3A_1096 = tpu.vector_load %arg7[%get3A_1095] {strides = array<i32>} : memref<1024xf32, #tpu.memory_space<vmem>>, vector<16xf32>,
    %get3A_1097 = vector.shape_cast %get3A_1096 : vector<16xf32> to vector<16xf32>
    %get3A_1098 = arith.constant 880 : index
    %get3A_1099 = tpu.vector_load %arg7[%get3A_1098] {strides = array<i32>} : memref<1024xf32, #tpu.memory_space<vmem>>, vector<16xf32>,
    %get3A_1100 = vector.shape_cast %get3A_1099 : vector<16xf32> to vector<16xf32>
    %get3A_1101 = arith.constant 896 : index
    %get3A_1102 = tpu.vector_load %arg7[%get3A_1101] {strides = array<i32>} : memref<1024xf32, #tpu.memory_space<vmem>>, vector<16xf32>,
    %get3A_1103 = vector.shape_cast %get3A_1102 : vector<16xf32> to vector<16xf32>
    %get3A_1104 = arith.constant 912 : index
    %get3A_1105 = tpu.vector_load %arg7[%get3A_1104] {strides = array<i32>} : memref<1024xf32, #tpu.memory_space<vmem>>, vector<16xf32>,
    %get3A_1106 = vector.shape_cast %get3A_1105 : vector<16xf32> to vector<16xf32>
    %get3A_1107 = arith.constant 928 : index
    %get3A_1108 = tpu.vector_load %arg7[%get3A_1107] {strides = array<i32>} : memref<1024xf32, #tpu.memory_space<vmem>>, vector<16xf32>,
    %get3A_1109 = vector.shape_cast %get3A_1108 : vector<16xf32> to vector<16xf32>
    %get3A_1110 = arith.constant 944 : index
    %get3A_1111 = tpu.vector_load %arg7[%get3A_1110] {strides = array<i32>} : memref<1024xf32, #tpu.memory_space<vmem>>, vector<16xf32>,
    %get3A_1112 = vector.shape_cast %get3A_1111 : vector<16xf32> to vector<16xf32>
    %get3A_1113 = arith.constant 960 : index
    %get3A_1114 = tpu.vector_load %arg7[%get3A_1113] {strides = array<i32>} : memref<1024xf32, #tpu.memory_space<vmem>>, vector<16xf32>,
    %get3A_1115 = vector.shape_cast %get3A_1114 : vector<16xf32> to vector<16xf32>
    %get3A_1116 = arith.constant 976 : index
    %get3A_1117 = tpu.vector_load %arg7[%get3A_1116] {strides = array<i32>} : memref<1024xf32, #tpu.memory_space<vmem>>, vector<16xf32>,
    %get3A_1118 = vector.shape_cast %get3A_1117 : vector<16xf32> to vector<16xf32>
    %get3A_1119 = arith.constant 992 : index
    %get3A_1120 = tpu.vector_load %arg7[%get3A_1119] {strides = array<i32>} : memref<1024xf32, #tpu.memory_space<vmem>>, vector<16xf32>,
    %get3A_1121 = vector.shape_cast %get3A_1120 : vector<16xf32> to vector<16xf32>
    %get3A_1122 = arith.constant 1008 : index
    %get3A_1123 = tpu.vector_load %arg7[%get3A_1122] {strides = array<i32>} : memref<1024xf32, #tpu.memory_space<vmem>>, vector<16xf32>,
    %get3A_1124 = vector.shape_cast %get3A_1123 : vector<16xf32> to vector<16xf32>
    %scan3A_1125 = arith.constant 0 : i32
    %scan3A_1126 = arith.constant 32 : i32
    %scan3A_1127 = arith.addi %scan3A_1125, %scan3A_1126 : i32
    %scan3A_1128 = arith.constant 1 : i32
    scf.for %scan3A_1558 = %scan3A_1125 to %scan3A_1127 step %scan3A_1128  : i32 {
      %mul3A_1559 = arith.constant 32 : i32
      %mul3A_1560 = arith.muli %mul3A_709, %mul3A_1559 : i32
      %add3A_1561 = arith.addi %mul3A_1560, %scan3A_1558 : i32
      %broadcast_in_dim3A = arith.constant 0.000000e+00 : f32
      %broadcast_in_dim3A_1562 = vector.broadcast %broadcast_in_dim3A : f32 to vector<16xf32>
      %broadcast_in_dim3A_1563 = arith.constant 0.000000e+00 : f32
      %broadcast_in_dim3A_1564 = vector.broadcast %broadcast_in_dim3A_1563 : f32 to vector<16xf32>
      %get3A_1565 = arith.index_cast %scan3A_1558 : i32 to index
      %get3A_1566 = arith.constant 768 : index
      %get3A_1567 = tpu.vector_load %arg8[%get3A_1565, %get3A_1566] {strides = array<i32>} : memref<32x1024xf32, #tpu.memory_space<vmem>>, vector<1x16xf32>,
      %get3A_1568 = vector.shape_cast %get3A_1567 : vector<1x16xf32> to vector<16xf32>
      %sub3A_1569 = arith.subf %get3A_1568, %get3A_1031 : vector<16xf32>
      %mul3A_1570 = arith.mulf %sub3A_1569, %sub3A_1569 : vector<16xf32>
      %add3A_1571 = arith.addf %broadcast_in_dim3A_1562, %mul3A_1570 : vector<16xf32>
      %mul3A_1572 = arith.mulf %get3A_1568, %get3A_1079 : vector<16xf32>
      %add3A_1573 = arith.addf %broadcast_in_dim3A_1564, %mul3A_1572 : vector<16xf32>
      %get3A_1574 = arith.index_cast %scan3A_1558 : i32 to index
      %get3A_1575 = arith.constant 784 : index
      %get3A_1576 = tpu.vector_load %arg8[%get3A_1574, %get3A_1575] {strides = array<i32>} : memref<32x1024xf32, #tpu.memory_space<vmem>>, vector<1x16xf32>,
      %get3A_1577 = vector.shape_cast %get3A_1576 : vector<1x16xf32> to vector<16xf32>
      %sub3A_1578 = arith.subf %get3A_1577, %get3A_1034 : vector<16xf32>
      %mul3A_1579 = arith.mulf %sub3A_1578, %sub3A_1578 : vector<16xf32>
      %add3A_1580 = arith.addf %add3A_1571, %mul3A_1579 : vector<16xf32>
      %mul3A_1581 = arith.mulf %get3A_1577, %get3A_1082 : vector<16xf32>
      %add3A_1582 = arith.addf %add3A_1573, %mul3A_1581 : vector<16xf32>
      %get3A_1583 = arith.index_cast %scan3A_1558 : i32 to index
      %get3A_1584 = arith.constant 800 : index
      %get3A_1585 = tpu.vector_load %arg8[%get3A_1583, %get3A_1584] {strides = array<i32>} : memref<32x1024xf32, #tpu.memory_space<vmem>>, vector<1x16xf32>,
      %get3A_1586 = vector.shape_cast %get3A_1585 : vector<1x16xf32> to vector<16xf32>
      %sub3A_1587 = arith.subf %get3A_1586, %get3A_1037 : vector<16xf32>
      %mul3A_1588 = arith.mulf %sub3A_1587, %sub3A_1587 : vector<16xf32>
      %add3A_1589 = arith.addf %add3A_1580, %mul3A_1588 : vector<16xf32>
      %mul3A_1590 = arith.mulf %get3A_1586, %get3A_1085 : vector<16xf32>
      %add3A_1591 = arith.addf %add3A_1582, %mul3A_1590 : vector<16xf32>
      %get3A_1592 = arith.index_cast %scan3A_1558 : i32 to index
      %get3A_1593 = arith.constant 816 : index
      %get3A_1594 = tpu.vector_load %arg8[%get3A_1592, %get3A_1593] {strides = array<i32>} : memref<32x1024xf32, #tpu.memory_space<vmem>>, vector<1x16xf32>,
      %get3A_1595 = vector.shape_cast %get3A_1594 : vector<1x16xf32> to vector<16xf32>
      %sub3A_1596 = arith.subf %get3A_1595, %get3A_1040 : vector<16xf32>
      %mul3A_1597 = arith.mulf %sub3A_1596, %sub3A_1596 : vector<16xf32>
      %add3A_1598 = arith.addf %add3A_1589, %mul3A_1597 : vector<16xf32>
      %mul3A_1599 = arith.mulf %get3A_1595, %get3A_1088 : vector<16xf32>
      %add3A_1600 = arith.addf %add3A_1591, %mul3A_1599 : vector<16xf32>
      %get3A_1601 = arith.index_cast %scan3A_1558 : i32 to index
      %get3A_1602 = arith.constant 832 : index
      %get3A_1603 = tpu.vector_load %arg8[%get3A_1601, %get3A_1602] {strides = array<i32>} : memref<32x1024xf32, #tpu.memory_space<vmem>>, vector<1x16xf32>,
      %get3A_1604 = vector.shape_cast %get3A_1603 : vector<1x16xf32> to vector<16xf32>
      %sub3A_1605 = arith.subf %get3A_1604, %get3A_1043 : vector<16xf32>
      %mul3A_1606 = arith.mulf %sub3A_1605, %sub3A_1605 : vector<16xf32>
      %add3A_1607 = arith.addf %add3A_1598, %mul3A_1606 : vector<16xf32>
      %mul3A_1608 = arith.mulf %get3A_1604, %get3A_1091 : vector<16xf32>
      %add3A_1609 = arith.addf %add3A_1600, %mul3A_1608 : vector<16xf32>
      %get3A_1610 = arith.index_cast %scan3A_1558 : i32 to index
      %get3A_1611 = arith.constant 848 : index
      %get3A_1612 = tpu.vector_load %arg8[%get3A_1610, %get3A_1611] {strides = array<i32>} : memref<32x1024xf32, #tpu.memory_space<vmem>>, vector<1x16xf32>,
      %get3A_1613 = vector.shape_cast %get3A_1612 : vector<1x16xf32> to vector<16xf32>
      %sub3A_1614 = arith.subf %get3A_1613, %get3A_1046 : vector<16xf32>
      %mul3A_1615 = arith.mulf %sub3A_1614, %sub3A_1614 : vector<16xf32>
      %add3A_1616 = arith.addf %add3A_1607, %mul3A_1615 : vector<16xf32>
      %mul3A_1617 = arith.mulf %get3A_1613, %get3A_1094 : vector<16xf32>
      %add3A_1618 = arith.addf %add3A_1609, %mul3A_1617 : vector<16xf32>
      %get3A_1619 = arith.index_cast %scan3A_1558 : i32 to index
      %get3A_1620 = arith.constant 864 : index
      %get3A_1621 = tpu.vector_load %arg8[%get3A_1619, %get3A_1620] {strides = array<i32>} : memref<32x1024xf32, #tpu.memory_space<vmem>>, vector<1x16xf32>,
      %get3A_1622 = vector.shape_cast %get3A_1621 : vector<1x16xf32> to vector<16xf32>
      %sub3A_1623 = arith.subf %get3A_1622, %get3A_1049 : vector<16xf32>
      %mul3A_1624 = arith.mulf %sub3A_1623, %sub3A_1623 : vector<16xf32>
      %add3A_1625 = arith.addf %add3A_1616, %mul3A_1624 : vector<16xf32>
      %mul3A_1626 = arith.mulf %get3A_1622, %get3A_1097 : vector<16xf32>
      %add3A_1627 = arith.addf %add3A_1618, %mul3A_1626 : vector<16xf32>
      %get3A_1628 = arith.index_cast %scan3A_1558 : i32 to index
      %get3A_1629 = arith.constant 880 : index
      %get3A_1630 = tpu.vector_load %arg8[%get3A_1628, %get3A_1629] {strides = array<i32>} : memref<32x1024xf32, #tpu.memory_space<vmem>>, vector<1x16xf32>,
      %get3A_1631 = vector.shape_cast %get3A_1630 : vector<1x16xf32> to vector<16xf32>
      %sub3A_1632 = arith.subf %get3A_1631, %get3A_1052 : vector<16xf32>
      %mul3A_1633 = arith.mulf %sub3A_1632, %sub3A_1632 : vector<16xf32>
      %add3A_1634 = arith.addf %add3A_1625, %mul3A_1633 : vector<16xf32>
      %mul3A_1635 = arith.mulf %get3A_1631, %get3A_1100 : vector<16xf32>
      %add3A_1636 = arith.addf %add3A_1627, %mul3A_1635 : vector<16xf32>
      %get3A_1637 = arith.index_cast %scan3A_1558 : i32 to index
      %get3A_1638 = arith.constant 896 : index
      %get3A_1639 = tpu.vector_load %arg8[%get3A_1637, %get3A_1638] {strides = array<i32>} : memref<32x1024xf32, #tpu.memory_space<vmem>>, vector<1x16xf32>,
      %get3A_1640 = vector.shape_cast %get3A_1639 : vector<1x16xf32> to vector<16xf32>
      %sub3A_1641 = arith.subf %get3A_1640, %get3A_1055 : vector<16xf32>
      %mul3A_1642 = arith.mulf %sub3A_1641, %sub3A_1641 : vector<16xf32>
      %add3A_1643 = arith.addf %add3A_1634, %mul3A_1642 : vector<16xf32>
      %mul3A_1644 = arith.mulf %get3A_1640, %get3A_1103 : vector<16xf32>
      %add3A_1645 = arith.addf %add3A_1636, %mul3A_1644 : vector<16xf32>
      %get3A_1646 = arith.index_cast %scan3A_1558 : i32 to index
      %get3A_1647 = arith.constant 912 : index
      %get3A_1648 = tpu.vector_load %arg8[%get3A_1646, %get3A_1647] {strides = array<i32>} : memref<32x1024xf32, #tpu.memory_space<vmem>>, vector<1x16xf32>,
      %get3A_1649 = vector.shape_cast %get3A_1648 : vector<1x16xf32> to vector<16xf32>
      %sub3A_1650 = arith.subf %get3A_1649, %get3A_1058 : vector<16xf32>
      %mul3A_1651 = arith.mulf %sub3A_1650, %sub3A_1650 : vector<16xf32>
      %add3A_1652 = arith.addf %add3A_1643, %mul3A_1651 : vector<16xf32>
      %mul3A_1653 = arith.mulf %get3A_1649, %get3A_1106 : vector<16xf32>
      %add3A_1654 = arith.addf %add3A_1645, %mul3A_1653 : vector<16xf32>
      %get3A_1655 = arith.index_cast %scan3A_1558 : i32 to index
      %get3A_1656 = arith.constant 928 : index
      %get3A_1657 = tpu.vector_load %arg8[%get3A_1655, %get3A_1656] {strides = array<i32>} : memref<32x1024xf32, #tpu.memory_space<vmem>>, vector<1x16xf32>,
      %get3A_1658 = vector.shape_cast %get3A_1657 : vector<1x16xf32> to vector<16xf32>
      %sub3A_1659 = arith.subf %get3A_1658, %get3A_1061 : vector<16xf32>
      %mul3A_1660 = arith.mulf %sub3A_1659, %sub3A_1659 : vector<16xf32>
      %add3A_1661 = arith.addf %add3A_1652, %mul3A_1660 : vector<16xf32>
      %mul3A_1662 = arith.mulf %get3A_1658, %get3A_1109 : vector<16xf32>
      %add3A_1663 = arith.addf %add3A_1654, %mul3A_1662 : vector<16xf32>
      %get3A_1664 = arith.index_cast %scan3A_1558 : i32 to index
      %get3A_1665 = arith.constant 944 : index
      %get3A_1666 = tpu.vector_load %arg8[%get3A_1664, %get3A_1665] {strides = array<i32>} : memref<32x1024xf32, #tpu.memory_space<vmem>>, vector<1x16xf32>,
      %get3A_1667 = vector.shape_cast %get3A_1666 : vector<1x16xf32> to vector<16xf32>
      %sub3A_1668 = arith.subf %get3A_1667, %get3A_1064 : vector<16xf32>
      %mul3A_1669 = arith.mulf %sub3A_1668, %sub3A_1668 : vector<16xf32>
      %add3A_1670 = arith.addf %add3A_1661, %mul3A_1669 : vector<16xf32>
      %mul3A_1671 = arith.mulf %get3A_1667, %get3A_1112 : vector<16xf32>
      %add3A_1672 = arith.addf %add3A_1663, %mul3A_1671 : vector<16xf32>
      %get3A_1673 = arith.index_cast %scan3A_1558 : i32 to index
      %get3A_1674 = arith.constant 960 : index
      %get3A_1675 = tpu.vector_load %arg8[%get3A_1673, %get3A_1674] {strides = array<i32>} : memref<32x1024xf32, #tpu.memory_space<vmem>>, vector<1x16xf32>,
      %get3A_1676 = vector.shape_cast %get3A_1675 : vector<1x16xf32> to vector<16xf32>
      %sub3A_1677 = arith.subf %get3A_1676, %get3A_1067 : vector<16xf32>
      %mul3A_1678 = arith.mulf %sub3A_1677, %sub3A_1677 : vector<16xf32>
      %add3A_1679 = arith.addf %add3A_1670, %mul3A_1678 : vector<16xf32>
      %mul3A_1680 = arith.mulf %get3A_1676, %get3A_1115 : vector<16xf32>
      %add3A_1681 = arith.addf %add3A_1672, %mul3A_1680 : vector<16xf32>
      %get3A_1682 = arith.index_cast %scan3A_1558 : i32 to index
      %get3A_1683 = arith.constant 976 : index
      %get3A_1684 = tpu.vector_load %arg8[%get3A_1682, %get3A_1683] {strides = array<i32>} : memref<32x1024xf32, #tpu.memory_space<vmem>>, vector<1x16xf32>,
      %get3A_1685 = vector.shape_cast %get3A_1684 : vector<1x16xf32> to vector<16xf32>
      %sub3A_1686 = arith.subf %get3A_1685, %get3A_1070 : vector<16xf32>
      %mul3A_1687 = arith.mulf %sub3A_1686, %sub3A_1686 : vector<16xf32>
      %add3A_1688 = arith.addf %add3A_1679, %mul3A_1687 : vector<16xf32>
      %mul3A_1689 = arith.mulf %get3A_1685, %get3A_1118 : vector<16xf32>
      %add3A_1690 = arith.addf %add3A_1681, %mul3A_1689 : vector<16xf32>
      %get3A_1691 = arith.index_cast %scan3A_1558 : i32 to index
      %get3A_1692 = arith.constant 992 : index
      %get3A_1693 = tpu.vector_load %arg8[%get3A_1691, %get3A_1692] {strides = array<i32>} : memref<32x1024xf32, #tpu.memory_space<vmem>>, vector<1x16xf32>,
      %get3A_1694 = vector.shape_cast %get3A_1693 : vector<1x16xf32> to vector<16xf32>
      %sub3A_1695 = arith.subf %get3A_1694, %get3A_1073 : vector<16xf32>
      %mul3A_1696 = arith.mulf %sub3A_1695, %sub3A_1695 : vector<16xf32>
      %add3A_1697 = arith.addf %add3A_1688, %mul3A_1696 : vector<16xf32>
      %mul3A_1698 = arith.mulf %get3A_1694, %get3A_1121 : vector<16xf32>
      %add3A_1699 = arith.addf %add3A_1690, %mul3A_1698 : vector<16xf32>
      %get3A_1700 = arith.index_cast %scan3A_1558 : i32 to index
      %get3A_1701 = arith.constant 1008 : index
      %get3A_1702 = tpu.vector_load %arg8[%get3A_1700, %get3A_1701] {strides = array<i32>} : memref<32x1024xf32, #tpu.memory_space<vmem>>, vector<1x16xf32>,
      %get3A_1703 = vector.shape_cast %get3A_1702 : vector<1x16xf32> to vector<16xf32>
      %sub3A_1704 = arith.subf %get3A_1703, %get3A_1076 : vector<16xf32>
      %mul3A_1705 = arith.mulf %sub3A_1704, %sub3A_1704 : vector<16xf32>
      %add3A_1706 = arith.addf %add3A_1697, %mul3A_1705 : vector<16xf32>
      %mul3A_1707 = arith.mulf %get3A_1703, %get3A_1124 : vector<16xf32>
      %add3A_1708 = arith.addf %add3A_1699, %mul3A_1707 : vector<16xf32>
      %get3A_1709 = arith.index_cast %add3A_1561 : i32 to index
      %get3A_1710 = arith.constant 0 : index
      %get3A_1711 = tpu.vector_load %arg10[%get3A_1709, %get3A_1710] {strides = array<i32>} : memref<64x16xf32, #tpu.memory_space<vmem>>, vector<1x16xf32>,
      %get3A_1712 = vector.shape_cast %get3A_1711 : vector<1x16xf32> to vector<16xf32>
      %add3A_1713 = arith.addf %get3A_1712, %add3A_1706 : vector<16xf32>
      %swap3A_1714 = arith.index_cast %add3A_1561 : i32 to index
      %swap3A_1715 = arith.constant 0 : index
      %swap3A_1716 = tpu.vector_load %arg10[%swap3A_1714, %swap3A_1715] {strides = array<i32>} : memref<64x16xf32, #tpu.memory_space<vmem>>, vector<1x16xf32>,
      %swap3A_1717 = vector.shape_cast %swap3A_1716 : vector<1x16xf32> to vector<16xf32>
      %swap3A_1718 = vector.shape_cast %add3A_1713 : vector<16xf32> to vector<1x16xf32>
      tpu.vector_store %arg10[%swap3A_1714, %swap3A_1715], %swap3A_1718 {strides = array<i32>} : memref<64x16xf32, #tpu.memory_space<vmem>>, vector<1x16xf32>,
      %get3A_1719 = arith.index_cast %add3A_1561 : i32 to index
      %get3A_1720 = arith.constant 0 : index
      %get3A_1721 = tpu.vector_load %arg11[%get3A_1719, %get3A_1720] {strides = array<i32>} : memref<64x16xf32, #tpu.memory_space<vmem>>, vector<1x16xf32>,
      %get3A_1722 = vector.shape_cast %get3A_1721 : vector<1x16xf32> to vector<16xf32>
      %add3A_1723 = arith.addf %get3A_1722, %add3A_1708 : vector<16xf32>
      %swap3A_1724 = arith.index_cast %add3A_1561 : i32 to index
      %swap3A_1725 = arith.constant 0 : index
      %swap3A_1726 = tpu.vector_load %arg11[%swap3A_1724, %swap3A_1725] {strides = array<i32>} : memref<64x16xf32, #tpu.memory_space<vmem>>, vector<1x16xf32>,
      %swap3A_1727 = vector.shape_cast %swap3A_1726 : vector<1x16xf32> to vector<16xf32>
      %swap3A_1728 = vector.shape_cast %add3A_1723 : vector<16xf32> to vector<1x16xf32>
      tpu.vector_store %arg11[%swap3A_1724, %swap3A_1725], %swap3A_1728 {strides = array<i32>} : memref<64x16xf32, #tpu.memory_space<vmem>>, vector<1x16xf32>,
    }
    %scan3A_1129 = arith.constant 32 : i32
    %add3A_1130 = arith.constant 2 : i32
    %add3A_1131 = arith.addi %mul3A_709, %add3A_1130 : i32
    %min3A = arith.constant 1 : i32
    %min3A_1132 = arith.minsi %add3A_1131, %min3A : i32
    %mul3A_1133 = arith.constant 32 : i32
    %mul3A_1134 = arith.muli %min3A_1132, %mul3A_1133 : i32
    %add3A_1135 = arith.addi %mul3A_2, %mul3A_1134 : i32
    %dma_start3A_1136 = arith.constant 0 : i32
    %dma_start3A_1137 = tpu.memref_slice %arg2[%add3A_1135, %dma_start3A_1136] : memref<16384x1024xf32, #tpu.memory_space<hbm>> -> memref<32x1024xf32, #tpu.memory_space<hbm>>
    %dma_start3A_1138 = arith.constant 0 : i32
    %dma_start3A_1139 = tpu.memref_slice %arg2[%add3A_1135, %dma_start3A_1138] : memref<16384x1024xf32, #tpu.memory_space<hbm>> -> memref<32x1024xf32, #tpu.memory_space<hbm>>
    tpu.enqueue_dma source(%dma_start3A_1139 : memref<32x1024xf32, #tpu.memory_space<hbm>>) target(%arg8 : memref<32x1024xf32, #tpu.memory_space<vmem>>) target_semaphore(%arg12 : memref<!tpu.dma_semaphore, #tpu.memory_space<semaphore_mem>>)
    %dma_wait3A_1140 = arith.constant 0 : i32
    %dma_wait3A_1141 = arith.constant 0 : i32
    %dma_wait3A_1142 = tpu.memref_slice %arg2[%dma_wait3A_1140, %dma_wait3A_1141] : memref<16384x1024xf32, #tpu.memory_space<hbm>> -> memref<32x1024xf32, #tpu.memory_space<hbm>>
    %dma_wait3A_1143 = arith.constant 0 : i32
    %dma_wait3A_1144 = arith.constant 0 : i32
    %dma_wait3A_1145 = tpu.memref_slice %arg2[%dma_wait3A_1143, %dma_wait3A_1144] : memref<16384x1024xf32, #tpu.memory_space<hbm>> -> memref<32x1024xf32, #tpu.memory_space<hbm>>
    tpu.wait_dma2 semaphore(%arg13 : memref<!tpu.dma_semaphore, #tpu.memory_space<semaphore_mem>>) src(%dma_wait3A_1145 : memref<32x1024xf32, #tpu.memory_space<hbm>>) dst(%arg9 : memref<32x1024xf32, #tpu.memory_space<vmem>>)
    %get3A_1146 = arith.constant 0 : index
    %get3A_1147 = tpu.vector_load %arg6[%get3A_1146] {strides = array<i32>} : memref<2048xf32, #tpu.memory_space<vmem>>, vector<16xf32>,
    %get3A_1148 = vector.shape_cast %get3A_1147 : vector<16xf32> to vector<16xf32>
    %get3A_1149 = arith.constant 16 : index
    %get3A_1150 = tpu.vector_load %arg6[%get3A_1149] {strides = array<i32>} : memref<2048xf32, #tpu.memory_space<vmem>>, vector<16xf32>,
    %get3A_1151 = vector.shape_cast %get3A_1150 : vector<16xf32> to vector<16xf32>
    %get3A_1152 = arith.constant 32 : index
    %get3A_1153 = tpu.vector_load %arg6[%get3A_1152] {strides = array<i32>} : memref<2048xf32, #tpu.memory_space<vmem>>, vector<16xf32>,
    %get3A_1154 = vector.shape_cast %get3A_1153 : vector<16xf32> to vector<16xf32>
    %get3A_1155 = arith.constant 48 : index
    %get3A_1156 = tpu.vector_load %arg6[%get3A_1155] {strides = array<i32>} : memref<2048xf32, #tpu.memory_space<vmem>>, vector<16xf32>,
    %get3A_1157 = vector.shape_cast %get3A_1156 : vector<16xf32> to vector<16xf32>
    %get3A_1158 = arith.constant 64 : index
    %get3A_1159 = tpu.vector_load %arg6[%get3A_1158] {strides = array<i32>} : memref<2048xf32, #tpu.memory_space<vmem>>, vector<16xf32>,
    %get3A_1160 = vector.shape_cast %get3A_1159 : vector<16xf32> to vector<16xf32>
    %get3A_1161 = arith.constant 80 : index
    %get3A_1162 = tpu.vector_load %arg6[%get3A_1161] {strides = array<i32>} : memref<2048xf32, #tpu.memory_space<vmem>>, vector<16xf32>,
    %get3A_1163 = vector.shape_cast %get3A_1162 : vector<16xf32> to vector<16xf32>
    %get3A_1164 = arith.constant 96 : index
    %get3A_1165 = tpu.vector_load %arg6[%get3A_1164] {strides = array<i32>} : memref<2048xf32, #tpu.memory_space<vmem>>, vector<16xf32>,
    %get3A_1166 = vector.shape_cast %get3A_1165 : vector<16xf32> to vector<16xf32>
    %get3A_1167 = arith.constant 112 : index
    %get3A_1168 = tpu.vector_load %arg6[%get3A_1167] {strides = array<i32>} : memref<2048xf32, #tpu.memory_space<vmem>>, vector<16xf32>,
    %get3A_1169 = vector.shape_cast %get3A_1168 : vector<16xf32> to vector<16xf32>
    %get3A_1170 = arith.constant 128 : index
    %get3A_1171 = tpu.vector_load %arg6[%get3A_1170] {strides = array<i32>} : memref<2048xf32, #tpu.memory_space<vmem>>, vector<16xf32>,
    %get3A_1172 = vector.shape_cast %get3A_1171 : vector<16xf32> to vector<16xf32>
    %get3A_1173 = arith.constant 144 : index
    %get3A_1174 = tpu.vector_load %arg6[%get3A_1173] {strides = array<i32>} : memref<2048xf32, #tpu.memory_space<vmem>>, vector<16xf32>,
    %get3A_1175 = vector.shape_cast %get3A_1174 : vector<16xf32> to vector<16xf32>
    %get3A_1176 = arith.constant 160 : index
    %get3A_1177 = tpu.vector_load %arg6[%get3A_1176] {strides = array<i32>} : memref<2048xf32, #tpu.memory_space<vmem>>, vector<16xf32>,
    %get3A_1178 = vector.shape_cast %get3A_1177 : vector<16xf32> to vector<16xf32>
    %get3A_1179 = arith.constant 176 : index
    %get3A_1180 = tpu.vector_load %arg6[%get3A_1179] {strides = array<i32>} : memref<2048xf32, #tpu.memory_space<vmem>>, vector<16xf32>,
    %get3A_1181 = vector.shape_cast %get3A_1180 : vector<16xf32> to vector<16xf32>
    %get3A_1182 = arith.constant 192 : index
    %get3A_1183 = tpu.vector_load %arg6[%get3A_1182] {strides = array<i32>} : memref<2048xf32, #tpu.memory_space<vmem>>, vector<16xf32>,
    %get3A_1184 = vector.shape_cast %get3A_1183 : vector<16xf32> to vector<16xf32>
    %get3A_1185 = arith.constant 208 : index
    %get3A_1186 = tpu.vector_load %arg6[%get3A_1185] {strides = array<i32>} : memref<2048xf32, #tpu.memory_space<vmem>>, vector<16xf32>,
    %get3A_1187 = vector.shape_cast %get3A_1186 : vector<16xf32> to vector<16xf32>
    %get3A_1188 = arith.constant 224 : index
    %get3A_1189 = tpu.vector_load %arg6[%get3A_1188] {strides = array<i32>} : memref<2048xf32, #tpu.memory_space<vmem>>, vector<16xf32>,
    %get3A_1190 = vector.shape_cast %get3A_1189 : vector<16xf32> to vector<16xf32>
    %get3A_1191 = arith.constant 240 : index
    %get3A_1192 = tpu.vector_load %arg6[%get3A_1191] {strides = array<i32>} : memref<2048xf32, #tpu.memory_space<vmem>>, vector<16xf32>,
    %get3A_1193 = vector.shape_cast %get3A_1192 : vector<16xf32> to vector<16xf32>
    %get3A_1194 = arith.constant 0 : index
    %get3A_1195 = tpu.vector_load %arg7[%get3A_1194] {strides = array<i32>} : memref<1024xf32, #tpu.memory_space<vmem>>, vector<16xf32>,
    %get3A_1196 = vector.shape_cast %get3A_1195 : vector<16xf32> to vector<16xf32>
    %get3A_1197 = arith.constant 16 : index
    %get3A_1198 = tpu.vector_load %arg7[%get3A_1197] {strides = array<i32>} : memref<1024xf32, #tpu.memory_space<vmem>>, vector<16xf32>,
    %get3A_1199 = vector.shape_cast %get3A_1198 : vector<16xf32> to vector<16xf32>
    %get3A_1200 = arith.constant 32 : index
    %get3A_1201 = tpu.vector_load %arg7[%get3A_1200] {strides = array<i32>} : memref<1024xf32, #tpu.memory_space<vmem>>, vector<16xf32>,
    %get3A_1202 = vector.shape_cast %get3A_1201 : vector<16xf32> to vector<16xf32>
    %get3A_1203 = arith.constant 48 : index
    %get3A_1204 = tpu.vector_load %arg7[%get3A_1203] {strides = array<i32>} : memref<1024xf32, #tpu.memory_space<vmem>>, vector<16xf32>,
    %get3A_1205 = vector.shape_cast %get3A_1204 : vector<16xf32> to vector<16xf32>
    %get3A_1206 = arith.constant 64 : index
    %get3A_1207 = tpu.vector_load %arg7[%get3A_1206] {strides = array<i32>} : memref<1024xf32, #tpu.memory_space<vmem>>, vector<16xf32>,
    %get3A_1208 = vector.shape_cast %get3A_1207 : vector<16xf32> to vector<16xf32>
    %get3A_1209 = arith.constant 80 : index
    %get3A_1210 = tpu.vector_load %arg7[%get3A_1209] {strides = array<i32>} : memref<1024xf32, #tpu.memory_space<vmem>>, vector<16xf32>,
    %get3A_1211 = vector.shape_cast %get3A_1210 : vector<16xf32> to vector<16xf32>
    %get3A_1212 = arith.constant 96 : index
    %get3A_1213 = tpu.vector_load %arg7[%get3A_1212] {strides = array<i32>} : memref<1024xf32, #tpu.memory_space<vmem>>, vector<16xf32>,
    %get3A_1214 = vector.shape_cast %get3A_1213 : vector<16xf32> to vector<16xf32>
    %get3A_1215 = arith.constant 112 : index
    %get3A_1216 = tpu.vector_load %arg7[%get3A_1215] {strides = array<i32>} : memref<1024xf32, #tpu.memory_space<vmem>>, vector<16xf32>,
    %get3A_1217 = vector.shape_cast %get3A_1216 : vector<16xf32> to vector<16xf32>
    %get3A_1218 = arith.constant 128 : index
    %get3A_1219 = tpu.vector_load %arg7[%get3A_1218] {strides = array<i32>} : memref<1024xf32, #tpu.memory_space<vmem>>, vector<16xf32>,
    %get3A_1220 = vector.shape_cast %get3A_1219 : vector<16xf32> to vector<16xf32>
    %get3A_1221 = arith.constant 144 : index
    %get3A_1222 = tpu.vector_load %arg7[%get3A_1221] {strides = array<i32>} : memref<1024xf32, #tpu.memory_space<vmem>>, vector<16xf32>,
    %get3A_1223 = vector.shape_cast %get3A_1222 : vector<16xf32> to vector<16xf32>
    %get3A_1224 = arith.constant 160 : index
    %get3A_1225 = tpu.vector_load %arg7[%get3A_1224] {strides = array<i32>} : memref<1024xf32, #tpu.memory_space<vmem>>, vector<16xf32>,
    %get3A_1226 = vector.shape_cast %get3A_1225 : vector<16xf32> to vector<16xf32>
    %get3A_1227 = arith.constant 176 : index
    %get3A_1228 = tpu.vector_load %arg7[%get3A_1227] {strides = array<i32>} : memref<1024xf32, #tpu.memory_space<vmem>>, vector<16xf32>,
    %get3A_1229 = vector.shape_cast %get3A_1228 : vector<16xf32> to vector<16xf32>
    %get3A_1230 = arith.constant 192 : index
    %get3A_1231 = tpu.vector_load %arg7[%get3A_1230] {strides = array<i32>} : memref<1024xf32, #tpu.memory_space<vmem>>, vector<16xf32>,
    %get3A_1232 = vector.shape_cast %get3A_1231 : vector<16xf32> to vector<16xf32>
    %get3A_1233 = arith.constant 208 : index
    %get3A_1234 = tpu.vector_load %arg7[%get3A_1233] {strides = array<i32>} : memref<1024xf32, #tpu.memory_space<vmem>>, vector<16xf32>,
    %get3A_1235 = vector.shape_cast %get3A_1234 : vector<16xf32> to vector<16xf32>
    %get3A_1236 = arith.constant 224 : index
    %get3A_1237 = tpu.vector_load %arg7[%get3A_1236] {strides = array<i32>} : memref<1024xf32, #tpu.memory_space<vmem>>, vector<16xf32>,
    %get3A_1238 = vector.shape_cast %get3A_1237 : vector<16xf32> to vector<16xf32>
    %get3A_1239 = arith.constant 240 : index
    %get3A_1240 = tpu.vector_load %arg7[%get3A_1239] {strides = array<i32>} : memref<1024xf32, #tpu.memory_space<vmem>>, vector<16xf32>,
    %get3A_1241 = vector.shape_cast %get3A_1240 : vector<16xf32> to vector<16xf32>
    %scan3A_1242 = arith.constant 0 : i32
    %scan3A_1243 = arith.constant 32 : i32
    %scan3A_1244 = arith.addi %scan3A_1242, %scan3A_1243 : i32
    %scan3A_1245 = arith.constant 1 : i32
    scf.for %scan3A_1558 = %scan3A_1242 to %scan3A_1244 step %scan3A_1245  : i32 {
      %mul3A_1559 = arith.constant 32 : i32
      %mul3A_1560 = arith.muli %add3A_713, %mul3A_1559 : i32
      %add3A_1561 = arith.addi %mul3A_1560, %scan3A_1558 : i32
      %broadcast_in_dim3A = arith.constant 0.000000e+00 : f32
      %broadcast_in_dim3A_1562 = vector.broadcast %broadcast_in_dim3A : f32 to vector<16xf32>
      %broadcast_in_dim3A_1563 = arith.constant 0.000000e+00 : f32
      %broadcast_in_dim3A_1564 = vector.broadcast %broadcast_in_dim3A_1563 : f32 to vector<16xf32>
      %get3A_1565 = arith.index_cast %scan3A_1558 : i32 to index
      %get3A_1566 = arith.constant 0 : index
      %get3A_1567 = tpu.vector_load %arg9[%get3A_1565, %get3A_1566] {strides = array<i32>} : memref<32x1024xf32, #tpu.memory_space<vmem>>, vector<1x16xf32>,
      %get3A_1568 = vector.shape_cast %get3A_1567 : vector<1x16xf32> to vector<16xf32>
      %sub3A_1569 = arith.subf %get3A_1568, %get3A_1148 : vector<16xf32>
      %mul3A_1570 = arith.mulf %sub3A_1569, %sub3A_1569 : vector<16xf32>
      %add3A_1571 = arith.addf %broadcast_in_dim3A_1562, %mul3A_1570 : vector<16xf32>
      %mul3A_1572 = arith.mulf %get3A_1568, %get3A_1196 : vector<16xf32>
      %add3A_1573 = arith.addf %broadcast_in_dim3A_1564, %mul3A_1572 : vector<16xf32>
      %get3A_1574 = arith.index_cast %scan3A_1558 : i32 to index
      %get3A_1575 = arith.constant 16 : index
      %get3A_1576 = tpu.vector_load %arg9[%get3A_1574, %get3A_1575] {strides = array<i32>} : memref<32x1024xf32, #tpu.memory_space<vmem>>, vector<1x16xf32>,
      %get3A_1577 = vector.shape_cast %get3A_1576 : vector<1x16xf32> to vector<16xf32>
      %sub3A_1578 = arith.subf %get3A_1577, %get3A_1151 : vector<16xf32>
      %mul3A_1579 = arith.mulf %sub3A_1578, %sub3A_1578 : vector<16xf32>
      %add3A_1580 = arith.addf %add3A_1571, %mul3A_1579 : vector<16xf32>
      %mul3A_1581 = arith.mulf %get3A_1577, %get3A_1199 : vector<16xf32>
      %add3A_1582 = arith.addf %add3A_1573, %mul3A_1581 : vector<16xf32>
      %get3A_1583 = arith.index_cast %scan3A_1558 : i32 to index
      %get3A_1584 = arith.constant 32 : index
      %get3A_1585 = tpu.vector_load %arg9[%get3A_1583, %get3A_1584] {strides = array<i32>} : memref<32x1024xf32, #tpu.memory_space<vmem>>, vector<1x16xf32>,
      %get3A_1586 = vector.shape_cast %get3A_1585 : vector<1x16xf32> to vector<16xf32>
      %sub3A_1587 = arith.subf %get3A_1586, %get3A_1154 : vector<16xf32>
      %mul3A_1588 = arith.mulf %sub3A_1587, %sub3A_1587 : vector<16xf32>
      %add3A_1589 = arith.addf %add3A_1580, %mul3A_1588 : vector<16xf32>
      %mul3A_1590 = arith.mulf %get3A_1586, %get3A_1202 : vector<16xf32>
      %add3A_1591 = arith.addf %add3A_1582, %mul3A_1590 : vector<16xf32>
      %get3A_1592 = arith.index_cast %scan3A_1558 : i32 to index
      %get3A_1593 = arith.constant 48 : index
      %get3A_1594 = tpu.vector_load %arg9[%get3A_1592, %get3A_1593] {strides = array<i32>} : memref<32x1024xf32, #tpu.memory_space<vmem>>, vector<1x16xf32>,
      %get3A_1595 = vector.shape_cast %get3A_1594 : vector<1x16xf32> to vector<16xf32>
      %sub3A_1596 = arith.subf %get3A_1595, %get3A_1157 : vector<16xf32>
      %mul3A_1597 = arith.mulf %sub3A_1596, %sub3A_1596 : vector<16xf32>
      %add3A_1598 = arith.addf %add3A_1589, %mul3A_1597 : vector<16xf32>
      %mul3A_1599 = arith.mulf %get3A_1595, %get3A_1205 : vector<16xf32>
      %add3A_1600 = arith.addf %add3A_1591, %mul3A_1599 : vector<16xf32>
      %get3A_1601 = arith.index_cast %scan3A_1558 : i32 to index
      %get3A_1602 = arith.constant 64 : index
      %get3A_1603 = tpu.vector_load %arg9[%get3A_1601, %get3A_1602] {strides = array<i32>} : memref<32x1024xf32, #tpu.memory_space<vmem>>, vector<1x16xf32>,
      %get3A_1604 = vector.shape_cast %get3A_1603 : vector<1x16xf32> to vector<16xf32>
      %sub3A_1605 = arith.subf %get3A_1604, %get3A_1160 : vector<16xf32>
      %mul3A_1606 = arith.mulf %sub3A_1605, %sub3A_1605 : vector<16xf32>
      %add3A_1607 = arith.addf %add3A_1598, %mul3A_1606 : vector<16xf32>
      %mul3A_1608 = arith.mulf %get3A_1604, %get3A_1208 : vector<16xf32>
      %add3A_1609 = arith.addf %add3A_1600, %mul3A_1608 : vector<16xf32>
      %get3A_1610 = arith.index_cast %scan3A_1558 : i32 to index
      %get3A_1611 = arith.constant 80 : index
      %get3A_1612 = tpu.vector_load %arg9[%get3A_1610, %get3A_1611] {strides = array<i32>} : memref<32x1024xf32, #tpu.memory_space<vmem>>, vector<1x16xf32>,
      %get3A_1613 = vector.shape_cast %get3A_1612 : vector<1x16xf32> to vector<16xf32>
      %sub3A_1614 = arith.subf %get3A_1613, %get3A_1163 : vector<16xf32>
      %mul3A_1615 = arith.mulf %sub3A_1614, %sub3A_1614 : vector<16xf32>
      %add3A_1616 = arith.addf %add3A_1607, %mul3A_1615 : vector<16xf32>
      %mul3A_1617 = arith.mulf %get3A_1613, %get3A_1211 : vector<16xf32>
      %add3A_1618 = arith.addf %add3A_1609, %mul3A_1617 : vector<16xf32>
      %get3A_1619 = arith.index_cast %scan3A_1558 : i32 to index
      %get3A_1620 = arith.constant 96 : index
      %get3A_1621 = tpu.vector_load %arg9[%get3A_1619, %get3A_1620] {strides = array<i32>} : memref<32x1024xf32, #tpu.memory_space<vmem>>, vector<1x16xf32>,
      %get3A_1622 = vector.shape_cast %get3A_1621 : vector<1x16xf32> to vector<16xf32>
      %sub3A_1623 = arith.subf %get3A_1622, %get3A_1166 : vector<16xf32>
      %mul3A_1624 = arith.mulf %sub3A_1623, %sub3A_1623 : vector<16xf32>
      %add3A_1625 = arith.addf %add3A_1616, %mul3A_1624 : vector<16xf32>
      %mul3A_1626 = arith.mulf %get3A_1622, %get3A_1214 : vector<16xf32>
      %add3A_1627 = arith.addf %add3A_1618, %mul3A_1626 : vector<16xf32>
      %get3A_1628 = arith.index_cast %scan3A_1558 : i32 to index
      %get3A_1629 = arith.constant 112 : index
      %get3A_1630 = tpu.vector_load %arg9[%get3A_1628, %get3A_1629] {strides = array<i32>} : memref<32x1024xf32, #tpu.memory_space<vmem>>, vector<1x16xf32>,
      %get3A_1631 = vector.shape_cast %get3A_1630 : vector<1x16xf32> to vector<16xf32>
      %sub3A_1632 = arith.subf %get3A_1631, %get3A_1169 : vector<16xf32>
      %mul3A_1633 = arith.mulf %sub3A_1632, %sub3A_1632 : vector<16xf32>
      %add3A_1634 = arith.addf %add3A_1625, %mul3A_1633 : vector<16xf32>
      %mul3A_1635 = arith.mulf %get3A_1631, %get3A_1217 : vector<16xf32>
      %add3A_1636 = arith.addf %add3A_1627, %mul3A_1635 : vector<16xf32>
      %get3A_1637 = arith.index_cast %scan3A_1558 : i32 to index
      %get3A_1638 = arith.constant 128 : index
      %get3A_1639 = tpu.vector_load %arg9[%get3A_1637, %get3A_1638] {strides = array<i32>} : memref<32x1024xf32, #tpu.memory_space<vmem>>, vector<1x16xf32>,
      %get3A_1640 = vector.shape_cast %get3A_1639 : vector<1x16xf32> to vector<16xf32>
      %sub3A_1641 = arith.subf %get3A_1640, %get3A_1172 : vector<16xf32>
      %mul3A_1642 = arith.mulf %sub3A_1641, %sub3A_1641 : vector<16xf32>
      %add3A_1643 = arith.addf %add3A_1634, %mul3A_1642 : vector<16xf32>
      %mul3A_1644 = arith.mulf %get3A_1640, %get3A_1220 : vector<16xf32>
      %add3A_1645 = arith.addf %add3A_1636, %mul3A_1644 : vector<16xf32>
      %get3A_1646 = arith.index_cast %scan3A_1558 : i32 to index
      %get3A_1647 = arith.constant 144 : index
      %get3A_1648 = tpu.vector_load %arg9[%get3A_1646, %get3A_1647] {strides = array<i32>} : memref<32x1024xf32, #tpu.memory_space<vmem>>, vector<1x16xf32>,
      %get3A_1649 = vector.shape_cast %get3A_1648 : vector<1x16xf32> to vector<16xf32>
      %sub3A_1650 = arith.subf %get3A_1649, %get3A_1175 : vector<16xf32>
      %mul3A_1651 = arith.mulf %sub3A_1650, %sub3A_1650 : vector<16xf32>
      %add3A_1652 = arith.addf %add3A_1643, %mul3A_1651 : vector<16xf32>
      %mul3A_1653 = arith.mulf %get3A_1649, %get3A_1223 : vector<16xf32>
      %add3A_1654 = arith.addf %add3A_1645, %mul3A_1653 : vector<16xf32>
      %get3A_1655 = arith.index_cast %scan3A_1558 : i32 to index
      %get3A_1656 = arith.constant 160 : index
      %get3A_1657 = tpu.vector_load %arg9[%get3A_1655, %get3A_1656] {strides = array<i32>} : memref<32x1024xf32, #tpu.memory_space<vmem>>, vector<1x16xf32>,
      %get3A_1658 = vector.shape_cast %get3A_1657 : vector<1x16xf32> to vector<16xf32>
      %sub3A_1659 = arith.subf %get3A_1658, %get3A_1178 : vector<16xf32>
      %mul3A_1660 = arith.mulf %sub3A_1659, %sub3A_1659 : vector<16xf32>
      %add3A_1661 = arith.addf %add3A_1652, %mul3A_1660 : vector<16xf32>
      %mul3A_1662 = arith.mulf %get3A_1658, %get3A_1226 : vector<16xf32>
      %add3A_1663 = arith.addf %add3A_1654, %mul3A_1662 : vector<16xf32>
      %get3A_1664 = arith.index_cast %scan3A_1558 : i32 to index
      %get3A_1665 = arith.constant 176 : index
      %get3A_1666 = tpu.vector_load %arg9[%get3A_1664, %get3A_1665] {strides = array<i32>} : memref<32x1024xf32, #tpu.memory_space<vmem>>, vector<1x16xf32>,
      %get3A_1667 = vector.shape_cast %get3A_1666 : vector<1x16xf32> to vector<16xf32>
      %sub3A_1668 = arith.subf %get3A_1667, %get3A_1181 : vector<16xf32>
      %mul3A_1669 = arith.mulf %sub3A_1668, %sub3A_1668 : vector<16xf32>
      %add3A_1670 = arith.addf %add3A_1661, %mul3A_1669 : vector<16xf32>
      %mul3A_1671 = arith.mulf %get3A_1667, %get3A_1229 : vector<16xf32>
      %add3A_1672 = arith.addf %add3A_1663, %mul3A_1671 : vector<16xf32>
      %get3A_1673 = arith.index_cast %scan3A_1558 : i32 to index
      %get3A_1674 = arith.constant 192 : index
      %get3A_1675 = tpu.vector_load %arg9[%get3A_1673, %get3A_1674] {strides = array<i32>} : memref<32x1024xf32, #tpu.memory_space<vmem>>, vector<1x16xf32>,
      %get3A_1676 = vector.shape_cast %get3A_1675 : vector<1x16xf32> to vector<16xf32>
      %sub3A_1677 = arith.subf %get3A_1676, %get3A_1184 : vector<16xf32>
      %mul3A_1678 = arith.mulf %sub3A_1677, %sub3A_1677 : vector<16xf32>
      %add3A_1679 = arith.addf %add3A_1670, %mul3A_1678 : vector<16xf32>
      %mul3A_1680 = arith.mulf %get3A_1676, %get3A_1232 : vector<16xf32>
      %add3A_1681 = arith.addf %add3A_1672, %mul3A_1680 : vector<16xf32>
      %get3A_1682 = arith.index_cast %scan3A_1558 : i32 to index
      %get3A_1683 = arith.constant 208 : index
      %get3A_1684 = tpu.vector_load %arg9[%get3A_1682, %get3A_1683] {strides = array<i32>} : memref<32x1024xf32, #tpu.memory_space<vmem>>, vector<1x16xf32>,
      %get3A_1685 = vector.shape_cast %get3A_1684 : vector<1x16xf32> to vector<16xf32>
      %sub3A_1686 = arith.subf %get3A_1685, %get3A_1187 : vector<16xf32>
      %mul3A_1687 = arith.mulf %sub3A_1686, %sub3A_1686 : vector<16xf32>
      %add3A_1688 = arith.addf %add3A_1679, %mul3A_1687 : vector<16xf32>
      %mul3A_1689 = arith.mulf %get3A_1685, %get3A_1235 : vector<16xf32>
      %add3A_1690 = arith.addf %add3A_1681, %mul3A_1689 : vector<16xf32>
      %get3A_1691 = arith.index_cast %scan3A_1558 : i32 to index
      %get3A_1692 = arith.constant 224 : index
      %get3A_1693 = tpu.vector_load %arg9[%get3A_1691, %get3A_1692] {strides = array<i32>} : memref<32x1024xf32, #tpu.memory_space<vmem>>, vector<1x16xf32>,
      %get3A_1694 = vector.shape_cast %get3A_1693 : vector<1x16xf32> to vector<16xf32>
      %sub3A_1695 = arith.subf %get3A_1694, %get3A_1190 : vector<16xf32>
      %mul3A_1696 = arith.mulf %sub3A_1695, %sub3A_1695 : vector<16xf32>
      %add3A_1697 = arith.addf %add3A_1688, %mul3A_1696 : vector<16xf32>
      %mul3A_1698 = arith.mulf %get3A_1694, %get3A_1238 : vector<16xf32>
      %add3A_1699 = arith.addf %add3A_1690, %mul3A_1698 : vector<16xf32>
      %get3A_1700 = arith.index_cast %scan3A_1558 : i32 to index
      %get3A_1701 = arith.constant 240 : index
      %get3A_1702 = tpu.vector_load %arg9[%get3A_1700, %get3A_1701] {strides = array<i32>} : memref<32x1024xf32, #tpu.memory_space<vmem>>, vector<1x16xf32>,
      %get3A_1703 = vector.shape_cast %get3A_1702 : vector<1x16xf32> to vector<16xf32>
      %sub3A_1704 = arith.subf %get3A_1703, %get3A_1193 : vector<16xf32>
      %mul3A_1705 = arith.mulf %sub3A_1704, %sub3A_1704 : vector<16xf32>
      %add3A_1706 = arith.addf %add3A_1697, %mul3A_1705 : vector<16xf32>
      %mul3A_1707 = arith.mulf %get3A_1703, %get3A_1241 : vector<16xf32>
      %add3A_1708 = arith.addf %add3A_1699, %mul3A_1707 : vector<16xf32>
      %swap3A_1709 = arith.index_cast %add3A_1561 : i32 to index
      %swap3A_1710 = arith.constant 0 : index
      %swap3A_1711 = tpu.vector_load %arg10[%swap3A_1709, %swap3A_1710] {strides = array<i32>} : memref<64x16xf32, #tpu.memory_space<vmem>>, vector<1x16xf32>,
      %swap3A_1712 = vector.shape_cast %swap3A_1711 : vector<1x16xf32> to vector<16xf32>
      %swap3A_1713 = vector.shape_cast %add3A_1706 : vector<16xf32> to vector<1x16xf32>
      tpu.vector_store %arg10[%swap3A_1709, %swap3A_1710], %swap3A_1713 {strides = array<i32>} : memref<64x16xf32, #tpu.memory_space<vmem>>, vector<1x16xf32>,
      %swap3A_1714 = arith.index_cast %add3A_1561 : i32 to index
      %swap3A_1715 = arith.constant 0 : index
      %swap3A_1716 = tpu.vector_load %arg11[%swap3A_1714, %swap3A_1715] {strides = array<i32>} : memref<64x16xf32, #tpu.memory_space<vmem>>, vector<1x16xf32>,
      %swap3A_1717 = vector.shape_cast %swap3A_1716 : vector<1x16xf32> to vector<16xf32>
      %swap3A_1718 = vector.shape_cast %add3A_1708 : vector<16xf32> to vector<1x16xf32>
      tpu.vector_store %arg11[%swap3A_1714, %swap3A_1715], %swap3A_1718 {strides = array<i32>} : memref<64x16xf32, #tpu.memory_space<vmem>>, vector<1x16xf32>,
    }
    %scan3A_1246 = arith.constant 32 : i32
    %get3A_1247 = arith.constant 256 : index
    %get3A_1248 = tpu.vector_load %arg6[%get3A_1247] {strides = array<i32>} : memref<2048xf32, #tpu.memory_space<vmem>>, vector<16xf32>,
    %get3A_1249 = vector.shape_cast %get3A_1248 : vector<16xf32> to vector<16xf32>
    %get3A_1250 = arith.constant 272 : index
    %get3A_1251 = tpu.vector_load %arg6[%get3A_1250] {strides = array<i32>} : memref<2048xf32, #tpu.memory_space<vmem>>, vector<16xf32>,
    %get3A_1252 = vector.shape_cast %get3A_1251 : vector<16xf32> to vector<16xf32>
    %get3A_1253 = arith.constant 288 : index
    %get3A_1254 = tpu.vector_load %arg6[%get3A_1253] {strides = array<i32>} : memref<2048xf32, #tpu.memory_space<vmem>>, vector<16xf32>,
    %get3A_1255 = vector.shape_cast %get3A_1254 : vector<16xf32> to vector<16xf32>
    %get3A_1256 = arith.constant 304 : index
    %get3A_1257 = tpu.vector_load %arg6[%get3A_1256] {strides = array<i32>} : memref<2048xf32, #tpu.memory_space<vmem>>, vector<16xf32>,
    %get3A_1258 = vector.shape_cast %get3A_1257 : vector<16xf32> to vector<16xf32>
    %get3A_1259 = arith.constant 320 : index
    %get3A_1260 = tpu.vector_load %arg6[%get3A_1259] {strides = array<i32>} : memref<2048xf32, #tpu.memory_space<vmem>>, vector<16xf32>,
    %get3A_1261 = vector.shape_cast %get3A_1260 : vector<16xf32> to vector<16xf32>
    %get3A_1262 = arith.constant 336 : index
    %get3A_1263 = tpu.vector_load %arg6[%get3A_1262] {strides = array<i32>} : memref<2048xf32, #tpu.memory_space<vmem>>, vector<16xf32>,
    %get3A_1264 = vector.shape_cast %get3A_1263 : vector<16xf32> to vector<16xf32>
    %get3A_1265 = arith.constant 352 : index
    %get3A_1266 = tpu.vector_load %arg6[%get3A_1265] {strides = array<i32>} : memref<2048xf32, #tpu.memory_space<vmem>>, vector<16xf32>,
    %get3A_1267 = vector.shape_cast %get3A_1266 : vector<16xf32> to vector<16xf32>
    %get3A_1268 = arith.constant 368 : index
    %get3A_1269 = tpu.vector_load %arg6[%get3A_1268] {strides = array<i32>} : memref<2048xf32, #tpu.memory_space<vmem>>, vector<16xf32>,
    %get3A_1270 = vector.shape_cast %get3A_1269 : vector<16xf32> to vector<16xf32>
    %get3A_1271 = arith.constant 384 : index
    %get3A_1272 = tpu.vector_load %arg6[%get3A_1271] {strides = array<i32>} : memref<2048xf32, #tpu.memory_space<vmem>>, vector<16xf32>,
    %get3A_1273 = vector.shape_cast %get3A_1272 : vector<16xf32> to vector<16xf32>
    %get3A_1274 = arith.constant 400 : index
    %get3A_1275 = tpu.vector_load %arg6[%get3A_1274] {strides = array<i32>} : memref<2048xf32, #tpu.memory_space<vmem>>, vector<16xf32>,
    %get3A_1276 = vector.shape_cast %get3A_1275 : vector<16xf32> to vector<16xf32>
    %get3A_1277 = arith.constant 416 : index
    %get3A_1278 = tpu.vector_load %arg6[%get3A_1277] {strides = array<i32>} : memref<2048xf32, #tpu.memory_space<vmem>>, vector<16xf32>,
    %get3A_1279 = vector.shape_cast %get3A_1278 : vector<16xf32> to vector<16xf32>
    %get3A_1280 = arith.constant 432 : index
    %get3A_1281 = tpu.vector_load %arg6[%get3A_1280] {strides = array<i32>} : memref<2048xf32, #tpu.memory_space<vmem>>, vector<16xf32>,
    %get3A_1282 = vector.shape_cast %get3A_1281 : vector<16xf32> to vector<16xf32>
    %get3A_1283 = arith.constant 448 : index
    %get3A_1284 = tpu.vector_load %arg6[%get3A_1283] {strides = array<i32>} : memref<2048xf32, #tpu.memory_space<vmem>>, vector<16xf32>,
    %get3A_1285 = vector.shape_cast %get3A_1284 : vector<16xf32> to vector<16xf32>
    %get3A_1286 = arith.constant 464 : index
    %get3A_1287 = tpu.vector_load %arg6[%get3A_1286] {strides = array<i32>} : memref<2048xf32, #tpu.memory_space<vmem>>, vector<16xf32>,
    %get3A_1288 = vector.shape_cast %get3A_1287 : vector<16xf32> to vector<16xf32>
    %get3A_1289 = arith.constant 480 : index
    %get3A_1290 = tpu.vector_load %arg6[%get3A_1289] {strides = array<i32>} : memref<2048xf32, #tpu.memory_space<vmem>>, vector<16xf32>,
    %get3A_1291 = vector.shape_cast %get3A_1290 : vector<16xf32> to vector<16xf32>
    %get3A_1292 = arith.constant 496 : index
    %get3A_1293 = tpu.vector_load %arg6[%get3A_1292] {strides = array<i32>} : memref<2048xf32, #tpu.memory_space<vmem>>, vector<16xf32>,
    %get3A_1294 = vector.shape_cast %get3A_1293 : vector<16xf32> to vector<16xf32>
    %get3A_1295 = arith.constant 256 : index
    %get3A_1296 = tpu.vector_load %arg7[%get3A_1295] {strides = array<i32>} : memref<1024xf32, #tpu.memory_space<vmem>>, vector<16xf32>,
    %get3A_1297 = vector.shape_cast %get3A_1296 : vector<16xf32> to vector<16xf32>
    %get3A_1298 = arith.constant 272 : index
    %get3A_1299 = tpu.vector_load %arg7[%get3A_1298] {strides = array<i32>} : memref<1024xf32, #tpu.memory_space<vmem>>, vector<16xf32>,
    %get3A_1300 = vector.shape_cast %get3A_1299 : vector<16xf32> to vector<16xf32>
    %get3A_1301 = arith.constant 288 : index
    %get3A_1302 = tpu.vector_load %arg7[%get3A_1301] {strides = array<i32>} : memref<1024xf32, #tpu.memory_space<vmem>>, vector<16xf32>,
    %get3A_1303 = vector.shape_cast %get3A_1302 : vector<16xf32> to vector<16xf32>
    %get3A_1304 = arith.constant 304 : index
    %get3A_1305 = tpu.vector_load %arg7[%get3A_1304] {strides = array<i32>} : memref<1024xf32, #tpu.memory_space<vmem>>, vector<16xf32>,
    %get3A_1306 = vector.shape_cast %get3A_1305 : vector<16xf32> to vector<16xf32>
    %get3A_1307 = arith.constant 320 : index
    %get3A_1308 = tpu.vector_load %arg7[%get3A_1307] {strides = array<i32>} : memref<1024xf32, #tpu.memory_space<vmem>>, vector<16xf32>,
    %get3A_1309 = vector.shape_cast %get3A_1308 : vector<16xf32> to vector<16xf32>
    %get3A_1310 = arith.constant 336 : index
    %get3A_1311 = tpu.vector_load %arg7[%get3A_1310] {strides = array<i32>} : memref<1024xf32, #tpu.memory_space<vmem>>, vector<16xf32>,
    %get3A_1312 = vector.shape_cast %get3A_1311 : vector<16xf32> to vector<16xf32>
    %get3A_1313 = arith.constant 352 : index
    %get3A_1314 = tpu.vector_load %arg7[%get3A_1313] {strides = array<i32>} : memref<1024xf32, #tpu.memory_space<vmem>>, vector<16xf32>,
    %get3A_1315 = vector.shape_cast %get3A_1314 : vector<16xf32> to vector<16xf32>
    %get3A_1316 = arith.constant 368 : index
    %get3A_1317 = tpu.vector_load %arg7[%get3A_1316] {strides = array<i32>} : memref<1024xf32, #tpu.memory_space<vmem>>, vector<16xf32>,
    %get3A_1318 = vector.shape_cast %get3A_1317 : vector<16xf32> to vector<16xf32>
    %get3A_1319 = arith.constant 384 : index
    %get3A_1320 = tpu.vector_load %arg7[%get3A_1319] {strides = array<i32>} : memref<1024xf32, #tpu.memory_space<vmem>>, vector<16xf32>,
    %get3A_1321 = vector.shape_cast %get3A_1320 : vector<16xf32> to vector<16xf32>
    %get3A_1322 = arith.constant 400 : index
    %get3A_1323 = tpu.vector_load %arg7[%get3A_1322] {strides = array<i32>} : memref<1024xf32, #tpu.memory_space<vmem>>, vector<16xf32>,
    %get3A_1324 = vector.shape_cast %get3A_1323 : vector<16xf32> to vector<16xf32>
    %get3A_1325 = arith.constant 416 : index
    %get3A_1326 = tpu.vector_load %arg7[%get3A_1325] {strides = array<i32>} : memref<1024xf32, #tpu.memory_space<vmem>>, vector<16xf32>,
    %get3A_1327 = vector.shape_cast %get3A_1326 : vector<16xf32> to vector<16xf32>
    %get3A_1328 = arith.constant 432 : index
    %get3A_1329 = tpu.vector_load %arg7[%get3A_1328] {strides = array<i32>} : memref<1024xf32, #tpu.memory_space<vmem>>, vector<16xf32>,
    %get3A_1330 = vector.shape_cast %get3A_1329 : vector<16xf32> to vector<16xf32>
    %get3A_1331 = arith.constant 448 : index
    %get3A_1332 = tpu.vector_load %arg7[%get3A_1331] {strides = array<i32>} : memref<1024xf32, #tpu.memory_space<vmem>>, vector<16xf32>,
    %get3A_1333 = vector.shape_cast %get3A_1332 : vector<16xf32> to vector<16xf32>
    %get3A_1334 = arith.constant 464 : index
    %get3A_1335 = tpu.vector_load %arg7[%get3A_1334] {strides = array<i32>} : memref<1024xf32, #tpu.memory_space<vmem>>, vector<16xf32>,
    %get3A_1336 = vector.shape_cast %get3A_1335 : vector<16xf32> to vector<16xf32>
    %get3A_1337 = arith.constant 480 : index
    %get3A_1338 = tpu.vector_load %arg7[%get3A_1337] {strides = array<i32>} : memref<1024xf32, #tpu.memory_space<vmem>>, vector<16xf32>,
    %get3A_1339 = vector.shape_cast %get3A_1338 : vector<16xf32> to vector<16xf32>
    %get3A_1340 = arith.constant 496 : index
    %get3A_1341 = tpu.vector_load %arg7[%get3A_1340] {strides = array<i32>} : memref<1024xf32, #tpu.memory_space<vmem>>, vector<16xf32>,
    %get3A_1342 = vector.shape_cast %get3A_1341 : vector<16xf32> to vector<16xf32>
    %scan3A_1343 = arith.constant 0 : i32
    %scan3A_1344 = arith.constant 32 : i32
    %scan3A_1345 = arith.addi %scan3A_1343, %scan3A_1344 : i32
    %scan3A_1346 = arith.constant 1 : i32
    scf.for %scan3A_1558 = %scan3A_1343 to %scan3A_1345 step %scan3A_1346  : i32 {
      %mul3A_1559 = arith.constant 32 : i32
      %mul3A_1560 = arith.muli %add3A_713, %mul3A_1559 : i32
      %add3A_1561 = arith.addi %mul3A_1560, %scan3A_1558 : i32
      %broadcast_in_dim3A = arith.constant 0.000000e+00 : f32
      %broadcast_in_dim3A_1562 = vector.broadcast %broadcast_in_dim3A : f32 to vector<16xf32>
      %broadcast_in_dim3A_1563 = arith.constant 0.000000e+00 : f32
      %broadcast_in_dim3A_1564 = vector.broadcast %broadcast_in_dim3A_1563 : f32 to vector<16xf32>
      %get3A_1565 = arith.index_cast %scan3A_1558 : i32 to index
      %get3A_1566 = arith.constant 256 : index
      %get3A_1567 = tpu.vector_load %arg9[%get3A_1565, %get3A_1566] {strides = array<i32>} : memref<32x1024xf32, #tpu.memory_space<vmem>>, vector<1x16xf32>,
      %get3A_1568 = vector.shape_cast %get3A_1567 : vector<1x16xf32> to vector<16xf32>
      %sub3A_1569 = arith.subf %get3A_1568, %get3A_1249 : vector<16xf32>
      %mul3A_1570 = arith.mulf %sub3A_1569, %sub3A_1569 : vector<16xf32>
      %add3A_1571 = arith.addf %broadcast_in_dim3A_1562, %mul3A_1570 : vector<16xf32>
      %mul3A_1572 = arith.mulf %get3A_1568, %get3A_1297 : vector<16xf32>
      %add3A_1573 = arith.addf %broadcast_in_dim3A_1564, %mul3A_1572 : vector<16xf32>
      %get3A_1574 = arith.index_cast %scan3A_1558 : i32 to index
      %get3A_1575 = arith.constant 272 : index
      %get3A_1576 = tpu.vector_load %arg9[%get3A_1574, %get3A_1575] {strides = array<i32>} : memref<32x1024xf32, #tpu.memory_space<vmem>>, vector<1x16xf32>,
      %get3A_1577 = vector.shape_cast %get3A_1576 : vector<1x16xf32> to vector<16xf32>
      %sub3A_1578 = arith.subf %get3A_1577, %get3A_1252 : vector<16xf32>
      %mul3A_1579 = arith.mulf %sub3A_1578, %sub3A_1578 : vector<16xf32>
      %add3A_1580 = arith.addf %add3A_1571, %mul3A_1579 : vector<16xf32>
      %mul3A_1581 = arith.mulf %get3A_1577, %get3A_1300 : vector<16xf32>
      %add3A_1582 = arith.addf %add3A_1573, %mul3A_1581 : vector<16xf32>
      %get3A_1583 = arith.index_cast %scan3A_1558 : i32 to index
      %get3A_1584 = arith.constant 288 : index
      %get3A_1585 = tpu.vector_load %arg9[%get3A_1583, %get3A_1584] {strides = array<i32>} : memref<32x1024xf32, #tpu.memory_space<vmem>>, vector<1x16xf32>,
      %get3A_1586 = vector.shape_cast %get3A_1585 : vector<1x16xf32> to vector<16xf32>
      %sub3A_1587 = arith.subf %get3A_1586, %get3A_1255 : vector<16xf32>
      %mul3A_1588 = arith.mulf %sub3A_1587, %sub3A_1587 : vector<16xf32>
      %add3A_1589 = arith.addf %add3A_1580, %mul3A_1588 : vector<16xf32>
      %mul3A_1590 = arith.mulf %get3A_1586, %get3A_1303 : vector<16xf32>
      %add3A_1591 = arith.addf %add3A_1582, %mul3A_1590 : vector<16xf32>
      %get3A_1592 = arith.index_cast %scan3A_1558 : i32 to index
      %get3A_1593 = arith.constant 304 : index
      %get3A_1594 = tpu.vector_load %arg9[%get3A_1592, %get3A_1593] {strides = array<i32>} : memref<32x1024xf32, #tpu.memory_space<vmem>>, vector<1x16xf32>,
      %get3A_1595 = vector.shape_cast %get3A_1594 : vector<1x16xf32> to vector<16xf32>
      %sub3A_1596 = arith.subf %get3A_1595, %get3A_1258 : vector<16xf32>
      %mul3A_1597 = arith.mulf %sub3A_1596, %sub3A_1596 : vector<16xf32>
      %add3A_1598 = arith.addf %add3A_1589, %mul3A_1597 : vector<16xf32>
      %mul3A_1599 = arith.mulf %get3A_1595, %get3A_1306 : vector<16xf32>
      %add3A_1600 = arith.addf %add3A_1591, %mul3A_1599 : vector<16xf32>
      %get3A_1601 = arith.index_cast %scan3A_1558 : i32 to index
      %get3A_1602 = arith.constant 320 : index
      %get3A_1603 = tpu.vector_load %arg9[%get3A_1601, %get3A_1602] {strides = array<i32>} : memref<32x1024xf32, #tpu.memory_space<vmem>>, vector<1x16xf32>,
      %get3A_1604 = vector.shape_cast %get3A_1603 : vector<1x16xf32> to vector<16xf32>
      %sub3A_1605 = arith.subf %get3A_1604, %get3A_1261 : vector<16xf32>
      %mul3A_1606 = arith.mulf %sub3A_1605, %sub3A_1605 : vector<16xf32>
      %add3A_1607 = arith.addf %add3A_1598, %mul3A_1606 : vector<16xf32>
      %mul3A_1608 = arith.mulf %get3A_1604, %get3A_1309 : vector<16xf32>
      %add3A_1609 = arith.addf %add3A_1600, %mul3A_1608 : vector<16xf32>
      %get3A_1610 = arith.index_cast %scan3A_1558 : i32 to index
      %get3A_1611 = arith.constant 336 : index
      %get3A_1612 = tpu.vector_load %arg9[%get3A_1610, %get3A_1611] {strides = array<i32>} : memref<32x1024xf32, #tpu.memory_space<vmem>>, vector<1x16xf32>,
      %get3A_1613 = vector.shape_cast %get3A_1612 : vector<1x16xf32> to vector<16xf32>
      %sub3A_1614 = arith.subf %get3A_1613, %get3A_1264 : vector<16xf32>
      %mul3A_1615 = arith.mulf %sub3A_1614, %sub3A_1614 : vector<16xf32>
      %add3A_1616 = arith.addf %add3A_1607, %mul3A_1615 : vector<16xf32>
      %mul3A_1617 = arith.mulf %get3A_1613, %get3A_1312 : vector<16xf32>
      %add3A_1618 = arith.addf %add3A_1609, %mul3A_1617 : vector<16xf32>
      %get3A_1619 = arith.index_cast %scan3A_1558 : i32 to index
      %get3A_1620 = arith.constant 352 : index
      %get3A_1621 = tpu.vector_load %arg9[%get3A_1619, %get3A_1620] {strides = array<i32>} : memref<32x1024xf32, #tpu.memory_space<vmem>>, vector<1x16xf32>,
      %get3A_1622 = vector.shape_cast %get3A_1621 : vector<1x16xf32> to vector<16xf32>
      %sub3A_1623 = arith.subf %get3A_1622, %get3A_1267 : vector<16xf32>
      %mul3A_1624 = arith.mulf %sub3A_1623, %sub3A_1623 : vector<16xf32>
      %add3A_1625 = arith.addf %add3A_1616, %mul3A_1624 : vector<16xf32>
      %mul3A_1626 = arith.mulf %get3A_1622, %get3A_1315 : vector<16xf32>
      %add3A_1627 = arith.addf %add3A_1618, %mul3A_1626 : vector<16xf32>
      %get3A_1628 = arith.index_cast %scan3A_1558 : i32 to index
      %get3A_1629 = arith.constant 368 : index
      %get3A_1630 = tpu.vector_load %arg9[%get3A_1628, %get3A_1629] {strides = array<i32>} : memref<32x1024xf32, #tpu.memory_space<vmem>>, vector<1x16xf32>,
      %get3A_1631 = vector.shape_cast %get3A_1630 : vector<1x16xf32> to vector<16xf32>
      %sub3A_1632 = arith.subf %get3A_1631, %get3A_1270 : vector<16xf32>
      %mul3A_1633 = arith.mulf %sub3A_1632, %sub3A_1632 : vector<16xf32>
      %add3A_1634 = arith.addf %add3A_1625, %mul3A_1633 : vector<16xf32>
      %mul3A_1635 = arith.mulf %get3A_1631, %get3A_1318 : vector<16xf32>
      %add3A_1636 = arith.addf %add3A_1627, %mul3A_1635 : vector<16xf32>
      %get3A_1637 = arith.index_cast %scan3A_1558 : i32 to index
      %get3A_1638 = arith.constant 384 : index
      %get3A_1639 = tpu.vector_load %arg9[%get3A_1637, %get3A_1638] {strides = array<i32>} : memref<32x1024xf32, #tpu.memory_space<vmem>>, vector<1x16xf32>,
      %get3A_1640 = vector.shape_cast %get3A_1639 : vector<1x16xf32> to vector<16xf32>
      %sub3A_1641 = arith.subf %get3A_1640, %get3A_1273 : vector<16xf32>
      %mul3A_1642 = arith.mulf %sub3A_1641, %sub3A_1641 : vector<16xf32>
      %add3A_1643 = arith.addf %add3A_1634, %mul3A_1642 : vector<16xf32>
      %mul3A_1644 = arith.mulf %get3A_1640, %get3A_1321 : vector<16xf32>
      %add3A_1645 = arith.addf %add3A_1636, %mul3A_1644 : vector<16xf32>
      %get3A_1646 = arith.index_cast %scan3A_1558 : i32 to index
      %get3A_1647 = arith.constant 400 : index
      %get3A_1648 = tpu.vector_load %arg9[%get3A_1646, %get3A_1647] {strides = array<i32>} : memref<32x1024xf32, #tpu.memory_space<vmem>>, vector<1x16xf32>,
      %get3A_1649 = vector.shape_cast %get3A_1648 : vector<1x16xf32> to vector<16xf32>
      %sub3A_1650 = arith.subf %get3A_1649, %get3A_1276 : vector<16xf32>
      %mul3A_1651 = arith.mulf %sub3A_1650, %sub3A_1650 : vector<16xf32>
      %add3A_1652 = arith.addf %add3A_1643, %mul3A_1651 : vector<16xf32>
      %mul3A_1653 = arith.mulf %get3A_1649, %get3A_1324 : vector<16xf32>
      %add3A_1654 = arith.addf %add3A_1645, %mul3A_1653 : vector<16xf32>
      %get3A_1655 = arith.index_cast %scan3A_1558 : i32 to index
      %get3A_1656 = arith.constant 416 : index
      %get3A_1657 = tpu.vector_load %arg9[%get3A_1655, %get3A_1656] {strides = array<i32>} : memref<32x1024xf32, #tpu.memory_space<vmem>>, vector<1x16xf32>,
      %get3A_1658 = vector.shape_cast %get3A_1657 : vector<1x16xf32> to vector<16xf32>
      %sub3A_1659 = arith.subf %get3A_1658, %get3A_1279 : vector<16xf32>
      %mul3A_1660 = arith.mulf %sub3A_1659, %sub3A_1659 : vector<16xf32>
      %add3A_1661 = arith.addf %add3A_1652, %mul3A_1660 : vector<16xf32>
      %mul3A_1662 = arith.mulf %get3A_1658, %get3A_1327 : vector<16xf32>
      %add3A_1663 = arith.addf %add3A_1654, %mul3A_1662 : vector<16xf32>
      %get3A_1664 = arith.index_cast %scan3A_1558 : i32 to index
      %get3A_1665 = arith.constant 432 : index
      %get3A_1666 = tpu.vector_load %arg9[%get3A_1664, %get3A_1665] {strides = array<i32>} : memref<32x1024xf32, #tpu.memory_space<vmem>>, vector<1x16xf32>,
      %get3A_1667 = vector.shape_cast %get3A_1666 : vector<1x16xf32> to vector<16xf32>
      %sub3A_1668 = arith.subf %get3A_1667, %get3A_1282 : vector<16xf32>
      %mul3A_1669 = arith.mulf %sub3A_1668, %sub3A_1668 : vector<16xf32>
      %add3A_1670 = arith.addf %add3A_1661, %mul3A_1669 : vector<16xf32>
      %mul3A_1671 = arith.mulf %get3A_1667, %get3A_1330 : vector<16xf32>
      %add3A_1672 = arith.addf %add3A_1663, %mul3A_1671 : vector<16xf32>
      %get3A_1673 = arith.index_cast %scan3A_1558 : i32 to index
      %get3A_1674 = arith.constant 448 : index
      %get3A_1675 = tpu.vector_load %arg9[%get3A_1673, %get3A_1674] {strides = array<i32>} : memref<32x1024xf32, #tpu.memory_space<vmem>>, vector<1x16xf32>,
      %get3A_1676 = vector.shape_cast %get3A_1675 : vector<1x16xf32> to vector<16xf32>
      %sub3A_1677 = arith.subf %get3A_1676, %get3A_1285 : vector<16xf32>
      %mul3A_1678 = arith.mulf %sub3A_1677, %sub3A_1677 : vector<16xf32>
      %add3A_1679 = arith.addf %add3A_1670, %mul3A_1678 : vector<16xf32>
      %mul3A_1680 = arith.mulf %get3A_1676, %get3A_1333 : vector<16xf32>
      %add3A_1681 = arith.addf %add3A_1672, %mul3A_1680 : vector<16xf32>
      %get3A_1682 = arith.index_cast %scan3A_1558 : i32 to index
      %get3A_1683 = arith.constant 464 : index
      %get3A_1684 = tpu.vector_load %arg9[%get3A_1682, %get3A_1683] {strides = array<i32>} : memref<32x1024xf32, #tpu.memory_space<vmem>>, vector<1x16xf32>,
      %get3A_1685 = vector.shape_cast %get3A_1684 : vector<1x16xf32> to vector<16xf32>
      %sub3A_1686 = arith.subf %get3A_1685, %get3A_1288 : vector<16xf32>
      %mul3A_1687 = arith.mulf %sub3A_1686, %sub3A_1686 : vector<16xf32>
      %add3A_1688 = arith.addf %add3A_1679, %mul3A_1687 : vector<16xf32>
      %mul3A_1689 = arith.mulf %get3A_1685, %get3A_1336 : vector<16xf32>
      %add3A_1690 = arith.addf %add3A_1681, %mul3A_1689 : vector<16xf32>
      %get3A_1691 = arith.index_cast %scan3A_1558 : i32 to index
      %get3A_1692 = arith.constant 480 : index
      %get3A_1693 = tpu.vector_load %arg9[%get3A_1691, %get3A_1692] {strides = array<i32>} : memref<32x1024xf32, #tpu.memory_space<vmem>>, vector<1x16xf32>,
      %get3A_1694 = vector.shape_cast %get3A_1693 : vector<1x16xf32> to vector<16xf32>
      %sub3A_1695 = arith.subf %get3A_1694, %get3A_1291 : vector<16xf32>
      %mul3A_1696 = arith.mulf %sub3A_1695, %sub3A_1695 : vector<16xf32>
      %add3A_1697 = arith.addf %add3A_1688, %mul3A_1696 : vector<16xf32>
      %mul3A_1698 = arith.mulf %get3A_1694, %get3A_1339 : vector<16xf32>
      %add3A_1699 = arith.addf %add3A_1690, %mul3A_1698 : vector<16xf32>
      %get3A_1700 = arith.index_cast %scan3A_1558 : i32 to index
      %get3A_1701 = arith.constant 496 : index
      %get3A_1702 = tpu.vector_load %arg9[%get3A_1700, %get3A_1701] {strides = array<i32>} : memref<32x1024xf32, #tpu.memory_space<vmem>>, vector<1x16xf32>,
      %get3A_1703 = vector.shape_cast %get3A_1702 : vector<1x16xf32> to vector<16xf32>
      %sub3A_1704 = arith.subf %get3A_1703, %get3A_1294 : vector<16xf32>
      %mul3A_1705 = arith.mulf %sub3A_1704, %sub3A_1704 : vector<16xf32>
      %add3A_1706 = arith.addf %add3A_1697, %mul3A_1705 : vector<16xf32>
      %mul3A_1707 = arith.mulf %get3A_1703, %get3A_1342 : vector<16xf32>
      %add3A_1708 = arith.addf %add3A_1699, %mul3A_1707 : vector<16xf32>
      %get3A_1709 = arith.index_cast %add3A_1561 : i32 to index
      %get3A_1710 = arith.constant 0 : index
      %get3A_1711 = tpu.vector_load %arg10[%get3A_1709, %get3A_1710] {strides = array<i32>} : memref<64x16xf32, #tpu.memory_space<vmem>>, vector<1x16xf32>,
      %get3A_1712 = vector.shape_cast %get3A_1711 : vector<1x16xf32> to vector<16xf32>
      %add3A_1713 = arith.addf %get3A_1712, %add3A_1706 : vector<16xf32>
      %swap3A_1714 = arith.index_cast %add3A_1561 : i32 to index
      %swap3A_1715 = arith.constant 0 : index
      %swap3A_1716 = tpu.vector_load %arg10[%swap3A_1714, %swap3A_1715] {strides = array<i32>} : memref<64x16xf32, #tpu.memory_space<vmem>>, vector<1x16xf32>,
      %swap3A_1717 = vector.shape_cast %swap3A_1716 : vector<1x16xf32> to vector<16xf32>
      %swap3A_1718 = vector.shape_cast %add3A_1713 : vector<16xf32> to vector<1x16xf32>
      tpu.vector_store %arg10[%swap3A_1714, %swap3A_1715], %swap3A_1718 {strides = array<i32>} : memref<64x16xf32, #tpu.memory_space<vmem>>, vector<1x16xf32>,
      %get3A_1719 = arith.index_cast %add3A_1561 : i32 to index
      %get3A_1720 = arith.constant 0 : index
      %get3A_1721 = tpu.vector_load %arg11[%get3A_1719, %get3A_1720] {strides = array<i32>} : memref<64x16xf32, #tpu.memory_space<vmem>>, vector<1x16xf32>,
      %get3A_1722 = vector.shape_cast %get3A_1721 : vector<1x16xf32> to vector<16xf32>
      %add3A_1723 = arith.addf %get3A_1722, %add3A_1708 : vector<16xf32>
      %swap3A_1724 = arith.index_cast %add3A_1561 : i32 to index
      %swap3A_1725 = arith.constant 0 : index
      %swap3A_1726 = tpu.vector_load %arg11[%swap3A_1724, %swap3A_1725] {strides = array<i32>} : memref<64x16xf32, #tpu.memory_space<vmem>>, vector<1x16xf32>,
      %swap3A_1727 = vector.shape_cast %swap3A_1726 : vector<1x16xf32> to vector<16xf32>
      %swap3A_1728 = vector.shape_cast %add3A_1723 : vector<16xf32> to vector<1x16xf32>
      tpu.vector_store %arg11[%swap3A_1724, %swap3A_1725], %swap3A_1728 {strides = array<i32>} : memref<64x16xf32, #tpu.memory_space<vmem>>, vector<1x16xf32>,
    }
    %scan3A_1347 = arith.constant 32 : i32
    %get3A_1348 = arith.constant 512 : index
    %get3A_1349 = tpu.vector_load %arg6[%get3A_1348] {strides = array<i32>} : memref<2048xf32, #tpu.memory_space<vmem>>, vector<16xf32>,
    %get3A_1350 = vector.shape_cast %get3A_1349 : vector<16xf32> to vector<16xf32>
    %get3A_1351 = arith.constant 528 : index
    %get3A_1352 = tpu.vector_load %arg6[%get3A_1351] {strides = array<i32>} : memref<2048xf32, #tpu.memory_space<vmem>>, vector<16xf32>,
    %get3A_1353 = vector.shape_cast %get3A_1352 : vector<16xf32> to vector<16xf32>
    %get3A_1354 = arith.constant 544 : index
    %get3A_1355 = tpu.vector_load %arg6[%get3A_1354] {strides = array<i32>} : memref<2048xf32, #tpu.memory_space<vmem>>, vector<16xf32>,
    %get3A_1356 = vector.shape_cast %get3A_1355 : vector<16xf32> to vector<16xf32>
    %get3A_1357 = arith.constant 560 : index
    %get3A_1358 = tpu.vector_load %arg6[%get3A_1357] {strides = array<i32>} : memref<2048xf32, #tpu.memory_space<vmem>>, vector<16xf32>,
    %get3A_1359 = vector.shape_cast %get3A_1358 : vector<16xf32> to vector<16xf32>
    %get3A_1360 = arith.constant 576 : index
    %get3A_1361 = tpu.vector_load %arg6[%get3A_1360] {strides = array<i32>} : memref<2048xf32, #tpu.memory_space<vmem>>, vector<16xf32>,
    %get3A_1362 = vector.shape_cast %get3A_1361 : vector<16xf32> to vector<16xf32>
    %get3A_1363 = arith.constant 592 : index
    %get3A_1364 = tpu.vector_load %arg6[%get3A_1363] {strides = array<i32>} : memref<2048xf32, #tpu.memory_space<vmem>>, vector<16xf32>,
    %get3A_1365 = vector.shape_cast %get3A_1364 : vector<16xf32> to vector<16xf32>
    %get3A_1366 = arith.constant 608 : index
    %get3A_1367 = tpu.vector_load %arg6[%get3A_1366] {strides = array<i32>} : memref<2048xf32, #tpu.memory_space<vmem>>, vector<16xf32>,
    %get3A_1368 = vector.shape_cast %get3A_1367 : vector<16xf32> to vector<16xf32>
    %get3A_1369 = arith.constant 624 : index
    %get3A_1370 = tpu.vector_load %arg6[%get3A_1369] {strides = array<i32>} : memref<2048xf32, #tpu.memory_space<vmem>>, vector<16xf32>,
    %get3A_1371 = vector.shape_cast %get3A_1370 : vector<16xf32> to vector<16xf32>
    %get3A_1372 = arith.constant 640 : index
    %get3A_1373 = tpu.vector_load %arg6[%get3A_1372] {strides = array<i32>} : memref<2048xf32, #tpu.memory_space<vmem>>, vector<16xf32>,
    %get3A_1374 = vector.shape_cast %get3A_1373 : vector<16xf32> to vector<16xf32>
    %get3A_1375 = arith.constant 656 : index
    %get3A_1376 = tpu.vector_load %arg6[%get3A_1375] {strides = array<i32>} : memref<2048xf32, #tpu.memory_space<vmem>>, vector<16xf32>,
    %get3A_1377 = vector.shape_cast %get3A_1376 : vector<16xf32> to vector<16xf32>
    %get3A_1378 = arith.constant 672 : index
    %get3A_1379 = tpu.vector_load %arg6[%get3A_1378] {strides = array<i32>} : memref<2048xf32, #tpu.memory_space<vmem>>, vector<16xf32>,
    %get3A_1380 = vector.shape_cast %get3A_1379 : vector<16xf32> to vector<16xf32>
    %get3A_1381 = arith.constant 688 : index
    %get3A_1382 = tpu.vector_load %arg6[%get3A_1381] {strides = array<i32>} : memref<2048xf32, #tpu.memory_space<vmem>>, vector<16xf32>,
    %get3A_1383 = vector.shape_cast %get3A_1382 : vector<16xf32> to vector<16xf32>
    %get3A_1384 = arith.constant 704 : index
    %get3A_1385 = tpu.vector_load %arg6[%get3A_1384] {strides = array<i32>} : memref<2048xf32, #tpu.memory_space<vmem>>, vector<16xf32>,
    %get3A_1386 = vector.shape_cast %get3A_1385 : vector<16xf32> to vector<16xf32>
    %get3A_1387 = arith.constant 720 : index
    %get3A_1388 = tpu.vector_load %arg6[%get3A_1387] {strides = array<i32>} : memref<2048xf32, #tpu.memory_space<vmem>>, vector<16xf32>,
    %get3A_1389 = vector.shape_cast %get3A_1388 : vector<16xf32> to vector<16xf32>
    %get3A_1390 = arith.constant 736 : index
    %get3A_1391 = tpu.vector_load %arg6[%get3A_1390] {strides = array<i32>} : memref<2048xf32, #tpu.memory_space<vmem>>, vector<16xf32>,
    %get3A_1392 = vector.shape_cast %get3A_1391 : vector<16xf32> to vector<16xf32>
    %get3A_1393 = arith.constant 752 : index
    %get3A_1394 = tpu.vector_load %arg6[%get3A_1393] {strides = array<i32>} : memref<2048xf32, #tpu.memory_space<vmem>>, vector<16xf32>,
    %get3A_1395 = vector.shape_cast %get3A_1394 : vector<16xf32> to vector<16xf32>
    %get3A_1396 = arith.constant 512 : index
    %get3A_1397 = tpu.vector_load %arg7[%get3A_1396] {strides = array<i32>} : memref<1024xf32, #tpu.memory_space<vmem>>, vector<16xf32>,
    %get3A_1398 = vector.shape_cast %get3A_1397 : vector<16xf32> to vector<16xf32>
    %get3A_1399 = arith.constant 528 : index
    %get3A_1400 = tpu.vector_load %arg7[%get3A_1399] {strides = array<i32>} : memref<1024xf32, #tpu.memory_space<vmem>>, vector<16xf32>,
    %get3A_1401 = vector.shape_cast %get3A_1400 : vector<16xf32> to vector<16xf32>
    %get3A_1402 = arith.constant 544 : index
    %get3A_1403 = tpu.vector_load %arg7[%get3A_1402] {strides = array<i32>} : memref<1024xf32, #tpu.memory_space<vmem>>, vector<16xf32>,
    %get3A_1404 = vector.shape_cast %get3A_1403 : vector<16xf32> to vector<16xf32>
    %get3A_1405 = arith.constant 560 : index
    %get3A_1406 = tpu.vector_load %arg7[%get3A_1405] {strides = array<i32>} : memref<1024xf32, #tpu.memory_space<vmem>>, vector<16xf32>,
    %get3A_1407 = vector.shape_cast %get3A_1406 : vector<16xf32> to vector<16xf32>
    %get3A_1408 = arith.constant 576 : index
    %get3A_1409 = tpu.vector_load %arg7[%get3A_1408] {strides = array<i32>} : memref<1024xf32, #tpu.memory_space<vmem>>, vector<16xf32>,
    %get3A_1410 = vector.shape_cast %get3A_1409 : vector<16xf32> to vector<16xf32>
    %get3A_1411 = arith.constant 592 : index
    %get3A_1412 = tpu.vector_load %arg7[%get3A_1411] {strides = array<i32>} : memref<1024xf32, #tpu.memory_space<vmem>>, vector<16xf32>,
    %get3A_1413 = vector.shape_cast %get3A_1412 : vector<16xf32> to vector<16xf32>
    %get3A_1414 = arith.constant 608 : index
    %get3A_1415 = tpu.vector_load %arg7[%get3A_1414] {strides = array<i32>} : memref<1024xf32, #tpu.memory_space<vmem>>, vector<16xf32>,
    %get3A_1416 = vector.shape_cast %get3A_1415 : vector<16xf32> to vector<16xf32>
    %get3A_1417 = arith.constant 624 : index
    %get3A_1418 = tpu.vector_load %arg7[%get3A_1417] {strides = array<i32>} : memref<1024xf32, #tpu.memory_space<vmem>>, vector<16xf32>,
    %get3A_1419 = vector.shape_cast %get3A_1418 : vector<16xf32> to vector<16xf32>
    %get3A_1420 = arith.constant 640 : index
    %get3A_1421 = tpu.vector_load %arg7[%get3A_1420] {strides = array<i32>} : memref<1024xf32, #tpu.memory_space<vmem>>, vector<16xf32>,
    %get3A_1422 = vector.shape_cast %get3A_1421 : vector<16xf32> to vector<16xf32>
    %get3A_1423 = arith.constant 656 : index
    %get3A_1424 = tpu.vector_load %arg7[%get3A_1423] {strides = array<i32>} : memref<1024xf32, #tpu.memory_space<vmem>>, vector<16xf32>,
    %get3A_1425 = vector.shape_cast %get3A_1424 : vector<16xf32> to vector<16xf32>
    %get3A_1426 = arith.constant 672 : index
    %get3A_1427 = tpu.vector_load %arg7[%get3A_1426] {strides = array<i32>} : memref<1024xf32, #tpu.memory_space<vmem>>, vector<16xf32>,
    %get3A_1428 = vector.shape_cast %get3A_1427 : vector<16xf32> to vector<16xf32>
    %get3A_1429 = arith.constant 688 : index
    %get3A_1430 = tpu.vector_load %arg7[%get3A_1429] {strides = array<i32>} : memref<1024xf32, #tpu.memory_space<vmem>>, vector<16xf32>,
    %get3A_1431 = vector.shape_cast %get3A_1430 : vector<16xf32> to vector<16xf32>
    %get3A_1432 = arith.constant 704 : index
    %get3A_1433 = tpu.vector_load %arg7[%get3A_1432] {strides = array<i32>} : memref<1024xf32, #tpu.memory_space<vmem>>, vector<16xf32>,
    %get3A_1434 = vector.shape_cast %get3A_1433 : vector<16xf32> to vector<16xf32>
    %get3A_1435 = arith.constant 720 : index
    %get3A_1436 = tpu.vector_load %arg7[%get3A_1435] {strides = array<i32>} : memref<1024xf32, #tpu.memory_space<vmem>>, vector<16xf32>,
    %get3A_1437 = vector.shape_cast %get3A_1436 : vector<16xf32> to vector<16xf32>
    %get3A_1438 = arith.constant 736 : index
    %get3A_1439 = tpu.vector_load %arg7[%get3A_1438] {strides = array<i32>} : memref<1024xf32, #tpu.memory_space<vmem>>, vector<16xf32>,
    %get3A_1440 = vector.shape_cast %get3A_1439 : vector<16xf32> to vector<16xf32>
    %get3A_1441 = arith.constant 752 : index
    %get3A_1442 = tpu.vector_load %arg7[%get3A_1441] {strides = array<i32>} : memref<1024xf32, #tpu.memory_space<vmem>>, vector<16xf32>,
    %get3A_1443 = vector.shape_cast %get3A_1442 : vector<16xf32> to vector<16xf32>
    %scan3A_1444 = arith.constant 0 : i32
    %scan3A_1445 = arith.constant 32 : i32
    %scan3A_1446 = arith.addi %scan3A_1444, %scan3A_1445 : i32
    %scan3A_1447 = arith.constant 1 : i32
    scf.for %scan3A_1558 = %scan3A_1444 to %scan3A_1446 step %scan3A_1447  : i32 {
      %mul3A_1559 = arith.constant 32 : i32
      %mul3A_1560 = arith.muli %add3A_713, %mul3A_1559 : i32
      %add3A_1561 = arith.addi %mul3A_1560, %scan3A_1558 : i32
      %broadcast_in_dim3A = arith.constant 0.000000e+00 : f32
      %broadcast_in_dim3A_1562 = vector.broadcast %broadcast_in_dim3A : f32 to vector<16xf32>
      %broadcast_in_dim3A_1563 = arith.constant 0.000000e+00 : f32
      %broadcast_in_dim3A_1564 = vector.broadcast %broadcast_in_dim3A_1563 : f32 to vector<16xf32>
      %get3A_1565 = arith.index_cast %scan3A_1558 : i32 to index
      %get3A_1566 = arith.constant 512 : index
      %get3A_1567 = tpu.vector_load %arg9[%get3A_1565, %get3A_1566] {strides = array<i32>} : memref<32x1024xf32, #tpu.memory_space<vmem>>, vector<1x16xf32>,
      %get3A_1568 = vector.shape_cast %get3A_1567 : vector<1x16xf32> to vector<16xf32>
      %sub3A_1569 = arith.subf %get3A_1568, %get3A_1350 : vector<16xf32>
      %mul3A_1570 = arith.mulf %sub3A_1569, %sub3A_1569 : vector<16xf32>
      %add3A_1571 = arith.addf %broadcast_in_dim3A_1562, %mul3A_1570 : vector<16xf32>
      %mul3A_1572 = arith.mulf %get3A_1568, %get3A_1398 : vector<16xf32>
      %add3A_1573 = arith.addf %broadcast_in_dim3A_1564, %mul3A_1572 : vector<16xf32>
      %get3A_1574 = arith.index_cast %scan3A_1558 : i32 to index
      %get3A_1575 = arith.constant 528 : index
      %get3A_1576 = tpu.vector_load %arg9[%get3A_1574, %get3A_1575] {strides = array<i32>} : memref<32x1024xf32, #tpu.memory_space<vmem>>, vector<1x16xf32>,
      %get3A_1577 = vector.shape_cast %get3A_1576 : vector<1x16xf32> to vector<16xf32>
      %sub3A_1578 = arith.subf %get3A_1577, %get3A_1353 : vector<16xf32>
      %mul3A_1579 = arith.mulf %sub3A_1578, %sub3A_1578 : vector<16xf32>
      %add3A_1580 = arith.addf %add3A_1571, %mul3A_1579 : vector<16xf32>
      %mul3A_1581 = arith.mulf %get3A_1577, %get3A_1401 : vector<16xf32>
      %add3A_1582 = arith.addf %add3A_1573, %mul3A_1581 : vector<16xf32>
      %get3A_1583 = arith.index_cast %scan3A_1558 : i32 to index
      %get3A_1584 = arith.constant 544 : index
      %get3A_1585 = tpu.vector_load %arg9[%get3A_1583, %get3A_1584] {strides = array<i32>} : memref<32x1024xf32, #tpu.memory_space<vmem>>, vector<1x16xf32>,
      %get3A_1586 = vector.shape_cast %get3A_1585 : vector<1x16xf32> to vector<16xf32>
      %sub3A_1587 = arith.subf %get3A_1586, %get3A_1356 : vector<16xf32>
      %mul3A_1588 = arith.mulf %sub3A_1587, %sub3A_1587 : vector<16xf32>
      %add3A_1589 = arith.addf %add3A_1580, %mul3A_1588 : vector<16xf32>
      %mul3A_1590 = arith.mulf %get3A_1586, %get3A_1404 : vector<16xf32>
      %add3A_1591 = arith.addf %add3A_1582, %mul3A_1590 : vector<16xf32>
      %get3A_1592 = arith.index_cast %scan3A_1558 : i32 to index
      %get3A_1593 = arith.constant 560 : index
      %get3A_1594 = tpu.vector_load %arg9[%get3A_1592, %get3A_1593] {strides = array<i32>} : memref<32x1024xf32, #tpu.memory_space<vmem>>, vector<1x16xf32>,
      %get3A_1595 = vector.shape_cast %get3A_1594 : vector<1x16xf32> to vector<16xf32>
      %sub3A_1596 = arith.subf %get3A_1595, %get3A_1359 : vector<16xf32>
      %mul3A_1597 = arith.mulf %sub3A_1596, %sub3A_1596 : vector<16xf32>
      %add3A_1598 = arith.addf %add3A_1589, %mul3A_1597 : vector<16xf32>
      %mul3A_1599 = arith.mulf %get3A_1595, %get3A_1407 : vector<16xf32>
      %add3A_1600 = arith.addf %add3A_1591, %mul3A_1599 : vector<16xf32>
      %get3A_1601 = arith.index_cast %scan3A_1558 : i32 to index
      %get3A_1602 = arith.constant 576 : index
      %get3A_1603 = tpu.vector_load %arg9[%get3A_1601, %get3A_1602] {strides = array<i32>} : memref<32x1024xf32, #tpu.memory_space<vmem>>, vector<1x16xf32>,
      %get3A_1604 = vector.shape_cast %get3A_1603 : vector<1x16xf32> to vector<16xf32>
      %sub3A_1605 = arith.subf %get3A_1604, %get3A_1362 : vector<16xf32>
      %mul3A_1606 = arith.mulf %sub3A_1605, %sub3A_1605 : vector<16xf32>
      %add3A_1607 = arith.addf %add3A_1598, %mul3A_1606 : vector<16xf32>
      %mul3A_1608 = arith.mulf %get3A_1604, %get3A_1410 : vector<16xf32>
      %add3A_1609 = arith.addf %add3A_1600, %mul3A_1608 : vector<16xf32>
      %get3A_1610 = arith.index_cast %scan3A_1558 : i32 to index
      %get3A_1611 = arith.constant 592 : index
      %get3A_1612 = tpu.vector_load %arg9[%get3A_1610, %get3A_1611] {strides = array<i32>} : memref<32x1024xf32, #tpu.memory_space<vmem>>, vector<1x16xf32>,
      %get3A_1613 = vector.shape_cast %get3A_1612 : vector<1x16xf32> to vector<16xf32>
      %sub3A_1614 = arith.subf %get3A_1613, %get3A_1365 : vector<16xf32>
      %mul3A_1615 = arith.mulf %sub3A_1614, %sub3A_1614 : vector<16xf32>
      %add3A_1616 = arith.addf %add3A_1607, %mul3A_1615 : vector<16xf32>
      %mul3A_1617 = arith.mulf %get3A_1613, %get3A_1413 : vector<16xf32>
      %add3A_1618 = arith.addf %add3A_1609, %mul3A_1617 : vector<16xf32>
      %get3A_1619 = arith.index_cast %scan3A_1558 : i32 to index
      %get3A_1620 = arith.constant 608 : index
      %get3A_1621 = tpu.vector_load %arg9[%get3A_1619, %get3A_1620] {strides = array<i32>} : memref<32x1024xf32, #tpu.memory_space<vmem>>, vector<1x16xf32>,
      %get3A_1622 = vector.shape_cast %get3A_1621 : vector<1x16xf32> to vector<16xf32>
      %sub3A_1623 = arith.subf %get3A_1622, %get3A_1368 : vector<16xf32>
      %mul3A_1624 = arith.mulf %sub3A_1623, %sub3A_1623 : vector<16xf32>
      %add3A_1625 = arith.addf %add3A_1616, %mul3A_1624 : vector<16xf32>
      %mul3A_1626 = arith.mulf %get3A_1622, %get3A_1416 : vector<16xf32>
      %add3A_1627 = arith.addf %add3A_1618, %mul3A_1626 : vector<16xf32>
      %get3A_1628 = arith.index_cast %scan3A_1558 : i32 to index
      %get3A_1629 = arith.constant 624 : index
      %get3A_1630 = tpu.vector_load %arg9[%get3A_1628, %get3A_1629] {strides = array<i32>} : memref<32x1024xf32, #tpu.memory_space<vmem>>, vector<1x16xf32>,
      %get3A_1631 = vector.shape_cast %get3A_1630 : vector<1x16xf32> to vector<16xf32>
      %sub3A_1632 = arith.subf %get3A_1631, %get3A_1371 : vector<16xf32>
      %mul3A_1633 = arith.mulf %sub3A_1632, %sub3A_1632 : vector<16xf32>
      %add3A_1634 = arith.addf %add3A_1625, %mul3A_1633 : vector<16xf32>
      %mul3A_1635 = arith.mulf %get3A_1631, %get3A_1419 : vector<16xf32>
      %add3A_1636 = arith.addf %add3A_1627, %mul3A_1635 : vector<16xf32>
      %get3A_1637 = arith.index_cast %scan3A_1558 : i32 to index
      %get3A_1638 = arith.constant 640 : index
      %get3A_1639 = tpu.vector_load %arg9[%get3A_1637, %get3A_1638] {strides = array<i32>} : memref<32x1024xf32, #tpu.memory_space<vmem>>, vector<1x16xf32>,
      %get3A_1640 = vector.shape_cast %get3A_1639 : vector<1x16xf32> to vector<16xf32>
      %sub3A_1641 = arith.subf %get3A_1640, %get3A_1374 : vector<16xf32>
      %mul3A_1642 = arith.mulf %sub3A_1641, %sub3A_1641 : vector<16xf32>
      %add3A_1643 = arith.addf %add3A_1634, %mul3A_1642 : vector<16xf32>
      %mul3A_1644 = arith.mulf %get3A_1640, %get3A_1422 : vector<16xf32>
      %add3A_1645 = arith.addf %add3A_1636, %mul3A_1644 : vector<16xf32>
      %get3A_1646 = arith.index_cast %scan3A_1558 : i32 to index
      %get3A_1647 = arith.constant 656 : index
      %get3A_1648 = tpu.vector_load %arg9[%get3A_1646, %get3A_1647] {strides = array<i32>} : memref<32x1024xf32, #tpu.memory_space<vmem>>, vector<1x16xf32>,
      %get3A_1649 = vector.shape_cast %get3A_1648 : vector<1x16xf32> to vector<16xf32>
      %sub3A_1650 = arith.subf %get3A_1649, %get3A_1377 : vector<16xf32>
      %mul3A_1651 = arith.mulf %sub3A_1650, %sub3A_1650 : vector<16xf32>
      %add3A_1652 = arith.addf %add3A_1643, %mul3A_1651 : vector<16xf32>
      %mul3A_1653 = arith.mulf %get3A_1649, %get3A_1425 : vector<16xf32>
      %add3A_1654 = arith.addf %add3A_1645, %mul3A_1653 : vector<16xf32>
      %get3A_1655 = arith.index_cast %scan3A_1558 : i32 to index
      %get3A_1656 = arith.constant 672 : index
      %get3A_1657 = tpu.vector_load %arg9[%get3A_1655, %get3A_1656] {strides = array<i32>} : memref<32x1024xf32, #tpu.memory_space<vmem>>, vector<1x16xf32>,
      %get3A_1658 = vector.shape_cast %get3A_1657 : vector<1x16xf32> to vector<16xf32>
      %sub3A_1659 = arith.subf %get3A_1658, %get3A_1380 : vector<16xf32>
      %mul3A_1660 = arith.mulf %sub3A_1659, %sub3A_1659 : vector<16xf32>
      %add3A_1661 = arith.addf %add3A_1652, %mul3A_1660 : vector<16xf32>
      %mul3A_1662 = arith.mulf %get3A_1658, %get3A_1428 : vector<16xf32>
      %add3A_1663 = arith.addf %add3A_1654, %mul3A_1662 : vector<16xf32>
      %get3A_1664 = arith.index_cast %scan3A_1558 : i32 to index
      %get3A_1665 = arith.constant 688 : index
      %get3A_1666 = tpu.vector_load %arg9[%get3A_1664, %get3A_1665] {strides = array<i32>} : memref<32x1024xf32, #tpu.memory_space<vmem>>, vector<1x16xf32>,
      %get3A_1667 = vector.shape_cast %get3A_1666 : vector<1x16xf32> to vector<16xf32>
      %sub3A_1668 = arith.subf %get3A_1667, %get3A_1383 : vector<16xf32>
      %mul3A_1669 = arith.mulf %sub3A_1668, %sub3A_1668 : vector<16xf32>
      %add3A_1670 = arith.addf %add3A_1661, %mul3A_1669 : vector<16xf32>
      %mul3A_1671 = arith.mulf %get3A_1667, %get3A_1431 : vector<16xf32>
      %add3A_1672 = arith.addf %add3A_1663, %mul3A_1671 : vector<16xf32>
      %get3A_1673 = arith.index_cast %scan3A_1558 : i32 to index
      %get3A_1674 = arith.constant 704 : index
      %get3A_1675 = tpu.vector_load %arg9[%get3A_1673, %get3A_1674] {strides = array<i32>} : memref<32x1024xf32, #tpu.memory_space<vmem>>, vector<1x16xf32>,
      %get3A_1676 = vector.shape_cast %get3A_1675 : vector<1x16xf32> to vector<16xf32>
      %sub3A_1677 = arith.subf %get3A_1676, %get3A_1386 : vector<16xf32>
      %mul3A_1678 = arith.mulf %sub3A_1677, %sub3A_1677 : vector<16xf32>
      %add3A_1679 = arith.addf %add3A_1670, %mul3A_1678 : vector<16xf32>
      %mul3A_1680 = arith.mulf %get3A_1676, %get3A_1434 : vector<16xf32>
      %add3A_1681 = arith.addf %add3A_1672, %mul3A_1680 : vector<16xf32>
      %get3A_1682 = arith.index_cast %scan3A_1558 : i32 to index
      %get3A_1683 = arith.constant 720 : index
      %get3A_1684 = tpu.vector_load %arg9[%get3A_1682, %get3A_1683] {strides = array<i32>} : memref<32x1024xf32, #tpu.memory_space<vmem>>, vector<1x16xf32>,
      %get3A_1685 = vector.shape_cast %get3A_1684 : vector<1x16xf32> to vector<16xf32>
      %sub3A_1686 = arith.subf %get3A_1685, %get3A_1389 : vector<16xf32>
      %mul3A_1687 = arith.mulf %sub3A_1686, %sub3A_1686 : vector<16xf32>
      %add3A_1688 = arith.addf %add3A_1679, %mul3A_1687 : vector<16xf32>
      %mul3A_1689 = arith.mulf %get3A_1685, %get3A_1437 : vector<16xf32>
      %add3A_1690 = arith.addf %add3A_1681, %mul3A_1689 : vector<16xf32>
      %get3A_1691 = arith.index_cast %scan3A_1558 : i32 to index
      %get3A_1692 = arith.constant 736 : index
      %get3A_1693 = tpu.vector_load %arg9[%get3A_1691, %get3A_1692] {strides = array<i32>} : memref<32x1024xf32, #tpu.memory_space<vmem>>, vector<1x16xf32>,
      %get3A_1694 = vector.shape_cast %get3A_1693 : vector<1x16xf32> to vector<16xf32>
      %sub3A_1695 = arith.subf %get3A_1694, %get3A_1392 : vector<16xf32>
      %mul3A_1696 = arith.mulf %sub3A_1695, %sub3A_1695 : vector<16xf32>
      %add3A_1697 = arith.addf %add3A_1688, %mul3A_1696 : vector<16xf32>
      %mul3A_1698 = arith.mulf %get3A_1694, %get3A_1440 : vector<16xf32>
      %add3A_1699 = arith.addf %add3A_1690, %mul3A_1698 : vector<16xf32>
      %get3A_1700 = arith.index_cast %scan3A_1558 : i32 to index
      %get3A_1701 = arith.constant 752 : index
      %get3A_1702 = tpu.vector_load %arg9[%get3A_1700, %get3A_1701] {strides = array<i32>} : memref<32x1024xf32, #tpu.memory_space<vmem>>, vector<1x16xf32>,
      %get3A_1703 = vector.shape_cast %get3A_1702 : vector<1x16xf32> to vector<16xf32>
      %sub3A_1704 = arith.subf %get3A_1703, %get3A_1395 : vector<16xf32>
      %mul3A_1705 = arith.mulf %sub3A_1704, %sub3A_1704 : vector<16xf32>
      %add3A_1706 = arith.addf %add3A_1697, %mul3A_1705 : vector<16xf32>
      %mul3A_1707 = arith.mulf %get3A_1703, %get3A_1443 : vector<16xf32>
      %add3A_1708 = arith.addf %add3A_1699, %mul3A_1707 : vector<16xf32>
      %get3A_1709 = arith.index_cast %add3A_1561 : i32 to index
      %get3A_1710 = arith.constant 0 : index
      %get3A_1711 = tpu.vector_load %arg10[%get3A_1709, %get3A_1710] {strides = array<i32>} : memref<64x16xf32, #tpu.memory_space<vmem>>, vector<1x16xf32>,
      %get3A_1712 = vector.shape_cast %get3A_1711 : vector<1x16xf32> to vector<16xf32>
      %add3A_1713 = arith.addf %get3A_1712, %add3A_1706 : vector<16xf32>
      %swap3A_1714 = arith.index_cast %add3A_1561 : i32 to index
      %swap3A_1715 = arith.constant 0 : index
      %swap3A_1716 = tpu.vector_load %arg10[%swap3A_1714, %swap3A_1715] {strides = array<i32>} : memref<64x16xf32, #tpu.memory_space<vmem>>, vector<1x16xf32>,
      %swap3A_1717 = vector.shape_cast %swap3A_1716 : vector<1x16xf32> to vector<16xf32>
      %swap3A_1718 = vector.shape_cast %add3A_1713 : vector<16xf32> to vector<1x16xf32>
      tpu.vector_store %arg10[%swap3A_1714, %swap3A_1715], %swap3A_1718 {strides = array<i32>} : memref<64x16xf32, #tpu.memory_space<vmem>>, vector<1x16xf32>,
      %get3A_1719 = arith.index_cast %add3A_1561 : i32 to index
      %get3A_1720 = arith.constant 0 : index
      %get3A_1721 = tpu.vector_load %arg11[%get3A_1719, %get3A_1720] {strides = array<i32>} : memref<64x16xf32, #tpu.memory_space<vmem>>, vector<1x16xf32>,
      %get3A_1722 = vector.shape_cast %get3A_1721 : vector<1x16xf32> to vector<16xf32>
      %add3A_1723 = arith.addf %get3A_1722, %add3A_1708 : vector<16xf32>
      %swap3A_1724 = arith.index_cast %add3A_1561 : i32 to index
      %swap3A_1725 = arith.constant 0 : index
      %swap3A_1726 = tpu.vector_load %arg11[%swap3A_1724, %swap3A_1725] {strides = array<i32>} : memref<64x16xf32, #tpu.memory_space<vmem>>, vector<1x16xf32>,
      %swap3A_1727 = vector.shape_cast %swap3A_1726 : vector<1x16xf32> to vector<16xf32>
      %swap3A_1728 = vector.shape_cast %add3A_1723 : vector<16xf32> to vector<1x16xf32>
      tpu.vector_store %arg11[%swap3A_1724, %swap3A_1725], %swap3A_1728 {strides = array<i32>} : memref<64x16xf32, #tpu.memory_space<vmem>>, vector<1x16xf32>,
    }
    %scan3A_1448 = arith.constant 32 : i32
    %get3A_1449 = arith.constant 768 : index
    %get3A_1450 = tpu.vector_load %arg6[%get3A_1449] {strides = array<i32>} : memref<2048xf32, #tpu.memory_space<vmem>>, vector<16xf32>,
    %get3A_1451 = vector.shape_cast %get3A_1450 : vector<16xf32> to vector<16xf32>
    %get3A_1452 = arith.constant 784 : index
    %get3A_1453 = tpu.vector_load %arg6[%get3A_1452] {strides = array<i32>} : memref<2048xf32, #tpu.memory_space<vmem>>, vector<16xf32>,
    %get3A_1454 = vector.shape_cast %get3A_1453 : vector<16xf32> to vector<16xf32>
    %get3A_1455 = arith.constant 800 : index
    %get3A_1456 = tpu.vector_load %arg6[%get3A_1455] {strides = array<i32>} : memref<2048xf32, #tpu.memory_space<vmem>>, vector<16xf32>,
    %get3A_1457 = vector.shape_cast %get3A_1456 : vector<16xf32> to vector<16xf32>
    %get3A_1458 = arith.constant 816 : index
    %get3A_1459 = tpu.vector_load %arg6[%get3A_1458] {strides = array<i32>} : memref<2048xf32, #tpu.memory_space<vmem>>, vector<16xf32>,
    %get3A_1460 = vector.shape_cast %get3A_1459 : vector<16xf32> to vector<16xf32>
    %get3A_1461 = arith.constant 832 : index
    %get3A_1462 = tpu.vector_load %arg6[%get3A_1461] {strides = array<i32>} : memref<2048xf32, #tpu.memory_space<vmem>>, vector<16xf32>,
    %get3A_1463 = vector.shape_cast %get3A_1462 : vector<16xf32> to vector<16xf32>
    %get3A_1464 = arith.constant 848 : index
    %get3A_1465 = tpu.vector_load %arg6[%get3A_1464] {strides = array<i32>} : memref<2048xf32, #tpu.memory_space<vmem>>, vector<16xf32>,
    %get3A_1466 = vector.shape_cast %get3A_1465 : vector<16xf32> to vector<16xf32>
    %get3A_1467 = arith.constant 864 : index
    %get3A_1468 = tpu.vector_load %arg6[%get3A_1467] {strides = array<i32>} : memref<2048xf32, #tpu.memory_space<vmem>>, vector<16xf32>,
    %get3A_1469 = vector.shape_cast %get3A_1468 : vector<16xf32> to vector<16xf32>
    %get3A_1470 = arith.constant 880 : index
    %get3A_1471 = tpu.vector_load %arg6[%get3A_1470] {strides = array<i32>} : memref<2048xf32, #tpu.memory_space<vmem>>, vector<16xf32>,
    %get3A_1472 = vector.shape_cast %get3A_1471 : vector<16xf32> to vector<16xf32>
    %get3A_1473 = arith.constant 896 : index
    %get3A_1474 = tpu.vector_load %arg6[%get3A_1473] {strides = array<i32>} : memref<2048xf32, #tpu.memory_space<vmem>>, vector<16xf32>,
    %get3A_1475 = vector.shape_cast %get3A_1474 : vector<16xf32> to vector<16xf32>
    %get3A_1476 = arith.constant 912 : index
    %get3A_1477 = tpu.vector_load %arg6[%get3A_1476] {strides = array<i32>} : memref<2048xf32, #tpu.memory_space<vmem>>, vector<16xf32>,
    %get3A_1478 = vector.shape_cast %get3A_1477 : vector<16xf32> to vector<16xf32>
    %get3A_1479 = arith.constant 928 : index
    %get3A_1480 = tpu.vector_load %arg6[%get3A_1479] {strides = array<i32>} : memref<2048xf32, #tpu.memory_space<vmem>>, vector<16xf32>,
    %get3A_1481 = vector.shape_cast %get3A_1480 : vector<16xf32> to vector<16xf32>
    %get3A_1482 = arith.constant 944 : index
    %get3A_1483 = tpu.vector_load %arg6[%get3A_1482] {strides = array<i32>} : memref<2048xf32, #tpu.memory_space<vmem>>, vector<16xf32>,
    %get3A_1484 = vector.shape_cast %get3A_1483 : vector<16xf32> to vector<16xf32>
    %get3A_1485 = arith.constant 960 : index
    %get3A_1486 = tpu.vector_load %arg6[%get3A_1485] {strides = array<i32>} : memref<2048xf32, #tpu.memory_space<vmem>>, vector<16xf32>,
    %get3A_1487 = vector.shape_cast %get3A_1486 : vector<16xf32> to vector<16xf32>
    %get3A_1488 = arith.constant 976 : index
    %get3A_1489 = tpu.vector_load %arg6[%get3A_1488] {strides = array<i32>} : memref<2048xf32, #tpu.memory_space<vmem>>, vector<16xf32>,
    %get3A_1490 = vector.shape_cast %get3A_1489 : vector<16xf32> to vector<16xf32>
    %get3A_1491 = arith.constant 992 : index
    %get3A_1492 = tpu.vector_load %arg6[%get3A_1491] {strides = array<i32>} : memref<2048xf32, #tpu.memory_space<vmem>>, vector<16xf32>,
    %get3A_1493 = vector.shape_cast %get3A_1492 : vector<16xf32> to vector<16xf32>
    %get3A_1494 = arith.constant 1008 : index
    %get3A_1495 = tpu.vector_load %arg6[%get3A_1494] {strides = array<i32>} : memref<2048xf32, #tpu.memory_space<vmem>>, vector<16xf32>,
    %get3A_1496 = vector.shape_cast %get3A_1495 : vector<16xf32> to vector<16xf32>
    %get3A_1497 = arith.constant 768 : index
    %get3A_1498 = tpu.vector_load %arg7[%get3A_1497] {strides = array<i32>} : memref<1024xf32, #tpu.memory_space<vmem>>, vector<16xf32>,
    %get3A_1499 = vector.shape_cast %get3A_1498 : vector<16xf32> to vector<16xf32>
    %get3A_1500 = arith.constant 784 : index
    %get3A_1501 = tpu.vector_load %arg7[%get3A_1500] {strides = array<i32>} : memref<1024xf32, #tpu.memory_space<vmem>>, vector<16xf32>,
    %get3A_1502 = vector.shape_cast %get3A_1501 : vector<16xf32> to vector<16xf32>
    %get3A_1503 = arith.constant 800 : index
    %get3A_1504 = tpu.vector_load %arg7[%get3A_1503] {strides = array<i32>} : memref<1024xf32, #tpu.memory_space<vmem>>, vector<16xf32>,
    %get3A_1505 = vector.shape_cast %get3A_1504 : vector<16xf32> to vector<16xf32>
    %get3A_1506 = arith.constant 816 : index
    %get3A_1507 = tpu.vector_load %arg7[%get3A_1506] {strides = array<i32>} : memref<1024xf32, #tpu.memory_space<vmem>>, vector<16xf32>,
    %get3A_1508 = vector.shape_cast %get3A_1507 : vector<16xf32> to vector<16xf32>
    %get3A_1509 = arith.constant 832 : index
    %get3A_1510 = tpu.vector_load %arg7[%get3A_1509] {strides = array<i32>} : memref<1024xf32, #tpu.memory_space<vmem>>, vector<16xf32>,
    %get3A_1511 = vector.shape_cast %get3A_1510 : vector<16xf32> to vector<16xf32>
    %get3A_1512 = arith.constant 848 : index
    %get3A_1513 = tpu.vector_load %arg7[%get3A_1512] {strides = array<i32>} : memref<1024xf32, #tpu.memory_space<vmem>>, vector<16xf32>,
    %get3A_1514 = vector.shape_cast %get3A_1513 : vector<16xf32> to vector<16xf32>
    %get3A_1515 = arith.constant 864 : index
    %get3A_1516 = tpu.vector_load %arg7[%get3A_1515] {strides = array<i32>} : memref<1024xf32, #tpu.memory_space<vmem>>, vector<16xf32>,
    %get3A_1517 = vector.shape_cast %get3A_1516 : vector<16xf32> to vector<16xf32>
    %get3A_1518 = arith.constant 880 : index
    %get3A_1519 = tpu.vector_load %arg7[%get3A_1518] {strides = array<i32>} : memref<1024xf32, #tpu.memory_space<vmem>>, vector<16xf32>,
    %get3A_1520 = vector.shape_cast %get3A_1519 : vector<16xf32> to vector<16xf32>
    %get3A_1521 = arith.constant 896 : index
    %get3A_1522 = tpu.vector_load %arg7[%get3A_1521] {strides = array<i32>} : memref<1024xf32, #tpu.memory_space<vmem>>, vector<16xf32>,
    %get3A_1523 = vector.shape_cast %get3A_1522 : vector<16xf32> to vector<16xf32>
    %get3A_1524 = arith.constant 912 : index
    %get3A_1525 = tpu.vector_load %arg7[%get3A_1524] {strides = array<i32>} : memref<1024xf32, #tpu.memory_space<vmem>>, vector<16xf32>,
    %get3A_1526 = vector.shape_cast %get3A_1525 : vector<16xf32> to vector<16xf32>
    %get3A_1527 = arith.constant 928 : index
    %get3A_1528 = tpu.vector_load %arg7[%get3A_1527] {strides = array<i32>} : memref<1024xf32, #tpu.memory_space<vmem>>, vector<16xf32>,
    %get3A_1529 = vector.shape_cast %get3A_1528 : vector<16xf32> to vector<16xf32>
    %get3A_1530 = arith.constant 944 : index
    %get3A_1531 = tpu.vector_load %arg7[%get3A_1530] {strides = array<i32>} : memref<1024xf32, #tpu.memory_space<vmem>>, vector<16xf32>,
    %get3A_1532 = vector.shape_cast %get3A_1531 : vector<16xf32> to vector<16xf32>
    %get3A_1533 = arith.constant 960 : index
    %get3A_1534 = tpu.vector_load %arg7[%get3A_1533] {strides = array<i32>} : memref<1024xf32, #tpu.memory_space<vmem>>, vector<16xf32>,
    %get3A_1535 = vector.shape_cast %get3A_1534 : vector<16xf32> to vector<16xf32>
    %get3A_1536 = arith.constant 976 : index
    %get3A_1537 = tpu.vector_load %arg7[%get3A_1536] {strides = array<i32>} : memref<1024xf32, #tpu.memory_space<vmem>>, vector<16xf32>,
    %get3A_1538 = vector.shape_cast %get3A_1537 : vector<16xf32> to vector<16xf32>
    %get3A_1539 = arith.constant 992 : index
    %get3A_1540 = tpu.vector_load %arg7[%get3A_1539] {strides = array<i32>} : memref<1024xf32, #tpu.memory_space<vmem>>, vector<16xf32>,
    %get3A_1541 = vector.shape_cast %get3A_1540 : vector<16xf32> to vector<16xf32>
    %get3A_1542 = arith.constant 1008 : index
    %get3A_1543 = tpu.vector_load %arg7[%get3A_1542] {strides = array<i32>} : memref<1024xf32, #tpu.memory_space<vmem>>, vector<16xf32>,
    %get3A_1544 = vector.shape_cast %get3A_1543 : vector<16xf32> to vector<16xf32>
    %scan3A_1545 = arith.constant 0 : i32
    %scan3A_1546 = arith.constant 32 : i32
    %scan3A_1547 = arith.addi %scan3A_1545, %scan3A_1546 : i32
    %scan3A_1548 = arith.constant 1 : i32
    scf.for %scan3A_1558 = %scan3A_1545 to %scan3A_1547 step %scan3A_1548  : i32 {
      %mul3A_1559 = arith.constant 32 : i32
      %mul3A_1560 = arith.muli %add3A_713, %mul3A_1559 : i32
      %add3A_1561 = arith.addi %mul3A_1560, %scan3A_1558 : i32
      %broadcast_in_dim3A = arith.constant 0.000000e+00 : f32
      %broadcast_in_dim3A_1562 = vector.broadcast %broadcast_in_dim3A : f32 to vector<16xf32>
      %broadcast_in_dim3A_1563 = arith.constant 0.000000e+00 : f32
      %broadcast_in_dim3A_1564 = vector.broadcast %broadcast_in_dim3A_1563 : f32 to vector<16xf32>
      %get3A_1565 = arith.index_cast %scan3A_1558 : i32 to index
      %get3A_1566 = arith.constant 768 : index
      %get3A_1567 = tpu.vector_load %arg9[%get3A_1565, %get3A_1566] {strides = array<i32>} : memref<32x1024xf32, #tpu.memory_space<vmem>>, vector<1x16xf32>,
      %get3A_1568 = vector.shape_cast %get3A_1567 : vector<1x16xf32> to vector<16xf32>
      %sub3A_1569 = arith.subf %get3A_1568, %get3A_1451 : vector<16xf32>
      %mul3A_1570 = arith.mulf %sub3A_1569, %sub3A_1569 : vector<16xf32>
      %add3A_1571 = arith.addf %broadcast_in_dim3A_1562, %mul3A_1570 : vector<16xf32>
      %mul3A_1572 = arith.mulf %get3A_1568, %get3A_1499 : vector<16xf32>
      %add3A_1573 = arith.addf %broadcast_in_dim3A_1564, %mul3A_1572 : vector<16xf32>
      %get3A_1574 = arith.index_cast %scan3A_1558 : i32 to index
      %get3A_1575 = arith.constant 784 : index
      %get3A_1576 = tpu.vector_load %arg9[%get3A_1574, %get3A_1575] {strides = array<i32>} : memref<32x1024xf32, #tpu.memory_space<vmem>>, vector<1x16xf32>,
      %get3A_1577 = vector.shape_cast %get3A_1576 : vector<1x16xf32> to vector<16xf32>
      %sub3A_1578 = arith.subf %get3A_1577, %get3A_1454 : vector<16xf32>
      %mul3A_1579 = arith.mulf %sub3A_1578, %sub3A_1578 : vector<16xf32>
      %add3A_1580 = arith.addf %add3A_1571, %mul3A_1579 : vector<16xf32>
      %mul3A_1581 = arith.mulf %get3A_1577, %get3A_1502 : vector<16xf32>
      %add3A_1582 = arith.addf %add3A_1573, %mul3A_1581 : vector<16xf32>
      %get3A_1583 = arith.index_cast %scan3A_1558 : i32 to index
      %get3A_1584 = arith.constant 800 : index
      %get3A_1585 = tpu.vector_load %arg9[%get3A_1583, %get3A_1584] {strides = array<i32>} : memref<32x1024xf32, #tpu.memory_space<vmem>>, vector<1x16xf32>,
      %get3A_1586 = vector.shape_cast %get3A_1585 : vector<1x16xf32> to vector<16xf32>
      %sub3A_1587 = arith.subf %get3A_1586, %get3A_1457 : vector<16xf32>
      %mul3A_1588 = arith.mulf %sub3A_1587, %sub3A_1587 : vector<16xf32>
      %add3A_1589 = arith.addf %add3A_1580, %mul3A_1588 : vector<16xf32>
      %mul3A_1590 = arith.mulf %get3A_1586, %get3A_1505 : vector<16xf32>
      %add3A_1591 = arith.addf %add3A_1582, %mul3A_1590 : vector<16xf32>
      %get3A_1592 = arith.index_cast %scan3A_1558 : i32 to index
      %get3A_1593 = arith.constant 816 : index
      %get3A_1594 = tpu.vector_load %arg9[%get3A_1592, %get3A_1593] {strides = array<i32>} : memref<32x1024xf32, #tpu.memory_space<vmem>>, vector<1x16xf32>,
      %get3A_1595 = vector.shape_cast %get3A_1594 : vector<1x16xf32> to vector<16xf32>
      %sub3A_1596 = arith.subf %get3A_1595, %get3A_1460 : vector<16xf32>
      %mul3A_1597 = arith.mulf %sub3A_1596, %sub3A_1596 : vector<16xf32>
      %add3A_1598 = arith.addf %add3A_1589, %mul3A_1597 : vector<16xf32>
      %mul3A_1599 = arith.mulf %get3A_1595, %get3A_1508 : vector<16xf32>
      %add3A_1600 = arith.addf %add3A_1591, %mul3A_1599 : vector<16xf32>
      %get3A_1601 = arith.index_cast %scan3A_1558 : i32 to index
      %get3A_1602 = arith.constant 832 : index
      %get3A_1603 = tpu.vector_load %arg9[%get3A_1601, %get3A_1602] {strides = array<i32>} : memref<32x1024xf32, #tpu.memory_space<vmem>>, vector<1x16xf32>,
      %get3A_1604 = vector.shape_cast %get3A_1603 : vector<1x16xf32> to vector<16xf32>
      %sub3A_1605 = arith.subf %get3A_1604, %get3A_1463 : vector<16xf32>
      %mul3A_1606 = arith.mulf %sub3A_1605, %sub3A_1605 : vector<16xf32>
      %add3A_1607 = arith.addf %add3A_1598, %mul3A_1606 : vector<16xf32>
      %mul3A_1608 = arith.mulf %get3A_1604, %get3A_1511 : vector<16xf32>
      %add3A_1609 = arith.addf %add3A_1600, %mul3A_1608 : vector<16xf32>
      %get3A_1610 = arith.index_cast %scan3A_1558 : i32 to index
      %get3A_1611 = arith.constant 848 : index
      %get3A_1612 = tpu.vector_load %arg9[%get3A_1610, %get3A_1611] {strides = array<i32>} : memref<32x1024xf32, #tpu.memory_space<vmem>>, vector<1x16xf32>,
      %get3A_1613 = vector.shape_cast %get3A_1612 : vector<1x16xf32> to vector<16xf32>
      %sub3A_1614 = arith.subf %get3A_1613, %get3A_1466 : vector<16xf32>
      %mul3A_1615 = arith.mulf %sub3A_1614, %sub3A_1614 : vector<16xf32>
      %add3A_1616 = arith.addf %add3A_1607, %mul3A_1615 : vector<16xf32>
      %mul3A_1617 = arith.mulf %get3A_1613, %get3A_1514 : vector<16xf32>
      %add3A_1618 = arith.addf %add3A_1609, %mul3A_1617 : vector<16xf32>
      %get3A_1619 = arith.index_cast %scan3A_1558 : i32 to index
      %get3A_1620 = arith.constant 864 : index
      %get3A_1621 = tpu.vector_load %arg9[%get3A_1619, %get3A_1620] {strides = array<i32>} : memref<32x1024xf32, #tpu.memory_space<vmem>>, vector<1x16xf32>,
      %get3A_1622 = vector.shape_cast %get3A_1621 : vector<1x16xf32> to vector<16xf32>
      %sub3A_1623 = arith.subf %get3A_1622, %get3A_1469 : vector<16xf32>
      %mul3A_1624 = arith.mulf %sub3A_1623, %sub3A_1623 : vector<16xf32>
      %add3A_1625 = arith.addf %add3A_1616, %mul3A_1624 : vector<16xf32>
      %mul3A_1626 = arith.mulf %get3A_1622, %get3A_1517 : vector<16xf32>
      %add3A_1627 = arith.addf %add3A_1618, %mul3A_1626 : vector<16xf32>
      %get3A_1628 = arith.index_cast %scan3A_1558 : i32 to index
      %get3A_1629 = arith.constant 880 : index
      %get3A_1630 = tpu.vector_load %arg9[%get3A_1628, %get3A_1629] {strides = array<i32>} : memref<32x1024xf32, #tpu.memory_space<vmem>>, vector<1x16xf32>,
      %get3A_1631 = vector.shape_cast %get3A_1630 : vector<1x16xf32> to vector<16xf32>
      %sub3A_1632 = arith.subf %get3A_1631, %get3A_1472 : vector<16xf32>
      %mul3A_1633 = arith.mulf %sub3A_1632, %sub3A_1632 : vector<16xf32>
      %add3A_1634 = arith.addf %add3A_1625, %mul3A_1633 : vector<16xf32>
      %mul3A_1635 = arith.mulf %get3A_1631, %get3A_1520 : vector<16xf32>
      %add3A_1636 = arith.addf %add3A_1627, %mul3A_1635 : vector<16xf32>
      %get3A_1637 = arith.index_cast %scan3A_1558 : i32 to index
      %get3A_1638 = arith.constant 896 : index
      %get3A_1639 = tpu.vector_load %arg9[%get3A_1637, %get3A_1638] {strides = array<i32>} : memref<32x1024xf32, #tpu.memory_space<vmem>>, vector<1x16xf32>,
      %get3A_1640 = vector.shape_cast %get3A_1639 : vector<1x16xf32> to vector<16xf32>
      %sub3A_1641 = arith.subf %get3A_1640, %get3A_1475 : vector<16xf32>
      %mul3A_1642 = arith.mulf %sub3A_1641, %sub3A_1641 : vector<16xf32>
      %add3A_1643 = arith.addf %add3A_1634, %mul3A_1642 : vector<16xf32>
      %mul3A_1644 = arith.mulf %get3A_1640, %get3A_1523 : vector<16xf32>
      %add3A_1645 = arith.addf %add3A_1636, %mul3A_1644 : vector<16xf32>
      %get3A_1646 = arith.index_cast %scan3A_1558 : i32 to index
      %get3A_1647 = arith.constant 912 : index
      %get3A_1648 = tpu.vector_load %arg9[%get3A_1646, %get3A_1647] {strides = array<i32>} : memref<32x1024xf32, #tpu.memory_space<vmem>>, vector<1x16xf32>,
      %get3A_1649 = vector.shape_cast %get3A_1648 : vector<1x16xf32> to vector<16xf32>
      %sub3A_1650 = arith.subf %get3A_1649, %get3A_1478 : vector<16xf32>
      %mul3A_1651 = arith.mulf %sub3A_1650, %sub3A_1650 : vector<16xf32>
      %add3A_1652 = arith.addf %add3A_1643, %mul3A_1651 : vector<16xf32>
      %mul3A_1653 = arith.mulf %get3A_1649, %get3A_1526 : vector<16xf32>
      %add3A_1654 = arith.addf %add3A_1645, %mul3A_1653 : vector<16xf32>
      %get3A_1655 = arith.index_cast %scan3A_1558 : i32 to index
      %get3A_1656 = arith.constant 928 : index
      %get3A_1657 = tpu.vector_load %arg9[%get3A_1655, %get3A_1656] {strides = array<i32>} : memref<32x1024xf32, #tpu.memory_space<vmem>>, vector<1x16xf32>,
      %get3A_1658 = vector.shape_cast %get3A_1657 : vector<1x16xf32> to vector<16xf32>
      %sub3A_1659 = arith.subf %get3A_1658, %get3A_1481 : vector<16xf32>
      %mul3A_1660 = arith.mulf %sub3A_1659, %sub3A_1659 : vector<16xf32>
      %add3A_1661 = arith.addf %add3A_1652, %mul3A_1660 : vector<16xf32>
      %mul3A_1662 = arith.mulf %get3A_1658, %get3A_1529 : vector<16xf32>
      %add3A_1663 = arith.addf %add3A_1654, %mul3A_1662 : vector<16xf32>
      %get3A_1664 = arith.index_cast %scan3A_1558 : i32 to index
      %get3A_1665 = arith.constant 944 : index
      %get3A_1666 = tpu.vector_load %arg9[%get3A_1664, %get3A_1665] {strides = array<i32>} : memref<32x1024xf32, #tpu.memory_space<vmem>>, vector<1x16xf32>,
      %get3A_1667 = vector.shape_cast %get3A_1666 : vector<1x16xf32> to vector<16xf32>
      %sub3A_1668 = arith.subf %get3A_1667, %get3A_1484 : vector<16xf32>
      %mul3A_1669 = arith.mulf %sub3A_1668, %sub3A_1668 : vector<16xf32>
      %add3A_1670 = arith.addf %add3A_1661, %mul3A_1669 : vector<16xf32>
      %mul3A_1671 = arith.mulf %get3A_1667, %get3A_1532 : vector<16xf32>
      %add3A_1672 = arith.addf %add3A_1663, %mul3A_1671 : vector<16xf32>
      %get3A_1673 = arith.index_cast %scan3A_1558 : i32 to index
      %get3A_1674 = arith.constant 960 : index
      %get3A_1675 = tpu.vector_load %arg9[%get3A_1673, %get3A_1674] {strides = array<i32>} : memref<32x1024xf32, #tpu.memory_space<vmem>>, vector<1x16xf32>,
      %get3A_1676 = vector.shape_cast %get3A_1675 : vector<1x16xf32> to vector<16xf32>
      %sub3A_1677 = arith.subf %get3A_1676, %get3A_1487 : vector<16xf32>
      %mul3A_1678 = arith.mulf %sub3A_1677, %sub3A_1677 : vector<16xf32>
      %add3A_1679 = arith.addf %add3A_1670, %mul3A_1678 : vector<16xf32>
      %mul3A_1680 = arith.mulf %get3A_1676, %get3A_1535 : vector<16xf32>
      %add3A_1681 = arith.addf %add3A_1672, %mul3A_1680 : vector<16xf32>
      %get3A_1682 = arith.index_cast %scan3A_1558 : i32 to index
      %get3A_1683 = arith.constant 976 : index
      %get3A_1684 = tpu.vector_load %arg9[%get3A_1682, %get3A_1683] {strides = array<i32>} : memref<32x1024xf32, #tpu.memory_space<vmem>>, vector<1x16xf32>,
      %get3A_1685 = vector.shape_cast %get3A_1684 : vector<1x16xf32> to vector<16xf32>
      %sub3A_1686 = arith.subf %get3A_1685, %get3A_1490 : vector<16xf32>
      %mul3A_1687 = arith.mulf %sub3A_1686, %sub3A_1686 : vector<16xf32>
      %add3A_1688 = arith.addf %add3A_1679, %mul3A_1687 : vector<16xf32>
      %mul3A_1689 = arith.mulf %get3A_1685, %get3A_1538 : vector<16xf32>
      %add3A_1690 = arith.addf %add3A_1681, %mul3A_1689 : vector<16xf32>
      %get3A_1691 = arith.index_cast %scan3A_1558 : i32 to index
      %get3A_1692 = arith.constant 992 : index
      %get3A_1693 = tpu.vector_load %arg9[%get3A_1691, %get3A_1692] {strides = array<i32>} : memref<32x1024xf32, #tpu.memory_space<vmem>>, vector<1x16xf32>,
      %get3A_1694 = vector.shape_cast %get3A_1693 : vector<1x16xf32> to vector<16xf32>
      %sub3A_1695 = arith.subf %get3A_1694, %get3A_1493 : vector<16xf32>
      %mul3A_1696 = arith.mulf %sub3A_1695, %sub3A_1695 : vector<16xf32>
      %add3A_1697 = arith.addf %add3A_1688, %mul3A_1696 : vector<16xf32>
      %mul3A_1698 = arith.mulf %get3A_1694, %get3A_1541 : vector<16xf32>
      %add3A_1699 = arith.addf %add3A_1690, %mul3A_1698 : vector<16xf32>
      %get3A_1700 = arith.index_cast %scan3A_1558 : i32 to index
      %get3A_1701 = arith.constant 1008 : index
      %get3A_1702 = tpu.vector_load %arg9[%get3A_1700, %get3A_1701] {strides = array<i32>} : memref<32x1024xf32, #tpu.memory_space<vmem>>, vector<1x16xf32>,
      %get3A_1703 = vector.shape_cast %get3A_1702 : vector<1x16xf32> to vector<16xf32>
      %sub3A_1704 = arith.subf %get3A_1703, %get3A_1496 : vector<16xf32>
      %mul3A_1705 = arith.mulf %sub3A_1704, %sub3A_1704 : vector<16xf32>
      %add3A_1706 = arith.addf %add3A_1697, %mul3A_1705 : vector<16xf32>
      %mul3A_1707 = arith.mulf %get3A_1703, %get3A_1544 : vector<16xf32>
      %add3A_1708 = arith.addf %add3A_1699, %mul3A_1707 : vector<16xf32>
      %get3A_1709 = arith.index_cast %add3A_1561 : i32 to index
      %get3A_1710 = arith.constant 0 : index
      %get3A_1711 = tpu.vector_load %arg10[%get3A_1709, %get3A_1710] {strides = array<i32>} : memref<64x16xf32, #tpu.memory_space<vmem>>, vector<1x16xf32>,
      %get3A_1712 = vector.shape_cast %get3A_1711 : vector<1x16xf32> to vector<16xf32>
      %add3A_1713 = arith.addf %get3A_1712, %add3A_1706 : vector<16xf32>
      %swap3A_1714 = arith.index_cast %add3A_1561 : i32 to index
      %swap3A_1715 = arith.constant 0 : index
      %swap3A_1716 = tpu.vector_load %arg10[%swap3A_1714, %swap3A_1715] {strides = array<i32>} : memref<64x16xf32, #tpu.memory_space<vmem>>, vector<1x16xf32>,
      %swap3A_1717 = vector.shape_cast %swap3A_1716 : vector<1x16xf32> to vector<16xf32>
      %swap3A_1718 = vector.shape_cast %add3A_1713 : vector<16xf32> to vector<1x16xf32>
      tpu.vector_store %arg10[%swap3A_1714, %swap3A_1715], %swap3A_1718 {strides = array<i32>} : memref<64x16xf32, #tpu.memory_space<vmem>>, vector<1x16xf32>,
      %get3A_1719 = arith.index_cast %add3A_1561 : i32 to index
      %get3A_1720 = arith.constant 0 : index
      %get3A_1721 = tpu.vector_load %arg11[%get3A_1719, %get3A_1720] {strides = array<i32>} : memref<64x16xf32, #tpu.memory_space<vmem>>, vector<1x16xf32>,
      %get3A_1722 = vector.shape_cast %get3A_1721 : vector<1x16xf32> to vector<16xf32>
      %add3A_1723 = arith.addf %get3A_1722, %add3A_1708 : vector<16xf32>
      %swap3A_1724 = arith.index_cast %add3A_1561 : i32 to index
      %swap3A_1725 = arith.constant 0 : index
      %swap3A_1726 = tpu.vector_load %arg11[%swap3A_1724, %swap3A_1725] {strides = array<i32>} : memref<64x16xf32, #tpu.memory_space<vmem>>, vector<1x16xf32>,
      %swap3A_1727 = vector.shape_cast %swap3A_1726 : vector<1x16xf32> to vector<16xf32>
      %swap3A_1728 = vector.shape_cast %add3A_1723 : vector<16xf32> to vector<1x16xf32>
      tpu.vector_store %arg11[%swap3A_1724, %swap3A_1725], %swap3A_1728 {strides = array<i32>} : memref<64x16xf32, #tpu.memory_space<vmem>>, vector<1x16xf32>,
    }
    %scan3A_1549 = arith.constant 32 : i32
    %scan3A_1550 = arith.constant 0 : i32
    %scan3A_1551 = arith.constant 1 : i32
    %dma_wait3A_1552 = arith.constant 0 : i32
    %dma_wait3A_1553 = arith.constant 0 : i32
    %dma_wait3A_1554 = tpu.memref_slice %arg2[%dma_wait3A_1552, %dma_wait3A_1553] : memref<16384x1024xf32, #tpu.memory_space<hbm>> -> memref<32x1024xf32, #tpu.memory_space<hbm>>
    %dma_wait3A_1555 = arith.constant 0 : i32
    %dma_wait3A_1556 = arith.constant 0 : i32
    %dma_wait3A_1557 = tpu.memref_slice %arg2[%dma_wait3A_1555, %dma_wait3A_1556] : memref<16384x1024xf32, #tpu.memory_space<hbm>> -> memref<32x1024xf32, #tpu.memory_space<hbm>>
    tpu.wait_dma2 semaphore(%arg12 : memref<!tpu.dma_semaphore, #tpu.memory_space<semaphore_mem>>) src(%dma_wait3A_1557 : memref<32x1024xf32, #tpu.memory_space<hbm>>) dst(%arg8 : memref<32x1024xf32, #tpu.memory_space<vmem>>)
    "tpu.region"() ({
      %run_scoped3A = tpu.sem_alloc : memref<!tpu.dma_semaphore, #tpu.memory_space<semaphore_mem>>
      %dma_start3A_1558 = arith.constant 0 : i32
      %dma_start3A_1559 = tpu.memref_slice %arg4[%mul3A_2, %dma_start3A_1558] : memref<2048x16xf32, #tpu.memory_space<hbm>> -> memref<64x16xf32, #tpu.memory_space<hbm>>
      %dma_start3A_1560 = arith.constant 0 : i32
      %dma_start3A_1561 = tpu.memref_slice %arg4[%mul3A_2, %dma_start3A_1560] : memref<2048x16xf32, #tpu.memory_space<hbm>> -> memref<64x16xf32, #tpu.memory_space<hbm>>
      tpu.enqueue_dma source(%arg10 : memref<64x16xf32, #tpu.memory_space<vmem>>) target(%dma_start3A_1561 : memref<64x16xf32, #tpu.memory_space<hbm>>) target_semaphore(%run_scoped3A : memref<!tpu.dma_semaphore, #tpu.memory_space<semaphore_mem>>)
      %dma_wait3A_1562 = arith.constant 0 : i32
      %dma_wait3A_1563 = tpu.memref_slice %arg4[%mul3A_2, %dma_wait3A_1562] : memref<2048x16xf32, #tpu.memory_space<hbm>> -> memref<64x16xf32, #tpu.memory_space<hbm>>
      %dma_wait3A_1564 = arith.constant 0 : i32
      %dma_wait3A_1565 = tpu.memref_slice %arg4[%mul3A_2, %dma_wait3A_1564] : memref<2048x16xf32, #tpu.memory_space<hbm>> -> memref<64x16xf32, #tpu.memory_space<hbm>>
      tpu.wait_dma2 semaphore(%run_scoped3A : memref<!tpu.dma_semaphore, #tpu.memory_space<semaphore_mem>>) src(%arg10 : memref<64x16xf32, #tpu.memory_space<vmem>>) dst(%dma_wait3A_1565 : memref<64x16xf32, #tpu.memory_space<hbm>>)
      tpu.yield
    }) : () -> ()
    "tpu.region"() ({
      %run_scoped3A = tpu.sem_alloc : memref<!tpu.dma_semaphore, #tpu.memory_space<semaphore_mem>>
      %dma_start3A_1558 = arith.constant 0 : i32
      %dma_start3A_1559 = tpu.memref_slice %arg5[%mul3A_2, %dma_start3A_1558] : memref<2048x16xf32, #tpu.memory_space<hbm>> -> memref<64x16xf32, #tpu.memory_space<hbm>>
      %dma_start3A_1560 = arith.constant 0 : i32
      %dma_start3A_1561 = tpu.memref_slice %arg5[%mul3A_2, %dma_start3A_1560] : memref<2048x16xf32, #tpu.memory_space<hbm>> -> memref<64x16xf32, #tpu.memory_space<hbm>>
      tpu.enqueue_dma source(%arg11 : memref<64x16xf32, #tpu.memory_space<vmem>>) target(%dma_start3A_1561 : memref<64x16xf32, #tpu.memory_space<hbm>>) target_semaphore(%run_scoped3A : memref<!tpu.dma_semaphore, #tpu.memory_space<semaphore_mem>>)
      %dma_wait3A_1562 = arith.constant 0 : i32
      %dma_wait3A_1563 = tpu.memref_slice %arg5[%mul3A_2, %dma_wait3A_1562] : memref<2048x16xf32, #tpu.memory_space<hbm>> -> memref<64x16xf32, #tpu.memory_space<hbm>>
      %dma_wait3A_1564 = arith.constant 0 : i32
      %dma_wait3A_1565 = tpu.memref_slice %arg5[%mul3A_2, %dma_wait3A_1564] : memref<2048x16xf32, #tpu.memory_space<hbm>> -> memref<64x16xf32, #tpu.memory_space<hbm>>
      tpu.wait_dma2 semaphore(%run_scoped3A : memref<!tpu.dma_semaphore, #tpu.memory_space<semaphore_mem>>) src(%arg11 : memref<64x16xf32, #tpu.memory_space<vmem>>) dst(%dma_wait3A_1565 : memref<64x16xf32, #tpu.memory_space<hbm>>)
      tpu.yield
    }) : () -> ()
    return
  }
}

module attributes {stable_mosaic.version = 14 : i64} {
  func.func @_tc_finish_body(%arg0: i32, %arg1: memref<1x1x2048xi32, #tpu.memory_space<vmem>>, %arg2: memref<2048x16xf32, #tpu.memory_space<vmem>>, %arg3: memref<2048x16xf32, #tpu.memory_space<vmem>>, %arg4: memref<2x1024xf32, #tpu.memory_space<vmem>>, %arg5: memref<3xf32, #tpu.memory_space<smem>>, %arg6: memref<1xf32, #tpu.memory_space<smem>>, %arg7: memref<3xf32, #tpu.memory_space<smem>>) attributes {dimension_semantics = [#tpu.dimension_semantics<arbitrary>], iteration_bounds = array<i64: 1>, scalar_prefetch = 0 : i64, scratch_operands = 1 : i64, tpu.core_type = #tpu.core_type<tc>, window_params = [{transform_indices = @transform_0, window_bounds = array<i64: 1, 1, 2048>}, {transform_indices = @transform_1, window_bounds = array<i64: 2048, 16>}, {transform_indices = @transform_2, window_bounds = array<i64: 2048, 16>}, {pipeline_mode = #tpu.pipeline_mode<synchronous>, transform_indices = @transform_3, window_bounds = array<i64: 2, 1024>}, {transform_indices = @transform_4, window_bounds = array<i64: 3>}, {transform_indices = @transform_5, window_bounds = array<i64: 1>}]} {
    %get3A = arith.constant 0 : index
    %get3A_0 = arith.constant 0 : index
    %get3A_1 = arith.constant 0 : index
    %get3A_2 = vector.load %arg1[%get3A, %get3A_0, %get3A_1] : memref<1x1x2048xi32, #tpu.memory_space<vmem>>, vector<1x1x2048xi32>
    %get3A_3 = vector.shape_cast %get3A_2 : vector<1x1x2048xi32> to vector<2048xi32>
    %convert_element_type3A = arith.sitofp %get3A_3 : vector<2048xi32> to vector<2048xf32>
    %get3A_4 = arith.constant 0 : index
    %get3A_5 = arith.constant 0 : index
    %get3A_6 = vector.load %arg2[%get3A_4, %get3A_5] : memref<2048x16xf32, #tpu.memory_space<vmem>>, vector<2048x16xf32>
    %reduce_sum3A = arith.constant dense<0.000000e+00> : vector<2048xf32>
    %reduce_sum3A_7 = vector.multi_reduction <add>, %get3A_6, %reduce_sum3A [1] : vector<2048x16xf32> to vector<2048xf32>
    %get3A_8 = arith.constant 0 : index
    %get3A_9 = arith.constant 0 : index
    %get3A_10 = vector.load %arg3[%get3A_8, %get3A_9] : memref<2048x16xf32, #tpu.memory_space<vmem>>, vector<2048x16xf32>
    %reduce_sum3A_11 = arith.constant dense<0.000000e+00> : vector<2048xf32>
    %reduce_sum3A_12 = vector.multi_reduction <add>, %get3A_10, %reduce_sum3A_11 [1] : vector<2048x16xf32> to vector<2048xf32>
    %get3A_13 = arith.constant 0 : index
    %get3A_14 = arith.constant 0 : index
    %get3A_15 = vector.load %arg4[%get3A_13, %get3A_14] : memref<2x1024xf32, #tpu.memory_space<vmem>>, vector<2x1024xf32>
    %get3A_16 = arith.constant 0 : index
    %get3A_17 = arith.constant 0 : index
    %get3A_18 = vector.load %arg4[%get3A_16, %get3A_17] : memref<2x1024xf32, #tpu.memory_space<vmem>>, vector<2x1024xf32>
    %mul3A = arith.mulf %get3A_15, %get3A_18 : vector<2x1024xf32>
    %reduce_sum3A_19 = arith.constant dense<0.000000e+00> : vector<2xf32>
    %reduce_sum3A_20 = vector.multi_reduction <add>, %mul3A, %reduce_sum3A_19 [1] : vector<2x1024xf32> to vector<2xf32>
    %slice3A = vector.extract_strided_slice %reduce_sum3A_20 {offsets = [1], sizes = [1], strides = [1]} : vector<2xf32> to vector<1xf32>
    %squeeze3A = vector.extract %slice3A[0] : f32 from vector<1xf32>
    %slice3A_21 = vector.extract_strided_slice %reduce_sum3A_20 {offsets = [0], sizes = [1], strides = [1]} : vector<2xf32> to vector<1xf32>
    %squeeze3A_22 = vector.extract %slice3A_21[0] : f32 from vector<1xf32>
    %sub3A = arith.subf %squeeze3A, %squeeze3A_22 : f32
    %mul3A_23 = arith.constant 2.000000e+00 : f32
    %mul3A_24 = vector.broadcast %mul3A_23 : f32 to vector<2048xf32>
    %mul3A_25 = arith.mulf %mul3A_24, %reduce_sum3A_12 : vector<2048xf32>
    %add3A = vector.broadcast %sub3A : f32 to vector<2048xf32>
    %add3A_26 = arith.addf %mul3A_25, %add3A : vector<2048xf32>
    %mul3A_27 = arith.mulf %convert_element_type3A, %add3A_26 : vector<2048xf32>
    %add3A_28 = arith.addf %reduce_sum3A_7, %mul3A_27 : vector<2048xf32>
    %max3A = arith.constant 0.000000e+00 : f32
    %max3A_29 = vector.broadcast %max3A : f32 to vector<2048xf32>
    %max3A_30 = arith.maximumf %add3A_28, %max3A_29 : vector<2048xf32>
    %sqrt3A = math.sqrt %max3A_30 : vector<2048xf32>
    %mul3A_31 = arith.mulf %sqrt3A, %convert_element_type3A : vector<2048xf32>
    %reduce_sum3A_32 = vector.shape_cast %mul3A_31 : vector<2048xf32> to vector<1x2048xf32>
    %reduce_sum3A_33 = arith.constant dense<0.000000e+00> : vector<1xf32>
    %reduce_sum3A_34 = vector.multi_reduction <add>, %reduce_sum3A_32, %reduce_sum3A_33 [1] : vector<1x2048xf32> to vector<1xf32>
    %reduce_sum3A_35 = vector.shape_cast %reduce_sum3A_34 : vector<1xf32> to vector<1x1xf32>
    %reduce_sum3A_36 = vector.extract %reduce_sum3A_35[0, 0] : f32 from vector<1x1xf32>
    %reduce_sum3A_37 = vector.shape_cast %sqrt3A : vector<2048xf32> to vector<1x2048xf32>
    %reduce_sum3A_38 = arith.constant dense<0.000000e+00> : vector<1xf32>
    %reduce_sum3A_39 = vector.multi_reduction <add>, %reduce_sum3A_37, %reduce_sum3A_38 [1] : vector<1x2048xf32> to vector<1xf32>
    %reduce_sum3A_40 = vector.shape_cast %reduce_sum3A_39 : vector<1xf32> to vector<1x1xf32>
    %reduce_sum3A_41 = vector.extract %reduce_sum3A_40[0, 0] : f32 from vector<1x1xf32>
    %reduce_sum3A_42 = vector.shape_cast %convert_element_type3A : vector<2048xf32> to vector<1x2048xf32>
    %reduce_sum3A_43 = arith.constant dense<0.000000e+00> : vector<1xf32>
    %reduce_sum3A_44 = vector.multi_reduction <add>, %reduce_sum3A_42, %reduce_sum3A_43 [1] : vector<1x2048xf32> to vector<1xf32>
    %reduce_sum3A_45 = vector.shape_cast %reduce_sum3A_44 : vector<1xf32> to vector<1x1xf32>
    %reduce_sum3A_46 = vector.extract %reduce_sum3A_45[0, 0] : f32 from vector<1x1xf32>
    %eq3A = arith.constant 0 : i32
    %eq3A_47 = arith.cmpi eq, %arg0, %eq3A : i32
    %convert_element_type3A_48 = arith.extui %eq3A_47 : i1 to i32
    %cond3A = arith.constant 0 : i32
    %cond3A_49 = arith.cmpi ne, %convert_element_type3A_48, %cond3A : i32
    scf.if %cond3A_49 {
      %swap3A_70 = arith.constant 0.000000e+00 : f32
      %swap3A_71 = arith.constant 0 : index
      %swap3A_72 = memref.load %arg7[%swap3A_71] : memref<3xf32, #tpu.memory_space<smem>>
      memref.store %swap3A_70, %arg7[%swap3A_71] : memref<3xf32, #tpu.memory_space<smem>>
      %swap3A_73 = arith.constant 0.000000e+00 : f32
      %swap3A_74 = arith.constant 1 : index
      %swap3A_75 = memref.load %arg7[%swap3A_74] : memref<3xf32, #tpu.memory_space<smem>>
      memref.store %swap3A_73, %arg7[%swap3A_74] : memref<3xf32, #tpu.memory_space<smem>>
      %swap3A_76 = arith.constant 0.000000e+00 : f32
      %swap3A_77 = arith.constant 2 : index
      %swap3A_78 = memref.load %arg7[%swap3A_77] : memref<3xf32, #tpu.memory_space<smem>>
      memref.store %swap3A_76, %arg7[%swap3A_77] : memref<3xf32, #tpu.memory_space<smem>>
    } else {
    }
    %get3A_50 = arith.constant 0 : index
    %get3A_51 = memref.load %arg7[%get3A_50] : memref<3xf32, #tpu.memory_space<smem>>
    %sub3A_52 = arith.subf %reduce_sum3A_41, %reduce_sum3A_36 : f32
    %add3A_53 = arith.addf %get3A_51, %sub3A_52 : f32
    %swap3A = arith.constant 0 : index
    %swap3A_54 = memref.load %arg7[%swap3A] : memref<3xf32, #tpu.memory_space<smem>>
    memref.store %add3A_53, %arg7[%swap3A] : memref<3xf32, #tpu.memory_space<smem>>
    %get3A_55 = arith.constant 1 : index
    %get3A_56 = memref.load %arg7[%get3A_55] : memref<3xf32, #tpu.memory_space<smem>>
    %add3A_57 = arith.addf %get3A_56, %reduce_sum3A_36 : f32
    %swap3A_58 = arith.constant 1 : index
    %swap3A_59 = memref.load %arg7[%swap3A_58] : memref<3xf32, #tpu.memory_space<smem>>
    memref.store %add3A_57, %arg7[%swap3A_58] : memref<3xf32, #tpu.memory_space<smem>>
    %get3A_60 = arith.constant 2 : index
    %get3A_61 = memref.load %arg7[%get3A_60] : memref<3xf32, #tpu.memory_space<smem>>
    %add3A_62 = arith.addf %get3A_61, %reduce_sum3A_46 : f32
    %swap3A_63 = arith.constant 2 : index
    %swap3A_64 = memref.load %arg7[%swap3A_63] : memref<3xf32, #tpu.memory_space<smem>>
    memref.store %add3A_62, %arg7[%swap3A_63] : memref<3xf32, #tpu.memory_space<smem>>
    %eq3A_65 = arith.constant 0 : i32
    %eq3A_66 = arith.cmpi eq, %arg0, %eq3A_65 : i32
    %convert_element_type3A_67 = arith.extui %eq3A_66 : i1 to i32
    %cond3A_68 = arith.constant 0 : i32
    %cond3A_69 = arith.cmpi ne, %convert_element_type3A_67, %cond3A_68 : i32
    scf.if %cond3A_69 {
      %get3A_70 = arith.constant 0 : index
      %get3A_71 = memref.load %arg7[%get3A_70] : memref<3xf32, #tpu.memory_space<smem>>
      %get3A_72 = arith.constant 0 : index
      %get3A_73 = memref.load %arg5[%get3A_72] : memref<3xf32, #tpu.memory_space<smem>>
      %add3A_74 = arith.addf %get3A_71, %get3A_73 : f32
      %get3A_75 = arith.constant 1 : index
      %get3A_76 = memref.load %arg7[%get3A_75] : memref<3xf32, #tpu.memory_space<smem>>
      %get3A_77 = arith.constant 1 : index
      %get3A_78 = memref.load %arg5[%get3A_77] : memref<3xf32, #tpu.memory_space<smem>>
      %add3A_79 = arith.addf %get3A_76, %get3A_78 : f32
      %get3A_80 = arith.constant 2 : index
      %get3A_81 = memref.load %arg7[%get3A_80] : memref<3xf32, #tpu.memory_space<smem>>
      %get3A_82 = arith.constant 2 : index
      %get3A_83 = memref.load %arg5[%get3A_82] : memref<3xf32, #tpu.memory_space<smem>>
      %add3A_84 = arith.addf %get3A_81, %get3A_83 : f32
      %sub3A_85 = arith.constant 1.638400e+04 : f32
      %sub3A_86 = arith.subf %sub3A_85, %add3A_84 : f32
      %gt3A = arith.constant 0.000000e+00 : f32
      %gt3A_87 = arith.cmpf ogt, %sub3A_86, %gt3A : f32
      %max3A_88 = arith.constant 1.000000e+00 : f32
      %max3A_89 = arith.maximumf %sub3A_86, %max3A_88 : f32
      %div3A = arith.divf %add3A_74, %max3A_89 : f32
      %jit3A = arith.constant 0.000000e+00 : f32
      %select_n3A = arith.select %gt3A_87, %div3A, %jit3A : f32
      %gt3A_90 = arith.constant 0.000000e+00 : f32
      %gt3A_91 = arith.cmpf ogt, %add3A_84, %gt3A_90 : f32
      %max3A_92 = arith.constant 1.000000e+00 : f32
      %max3A_93 = arith.maximumf %add3A_84, %max3A_92 : f32
      %div3A_94 = arith.divf %add3A_79, %max3A_93 : f32
      %jit3A_95 = arith.constant 0.000000e+00 : f32
      %select_n3A_96 = arith.select %gt3A_91, %div3A_94, %jit3A_95 : f32
      %add3A_97 = arith.addf %select_n3A, %select_n3A_96 : f32
      %swap3A_98 = arith.constant 0 : index
      %swap3A_99 = memref.load %arg6[%swap3A_98] : memref<1xf32, #tpu.memory_space<smem>>
      memref.store %add3A_97, %arg6[%swap3A_98] : memref<1xf32, #tpu.memory_space<smem>>
    } else {
    }
    return
  }
  func.func @transform_0(%arg0: i32) -> (i32, i32, i32) {
    %c0_i32 = arith.constant 0 : i32
    %c0_i32_0 = arith.constant 0 : i32
    %c0_i32_1 = arith.constant 0 : i32
    return %arg0, %c0_i32, %c0_i32_0 : i32, i32, i32
  }
  func.func @transform_1(%arg0: i32) -> (i32, i32) {
    %c0_i32 = arith.constant 0 : i32
    %c0_i32_0 = arith.constant 0 : i32
    return %arg0, %c0_i32 : i32, i32
  }
  func.func @transform_2(%arg0: i32) -> (i32, i32) {
    %c0_i32 = arith.constant 0 : i32
    %c0_i32_0 = arith.constant 0 : i32
    return %arg0, %c0_i32 : i32, i32
  }
  func.func @transform_3(%arg0: i32) -> (i32, i32) {
    %c0_i32 = arith.constant 0 : i32
    %c0_i32_0 = arith.constant 0 : i32
    %c0_i32_1 = arith.constant 0 : i32
    return %c0_i32, %c0_i32_0 : i32, i32
  }
  func.func @transform_4(%arg0: i32) -> i32 {
    %c0_i32 = arith.constant 0 : i32
    %c0_i32_0 = arith.constant 0 : i32
    return %c0_i32 : i32
  }
  func.func @transform_5(%arg0: i32) -> i32 {
    %c0_i32 = arith.constant 0 : i32
    %c0_i32_0 = arith.constant 0 : i32
    return %c0_i32 : i32
  }
}

module attributes {stable_mosaic.version = 14 : i64} {
  func.func @_tc_main_body(%arg0: i32, %arg1: memref<1x1x2048xi32, #tpu.memory_space<vmem>>, %arg2: memref<2048x1024xf32, #tpu.memory_space<vmem>>, %arg3: memref<2x1024xf32, #tpu.memory_space<vmem>>, %arg4: memref<3xf32, #tpu.memory_space<smem>>) attributes {dimension_semantics = [#tpu.dimension_semantics<arbitrary>], iteration_bounds = array<i64: 7>, scalar_prefetch = 0 : i64, scratch_operands = 0 : i64, tpu.core_type = #tpu.core_type<tc>, window_params = [{transform_indices = @transform_0, window_bounds = array<i64: 1, 1, 2048>}, {transform_indices = @transform_1, window_bounds = array<i64: 2048, 1024>}, {pipeline_mode = #tpu.pipeline_mode<synchronous>, transform_indices = @transform_2, window_bounds = array<i64: 2, 1024>}, {transform_indices = @transform_3, window_bounds = array<i64: 3>}]} {
    %get3A = arith.constant 0 : index
    %get3A_0 = arith.constant 0 : index
    %get3A_1 = arith.constant 0 : index
    %get3A_2 = vector.load %arg1[%get3A, %get3A_0, %get3A_1] : memref<1x1x2048xi32, #tpu.memory_space<vmem>>, vector<1x1x2048xi32>
    %get3A_3 = vector.shape_cast %get3A_2 : vector<1x1x2048xi32> to vector<2048xi32>
    %get3A_4 = arith.constant 0 : index
    %get3A_5 = arith.constant 0 : index
    %get3A_6 = vector.load %arg2[%get3A_4, %get3A_5] : memref<2048x1024xf32, #tpu.memory_space<vmem>>, vector<2048x1024xf32>
    %get3A_7 = arith.constant 0 : index
    %get3A_8 = arith.constant 0 : index
    %get3A_9 = vector.load %arg3[%get3A_7, %get3A_8] : memref<2x1024xf32, #tpu.memory_space<vmem>>, vector<1x1024xf32>
    %get3A_10 = vector.shape_cast %get3A_9 : vector<1x1024xf32> to vector<1024xf32>
    %get3A_11 = arith.constant 1 : index
    %get3A_12 = arith.constant 0 : index
    %get3A_13 = vector.load %arg3[%get3A_11, %get3A_12] : memref<2x1024xf32, #tpu.memory_space<vmem>>, vector<1x1024xf32>
    %get3A_14 = vector.shape_cast %get3A_13 : vector<1x1024xf32> to vector<1024xf32>
    %broadcast_in_dim3A = vector.shape_cast %get3A_3 : vector<2048xi32> to vector<2048x1xi32>
    %eq3A = arith.constant 0 : i32
    %eq3A_15 = vector.broadcast %eq3A : i32 to vector<2048x1xi32>
    %eq3A_16 = arith.cmpi eq, %broadcast_in_dim3A, %eq3A_15 : vector<2048x1xi32>
    %broadcast_in_dim3A_17 = vector.shape_cast %get3A_10 : vector<1024xf32> to vector<1x1024xf32>
    %broadcast_in_dim3A_18 = vector.shape_cast %get3A_14 : vector<1024xf32> to vector<1x1024xf32>
    %broadcast_in_dim3A_19 = vector.shape_cast %eq3A_16 : vector<2048x1xi1> to vector<2048x1xi1>
    %broadcast_in_dim3A_20 = vector.broadcast %broadcast_in_dim3A_19 : vector<2048x1xi1> to vector<2048x1024xi1>
    %broadcast_in_dim3A_21 = vector.shape_cast %broadcast_in_dim3A_17 : vector<1x1024xf32> to vector<1x1024xf32>
    %broadcast_in_dim3A_22 = vector.broadcast %broadcast_in_dim3A_21 : vector<1x1024xf32> to vector<2048x1024xf32>
    %broadcast_in_dim3A_23 = vector.shape_cast %broadcast_in_dim3A_18 : vector<1x1024xf32> to vector<1x1024xf32>
    %broadcast_in_dim3A_24 = vector.broadcast %broadcast_in_dim3A_23 : vector<1x1024xf32> to vector<2048x1024xf32>
    %select_n3A = arith.select %broadcast_in_dim3A_20, %broadcast_in_dim3A_22, %broadcast_in_dim3A_24 : vector<2048x1024xi1>, vector<2048x1024xf32>
    %sub3A = arith.subf %get3A_6, %select_n3A : vector<2048x1024xf32>
    %mul3A = arith.mulf %sub3A, %sub3A : vector<2048x1024xf32>
    %reduce_sum3A = arith.constant dense<0.000000e+00> : vector<2048xf32>
    %reduce_sum3A_25 = vector.multi_reduction <add>, %mul3A, %reduce_sum3A [1] : vector<2048x1024xf32> to vector<2048xf32>
    %sqrt3A = math.sqrt %reduce_sum3A_25 : vector<2048xf32>
    %convert_element_type3A = arith.sitofp %get3A_3 : vector<2048xi32> to vector<2048xf32>
    %mul3A_26 = arith.mulf %sqrt3A, %convert_element_type3A : vector<2048xf32>
    %reduce_sum3A_27 = vector.shape_cast %mul3A_26 : vector<2048xf32> to vector<1x2048xf32>
    %reduce_sum3A_28 = arith.constant dense<0.000000e+00> : vector<1xf32>
    %reduce_sum3A_29 = vector.multi_reduction <add>, %reduce_sum3A_27, %reduce_sum3A_28 [1] : vector<1x2048xf32> to vector<1xf32>
    %reduce_sum3A_30 = vector.shape_cast %reduce_sum3A_29 : vector<1xf32> to vector<1x1xf32>
    %reduce_sum3A_31 = vector.extract %reduce_sum3A_30[0, 0] : f32 from vector<1x1xf32>
    %reduce_sum3A_32 = vector.shape_cast %sqrt3A : vector<2048xf32> to vector<1x2048xf32>
    %reduce_sum3A_33 = arith.constant dense<0.000000e+00> : vector<1xf32>
    %reduce_sum3A_34 = vector.multi_reduction <add>, %reduce_sum3A_32, %reduce_sum3A_33 [1] : vector<1x2048xf32> to vector<1xf32>
    %reduce_sum3A_35 = vector.shape_cast %reduce_sum3A_34 : vector<1xf32> to vector<1x1xf32>
    %reduce_sum3A_36 = vector.extract %reduce_sum3A_35[0, 0] : f32 from vector<1x1xf32>
    %reduce_sum3A_37 = vector.shape_cast %convert_element_type3A : vector<2048xf32> to vector<1x2048xf32>
    %reduce_sum3A_38 = arith.constant dense<0.000000e+00> : vector<1xf32>
    %reduce_sum3A_39 = vector.multi_reduction <add>, %reduce_sum3A_37, %reduce_sum3A_38 [1] : vector<1x2048xf32> to vector<1xf32>
    %reduce_sum3A_40 = vector.shape_cast %reduce_sum3A_39 : vector<1xf32> to vector<1x1xf32>
    %reduce_sum3A_41 = vector.extract %reduce_sum3A_40[0, 0] : f32 from vector<1x1xf32>
    %eq3A_42 = arith.constant 0 : i32
    %eq3A_43 = arith.cmpi eq, %arg0, %eq3A_42 : i32
    %convert_element_type3A_44 = arith.extui %eq3A_43 : i1 to i32
    %cond3A = arith.constant 0 : i32
    %cond3A_45 = arith.cmpi ne, %convert_element_type3A_44, %cond3A : i32
    scf.if %cond3A_45 {
      %swap3A_60 = arith.constant 0.000000e+00 : f32
      %swap3A_61 = arith.constant 0 : index
      %swap3A_62 = memref.load %arg4[%swap3A_61] : memref<3xf32, #tpu.memory_space<smem>>
      memref.store %swap3A_60, %arg4[%swap3A_61] : memref<3xf32, #tpu.memory_space<smem>>
      %swap3A_63 = arith.constant 0.000000e+00 : f32
      %swap3A_64 = arith.constant 1 : index
      %swap3A_65 = memref.load %arg4[%swap3A_64] : memref<3xf32, #tpu.memory_space<smem>>
      memref.store %swap3A_63, %arg4[%swap3A_64] : memref<3xf32, #tpu.memory_space<smem>>
      %swap3A_66 = arith.constant 0.000000e+00 : f32
      %swap3A_67 = arith.constant 2 : index
      %swap3A_68 = memref.load %arg4[%swap3A_67] : memref<3xf32, #tpu.memory_space<smem>>
      memref.store %swap3A_66, %arg4[%swap3A_67] : memref<3xf32, #tpu.memory_space<smem>>
    } else {
    }
    %get3A_46 = arith.constant 0 : index
    %get3A_47 = memref.load %arg4[%get3A_46] : memref<3xf32, #tpu.memory_space<smem>>
    %sub3A_48 = arith.subf %reduce_sum3A_36, %reduce_sum3A_31 : f32
    %add3A = arith.addf %get3A_47, %sub3A_48 : f32
    %swap3A = arith.constant 0 : index
    %swap3A_49 = memref.load %arg4[%swap3A] : memref<3xf32, #tpu.memory_space<smem>>
    memref.store %add3A, %arg4[%swap3A] : memref<3xf32, #tpu.memory_space<smem>>
    %get3A_50 = arith.constant 1 : index
    %get3A_51 = memref.load %arg4[%get3A_50] : memref<3xf32, #tpu.memory_space<smem>>
    %add3A_52 = arith.addf %get3A_51, %reduce_sum3A_31 : f32
    %swap3A_53 = arith.constant 1 : index
    %swap3A_54 = memref.load %arg4[%swap3A_53] : memref<3xf32, #tpu.memory_space<smem>>
    memref.store %add3A_52, %arg4[%swap3A_53] : memref<3xf32, #tpu.memory_space<smem>>
    %get3A_55 = arith.constant 2 : index
    %get3A_56 = memref.load %arg4[%get3A_55] : memref<3xf32, #tpu.memory_space<smem>>
    %add3A_57 = arith.addf %get3A_56, %reduce_sum3A_41 : f32
    %swap3A_58 = arith.constant 2 : index
    %swap3A_59 = memref.load %arg4[%swap3A_58] : memref<3xf32, #tpu.memory_space<smem>>
    memref.store %add3A_57, %arg4[%swap3A_58] : memref<3xf32, #tpu.memory_space<smem>>
    return
  }
  func.func @transform_0(%arg0: i32) -> (i32, i32, i32) {
    %add3A = arith.constant 1 : i32
    %add3A_0 = arith.addi %arg0, %add3A : i32
    %c0_i32 = arith.constant 0 : i32
    %c0_i32_1 = arith.constant 0 : i32
    %c0_i32_2 = arith.constant 0 : i32
    return %add3A_0, %c0_i32, %c0_i32_1 : i32, i32, i32
  }
  func.func @transform_1(%arg0: i32) -> (i32, i32) {
    %add3A = arith.constant 1 : i32
    %add3A_0 = arith.addi %arg0, %add3A : i32
    %c0_i32 = arith.constant 0 : i32
    %c0_i32_1 = arith.constant 0 : i32
    return %add3A_0, %c0_i32 : i32, i32
  }
  func.func @transform_2(%arg0: i32) -> (i32, i32) {
    %c0_i32 = arith.constant 0 : i32
    %c0_i32_0 = arith.constant 0 : i32
    %c0_i32_1 = arith.constant 0 : i32
    return %c0_i32, %c0_i32_0 : i32, i32
  }
  func.func @transform_3(%arg0: i32) -> i32 {
    %c0_i32 = arith.constant 0 : i32
    %c0_i32_0 = arith.constant 0 : i32
    return %c0_i32 : i32
  }
}

</mosaic_0001>

<sc_bundles>
// kernel: kernel.5.cloned.1.call-start
scs
__scs_entry_jumppad:
0x0: {  	(pc) =	sbr.rel $0x88, $3  }
0x1: {  	(tag) =	ssettag $0x0;
	lr =	simm.s32 $0x1  }
0x2: {  	[smem:$0x3F9E] =	sst lr;
	_ =	strace $0xD0000000  }
0x3: {  	_ = 	snop  }
0x4: {  	_ = 	snop  }
0x5: {  	_ = 	snop  }
0x6: {  	_ = 	snop  }
0x7: {  	_ = 	snop  }
__scs_overlays_trampoline_lowered:
0x8: {  	[smem:$0x3FAD] =	sst s0  }
0x9: {  	[smem:$0x3FAE] =	sst s1  }
0xa: {  	[smem:$0x3FAF] =	sst s2  }
0xb: {  	[smem:$0x3FB0] =	sst s3  }
0xc: {  	[smem:$0x3FB1] =	sst s4  }
0xd: {  	[smem:$0x3FB2] =	sst s5  }
0xe: {  	[smem:$0x3FB3] =	sst s6  }
0xf: {  	[smem:$0x3FB4] =	sst s7  }
0x10: {  	[smem:$0x3FB5] =	sst s8  }
0x11: {  	[smem:$0x3FB6] =	sst s9;
	s0 =	simm.s32 @!p0 $0x0  }
0x12: {  	s1 =	sld [smem:$0x3F9C];
	s0 =	simm.s32 @p0 $0x1  }
0x13: {  	[smem:$0x3FB7] =	sst s0;
	s0 =	simm.s32 @!p1 $0x0  }
0x14: {  	s2 =	sld [smem:$0x3F9B];
	s0 =	simm.s32 @p1 $0x1  }
0x15: {  	[smem:$0x3FB8] =	sst s0;
	s0 =	simm.s32 @!p2 $0x0  }
0x16: {  	s3 =	sld [smem:$0x3FDB];
	s0 =	simm.s32 @p2 $0x1  }
0x17: {  	s4 =	simm.s32 $0x1BF5;
	[smem:$0x3FBA] =	sst s0  }
0x18: {  	s0 =	sld [smem:$0x3F9D];
	_ =	swait.ge [sflag:s4], $0x0  }
0x19: {  	s7 =	sld [smem:$0x3F9E]  }
0x1a: {  	s8 =	sadd.s32 $0xFFFFE003, lr  }
0x1b: {  	s9 =	sadd.s32 $0xFFFFFEF7, lr;
	s5 =	simm.s32 $0xFFFFFFFF;
	p2 =	slt.u32 s8, $0xFFFFF086  }
0x1c: {  	p1 =	slt.u32 s9, $0xF7A;
	s5 =	simm.s32 @!p2 $0x0  }
0x1d: {  	s5 =	simm.s32 @p1 $0x1;
	p0 =	seq.s32 s7, s2  }
0x1e: {  	s7 =	smul.u32 @!p0 $0xF7A, s2;
	p2 =	seq.s32 @!p0 s5, $0x0  }
0x1f: {  	s9 =	smul.u32 $0xF7A, s1;
	s8 =	simm.s32 @!p0 $0x1BF5;
	p2 =	por !p2, p0  }
0x20: {  	[sflag:s8] =	ssyncset.s32 @!p0 $0xFFFFF086;
	s6 =	sadd.s32 @!p0 s3, s7;
	s7 =	simm.s32 @!p0 $0x108  }
0x21: {  	s3 =	sadd.s32 s3, s9;
	s6 =	sadd.s32 @!p0 $0x88, s6;
	s7 =	simm.s32 @p2 $0x1082  }
0x22: {  	[simem:s7], [sflag:s8] =	dma.local @!p0 [hbm:s6], $0xF7A  }
0x23: {  	s9 =	sor.u32 $0xD0000000, s2;
	s6 =	simm.s32 $0x108;
	_ =	swait.ge @!p0 [sflag:s8], $0x0  }
0x24: {  	s3 =	sadd.s32 $0x88, s3;
	s6 =	simm.s32 @!p1 $0x1082;
	[sflag:s4] =	ssyncset.s32 $0xFFFFF086  }
0x25: {  	[simem:s6], [sflag:s4] =	dma.local [hbm:s3], $0xF7A  }
0x26: {  	[smem:$0x3F9E] =	sst s1;
	(tag) =	ssettag s2;
	_ =	strace s9  }
0x27: {  	s1 =	sld [smem:$0x3FAE]  }
0x28: {  	s2 =	sld [smem:$0x3FAF]  }
0x29: {  	s4 =	sld [smem:$0x3FB1]  }
0x2a: {  	p0 =	seq.s32 s5, $0x0;
	s5 =	sld [smem:$0x3FB2]  }
0x2b: {  	s6 =	sld [smem:$0x3FB3]  }
0x2c: {  	s7 =	sld [smem:$0x3FB4]  }
0x2d: {  	s3 =	simm.s32 $0x108;
	s8 =	sld [smem:$0x3FB5]  }
0x2e: {  	s3 =	simm.s32 @!p0 $0x1082;
	s9 =	sld [smem:$0x3FB6]  }
0x2f: {  	lr =	sadd.s32 s0, s3;
	s0 =	sld [smem:$0x3FAD]  }
0x30: {  	s3 =	sld [smem:$0x3FB0]  }
0x31: {  	[smem:$0x3FB9] =	sst s10  }
0x32: {  	s10 =	sld [smem:$0x3FB7];
	_ =	sdelay $0x3  }
0x33: {  	p0 =	seq.s32 s10, $0x1;
	s10 =	sld [smem:$0x3FB9];
	_ =	sdelay $0x3  }
0x34: {  	[smem:$0x3FB9] =	sst s10  }
0x35: {  	s10 =	sld [smem:$0x3FB8];
	_ =	sdelay $0x3  }
0x36: {  	p1 =	seq.s32 s10, $0x1;
	s10 =	sld [smem:$0x3FB9];
	_ =	sdelay $0x3  }
0x37: {  	[smem:$0x3FB9] =	sst s10  }
0x38: {  	s10 =	sld [smem:$0x3FBA]  }
0x39: {  	_ = 	snop;
	(pc) =	sbr.ind lr, $3  }
0x3a: {  	_ = 	snop  }
0x3b: {  	_ = 	snop  }
0x3c: {  	p2 =	seq.s32 s10, $0x1;
	s10 =	sld [smem:$0x3FB9]  }
0x3d: {  	_ =	shalt  }
0x3e: {  	_ =	shalt  }
0x3f: {  	_ =	shalt  }
0x40: {  	_ =	shalt  }
0x41: {  	_ =	shalt  }
0x42: {  	_ =	shalt  }
0x43: {  	_ =	shalt  }
0x44: {  	_ =	shalt  }
0x45: {  	_ =	shalt  }
0x46: {  	_ =	shalt  }
0x47: {  	_ =	shalt  }
0x48: {  	_ =	shalt  }
0x49: {  	_ =	shalt  }
0x4a: {  	_ =	shalt  }
0x4b: {  	_ =	shalt  }
0x4c: {  	_ =	shalt  }
0x4d: {  	_ =	shalt  }
0x4e: {  	_ =	shalt  }
0x4f: {  	_ =	shalt  }
0x50: {  	_ =	shalt  }
0x51: {  	_ =	shalt  }
0x52: {  	_ =	shalt  }
0x53: {  	_ =	shalt  }
0x54: {  	_ =	shalt  }
0x55: {  	_ =	shalt  }
0x56: {  	_ =	shalt  }
0x57: {  	_ =	shalt  }
0x58: {  	_ =	shalt  }
0x59: {  	_ =	shalt  }
0x5a: {  	_ =	shalt  }
0x5b: {  	_ =	shalt  }
0x5c: {  	_ =	shalt  }
0x5d: {  	_ =	shalt  }
0x5e: {  	_ =	shalt  }
0x5f: {  	_ =	shalt  }
0x60: {  	_ =	shalt  }
0x61: {  	_ =	shalt  }
0x62: {  	_ =	shalt  }
0x63: {  	_ =	shalt  }
0x64: {  	_ =	shalt  }
0x65: {  	_ =	shalt  }
0x66: {  	_ =	shalt  }
0x67: {  	_ =	shalt  }
0x68: {  	_ =	shalt  }
0x69: {  	_ =	shalt  }
0x6a: {  	_ =	shalt  }
0x6b: {  	_ =	shalt  }
0x6c: {  	_ =	shalt  }
0x6d: {  	_ =	shalt  }
0x6e: {  	_ =	shalt  }
0x6f: {  	_ =	shalt  }
0x70: {  	_ =	shalt  }
0x71: {  	_ =	shalt  }
0x72: {  	_ =	shalt  }
0x73: {  	_ =	shalt  }
0x74: {  	_ =	shalt  }
0x75: {  	_ =	shalt  }
0x76: {  	_ =	shalt  }
0x77: {  	_ =	shalt  }
0x78: {  	_ =	shalt  }
0x79: {  	_ =	shalt  }
0x7a: {  	_ =	shalt  }
0x7b: {  	_ =	shalt  }
0x7c: {  	_ =	shalt  }
0x7d: {  	_ =	shalt  }
0x7e: {  	_ =	shalt  }
0x7f: {  	_ =	shalt  }
0x80: {  	_ =	shalt  }
0x81: {  	_ =	shalt  }
0x82: {  	_ =	shalt  }
0x83: {  	_ =	shalt  }
0x84: {  	_ =	shalt  }
0x85: {  	_ =	shalt  }
0x86: {  	_ =	shalt  }
0x87: {  	_ =	shalt  }
.Lfunc_end0:
.L_simem_size_0:
called_computation_lowered:
.L_overlay_start_0:
0x88: {  	s2 =	sld [smem:$0x3FD9]  }
0x89: {  	s3 =	sld [smem:$0x3FFE];
	_ =	sdelay $0x1  }
0x8a: {  	s1 =	srdreg.scid  }
0x8b: {  	s0 =	sand.u32 $0x1, s1  }
0x8c: {  	s17 =	sshll.u32 s0, $0xA;
	s2 =	sadd.s32 s3, s2  }
0x8d: {  	s2 =	sadd.s32 s2, s17  }
0x8e: {  	[smem:$0x3FC5] =	sst s2  }
0x8f: {  	_ = 	snop  }
0x90: {  	s2 =	sld [smem:$0x3FC8];
	(tm) =	ssettm $0x1  }
0x91: {  	s18 =	sld [smem:$0x3FFB];
	_ =	sdelay $0x3  }
0x92: {  	_ =	strace s18  }
0x93: {  	s3 =	sld [smem:$0x3FFC];
	_ =	sdelay $0x3  }
0x94: {  	_ =	strace s3  }
0x95: {  	s3 =	sld [smem:$0x3FFD];
	_ =	sdelay $0x3  }
0x96: {  	_ =	strace s3  }
0x97: {  	_ =	strace $0x8FFFFFFF  }
0x98: {  	s19 =	sld [smem:$0x3FDB];
	_ =	sdelay $0x1  }
0x99: {  	s4 =	simm.s32 $_scs_section_size  }
0x9a: {  	s5 =	simm.s32 $_size__tile_overlayer_lowered;
	s6 =	simm.s32 $_tile_overlayer_lowered  }
0x9b: {  	s22 =	simm.s32 $0x1BFF;
	s21 =	sshll.u32 s6, $0x1;
	s3 =	sadd.s32 s4, s19  }
0x9c: {  	s7 =	simm.s32 $0x0;
	s20 =	sshll.u32 s5, $0x1;
	s5 =	sadd.s32 s21, s3  }
0x9d: {  	[timem:s7], [sflag:s22] =	dma.local [hbm:s5], s20  }
0x9e: {  	_ =	swait.ge [sflag:s22], s20  }
0x9f: {  	s4 =	ssub.s32 $0x0, s20;
	[sflag:s22] =	ssyncset.done $0x0  }
0xa0: {  	[sflag:s22] =	ssyncadd.s32 s4;
	_ =	sdelay $0x1  }
0xa1: {  	s23 =	simm.s32 $0x1B8B  }
0xa2: {  	_ =	swait.ge [sflag:s23], $0x1  }
0xa3: {  	[sflag:s23] =	ssyncset.done $0x0  }
0xa4: {  	s25 =	simm.s32 $0x1B8E;
	s24 =	sld [smem:$0x3FFE];
	[sflag:s23] =	ssyncadd.s32 $0xFFFFFFFF  }
0xa5: {  	s26 =	simm.s32 $execute0_lowered;
	[smem:$0x3FD2] =	sst s25  }
0xa6: {  	s5 =	sshll.u32 s26, $0x1;
	_ =	strace $0x80000046;
	[dreg:$0x1] =	wrdreg $0xFFFFFFFF  }
0xa7: {  	s28 =	simm.s32 $_size_execute0_lowered;
	s3 =	sadd.s32 s3, s5;
	[dreg:$0x0] =	wrdreg $0x0  }
0xa8: {  	s5 =	sshll.u32 s28, $0x1;
	[dreg:$0x2] =	wrdreg s3  }
0xa9: {  	[dreg:$0x3] =	wrdreg s5  }
0xaa: {  	[dreg:$0x4] =	wrdreg $0xC0  }
0xab: {  	_ =	task [dreg:s7], $0x5FFFF  }
0xac: {  	[dreg:$0x1] =	wrdreg $0xFFFFFFFF  }
0xad: {  	[dreg:$0x0] =	wrdreg $0x60  }
0xae: {  	[dreg:$0x2] =	wrdreg s2  }
0xaf: {  	[dreg:$0x3] =	wrdreg s24  }
0xb0: {  	[dreg:$0x4] =	wrdreg $0x9  }
0xb1: {  	_ =	task.clear_ibuf [dreg:s7], $0x5FFFF;
	_ =	strace $0x90000046  }
0xb2: {  	s29 =	simm.s32 $0x9;
	_ =	strace $0x80000048  }
0xb3: {  	_ =	swait.ge [sflag:s29], $0x1  }
0xb4: {  	[sflag:s29] =	ssyncadd.s32 $0xFFFFFFFF  }
0xb5: {  	_ =	strace $0x90000048  }
0xb6: {  	_ =	sfence  }
0xb7: {  	s30 =	sld [smem:$0x0];
	_ =	sdelay $0x2  }
0xb8: {  	s31 =	sshll.u32 s1, $0xD;
	s1 =	sshrl.u32 s1, $0x2  }
0xb9: {  	s3 =	sand.u32 $0x4000, s31;
	s1 =	sadd.s32 s1, s30  }
0xba: {  	s0 =	sor.u32 s3, s0;
	s1 =	sshll.u32 s1, $0x11  }
0xbb: {  	s0 =	sor.u32 s1, s0  }
0xbc: {  	s0 =	sadd.s32 $0x8F2B, s0  }
0xbd: {  	[sflag:s0] =	ssyncadd.remote.s32 $0x1  }
0xbe: {  	_ =	sfence.sel $0xFFFF  }
0xbf: {  	[dreg:$0x0] =	wrdreg $0xFFFFFFFF;
	(pc) =	sbr.abs _section_cstart, $3  }
0xc0: {  	[dreg:$0x1] =	wrdreg $0xFFFFFFFF  }
0xc1: {  	_ =	task.clear_ibuf [dreg:s7], $0x2FFFF;
	_ =	strace $0x9FFFFFFF  }
0xc2: {  	(tm) =	ssettm $0x7FFFFFFF  }
0xc3: {  	_ =	shalt  }
tec
execute0_lowered:
.L_overlay_start_1:
0x0: {  	(tag) =	ssettag $0x1  }
0x1: {  	s4 =	rddreg [dreg:$0x0]  }
0x2: {  	s5 =	rddreg [dreg:$0x1]  }
0x3: {  	s0 =	rddreg [dreg:$0x2];
	s2 =	simm.s32 $0x0;
	s3 =	srdreg.scid  }
0x4: {  	s1 =	stileid.u32;
	s10 =	simm.s32 $0xC00;
	s11 =	simm.s32 $0x8C00  }
0x5: {  	s12 =	simm.s32 $0x1;
	s13 =	simm.s32 $0x2;
	s14 =	simm.s32 $0x10C00  }
0x6: {  	s15 =	simm.s32 $0x12C00;
	s16 =	simm.s32 $0x0;
	s6 =	sand.u32 $0x1, s3  }
0x7: {  	[smem:$0x7FF] =	sst s2;
	s7 =	sshll.u32 s1, $0x7;
	s8 =	sshll.u32 s6, $0x6  }
0x8: {  	s3 =	sadd.s32 $0x1000, s5;
	_ =	strace $0x80000047;
	s7 =	sor.u32 s8, s7  }
0x9: {  	s6 =	ssub.s32 $0x2, s6;
	s8 =	sshll.u32 s7, $0x4;
	s7 =	sshll.u32 s7, $0x7  }
0xa: {  	s9 =	sshrl.u32 s6, $0x1;
	s8 =	sadd.s32 s8, s5;
	s4 =	sadd.s32 s4, s7  }
0xb: {  	s9 =	ssub.s32 s6, s9;
	s5 =	sadd.s32 $0x1000, s4;
	s6 =	sadd.s32 $0x1200, s8  }
0xc: {  	s7 =	sadd.s32 $0x9200, s8;
	s8 =	smax.u32 s9, $0x1;
	s9 =	simm.s32 $0x3  }
.LBB2_1:
0xd: {  	[tilespmem:s2], [sflag:$0x3] =	stream.linear.gather [hbm4b:s3+s2], $0x800, $0x38;
	[tilespmem:$0x14C00] =	vst v63  }
0xe: {  	_ =	swait.ge [sflag:s9], $0x800  }
0xf: {  	[sflag:s9] =	ssyncset.done $0x0  }
0x10: {  	[sflag:s9] =	ssyncadd.s32 $0xFFFFF800  }
0x11: {  	v0 =	vld [tilespmem:$0x0]  }
0x12: {  	v1 =	vld [tilespmem:$0x400]  }
0x13: {  	v2 =	vld [tilespmem:$0x10]  }
0x14: {  	v3 =	vld [tilespmem:$0x410]  }
0x15: {  	v4 =	vld [tilespmem:$0x20]  }
0x16: {  	v5 =	vld [tilespmem:$0x420]  }
0x17: {  	v6 =	vld [tilespmem:$0x30]  }
0x18: {  	v7 =	vld [tilespmem:$0x430]  }
0x19: {  	v8 =	vld [tilespmem:$0x40]  }
0x1a: {  	v9 =	vld [tilespmem:$0x440]  }
0x1b: {  	v10 =	vld [tilespmem:$0x50]  }
0x1c: {  	v11 =	vld [tilespmem:$0x450]  }
0x1d: {  	v12 =	vld [tilespmem:$0x60]  }
0x1e: {  	v13 =	vld [tilespmem:$0x460]  }
0x1f: {  	v14 =	vld [tilespmem:$0x70]  }
0x20: {  	v15 =	vld [tilespmem:$0x470]  }
0x21: {  	v16 =	vld [tilespmem:$0x80]  }
0x22: {  	v17 =	vld [tilespmem:$0x480]  }
0x23: {  	v18 =	vld [tilespmem:$0x90]  }
0x24: {  	v19 =	vld [tilespmem:$0x490]  }
0x25: {  	v20 =	vld [tilespmem:$0xA0]  }
0x26: {  	v21 =	vld [tilespmem:$0x4A0]  }
0x27: {  	v22 =	vld [tilespmem:$0xB0]  }
0x28: {  	v23 =	vld [tilespmem:$0x4B0]  }
0x29: {  	v24 =	vld [tilespmem:$0xC0]  }
0x2a: {  	v25 =	vld [tilespmem:$0x4C0]  }
0x2b: {  	v26 =	vld [tilespmem:$0xD0]  }
0x2c: {  	v27 =	vld [tilespmem:$0x4D0]  }
0x2d: {  	v28 =	vld [tilespmem:$0xE0]  }
0x2e: {  	v29 =	vld [tilespmem:$0x4E0]  }
0x2f: {  	v30 =	vld [tilespmem:$0xF0]  }
0x30: {  	v31 =	vld [tilespmem:$0x4F0]  }
0x31: {  	v32 =	vld [tilespmem:$0x100]  }
0x32: {  	v33 =	vld [tilespmem:$0x500]  }
0x33: {  	v34 =	vld [tilespmem:$0x110]  }
0x34: {  	v35 =	vld [tilespmem:$0x510]  }
0x35: {  	v36 =	vld [tilespmem:$0x120]  }
0x36: {  	v37 =	vld [tilespmem:$0x520]  }
0x37: {  	v38 =	vld [tilespmem:$0x130]  }
0x38: {  	v39 =	vld [tilespmem:$0x530]  }
0x39: {  	v40 =	vld [tilespmem:$0x140]  }
0x3a: {  	v41 =	vld [tilespmem:$0x540]  }
0x3b: {  	v42 =	vld [tilespmem:$0x150]  }
0x3c: {  	v43 =	vld [tilespmem:$0x550]  }
0x3d: {  	v44 =	vld [tilespmem:$0x160]  }
0x3e: {  	v45 =	vld [tilespmem:$0x560]  }
0x3f: {  	v46 =	vld [tilespmem:$0x170]  }
0x40: {  	v47 =	vld [tilespmem:$0x570]  }
0x41: {  	v48 =	vld [tilespmem:$0x180]  }
0x42: {  	v49 =	vld [tilespmem:$0x580]  }
0x43: {  	v50 =	vld [tilespmem:$0x190]  }
0x44: {  	v51 =	vld [tilespmem:$0x590]  }
0x45: {  	v52 =	vld [tilespmem:$0x1A0]  }
0x46: {  	v53 =	vld [tilespmem:$0x5A0]  }
0x47: {  	v54 =	vld [tilespmem:$0x1B0]  }
0x48: {  	v55 =	vld [tilespmem:$0x5B0]  }
0x49: {  	v56 =	vld [tilespmem:$0x1C0]  }
0x4a: {  	v62 =	vld [tilespmem:$0x1F0]  }
0x4b: {  	v57 =	vld [tilespmem:$0x5C0]  }
0x4c: {  	v58 =	vld [tilespmem:$0x1D0]  }
0x4d: {  	v59 =	vld [tilespmem:$0x5D0]  }
0x4e: {  	v60 =	vld [tilespmem:$0x1E0];
	v0 =	vsub.f32 v0, v1  }
0x4f: {  	[tilespmem:$0x1FFA0] =	vst v62;
	v62 =	vld [tilespmem:$0x200];
	v2 =	vsub.f32 v2, v3  }
0x50: {  	v61 =	vld [tilespmem:$0x5E0];
	[tilespmem:$0x800] =	vst v0;
	v0 =	vsub.f32 v4, v5  }
0x51: {  	v63 =	vld [tilespmem:$0x5F0];
	[tilespmem:$0x810] =	vst v2;
	v2 =	vsub.f32 v6, v7  }
0x52: {  	v1 =	vld [tilespmem:$0x620];
	[tilespmem:$0x820] =	vst v0  }
0x53: {  	v3 =	vld [tilespmem:$0x230];
	v0 =	vsub.f32 v8, v9;
	[tilespmem:$0x830] =	vst v2  }
0x54: {  	v2 =	vsub.f32 v10, v11;
	[tilespmem:$0x1FFB0] =	vst v62;
	v62 =	vld [tilespmem:$0x600]  }
0x55: {  	v4 =	vld [tilespmem:$0x630];
	[tilespmem:$0x840] =	vst v0;
	v0 =	vsub.f32 v12, v13  }
0x56: {  	v5 =	vld [tilespmem:$0x240];
	[tilespmem:$0x850] =	vst v2;
	v2 =	vsub.f32 v14, v15  }
0x57: {  	v6 =	vld [tilespmem:$0x640];
	[tilespmem:$0x860] =	vst v0  }
0x58: {  	v7 =	vld [tilespmem:$0x250];
	v0 =	vsub.f32 v16, v17;
	[tilespmem:$0x870] =	vst v2  }
0x59: {  	v8 =	vld [tilespmem:$0x650];
	v2 =	vsub.f32 v18, v19;
	[tilespmem:$0x1FFC0] =	vst v62  }
0x5a: {  	v9 =	vld [tilespmem:$0x260];
	[tilespmem:$0x880] =	vst v0;
	v0 =	vsub.f32 v20, v21  }
0x5b: {  	v62 =	vld [tilespmem:$0x210];
	[tilespmem:$0x890] =	vst v2;
	v2 =	vsub.f32 v22, v23  }
0x5c: {  	v10 =	vld [tilespmem:$0x660];
	[tilespmem:$0x8A0] =	vst v0;
	v0 =	vsub.f32 v24, v25  }
0x5d: {  	v11 =	vld [tilespmem:$0x270];
	[tilespmem:$0x8B0] =	vst v2;
	v2 =	vsub.f32 v26, v27  }
0x5e: {  	v12 =	vld [tilespmem:$0x670];
	[tilespmem:$0x8C0] =	vst v0  }
0x5f: {  	v13 =	vld [tilespmem:$0x280];
	v0 =	vsub.f32 v28, v29;
	[tilespmem:$0x8D0] =	vst v2  }
0x60: {  	v2 =	vsub.f32 v30, v31;
	[tilespmem:$0x1FFD0] =	vst v62;
	v62 =	vld [tilespmem:$0x610]  }
0x61: {  	v14 =	vld [tilespmem:$0x680];
	[tilespmem:$0x8E0] =	vst v0;
	v0 =	vsub.f32 v32, v33  }
0x62: {  	v15 =	vld [tilespmem:$0x290];
	[tilespmem:$0x8F0] =	vst v2;
	v2 =	vsub.f32 v34, v35  }
0x63: {  	v16 =	vld [tilespmem:$0x690];
	[tilespmem:$0x900] =	vst v0  }
0x64: {  	v17 =	vld [tilespmem:$0x2A0];
	v0 =	vsub.f32 v36, v37;
	[tilespmem:$0x910] =	vst v2  }
0x65: {  	v18 =	vld [tilespmem:$0x6A0];
	v2 =	vsub.f32 v38, v39;
	[tilespmem:$0x1FFE0] =	vst v62  }
0x66: {  	v19 =	vld [tilespmem:$0x2B0];
	[tilespmem:$0x920] =	vst v0;
	v0 =	vsub.f32 v40, v41  }
0x67: {  	v20 =	vld [tilespmem:$0x6B0];
	[tilespmem:$0x930] =	vst v2;
	v2 =	vsub.f32 v42, v43  }
0x68: {  	v21 =	vld [tilespmem:$0x2C0];
	[tilespmem:$0x940] =	vst v0;
	v0 =	vsub.f32 v44, v45  }
0x69: {  	v22 =	vld [tilespmem:$0x6C0];
	[tilespmem:$0x950] =	vst v2;
	v2 =	vsub.f32 v46, v47  }
0x6a: {  	v23 =	vld [tilespmem:$0x2D0];
	[tilespmem:$0x960] =	vst v0;
	v0 =	vsub.f32 v48, v49  }
0x6b: {  	v24 =	vld [tilespmem:$0x6D0];
	[tilespmem:$0x970] =	vst v2;
	v2 =	vsub.f32 v50, v51  }
0x6c: {  	v25 =	vld [tilespmem:$0x2E0];
	[tilespmem:$0x980] =	vst v0;
	v0 =	vsub.f32 v52, v53  }
0x6d: {  	v26 =	vld [tilespmem:$0x6E0];
	[tilespmem:$0x990] =	vst v2;
	v2 =	vsub.f32 v54, v55  }
0x6e: {  	v27 =	vld [tilespmem:$0x2F0];
	[tilespmem:$0x9A0] =	vst v0;
	v0 =	vsub.f32 v56, v57  }
0x6f: {  	v37 =	vld [tilespmem:$0x1FFC0];
	[tilespmem:$0x9B0] =	vst v2;
	v2 =	vsub.f32 v58, v59  }
0x70: {  	v62 =	vld [tilespmem:$0x220];
	[tilespmem:$0x9C0] =	vst v0;
	v0 =	vsub.f32 v60, v61  }
0x71: {  	[tilespmem:$0x9D0] =	vst v2;
	v2 =	vld [tilespmem:$0x1FFA0]  }
0x72: {  	[tilespmem:$0x9E0] =	vst v0;
	v0 =	vld [tilespmem:$0x1FFB0]  }
0x73: {  	v28 =	vld [tilespmem:$0x6F0]  }
0x74: {  	v29 =	vld [tilespmem:$0x300]  }
0x75: {  	v30 =	vld [tilespmem:$0x700]  }
0x76: {  	v31 =	vld [tilespmem:$0x310];
	v2 =	vsub.f32 v2, v63  }
0x77: {  	v39 =	vld [tilespmem:$0x1FFE0];
	[tilespmem:$0x1FFF0] =	vst v62;
	v0 =	vsub.f32 v0, v37  }
0x78: {  	[tilespmem:$0x9F0] =	vst v2;
	v2 =	vld [tilespmem:$0x1FFD0]  }
0x79: {  	[tilespmem:$0xA00] =	vst v0;
	v0 =	vld [tilespmem:$0x1FFF0]  }
0x7a: {  	v36 =	vld [tilespmem:$0x320]  }
0x7b: {  	v38 =	vld [tilespmem:$0x720]  }
0x7c: {  	v40 =	vld [tilespmem:$0x330]  }
0x7d: {  	v62 =	vld [tilespmem:$0x710];
	v2 =	vsub.f32 v2, v39  }
0x7e: {  	v0 =	vsub.f32 v0, v1;
	v1 =	vld [tilespmem:$0x730]  }
0x7f: {  	[tilespmem:$0xA10] =	vst v2;
	v2 =	vsub.f32 v3, v4;
	v3 =	vld [tilespmem:$0x340]  }
0x80: {  	v4 =	vld [tilespmem:$0x740];
	[tilespmem:$0xA20] =	vst v0;
	v0 =	vsub.f32 v5, v6  }
0x81: {  	[tilespmem:$0xA30] =	vst v2;
	v2 =	vsub.f32 v7, v8;
	v5 =	vld [tilespmem:$0x350]  }
0x82: {  	v6 =	vld [tilespmem:$0x750];
	[tilespmem:$0xA40] =	vst v0;
	v0 =	vsub.f32 v9, v10  }
0x83: {  	v7 =	vld [tilespmem:$0x360];
	[tilespmem:$0xA50] =	vst v2;
	v2 =	vsub.f32 v11, v12  }
0x84: {  	v8 =	vld [tilespmem:$0x760];
	v1 =	vsub.f32 v40, v1;
	[tilespmem:$0xA60] =	vst v0  }
0x85: {  	v9 =	vld [tilespmem:$0x370];
	v0 =	vsub.f32 v13, v14;
	[tilespmem:$0xA70] =	vst v2  }
0x86: {  	v10 =	vld [tilespmem:$0x770];
	v2 =	vsub.f32 v15, v16;
	[tilespmem:$0xB30] =	vst v1  }
0x87: {  	v11 =	vld [tilespmem:$0x380];
	[tilespmem:$0xA80] =	vst v0;
	v0 =	vsub.f32 v17, v18  }
0x88: {  	v12 =	vld [tilespmem:$0x780];
	v1 =	vsub.f32 v5, v6;
	[tilespmem:$0xA90] =	vst v2  }
0x89: {  	v13 =	vld [tilespmem:$0x390];
	[tilespmem:$0xAA0] =	vst v0;
	v0 =	vsub.f32 v21, v22  }
0x8a: {  	v14 =	vld [tilespmem:$0x790];
	v2 =	vsub.f32 v19, v20;
	[tilespmem:$0xB50] =	vst v1  }
0x8b: {  	v15 =	vld [tilespmem:$0x3A0];
	[tilespmem:$0xAC0] =	vst v0;
	v0 =	vsub.f32 v25, v26  }
0x8c: {  	v16 =	vld [tilespmem:$0x7A0];
	[tilespmem:$0xAB0] =	vst v2;
	v2 =	vsub.f32 v23, v24  }
0x8d: {  	v5 =	vld [tilespmem:$0x7D0];
	[tilespmem:$0xAE0] =	vst v0;
	v0 =	vsub.f32 v29, v30  }
0x8e: {  	v6 =	vld [tilespmem:$0x3E0];
	[tilespmem:$0xAD0] =	vst v2;
	v2 =	vsub.f32 v27, v28  }
0x8f: {  	v17 =	vld [tilespmem:$0x3B0];
	[tilespmem:$0xB00] =	vst v0;
	v0 =	vsub.f32 v36, v38  }
0x90: {  	v18 =	vld [tilespmem:$0x7B0];
	[tilespmem:$0xAF0] =	vst v2;
	v2 =	vsub.f32 v31, v62  }
0x91: {  	v1 =	vsub.f32 v9, v10;
	v9 =	vld [tilespmem:$0x7F0];
	[tilespmem:$0xB20] =	vst v0;
	v0 =	vsub.f32 v3, v4  }
0x92: {  	[tilespmem:$0xB10] =	vst v2;
	v2 =	vld [tilespmem:$0x3C0]  }
0x93: {  	v4 =	vld [tilespmem:$0x3D0];
	[tilespmem:$0xB40] =	vst v0;
	v0 =	vsub.f32 v7, v8  }
0x94: {  	[tilespmem:$0xB70] =	vst v1;
	v1 =	vsub.f32 v13, v14;
	v3 =	vld [tilespmem:$0x7C0]  }
0x95: {  	v8 =	vld [tilespmem:$0x3F0];
	[tilespmem:$0xB60] =	vst v0;
	v0 =	vsub.f32 v11, v12  }
0x96: {  	[tilespmem:$0xB90] =	vst v1;
	v1 =	vsub.f32 v17, v18;
	v7 =	vld [tilespmem:$0x7E0]  }
0x97: {  	[tilespmem:$0xB80] =	vst v0;
	v0 =	vsub.f32 v15, v16  }
0x98: {  	[tilespmem:$0xBB0] =	vst v1;
	v1 =	vsub.f32 v4, v5  }
0x99: {  	[tilespmem:$0xBA0] =	vst v0;
	v0 =	vsub.f32 v2, v3  }
0x9a: {  	[tilespmem:$0xBD0] =	vst v1;
	v1 =	vsub.f32 v8, v9  }
0x9b: {  	[tilespmem:$0xBC0] =	vst v0;
	v0 =	vsub.f32 v6, v7  }
0x9c: {  	[tilespmem:$0xBF0] =	vst v1  }
0x9d: {  	[tilespmem:$0xBE0] =	vst v0  }
0x9e: {  	[tilespmem:s10], [sflag:$0x1] =	stream.linear.gather [hbm4b:s4+s2], $0x8000, $0x38;
	[tilespmem:$0x14C00] =	vst v63  }
0x9f: {  	_ = 	snop  }
0xa0: {  	[tilespmem:s11], [sflag:$0x2] =	stream.linear.gather [hbm4b:s5+s2], $0x8000, $0x38;
	[tilespmem:$0x14C00] =	vst v63  }
0xa1: {  	_ =	swait.ge [sflag:s12], $0x8000  }
0xa2: {  	[sflag:s12] =	ssyncset.done $0x0  }
0xa3: {  	[sflag:s12] =	ssyncadd.s32 $0xFFFF8000  }
0xa4: {  	v14 =	vld [tilespmem:$0x0]  }
0xa5: {  	v15 =	vld [tilespmem:$0x10]  }
0xa6: {  	v13 =	vld [tilespmem:$0x20]  }
0xa7: {  	v12 =	vld [tilespmem:$0x30]  }
0xa8: {  	v11 =	vld [tilespmem:$0x40]  }
0xa9: {  	v10 =	vld [tilespmem:$0x50]  }
0xaa: {  	v9 =	vld [tilespmem:$0x60]  }
0xab: {  	v8 =	vld [tilespmem:$0x70]  }
0xac: {  	v7 =	vld [tilespmem:$0x80]  }
0xad: {  	v6 =	vld [tilespmem:$0x90]  }
0xae: {  	v5 =	vld [tilespmem:$0xA0]  }
0xaf: {  	v4 =	vld [tilespmem:$0xB0]  }
0xb0: {  	v3 =	vld [tilespmem:$0xC0]  }
0xb1: {  	v2 =	vld [tilespmem:$0xD0]  }
0xb2: {  	s17 =	sand.u32 $0x6000, s2;
	s18 =	sand.u32 $0x380, s2;
	v1 =	vld [tilespmem:$0xE0]  }
0xb3: {  	s17 =	sor.u32 s18, s17;
	v0 =	vld [tilespmem:$0xF0]  }
0xb4: {  	v16 =	vld [tilespmem:s17+$0xC00]  }
0xb5: {  	v18 =	vld [tilespmem:s17+$0xC10]  }
0xb6: {  	v26 =	vld [tilespmem:$0x800]  }
0xb7: {  	v19 =	vld [tilespmem:s17+$0xC20]  }
0xb8: {  	v22 =	vld [tilespmem:$0x810]  }
0xb9: {  	v20 =	vld [tilespmem:s17+$0xC30]  }
0xba: {  	v17 =	vld [tilespmem:$0x820];
	v21 =	vsub.f32 v16, v14;
	v23 =	vsub.f32 v18, v15  }
0xbb: {  	v25 =	vld [tilespmem:s17+$0xC40];
	v24 =	vmul.f32 v16, v26  }
0xbc: {  	v16 =	vld [tilespmem:$0x830];
	v27 =	vsub.f32 v19, v13;
	v21 =	vmul.f32 v21, v21;
	v23 =	vmul.f32 v23, v23  }
0xbd: {  	v29 =	vld [tilespmem:s17+$0xC50];
	v28 =	vmul.f32 v18, v22;
	v24 =	vadd.f32 $0.0e+00, v24  }
0xbe: {  	v18 =	vld [tilespmem:$0x840];
	v21 =	vadd.f32 v23, v21;
	v23 =	vmul.f32 v27, v27;
	v27 =	vsub.f32 v20, v12  }
0xbf: {  	v30 =	vmul.f32 v19, v17;
	v24 =	vadd.f32 v28, v24;
	v28 =	vld [tilespmem:s17+$0xC60]  }
0xc0: {  	v19 =	vld [tilespmem:$0x850];
	v21 =	vadd.f32 v23, v21;
	v23 =	vmul.f32 v27, v27;
	v27 =	vsub.f32 v25, v11  }
0xc1: {  	v31 =	vmul.f32 v20, v16;
	v24 =	vadd.f32 v30, v24;
	v30 =	vld [tilespmem:s17+$0xC70]  }
0xc2: {  	v41 =	vsub.f32 v29, v10;
	v20 =	vld [tilespmem:$0x860];
	v23 =	vadd.f32 v23, v21;
	v27 =	vmul.f32 v27, v27  }
0xc3: {  	v25 =	vmul.f32 v25, v18;
	v24 =	vadd.f32 v31, v24;
	v31 =	vld [tilespmem:s17+$0x1000]  }
0xc4: {  	v32 =	vmul.f32 v41, v41;
	v21 =	vld [tilespmem:$0x870];
	v42 =	vsub.f32 v28, v9;
	v27 =	vadd.f32 v27, v23  }
0xc5: {  	v43 =	vld [tilespmem:s17+$0x1010];
	v29 =	vmul.f32 v29, v19;
	v24 =	vadd.f32 v25, v24  }
0xc6: {  	v23 =	vld [tilespmem:$0x880];
	v44 =	vsub.f32 v30, v8;
	v25 =	vadd.f32 v32, v27;
	v27 =	vmul.f32 v42, v42  }
0xc7: {  	v45 =	vld [tilespmem:s17+$0x1020];
	v28 =	vmul.f32 v28, v20;
	v29 =	vadd.f32 v29, v24  }
0xc8: {  	v24 =	vld [tilespmem:$0x890];
	v32 =	vmul.f32 v44, v44;
	v46 =	vsub.f32 v31, v7;
	v27 =	vadd.f32 v27, v25  }
0xc9: {  	v47 =	vld [tilespmem:s17+$0x1030];
	v30 =	vmul.f32 v30, v21;
	v28 =	vadd.f32 v28, v29  }
0xca: {  	v49 =	vsub.f32 v43, v6;
	v25 =	vld [tilespmem:$0x8A0];
	v48 =	vmul.f32 v46, v46;
	v29 =	vadd.f32 v32, v27  }
0xcb: {  	v50 =	vld [tilespmem:s17+$0x1040];
	v31 =	vmul.f32 v31, v23;
	v28 =	vadd.f32 v30, v28  }
0xcc: {  	v51 =	vsub.f32 v45, v5;
	v27 =	vld [tilespmem:$0x8B0];
	v30 =	vmul.f32 v49, v49;
	v29 =	vadd.f32 v48, v29  }
0xcd: {  	v52 =	vld [tilespmem:s17+$0x1050];
	v34 =	vmul.f32 v43, v24;
	v31 =	vadd.f32 v31, v28  }
0xce: {  	v53 =	vsub.f32 v47, v4;
	v32 =	vmul.f32 v51, v51;
	v28 =	vld [tilespmem:$0x8C0];
	v30 =	vadd.f32 v30, v29  }
0xcf: {  	v54 =	vld [tilespmem:s17+$0x1060];
	v33 =	vmul.f32 v45, v25;
	v31 =	vadd.f32 v34, v31  }
0xd0: {  	v55 =	vsub.f32 v50, v3;
	v38 =	vmul.f32 v53, v53;
	v29 =	vld [tilespmem:$0x8D0];
	v32 =	vadd.f32 v32, v30  }
0xd1: {  	v56 =	vld [tilespmem:s17+$0x1070];
	v36 =	vmul.f32 v47, v27;
	v31 =	vadd.f32 v33, v31  }
0xd2: {  	v58 =	vsub.f32 v52, v2;
	v57 =	vmul.f32 v55, v55;
	v30 =	vld [tilespmem:$0x8E0];
	v32 =	vadd.f32 v38, v32  }
0xd3: {  	v37 =	vmul.f32 v50, v28;
	v36 =	vadd.f32 v36, v31  }
0xd4: {  	v60 =	vsub.f32 v54, v1;
	v59 =	vmul.f32 v58, v58;
	v31 =	vld [tilespmem:$0x8F0];
	v32 =	vadd.f32 v57, v32  }
0xd5: {  	v35 =	vmul.f32 v52, v29;
	v36 =	vadd.f32 v37, v36  }
0xd6: {  	v62 =	vsub.f32 v56, v0;
	v61 =	vmul.f32 v60, v60;
	v32 =	vadd.f32 v59, v32  }
0xd7: {  	v34 =	vmul.f32 v54, v30;
	v35 =	vadd.f32 v35, v36  }
0xd8: {  	v63 =	vmul.f32 v62, v62;
	v32 =	vadd.f32 v61, v32  }
0xd9: {  	v33 =	vmul.f32 v56, v31;
	v34 =	vadd.f32 v34, v35  }
0xda: {  	v32 =	vadd.f32 v63, v32  }
0xdb: {  	s30 =	simm.s32 $0x400;
	s20 =	simm.s32 $0x80;
	v33 =	vadd.f32 v33, v34  }
0xdc: {  	s31 =	sand.u32 $0x380, s20;
	s17 =	sand.u32 $0x6000, s30;
	[tilespmem:s14+$0x0] =	vst v32  }
0xdd: {  	s19 =	sor.u32 s31, s17;
	[tilespmem:s15+$0x0] =	vst v33  }
0xde: {  	s21 =	simm.s32 $0x800;
	s18 =	simm.s32 $0x10C00;
	s17 =	simm.s32 $0x12C00;
	v32 =	vld [tilespmem:s19+$0xC00]  }
.LBB2_2:
0xdf: {  	p0 =	sne.s32 s21, $0x7C00;
	v33 =	vld [tilespmem:s19+$0xC10];
	_ =	sdelay $0x1  }
0xe0: {  	v34 =	vld [tilespmem:s19+$0xC20];
	_ =	sdelay $0x1  }
0xe1: {  	v35 =	vmul.f32 v32, v26;
	v36 =	vld [tilespmem:s19+$0xC30]  }
0xe2: {  	v32 =	vsub.f32 v32, v14;
	v37 =	vsub.f32 v33, v15;
	v33 =	vmul.f32 v33, v22  }
0xe3: {  	v38 =	vld [tilespmem:s19+$0xC40]  }
0xe4: {  	v32 =	vmul.f32 v32, v32;
	v37 =	vmul.f32 v37, v37;
	v39 =	vsub.f32 v34, v13  }
0xe5: {  	v35 =	vadd.f32 $0.0e+00, v35;
	v34 =	vmul.f32 v34, v17;
	v40 =	vld [tilespmem:s19+$0xC50]  }
0xe6: {  	v32 =	vadd.f32 v37, v32;
	v37 =	vmul.f32 v39, v39;
	v39 =	vsub.f32 v36, v12  }
0xe7: {  	v33 =	vadd.f32 v33, v35;
	v35 =	vmul.f32 v36, v16;
	v36 =	vld [tilespmem:s19+$0xC60]  }
0xe8: {  	v32 =	vadd.f32 v37, v32;
	v37 =	vmul.f32 v39, v39;
	v39 =	vsub.f32 v38, v11  }
0xe9: {  	v33 =	vadd.f32 v34, v33;
	v34 =	vmul.f32 v38, v18;
	v38 =	vld [tilespmem:s19+$0xC70]  }
0xea: {  	v32 =	vadd.f32 v37, v32;
	v37 =	vmul.f32 v39, v39;
	v39 =	vsub.f32 v40, v10  }
0xeb: {  	v33 =	vadd.f32 v35, v33;
	v35 =	vmul.f32 v40, v19;
	v40 =	vld [tilespmem:s19+$0x1000]  }
0xec: {  	v32 =	vadd.f32 v37, v32;
	v37 =	vmul.f32 v39, v39;
	v39 =	vsub.f32 v36, v9  }
0xed: {  	v33 =	vadd.f32 v34, v33;
	v34 =	vmul.f32 v36, v20;
	v36 =	vld [tilespmem:s19+$0x1010]  }
0xee: {  	v32 =	vadd.f32 v37, v32;
	v37 =	vmul.f32 v39, v39;
	v39 =	vsub.f32 v38, v8  }
0xef: {  	v33 =	vadd.f32 v35, v33;
	v35 =	vmul.f32 v38, v21;
	v38 =	vld [tilespmem:s19+$0x1020]  }
0xf0: {  	v32 =	vadd.f32 v37, v32;
	v37 =	vmul.f32 v39, v39;
	v39 =	vsub.f32 v40, v7  }
0xf1: {  	v33 =	vadd.f32 v34, v33;
	v34 =	vmul.f32 v40, v23;
	v40 =	vld [tilespmem:s19+$0x1030]  }
0xf2: {  	v32 =	vadd.f32 v37, v32;
	v37 =	vmul.f32 v39, v39;
	v39 =	vsub.f32 v36, v6  }
0xf3: {  	v33 =	vadd.f32 v35, v33;
	v35 =	vmul.f32 v36, v24;
	v36 =	vld [tilespmem:s19+$0x1040]  }
0xf4: {  	v32 =	vadd.f32 v37, v32;
	v37 =	vmul.f32 v39, v39;
	v39 =	vsub.f32 v38, v5  }
0xf5: {  	v33 =	vadd.f32 v34, v33;
	v34 =	vmul.f32 v38, v25;
	v38 =	vld [tilespmem:s19+$0x1050]  }
0xf6: {  	v32 =	vadd.f32 v37, v32;
	v37 =	vmul.f32 v39, v39;
	v39 =	vsub.f32 v40, v4  }
0xf7: {  	v33 =	vadd.f32 v35, v33;
	v35 =	vmul.f32 v40, v27;
	v40 =	vld [tilespmem:s19+$0x1060]  }
0xf8: {  	v32 =	vadd.f32 v37, v32;
	v37 =	vmul.f32 v39, v39;
	v39 =	vsub.f32 v36, v3  }
0xf9: {  	v33 =	vadd.f32 v34, v33;
	v34 =	vmul.f32 v36, v28;
	v36 =	vld [tilespmem:s19+$0x1070]  }
0xfa: {  	v32 =	vadd.f32 v37, v32;
	v37 =	vmul.f32 v39, v39;
	v39 =	vsub.f32 v38, v2  }
0xfb: {  	v33 =	vadd.f32 v35, v33;
	v35 =	vmul.f32 v38, v29  }
0xfc: {  	v32 =	vadd.f32 v37, v32;
	v37 =	vmul.f32 v39, v39;
	v38 =	vsub.f32 v40, v1  }
0xfd: {  	v33 =	vadd.f32 v34, v33;
	v34 =	vmul.f32 v40, v30  }
0xfe: {  	v32 =	vadd.f32 v37, v32;
	v37 =	vmul.f32 v38, v38;
	v38 =	vsub.f32 v36, v0  }
0xff: {  	v33 =	vadd.f32 v35, v33;
	v35 =	vmul.f32 v36, v31  }
0x100: {  	v32 =	vadd.f32 v37, v32;
	v36 =	vmul.f32 v38, v38  }
0x101: {  	v33 =	vadd.f32 v34, v33  }
.Ltmp0:
0x102: {  	v32 =	vadd.f32 v36, v32;
	(pc) =	sbr.rel @p0 .LBB2_2-.Ltmp0, $4  }
0x103: {  	s20 =	sadd.s32 $0x80, s20;
	s18 =	sadd.s32 $0x80, s18;
	v33 =	vadd.f32 v35, v33  }
0x104: {  	s17 =	sadd.s32 $0x80, s17;
	s22 =	sand.u32 $0x380, s20;
	s19 =	sand.u32 $0x6000, s21;
	[tilespmem:s18+$0x0] =	vst v32  }
0x105: {  	s19 =	sor.u32 s22, s19;
	[tilespmem:s17+$0x0] =	vst v33  }
0x106: {  	s21 =	sadd.s32 $0x400, s21;
	v32 =	vld [tilespmem:s19+$0xC00]  }
0x107: {  	v33 =	vld [tilespmem:s19+$0xC10];
	_ =	sdelay $0x1  }
0x108: {  	v34 =	vld [tilespmem:s19+$0xC20];
	_ =	sdelay $0x1  }
0x109: {  	v35 =	vld [tilespmem:s19+$0xC30]  }
0x10a: {  	v14 =	vsub.f32 v32, v14;
	v15 =	vsub.f32 v33, v15  }
0x10b: {  	v47 =	vld [tilespmem:s19+$0xC40];
	v26 =	vmul.f32 v32, v26  }
0x10c: {  	v13 =	vsub.f32 v34, v13;
	v14 =	vmul.f32 v14, v14;
	v15 =	vmul.f32 v15, v15  }
0x10d: {  	v48 =	vld [tilespmem:s19+$0xC50];
	v22 =	vmul.f32 v33, v22;
	v26 =	vadd.f32 $0.0e+00, v26  }
0x10e: {  	v12 =	vsub.f32 v35, v12;
	v13 =	vmul.f32 v13, v13;
	v14 =	vadd.f32 v15, v14  }
0x10f: {  	v15 =	vmul.f32 v34, v17;
	v17 =	vadd.f32 v22, v26;
	v22 =	vld [tilespmem:s19+$0xC60]  }
0x110: {  	v11 =	vsub.f32 v47, v11;
	v12 =	vmul.f32 v12, v12;
	v13 =	vadd.f32 v13, v14  }
0x111: {  	v14 =	vmul.f32 v35, v16;
	v15 =	vadd.f32 v15, v17;
	v16 =	vld [tilespmem:s19+$0xC70]  }
0x112: {  	v10 =	vsub.f32 v48, v10;
	v11 =	vmul.f32 v11, v11;
	v12 =	vadd.f32 v12, v13  }
0x113: {  	v13 =	vmul.f32 v47, v18;
	v14 =	vadd.f32 v14, v15;
	v15 =	vld [tilespmem:s19+$0x1000]  }
0x114: {  	v10 =	vmul.f32 v10, v10;
	v9 =	vsub.f32 v22, v9;
	v11 =	vadd.f32 v11, v12  }
0x115: {  	v12 =	vmul.f32 v48, v19;
	v13 =	vadd.f32 v13, v14;
	v14 =	vld [tilespmem:s19+$0x1010]  }
0x116: {  	v9 =	vmul.f32 v9, v9;
	v8 =	vsub.f32 v16, v8;
	v10 =	vadd.f32 v10, v11  }
0x117: {  	v11 =	vmul.f32 v22, v20;
	v12 =	vadd.f32 v12, v13;
	v13 =	vld [tilespmem:s19+$0x1020]  }
0x118: {  	v8 =	vmul.f32 v8, v8;
	v7 =	vsub.f32 v15, v7;
	v9 =	vadd.f32 v9, v10  }
0x119: {  	v10 =	vmul.f32 v16, v21;
	v11 =	vadd.f32 v11, v12;
	v12 =	vld [tilespmem:s19+$0x1030]  }
0x11a: {  	v7 =	vmul.f32 v7, v7;
	v6 =	vsub.f32 v14, v6;
	v8 =	vadd.f32 v8, v9  }
0x11b: {  	v9 =	vmul.f32 v15, v23;
	v10 =	vadd.f32 v10, v11;
	v11 =	vld [tilespmem:s19+$0x1040]  }
0x11c: {  	v6 =	vmul.f32 v6, v6;
	v5 =	vsub.f32 v13, v5;
	v7 =	vadd.f32 v7, v8  }
0x11d: {  	v8 =	vmul.f32 v14, v24;
	v9 =	vadd.f32 v9, v10;
	v10 =	vld [tilespmem:s19+$0x1050]  }
0x11e: {  	v5 =	vmul.f32 v5, v5;
	v4 =	vsub.f32 v12, v4;
	v6 =	vadd.f32 v6, v7  }
0x11f: {  	v7 =	vmul.f32 v13, v25;
	v8 =	vadd.f32 v8, v9;
	v9 =	vld [tilespmem:s19+$0x1060]  }
0x120: {  	v4 =	vmul.f32 v4, v4;
	v3 =	vsub.f32 v11, v3;
	v5 =	vadd.f32 v5, v6  }
0x121: {  	v6 =	vmul.f32 v12, v27;
	v7 =	vadd.f32 v7, v8;
	v8 =	vld [tilespmem:s19+$0x1070]  }
0x122: {  	v3 =	vmul.f32 v3, v3;
	v2 =	vsub.f32 v10, v2;
	v4 =	vadd.f32 v4, v5  }
0x123: {  	v5 =	vmul.f32 v11, v28;
	v6 =	vadd.f32 v6, v7  }
0x124: {  	v2 =	vmul.f32 v2, v2;
	v1 =	vsub.f32 v9, v1;
	v3 =	vadd.f32 v3, v4  }
0x125: {  	v4 =	vmul.f32 v10, v29;
	v5 =	vadd.f32 v5, v6  }
0x126: {  	v1 =	vmul.f32 v1, v1;
	v0 =	vsub.f32 v8, v0;
	v2 =	vadd.f32 v2, v3  }
0x127: {  	v3 =	vmul.f32 v9, v30;
	v4 =	vadd.f32 v4, v5  }
0x128: {  	v0 =	vmul.f32 v0, v0;
	v1 =	vadd.f32 v1, v2  }
0x129: {  	v2 =	vmul.f32 v8, v31;
	v3 =	vadd.f32 v3, v4  }
0x12a: {  	v0 =	vadd.f32 v0, v1  }
0x12b: {  	s18 =	sadd.s32 $0x80, s18;
	v1 =	vadd.f32 v2, v3  }
0x12c: {  	s17 =	sadd.s32 $0x80, s17;
	[tilespmem:s18+$0x0] =	vst v0  }
0x12d: {  	[tilespmem:s17+$0x0] =	vst v1  }
0x12e: {  	v14 =	vld [tilespmem:$0x100]  }
0x12f: {  	v15 =	vld [tilespmem:$0x110]  }
0x130: {  	v13 =	vld [tilespmem:$0x120]  }
0x131: {  	v12 =	vld [tilespmem:$0x130]  }
0x132: {  	v11 =	vld [tilespmem:$0x140]  }
0x133: {  	v10 =	vld [tilespmem:$0x150]  }
0x134: {  	v9 =	vld [tilespmem:$0x160]  }
0x135: {  	v8 =	vld [tilespmem:$0x170]  }
0x136: {  	v7 =	vld [tilespmem:$0x180]  }
0x137: {  	v6 =	vld [tilespmem:$0x190]  }
0x138: {  	s28 =	simm.s32 $0x0;
	v5 =	vld [tilespmem:$0x1A0]  }
0x139: {  	s29 =	sand.u32 $0x6000, s28;
	s17 =	sand.u32 $0x380, s28;
	v4 =	vld [tilespmem:$0x1B0]  }
0x13a: {  	v3 =	vld [tilespmem:$0x1C0];
	s17 =	sor.u32 s17, s29  }
0x13b: {  	v19 =	vld [tilespmem:s17+$0x1410]  }
0x13c: {  	v17 =	vld [tilespmem:s17+$0x1400]  }
0x13d: {  	v2 =	vld [tilespmem:$0x1D0]  }
0x13e: {  	v21 =	vld [tilespmem:s17+$0x1420]  }
0x13f: {  	v1 =	vld [tilespmem:$0x1E0]  }
0x140: {  	v22 =	vld [tilespmem:s17+$0x1430]  }
0x141: {  	v20 =	vld [tilespmem:$0x900];
	v16 =	vsub.f32 v19, v15;
	v18 =	vsub.f32 v17, v14  }
0x142: {  	v23 =	vld [tilespmem:s17+$0x1440]  }
0x143: {  	v26 =	vld [tilespmem:s17+$0x1450];
	v24 =	vsub.f32 v21, v13;
	v16 =	vmul.f32 v16, v16;
	v25 =	vmul.f32 v18, v18  }
0x144: {  	v28 =	vld [tilespmem:s17+$0x1460]  }
0x145: {  	v27 =	vsub.f32 v22, v12;
	v18 =	vld [tilespmem:$0x910];
	v24 =	vmul.f32 v24, v24;
	v25 =	vadd.f32 v16, v25  }
0x146: {  	v30 =	vld [tilespmem:s17+$0x1470]  }
0x147: {  	v29 =	vsub.f32 v23, v11;
	v27 =	vmul.f32 v27, v27;
	v16 =	vld [tilespmem:$0x920];
	v24 =	vadd.f32 v24, v25  }
0x148: {  	v49 =	vld [tilespmem:s17+$0x1800];
	v25 =	vmul.f32 v17, v20  }
0x149: {  	v31 =	vsub.f32 v26, v10;
	v29 =	vmul.f32 v29, v29;
	v17 =	vld [tilespmem:$0x930];
	v24 =	vadd.f32 v27, v24  }
0x14a: {  	v53 =	vld [tilespmem:s17+$0x1830];
	v25 =	vadd.f32 $0.0e+00, v25;
	v27 =	vmul.f32 v19, v18  }
0x14b: {  	v50 =	vsub.f32 v28, v9;
	v31 =	vmul.f32 v31, v31;
	v19 =	vld [tilespmem:$0x940];
	v24 =	vadd.f32 v29, v24  }
0x14c: {  	v25 =	vadd.f32 v27, v25;
	v27 =	vmul.f32 v21, v16;
	v29 =	vld [tilespmem:s17+$0x1810]  }
0x14d: {  	v51 =	vsub.f32 v30, v8;
	v33 =	vmul.f32 v50, v50;
	v21 =	vld [tilespmem:$0x950];
	v24 =	vadd.f32 v31, v24  }
0x14e: {  	v25 =	vadd.f32 v27, v25;
	v27 =	vmul.f32 v22, v17;
	v31 =	vld [tilespmem:s17+$0x1820]  }
0x14f: {  	v52 =	vsub.f32 v49, v7;
	v34 =	vmul.f32 v51, v51;
	v22 =	vld [tilespmem:$0x960];
	v24 =	vadd.f32 v33, v24  }
0x150: {  	v0 =	vld [tilespmem:$0x1F0];
	v25 =	vadd.f32 v27, v25;
	v27 =	vmul.f32 v23, v19  }
0x151: {  	v37 =	vld [tilespmem:s17+$0x1840];
	v35 =	vmul.f32 v52, v52;
	v36 =	vsub.f32 v29, v6;
	v34 =	vadd.f32 v34, v24  }
0x152: {  	v23 =	vld [tilespmem:$0x970];
	v26 =	vmul.f32 v26, v21;
	v25 =	vadd.f32 v27, v25  }
0x153: {  	v55 =	vld [tilespmem:s17+$0x1850];
	v27 =	vmul.f32 v36, v36;
	v54 =	vsub.f32 v31, v5;
	v34 =	vadd.f32 v35, v34  }
0x154: {  	v38 =	vsub.f32 v53, v4;
	v24 =	vld [tilespmem:$0x980];
	v28 =	vmul.f32 v28, v22  }
0x155: {  	v56 =	vld [tilespmem:s17+$0x1860];
	v26 =	vadd.f32 v26, v25;
	v36 =	vmul.f32 v54, v54;
	v27 =	vadd.f32 v27, v34  }
0x156: {  	v39 =	vsub.f32 v37, v3;
	v38 =	vmul.f32 v38, v38;
	v25 =	vld [tilespmem:$0x990]  }
0x157: {  	v57 =	vld [tilespmem:s17+$0x1870];
	v30 =	vmul.f32 v30, v23;
	v28 =	vadd.f32 v28, v26;
	v27 =	vadd.f32 v36, v27  }
0x158: {  	v59 =	vsub.f32 v55, v2;
	v58 =	vmul.f32 v39, v39;
	v26 =	vld [tilespmem:$0x9A0]  }
0x159: {  	v28 =	vadd.f32 v30, v28;
	v30 =	vmul.f32 v49, v24;
	v38 =	vadd.f32 v38, v27  }
0x15a: {  	v40 =	vsub.f32 v56, v1;
	v39 =	vmul.f32 v59, v59;
	v27 =	vld [tilespmem:$0x9B0]  }
0x15b: {  	v29 =	vmul.f32 v29, v25;
	v30 =	vadd.f32 v30, v28;
	v36 =	vadd.f32 v58, v38  }
0x15c: {  	s30 =	simm.s32 $0x10C00;
	v61 =	vsub.f32 v57, v0;
	v60 =	vmul.f32 v40, v40;
	v28 =	vld [tilespmem:$0x9C0]  }
0x15d: {  	v62 =	vld [tilespmem:s30+$0x0];
	v31 =	vmul.f32 v31, v26;
	v30 =	vadd.f32 v29, v30;
	v36 =	vadd.f32 v39, v36  }
0x15e: {  	v40 =	vmul.f32 v61, v61;
	v29 =	vld [tilespmem:$0x9D0]  }
0x15f: {  	v31 =	vadd.f32 v31, v30;
	v33 =	vmul.f32 v53, v27;
	v36 =	vadd.f32 v60, v36  }
0x160: {  	v30 =	vld [tilespmem:$0x9E0]  }
0x161: {  	v37 =	vmul.f32 v37, v28;
	v33 =	vadd.f32 v33, v31;
	v36 =	vadd.f32 v40, v36  }
0x162: {  	v31 =	vld [tilespmem:$0x9F0]  }
0x163: {  	v35 =	vmul.f32 v55, v29;
	v33 =	vadd.f32 v37, v33;
	v36 =	vadd.f32 v36, v62;
	_ =	sdelay $0x1  }
0x164: {  	s19 =	simm.s32 $0x12C00;
	v34 =	vmul.f32 v56, v30;
	v33 =	vadd.f32 v35, v33;
	[tilespmem:s30+$0x0] =	vst v36  }
0x165: {  	v63 =	vld [tilespmem:s19+$0x0]  }
0x166: {  	v32 =	vmul.f32 v57, v31;
	v33 =	vadd.f32 v34, v33;
	_ =	sdelay $0x1  }
0x167: {  	v32 =	vadd.f32 v32, v33  }
0x168: {  	s31 =	simm.s32 $0x400;
	s23 =	simm.s32 $0x800;
	s21 =	simm.s32 $0x80  }
0x169: {  	s20 =	sand.u32 $0x6000, s31;
	s18 =	simm.s32 $0x10C80;
	s17 =	simm.s32 $0x12C80;
	v32 =	vadd.f32 v63, v32  }
.LBB2_4:
0x16a: {  	s22 =	smov.u32 s23  }
0x16b: {  	s24 =	sand.u32 $0x6000, s23;
	s25 =	sand.u32 $0x380, s21;
	s22 =	sadd.s32 $0x400, s23  }
0x16c: {  	p0 =	sne.s32 s23, $0x7C00;
	s23 =	sor.u32 s25, s20;
	s20 =	smov.u32 s24;
	[tilespmem:s19+$0x0] =	vst v32  }
0x16d: {  	s19 =	smov.u32 s17;
	v32 =	vld [tilespmem:s23+$0x1410]  }
0x16e: {  	v33 =	vld [tilespmem:s23+$0x1400]  }
0x16f: {  	v34 =	vld [tilespmem:s23+$0x1420];
	_ =	sdelay $0x1  }
0x170: {  	v35 =	vld [tilespmem:s23+$0x1430]  }
0x171: {  	v36 =	vsub.f32 v32, v15  }
0x172: {  	v37 =	vsub.f32 v33, v14;
	v33 =	vmul.f32 v33, v20;
	v38 =	vld [tilespmem:s23+$0x1440]  }
0x173: {  	v36 =	vmul.f32 v36, v36;
	v39 =	vsub.f32 v34, v13  }
0x174: {  	v32 =	vmul.f32 v32, v18;
	v37 =	vmul.f32 v37, v37;
	v33 =	vadd.f32 $0.0e+00, v33;
	v40 =	vld [tilespmem:s23+$0x1450]  }
0x175: {  	v39 =	vmul.f32 v39, v39;
	v41 =	vsub.f32 v35, v12  }
0x176: {  	v36 =	vadd.f32 v36, v37;
	v32 =	vadd.f32 v32, v33;
	v33 =	vmul.f32 v34, v16;
	v34 =	vld [tilespmem:s23+$0x1460]  }
0x177: {  	v37 =	vmul.f32 v41, v41;
	v41 =	vsub.f32 v38, v11  }
0x178: {  	v36 =	vadd.f32 v39, v36;
	v32 =	vadd.f32 v33, v32;
	v33 =	vmul.f32 v35, v17;
	v35 =	vld [tilespmem:s23+$0x1470]  }
0x179: {  	v39 =	vmul.f32 v41, v41;
	v41 =	vsub.f32 v40, v10  }
0x17a: {  	v36 =	vadd.f32 v37, v36;
	v32 =	vadd.f32 v33, v32;
	v33 =	vmul.f32 v38, v19;
	v37 =	vld [tilespmem:s23+$0x1800]  }
0x17b: {  	v38 =	vmul.f32 v41, v41;
	v41 =	vsub.f32 v34, v9  }
0x17c: {  	v36 =	vadd.f32 v39, v36;
	v32 =	vadd.f32 v33, v32;
	v33 =	vmul.f32 v40, v21;
	v39 =	vld [tilespmem:s23+$0x1810]  }
0x17d: {  	v40 =	vmul.f32 v41, v41;
	v41 =	vsub.f32 v35, v8  }
0x17e: {  	v36 =	vadd.f32 v38, v36;
	v32 =	vadd.f32 v33, v32;
	v33 =	vmul.f32 v34, v22;
	v34 =	vld [tilespmem:s23+$0x1820]  }
0x17f: {  	v38 =	vmul.f32 v41, v41;
	v41 =	vsub.f32 v37, v7  }
0x180: {  	v36 =	vadd.f32 v40, v36;
	v32 =	vadd.f32 v33, v32;
	v33 =	vmul.f32 v35, v23;
	v35 =	vld [tilespmem:s23+$0x1830]  }
0x181: {  	v40 =	vmul.f32 v41, v41;
	v41 =	vsub.f32 v39, v6  }
0x182: {  	v36 =	vadd.f32 v38, v36;
	v32 =	vadd.f32 v33, v32;
	v33 =	vmul.f32 v37, v24;
	v37 =	vld [tilespmem:s23+$0x1840]  }
0x183: {  	v38 =	vmul.f32 v41, v41;
	v41 =	vsub.f32 v34, v5  }
0x184: {  	v36 =	vadd.f32 v40, v36;
	v32 =	vadd.f32 v33, v32;
	v33 =	vmul.f32 v39, v25;
	v39 =	vld [tilespmem:s23+$0x1850]  }
0x185: {  	v40 =	vmul.f32 v41, v41;
	v41 =	vsub.f32 v35, v4  }
0x186: {  	v36 =	vadd.f32 v38, v36;
	v32 =	vadd.f32 v33, v32;
	v33 =	vmul.f32 v34, v26;
	v34 =	vld [tilespmem:s23+$0x1860]  }
0x187: {  	v38 =	vmul.f32 v41, v41;
	v41 =	vsub.f32 v37, v3  }
0x188: {  	v36 =	vadd.f32 v40, v36;
	v32 =	vadd.f32 v33, v32;
	v33 =	vmul.f32 v35, v27;
	v35 =	vld [tilespmem:s23+$0x1870]  }
0x189: {  	v40 =	vmul.f32 v41, v41;
	v41 =	vsub.f32 v39, v2  }
0x18a: {  	v36 =	vadd.f32 v38, v36;
	v32 =	vadd.f32 v33, v32;
	v33 =	vmul.f32 v37, v28  }
0x18b: {  	v37 =	vmul.f32 v41, v41;
	v38 =	vsub.f32 v34, v1  }
0x18c: {  	v36 =	vadd.f32 v40, v36;
	v32 =	vadd.f32 v33, v32;
	v33 =	vmul.f32 v39, v29  }
0x18d: {  	v38 =	vmul.f32 v38, v38;
	v39 =	vsub.f32 v35, v0  }
0x18e: {  	v36 =	vadd.f32 v37, v36;
	v32 =	vadd.f32 v33, v32;
	v33 =	vmul.f32 v34, v30;
	v34 =	vld [tilespmem:s18+$0x0]  }
0x18f: {  	v37 =	vmul.f32 v39, v39  }
0x190: {  	v36 =	vadd.f32 v38, v36;
	v32 =	vadd.f32 v33, v32;
	_ =	sdelay $0x1  }
0x191: {  	v33 =	vadd.f32 v37, v36;
	_ =	sdelay $0x1  }
0x192: {  	v33 =	vadd.f32 v33, v34;
	_ =	sdelay $0x1  }
0x193: {  	[tilespmem:s18+$0x0] =	vst v33  }
0x194: {  	v33 =	vmul.f32 v35, v31;
	v34 =	vld [tilespmem:s17+$0x0]  }
.Ltmp1:
0x195: {  	(pc) =	sbr.rel @p0 .LBB2_4-.Ltmp1, $3  }
0x196: {  	v32 =	vadd.f32 v33, v32;
	_ =	sdelay $0x1  }
0x197: {  	s21 =	sadd.s32 $0x80, s21  }
0x198: {  	s23 =	smov.u32 s22;
	s18 =	sadd.s32 $0x80, s18;
	s17 =	sadd.s32 $0x80, s17;
	v32 =	vadd.f32 v34, v32  }
0x199: {  	s21 =	sand.u32 $0x380, s21  }
0x19a: {  	s20 =	sor.u32 s21, s20;
	[tilespmem:s19+$0x0] =	vst v32  }
0x19b: {  	v32 =	vld [tilespmem:s20+$0x1410]  }
0x19c: {  	v33 =	vld [tilespmem:s20+$0x1400];
	_ =	sdelay $0x1  }
0x19d: {  	v34 =	vld [tilespmem:s20+$0x1420];
	_ =	sdelay $0x1  }
0x19e: {  	v35 =	vld [tilespmem:s20+$0x1430]  }
0x19f: {  	v15 =	vsub.f32 v32, v15;
	v14 =	vsub.f32 v33, v14  }
0x1a0: {  	v36 =	vld [tilespmem:s20+$0x1440]  }
0x1a1: {  	v13 =	vsub.f32 v34, v13;
	v15 =	vmul.f32 v15, v15;
	v14 =	vmul.f32 v14, v14  }
0x1a2: {  	v37 =	vld [tilespmem:s20+$0x1450]  }
0x1a3: {  	v12 =	vsub.f32 v35, v12;
	v13 =	vmul.f32 v13, v13;
	v14 =	vadd.f32 v15, v14  }
0x1a4: {  	v15 =	vld [tilespmem:s20+$0x1460]  }
0x1a5: {  	v11 =	vsub.f32 v36, v11;
	v12 =	vmul.f32 v12, v12;
	v13 =	vadd.f32 v13, v14  }
0x1a6: {  	v14 =	vmul.f32 v33, v20;
	v20 =	vld [tilespmem:s20+$0x1470]  }
0x1a7: {  	v10 =	vsub.f32 v37, v10;
	v11 =	vmul.f32 v11, v11;
	v12 =	vadd.f32 v12, v13  }
0x1a8: {  	v13 =	vadd.f32 $0.0e+00, v14;
	v14 =	vmul.f32 v32, v18;
	v18 =	vld [tilespmem:s20+$0x1800]  }
0x1a9: {  	v10 =	vmul.f32 v10, v10;
	v9 =	vsub.f32 v15, v9;
	v11 =	vadd.f32 v11, v12  }
0x1aa: {  	v12 =	vadd.f32 v14, v13;
	v13 =	vmul.f32 v34, v16;
	v14 =	vld [tilespmem:s20+$0x1810]  }
0x1ab: {  	v9 =	vmul.f32 v9, v9;
	v8 =	vsub.f32 v20, v8;
	v10 =	vadd.f32 v10, v11  }
0x1ac: {  	v11 =	vadd.f32 v13, v12;
	v12 =	vmul.f32 v35, v17;
	v13 =	vld [tilespmem:s20+$0x1820]  }
0x1ad: {  	v8 =	vmul.f32 v8, v8;
	v7 =	vsub.f32 v18, v7;
	v9 =	vadd.f32 v9, v10  }
0x1ae: {  	v10 =	vadd.f32 v12, v11;
	v11 =	vmul.f32 v36, v19;
	v12 =	vld [tilespmem:s20+$0x1830]  }
0x1af: {  	v7 =	vmul.f32 v7, v7;
	v6 =	vsub.f32 v14, v6;
	v8 =	vadd.f32 v8, v9  }
0x1b0: {  	v9 =	vadd.f32 v11, v10;
	v10 =	vmul.f32 v37, v21;
	v11 =	vld [tilespmem:s20+$0x1840]  }
0x1b1: {  	v6 =	vmul.f32 v6, v6;
	v5 =	vsub.f32 v13, v5;
	v7 =	vadd.f32 v7, v8  }
0x1b2: {  	v8 =	vadd.f32 v10, v9;
	v9 =	vmul.f32 v15, v22;
	v10 =	vld [tilespmem:s20+$0x1850]  }
0x1b3: {  	v5 =	vmul.f32 v5, v5;
	v4 =	vsub.f32 v12, v4;
	v6 =	vadd.f32 v6, v7  }
0x1b4: {  	v7 =	vadd.f32 v9, v8;
	v8 =	vmul.f32 v20, v23;
	v9 =	vld [tilespmem:s20+$0x1860]  }
0x1b5: {  	v4 =	vmul.f32 v4, v4;
	v3 =	vsub.f32 v11, v3;
	v5 =	vadd.f32 v5, v6  }
0x1b6: {  	v6 =	vadd.f32 v8, v7;
	v7 =	vmul.f32 v18, v24;
	v8 =	vld [tilespmem:s20+$0x1870]  }
0x1b7: {  	v3 =	vmul.f32 v3, v3;
	v2 =	vsub.f32 v10, v2;
	v4 =	vadd.f32 v4, v5  }
0x1b8: {  	v5 =	vadd.f32 v7, v6;
	v6 =	vmul.f32 v14, v25  }
0x1b9: {  	v2 =	vmul.f32 v2, v2;
	v1 =	vsub.f32 v9, v1;
	v3 =	vadd.f32 v3, v4  }
0x1ba: {  	v4 =	vadd.f32 v6, v5;
	v5 =	vmul.f32 v13, v26  }
0x1bb: {  	v1 =	vmul.f32 v1, v1;
	v0 =	vsub.f32 v8, v0;
	v2 =	vadd.f32 v2, v3  }
0x1bc: {  	v3 =	vadd.f32 v5, v4;
	v4 =	vld [tilespmem:s18+$0x0]  }
0x1bd: {  	v5 =	vmul.f32 v12, v27;
	v0 =	vmul.f32 v0, v0;
	v1 =	vadd.f32 v1, v2;
	_ =	sdelay $0x1  }
0x1be: {  	v2 =	vadd.f32 v5, v3;
	v3 =	vmul.f32 v11, v28;
	v0 =	vadd.f32 v0, v1;
	_ =	sdelay $0x1  }
0x1bf: {  	v1 =	vadd.f32 v3, v2;
	v2 =	vmul.f32 v10, v29;
	v0 =	vadd.f32 v0, v4;
	_ =	sdelay $0x1  }
0x1c0: {  	v1 =	vadd.f32 v2, v1;
	v2 =	vmul.f32 v9, v30;
	[tilespmem:s18+$0x0] =	vst v0  }
0x1c1: {  	v0 =	vld [tilespmem:s17+$0x0]  }
0x1c2: {  	v1 =	vadd.f32 v2, v1;
	v2 =	vmul.f32 v8, v31;
	_ =	sdelay $0x1  }
0x1c3: {  	v1 =	vadd.f32 v2, v1;
	_ =	sdelay $0x1  }
0x1c4: {  	v0 =	vadd.f32 v0, v1;
	_ =	sdelay $0x1  }
0x1c5: {  	[tilespmem:s17+$0x0] =	vst v0  }
0x1c6: {  	v14 =	vld [tilespmem:$0x200]  }
0x1c7: {  	v15 =	vld [tilespmem:$0x210]  }
0x1c8: {  	v13 =	vld [tilespmem:$0x220]  }
0x1c9: {  	v12 =	vld [tilespmem:$0x230]  }
0x1ca: {  	v11 =	vld [tilespmem:$0x240]  }
0x1cb: {  	v10 =	vld [tilespmem:$0x250]  }
0x1cc: {  	v9 =	vld [tilespmem:$0x260]  }
0x1cd: {  	v8 =	vld [tilespmem:$0x270]  }
0x1ce: {  	v7 =	vld [tilespmem:$0x280]  }
0x1cf: {  	v6 =	vld [tilespmem:$0x290]  }
0x1d0: {  	s28 =	simm.s32 $0x0;
	v5 =	vld [tilespmem:$0x2A0]  }
0x1d1: {  	s29 =	sand.u32 $0x6000, s28;
	s17 =	sand.u32 $0x380, s28;
	v4 =	vld [tilespmem:$0x2B0]  }
0x1d2: {  	v3 =	vld [tilespmem:$0x2C0];
	s17 =	sor.u32 s17, s29  }
0x1d3: {  	v19 =	vld [tilespmem:s17+$0x1C10]  }
0x1d4: {  	v17 =	vld [tilespmem:s17+$0x1C00]  }
0x1d5: {  	v2 =	vld [tilespmem:$0x2D0]  }
0x1d6: {  	v21 =	vld [tilespmem:s17+$0x1C20]  }
0x1d7: {  	v1 =	vld [tilespmem:$0x2E0]  }
0x1d8: {  	v22 =	vld [tilespmem:s17+$0x1C30]  }
0x1d9: {  	v20 =	vld [tilespmem:$0xA00];
	v16 =	vsub.f32 v19, v15;
	v18 =	vsub.f32 v17, v14  }
0x1da: {  	v23 =	vld [tilespmem:s17+$0x1C40]  }
0x1db: {  	v26 =	vld [tilespmem:s17+$0x1C50];
	v24 =	vsub.f32 v21, v13;
	v16 =	vmul.f32 v16, v16;
	v25 =	vmul.f32 v18, v18  }
0x1dc: {  	v28 =	vld [tilespmem:s17+$0x1C60]  }
0x1dd: {  	v27 =	vsub.f32 v22, v12;
	v18 =	vld [tilespmem:$0xA10];
	v24 =	vmul.f32 v24, v24;
	v25 =	vadd.f32 v16, v25  }
0x1de: {  	v30 =	vld [tilespmem:s17+$0x1C70]  }
0x1df: {  	v29 =	vsub.f32 v23, v11;
	v27 =	vmul.f32 v27, v27;
	v16 =	vld [tilespmem:$0xA20];
	v24 =	vadd.f32 v24, v25  }
0x1e0: {  	v47 =	vld [tilespmem:s17+$0x2000];
	v25 =	vmul.f32 v17, v20  }
0x1e1: {  	v31 =	vsub.f32 v26, v10;
	v29 =	vmul.f32 v29, v29;
	v17 =	vld [tilespmem:$0xA30];
	v24 =	vadd.f32 v27, v24  }
0x1e2: {  	v51 =	vld [tilespmem:s17+$0x2030];
	v25 =	vadd.f32 $0.0e+00, v25;
	v27 =	vmul.f32 v19, v18  }
0x1e3: {  	v48 =	vsub.f32 v28, v9;
	v31 =	vmul.f32 v31, v31;
	v19 =	vld [tilespmem:$0xA40];
	v24 =	vadd.f32 v29, v24  }
0x1e4: {  	v25 =	vadd.f32 v27, v25;
	v27 =	vmul.f32 v21, v16;
	v29 =	vld [tilespmem:s17+$0x2010]  }
0x1e5: {  	v49 =	vsub.f32 v30, v8;
	v33 =	vmul.f32 v48, v48;
	v21 =	vld [tilespmem:$0xA50];
	v24 =	vadd.f32 v31, v24  }
0x1e6: {  	v25 =	vadd.f32 v27, v25;
	v27 =	vmul.f32 v22, v17;
	v31 =	vld [tilespmem:s17+$0x2020]  }
0x1e7: {  	v50 =	vsub.f32 v47, v7;
	v34 =	vmul.f32 v49, v49;
	v22 =	vld [tilespmem:$0xA60];
	v24 =	vadd.f32 v33, v24  }
0x1e8: {  	v0 =	vld [tilespmem:$0x2F0];
	v25 =	vadd.f32 v27, v25;
	v27 =	vmul.f32 v23, v19  }
0x1e9: {  	v53 =	vld [tilespmem:s17+$0x2040];
	v35 =	vmul.f32 v50, v50;
	v52 =	vsub.f32 v29, v6;
	v34 =	vadd.f32 v34, v24  }
0x1ea: {  	v23 =	vld [tilespmem:$0xA70];
	v26 =	vmul.f32 v26, v21;
	v25 =	vadd.f32 v27, v25  }
0x1eb: {  	v55 =	vld [tilespmem:s17+$0x2050];
	v27 =	vmul.f32 v52, v52;
	v54 =	vsub.f32 v31, v5;
	v34 =	vadd.f32 v35, v34  }
0x1ec: {  	v38 =	vsub.f32 v51, v4;
	v24 =	vld [tilespmem:$0xA80];
	v28 =	vmul.f32 v28, v22  }
0x1ed: {  	v56 =	vld [tilespmem:s17+$0x2060];
	v26 =	vadd.f32 v26, v25;
	v36 =	vmul.f32 v54, v54;
	v27 =	vadd.f32 v27, v34  }
0x1ee: {  	v39 =	vsub.f32 v53, v3;
	v38 =	vmul.f32 v38, v38;
	v25 =	vld [tilespmem:$0xA90]  }
0x1ef: {  	v57 =	vld [tilespmem:s17+$0x2070];
	v30 =	vmul.f32 v30, v23;
	v28 =	vadd.f32 v28, v26;
	v27 =	vadd.f32 v36, v27  }
0x1f0: {  	v59 =	vsub.f32 v55, v2;
	v58 =	vmul.f32 v39, v39;
	v26 =	vld [tilespmem:$0xAA0]  }
0x1f1: {  	v28 =	vadd.f32 v30, v28;
	v30 =	vmul.f32 v47, v24;
	v38 =	vadd.f32 v38, v27  }
0x1f2: {  	v40 =	vsub.f32 v56, v1;
	v39 =	vmul.f32 v59, v59;
	v27 =	vld [tilespmem:$0xAB0]  }
0x1f3: {  	v29 =	vmul.f32 v29, v25;
	v30 =	vadd.f32 v30, v28;
	v36 =	vadd.f32 v58, v38  }
0x1f4: {  	s30 =	simm.s32 $0x10C00;
	v61 =	vsub.f32 v57, v0;
	v60 =	vmul.f32 v40, v40;
	v28 =	vld [tilespmem:$0xAC0]  }
0x1f5: {  	v62 =	vld [tilespmem:s30+$0x0];
	v31 =	vmul.f32 v31, v26;
	v30 =	vadd.f32 v29, v30;
	v36 =	vadd.f32 v39, v36  }
0x1f6: {  	v40 =	vmul.f32 v61, v61;
	v29 =	vld [tilespmem:$0xAD0]  }
0x1f7: {  	v31 =	vadd.f32 v31, v30;
	v33 =	vmul.f32 v51, v27;
	v36 =	vadd.f32 v60, v36  }
0x1f8: {  	v30 =	vld [tilespmem:$0xAE0]  }
0x1f9: {  	v37 =	vmul.f32 v53, v28;
	v33 =	vadd.f32 v33, v31;
	v36 =	vadd.f32 v40, v36  }
0x1fa: {  	v31 =	vld [tilespmem:$0xAF0]  }
0x1fb: {  	v35 =	vmul.f32 v55, v29;
	v33 =	vadd.f32 v37, v33;
	v36 =	vadd.f32 v36, v62;
	_ =	sdelay $0x1  }
0x1fc: {  	s19 =	simm.s32 $0x12C00;
	v34 =	vmul.f32 v56, v30;
	v33 =	vadd.f32 v35, v33;
	[tilespmem:s30+$0x0] =	vst v36  }
0x1fd: {  	v63 =	vld [tilespmem:s19+$0x0]  }
0x1fe: {  	v32 =	vmul.f32 v57, v31;
	v33 =	vadd.f32 v34, v33;
	_ =	sdelay $0x1  }
0x1ff: {  	v32 =	vadd.f32 v32, v33  }
0x200: {  	s31 =	simm.s32 $0x400;
	s23 =	simm.s32 $0x800;
	s21 =	simm.s32 $0x80  }
0x201: {  	s20 =	sand.u32 $0x6000, s31;
	s18 =	simm.s32 $0x10C80;
	s17 =	simm.s32 $0x12C80;
	v32 =	vadd.f32 v63, v32  }
.LBB2_6:
0x202: {  	s22 =	smov.u32 s23  }
0x203: {  	s24 =	sand.u32 $0x6000, s23;
	s25 =	sand.u32 $0x380, s21;
	s22 =	sadd.s32 $0x400, s23  }
0x204: {  	p0 =	sne.s32 s23, $0x7C00;
	s23 =	sor.u32 s25, s20;
	s20 =	smov.u32 s24;
	[tilespmem:s19+$0x0] =	vst v32  }
0x205: {  	s19 =	smov.u32 s17;
	v32 =	vld [tilespmem:s23+$0x1C10]  }
0x206: {  	v33 =	vld [tilespmem:s23+$0x1C00]  }
0x207: {  	v34 =	vld [tilespmem:s23+$0x1C20];
	_ =	sdelay $0x1  }
0x208: {  	v35 =	vld [tilespmem:s23+$0x1C30]  }
0x209: {  	v36 =	vsub.f32 v32, v15  }
0x20a: {  	v37 =	vsub.f32 v33, v14;
	v33 =	vmul.f32 v33, v20;
	v38 =	vld [tilespmem:s23+$0x1C40]  }
0x20b: {  	v36 =	vmul.f32 v36, v36;
	v39 =	vsub.f32 v34, v13  }
0x20c: {  	v32 =	vmul.f32 v32, v18;
	v37 =	vmul.f32 v37, v37;
	v33 =	vadd.f32 $0.0e+00, v33;
	v40 =	vld [tilespmem:s23+$0x1C50]  }
0x20d: {  	v39 =	vmul.f32 v39, v39;
	v41 =	vsub.f32 v35, v12  }
0x20e: {  	v36 =	vadd.f32 v36, v37;
	v32 =	vadd.f32 v32, v33;
	v33 =	vmul.f32 v34, v16;
	v34 =	vld [tilespmem:s23+$0x1C60]  }
0x20f: {  	v37 =	vmul.f32 v41, v41;
	v41 =	vsub.f32 v38, v11  }
0x210: {  	v36 =	vadd.f32 v39, v36;
	v32 =	vadd.f32 v33, v32;
	v33 =	vmul.f32 v35, v17;
	v35 =	vld [tilespmem:s23+$0x1C70]  }
0x211: {  	v39 =	vmul.f32 v41, v41;
	v41 =	vsub.f32 v40, v10  }
0x212: {  	v36 =	vadd.f32 v37, v36;
	v32 =	vadd.f32 v33, v32;
	v33 =	vmul.f32 v38, v19;
	v37 =	vld [tilespmem:s23+$0x2000]  }
0x213: {  	v38 =	vmul.f32 v41, v41;
	v41 =	vsub.f32 v34, v9  }
0x214: {  	v36 =	vadd.f32 v39, v36;
	v32 =	vadd.f32 v33, v32;
	v33 =	vmul.f32 v40, v21;
	v39 =	vld [tilespmem:s23+$0x2010]  }
0x215: {  	v40 =	vmul.f32 v41, v41;
	v41 =	vsub.f32 v35, v8  }
0x216: {  	v36 =	vadd.f32 v38, v36;
	v32 =	vadd.f32 v33, v32;
	v33 =	vmul.f32 v34, v22;
	v34 =	vld [tilespmem:s23+$0x2020]  }
0x217: {  	v38 =	vmul.f32 v41, v41;
	v41 =	vsub.f32 v37, v7  }
0x218: {  	v36 =	vadd.f32 v40, v36;
	v32 =	vadd.f32 v33, v32;
	v33 =	vmul.f32 v35, v23;
	v35 =	vld [tilespmem:s23+$0x2030]  }
0x219: {  	v40 =	vmul.f32 v41, v41;
	v41 =	vsub.f32 v39, v6  }
0x21a: {  	v36 =	vadd.f32 v38, v36;
	v32 =	vadd.f32 v33, v32;
	v33 =	vmul.f32 v37, v24;
	v37 =	vld [tilespmem:s23+$0x2040]  }
0x21b: {  	v38 =	vmul.f32 v41, v41;
	v41 =	vsub.f32 v34, v5  }
0x21c: {  	v36 =	vadd.f32 v40, v36;
	v32 =	vadd.f32 v33, v32;
	v33 =	vmul.f32 v39, v25;
	v39 =	vld [tilespmem:s23+$0x2050]  }
0x21d: {  	v40 =	vmul.f32 v41, v41;
	v41 =	vsub.f32 v35, v4  }
0x21e: {  	v36 =	vadd.f32 v38, v36;
	v32 =	vadd.f32 v33, v32;
	v33 =	vmul.f32 v34, v26;
	v34 =	vld [tilespmem:s23+$0x2060]  }
0x21f: {  	v38 =	vmul.f32 v41, v41;
	v41 =	vsub.f32 v37, v3  }
0x220: {  	v36 =	vadd.f32 v40, v36;
	v32 =	vadd.f32 v33, v32;
	v33 =	vmul.f32 v35, v27;
	v35 =	vld [tilespmem:s23+$0x2070]  }
0x221: {  	v40 =	vmul.f32 v41, v41;
	v41 =	vsub.f32 v39, v2  }
0x222: {  	v36 =	vadd.f32 v38, v36;
	v32 =	vadd.f32 v33, v32;
	v33 =	vmul.f32 v37, v28  }
0x223: {  	v37 =	vmul.f32 v41, v41;
	v38 =	vsub.f32 v34, v1  }
0x224: {  	v36 =	vadd.f32 v40, v36;
	v32 =	vadd.f32 v33, v32;
	v33 =	vmul.f32 v39, v29  }
0x225: {  	v38 =	vmul.f32 v38, v38;
	v39 =	vsub.f32 v35, v0  }
0x226: {  	v36 =	vadd.f32 v37, v36;
	v32 =	vadd.f32 v33, v32;
	v33 =	vmul.f32 v34, v30;
	v34 =	vld [tilespmem:s18+$0x0]  }
0x227: {  	v37 =	vmul.f32 v39, v39  }
0x228: {  	v36 =	vadd.f32 v38, v36;
	v32 =	vadd.f32 v33, v32;
	_ =	sdelay $0x1  }
0x229: {  	v33 =	vadd.f32 v37, v36;
	_ =	sdelay $0x1  }
0x22a: {  	v33 =	vadd.f32 v33, v34;
	_ =	sdelay $0x1  }
0x22b: {  	[tilespmem:s18+$0x0] =	vst v33  }
0x22c: {  	v33 =	vmul.f32 v35, v31;
	v34 =	vld [tilespmem:s17+$0x0]  }
.Ltmp2:
0x22d: {  	(pc) =	sbr.rel @p0 .LBB2_6-.Ltmp2, $3  }
0x22e: {  	v32 =	vadd.f32 v33, v32;
	_ =	sdelay $0x1  }
0x22f: {  	s21 =	sadd.s32 $0x80, s21  }
0x230: {  	s23 =	smov.u32 s22;
	s18 =	sadd.s32 $0x80, s18;
	s17 =	sadd.s32 $0x80, s17;
	v32 =	vadd.f32 v34, v32  }
0x231: {  	s21 =	sand.u32 $0x380, s21  }
0x232: {  	s20 =	sor.u32 s21, s20;
	[tilespmem:s19+$0x0] =	vst v32  }
0x233: {  	v32 =	vld [tilespmem:s20+$0x1C10]  }
0x234: {  	v33 =	vld [tilespmem:s20+$0x1C00];
	_ =	sdelay $0x1  }
0x235: {  	v34 =	vld [tilespmem:s20+$0x1C20];
	_ =	sdelay $0x1  }
0x236: {  	v35 =	vld [tilespmem:s20+$0x1C30]  }
0x237: {  	v15 =	vsub.f32 v32, v15;
	v14 =	vsub.f32 v33, v14  }
0x238: {  	v36 =	vld [tilespmem:s20+$0x1C40]  }
0x239: {  	v13 =	vsub.f32 v34, v13;
	v15 =	vmul.f32 v15, v15;
	v14 =	vmul.f32 v14, v14  }
0x23a: {  	v37 =	vld [tilespmem:s20+$0x1C50]  }
0x23b: {  	v12 =	vsub.f32 v35, v12;
	v13 =	vmul.f32 v13, v13;
	v14 =	vadd.f32 v15, v14  }
0x23c: {  	v15 =	vld [tilespmem:s20+$0x1C60]  }
0x23d: {  	v11 =	vsub.f32 v36, v11;
	v12 =	vmul.f32 v12, v12;
	v13 =	vadd.f32 v13, v14  }
0x23e: {  	v14 =	vmul.f32 v33, v20;
	v20 =	vld [tilespmem:s20+$0x1C70]  }
0x23f: {  	v10 =	vsub.f32 v37, v10;
	v11 =	vmul.f32 v11, v11;
	v12 =	vadd.f32 v12, v13  }
0x240: {  	v13 =	vadd.f32 $0.0e+00, v14;
	v14 =	vmul.f32 v32, v18;
	v18 =	vld [tilespmem:s20+$0x2000]  }
0x241: {  	v10 =	vmul.f32 v10, v10;
	v9 =	vsub.f32 v15, v9;
	v11 =	vadd.f32 v11, v12  }
0x242: {  	v12 =	vadd.f32 v14, v13;
	v13 =	vmul.f32 v34, v16;
	v14 =	vld [tilespmem:s20+$0x2010]  }
0x243: {  	v9 =	vmul.f32 v9, v9;
	v8 =	vsub.f32 v20, v8;
	v10 =	vadd.f32 v10, v11  }
0x244: {  	v11 =	vadd.f32 v13, v12;
	v12 =	vmul.f32 v35, v17;
	v13 =	vld [tilespmem:s20+$0x2020]  }
0x245: {  	v8 =	vmul.f32 v8, v8;
	v7 =	vsub.f32 v18, v7;
	v9 =	vadd.f32 v9, v10  }
0x246: {  	v10 =	vadd.f32 v12, v11;
	v11 =	vmul.f32 v36, v19;
	v12 =	vld [tilespmem:s20+$0x2030]  }
0x247: {  	v7 =	vmul.f32 v7, v7;
	v6 =	vsub.f32 v14, v6;
	v8 =	vadd.f32 v8, v9  }
0x248: {  	v9 =	vadd.f32 v11, v10;
	v10 =	vmul.f32 v37, v21;
	v11 =	vld [tilespmem:s20+$0x2040]  }
0x249: {  	v6 =	vmul.f32 v6, v6;
	v5 =	vsub.f32 v13, v5;
	v7 =	vadd.f32 v7, v8  }
0x24a: {  	v8 =	vadd.f32 v10, v9;
	v9 =	vmul.f32 v15, v22;
	v10 =	vld [tilespmem:s20+$0x2050]  }
0x24b: {  	v5 =	vmul.f32 v5, v5;
	v4 =	vsub.f32 v12, v4;
	v6 =	vadd.f32 v6, v7  }
0x24c: {  	v7 =	vadd.f32 v9, v8;
	v8 =	vmul.f32 v20, v23;
	v9 =	vld [tilespmem:s20+$0x2060]  }
0x24d: {  	v4 =	vmul.f32 v4, v4;
	v3 =	vsub.f32 v11, v3;
	v5 =	vadd.f32 v5, v6  }
0x24e: {  	v6 =	vadd.f32 v8, v7;
	v7 =	vmul.f32 v18, v24;
	v8 =	vld [tilespmem:s20+$0x2070]  }
0x24f: {  	v3 =	vmul.f32 v3, v3;
	v2 =	vsub.f32 v10, v2;
	v4 =	vadd.f32 v4, v5  }
0x250: {  	v5 =	vadd.f32 v7, v6;
	v6 =	vmul.f32 v14, v25  }
0x251: {  	v2 =	vmul.f32 v2, v2;
	v1 =	vsub.f32 v9, v1;
	v3 =	vadd.f32 v3, v4  }
0x252: {  	v4 =	vadd.f32 v6, v5;
	v5 =	vmul.f32 v13, v26  }
0x253: {  	v1 =	vmul.f32 v1, v1;
	v0 =	vsub.f32 v8, v0;
	v2 =	vadd.f32 v2, v3  }
0x254: {  	v3 =	vadd.f32 v5, v4;
	v4 =	vld [tilespmem:s18+$0x0]  }
0x255: {  	v5 =	vmul.f32 v12, v27;
	v0 =	vmul.f32 v0, v0;
	v1 =	vadd.f32 v1, v2;
	_ =	sdelay $0x1  }
0x256: {  	v2 =	vadd.f32 v5, v3;
	v3 =	vmul.f32 v11, v28;
	v0 =	vadd.f32 v0, v1;
	_ =	sdelay $0x1  }
0x257: {  	v1 =	vadd.f32 v3, v2;
	v2 =	vmul.f32 v10, v29;
	v0 =	vadd.f32 v0, v4;
	_ =	sdelay $0x1  }
0x258: {  	v1 =	vadd.f32 v2, v1;
	v2 =	vmul.f32 v9, v30;
	[tilespmem:s18+$0x0] =	vst v0  }
0x259: {  	v0 =	vld [tilespmem:s17+$0x0]  }
0x25a: {  	v1 =	vadd.f32 v2, v1;
	v2 =	vmul.f32 v8, v31;
	_ =	sdelay $0x1  }
0x25b: {  	v1 =	vadd.f32 v2, v1;
	_ =	sdelay $0x1  }
0x25c: {  	v0 =	vadd.f32 v0, v1;
	_ =	sdelay $0x1  }
0x25d: {  	[tilespmem:s17+$0x0] =	vst v0  }
0x25e: {  	v14 =	vld [tilespmem:$0x300]  }
0x25f: {  	v15 =	vld [tilespmem:$0x310]  }
0x260: {  	v13 =	vld [tilespmem:$0x320]  }
0x261: {  	v12 =	vld [tilespmem:$0x330]  }
0x262: {  	v11 =	vld [tilespmem:$0x340]  }
0x263: {  	v10 =	vld [tilespmem:$0x350]  }
0x264: {  	v9 =	vld [tilespmem:$0x360]  }
0x265: {  	v8 =	vld [tilespmem:$0x370]  }
0x266: {  	v7 =	vld [tilespmem:$0x380]  }
0x267: {  	v6 =	vld [tilespmem:$0x390]  }
0x268: {  	s31 =	simm.s32 $0x0;
	s20 =	simm.s32 $0x0;
	v5 =	vld [tilespmem:$0x3A0]  }
0x269: {  	s21 =	sand.u32 $0x380, s31;
	s18 =	sand.u32 $0x6000, s20;
	v4 =	vld [tilespmem:$0x3B0]  }
0x26a: {  	s18 =	sor.u32 s21, s18;
	v3 =	vld [tilespmem:$0x3C0]  }
0x26b: {  	v18 =	vld [tilespmem:s18+$0x2400]  }
0x26c: {  	v19 =	vld [tilespmem:s18+$0x2410]  }
0x26d: {  	v2 =	vld [tilespmem:$0x3D0]  }
0x26e: {  	v21 =	vld [tilespmem:s18+$0x2420]  }
0x26f: {  	v1 =	vld [tilespmem:$0x3E0]  }
0x270: {  	v22 =	vld [tilespmem:s18+$0x2430]  }
0x271: {  	v23 =	vld [tilespmem:s18+$0x2440];
	v16 =	vsub.f32 v18, v14;
	v17 =	vsub.f32 v19, v15  }
0x272: {  	v20 =	vld [tilespmem:$0xB00]  }
0x273: {  	v26 =	vld [tilespmem:s18+$0x2450];
	v24 =	vsub.f32 v21, v13;
	v16 =	vmul.f32 v16, v16;
	v25 =	vmul.f32 v17, v17  }
0x274: {  	s17 =	sand.u32 $0x7, s31;
	v28 =	vld [tilespmem:s18+$0x2460]  }
0x275: {  	s17 =	sshll.u32 s17, $0x7;
	v27 =	vsub.f32 v22, v12;
	v17 =	vld [tilespmem:$0xB10];
	v24 =	vmul.f32 v24, v24;
	v25 =	vadd.f32 v25, v16  }
0x276: {  	v30 =	vld [tilespmem:s18+$0x2470];
	s17 =	sadd.s32 $0x0, s17  }
0x277: {  	s22 =	sor.u32 $0x1C00, s17;
	v29 =	vsub.f32 v23, v11;
	v27 =	vmul.f32 v27, v27;
	v16 =	vld [tilespmem:$0xB20];
	v24 =	vadd.f32 v24, v25  }
0x278: {  	v43 =	vld [tilespmem:s22+$0xC00];
	v25 =	vmul.f32 v18, v20  }
0x279: {  	s23 =	sor.u32 $0x1C10, s17;
	v31 =	vsub.f32 v26, v10;
	v29 =	vmul.f32 v29, v29;
	v18 =	vld [tilespmem:$0xB30];
	v24 =	vadd.f32 v27, v24  }
0x27a: {  	v45 =	vld [tilespmem:s23+$0xC00];
	v27 =	vmul.f32 v19, v17;
	v25 =	vadd.f32 $0.0e+00, v25  }
0x27b: {  	s26 =	sor.u32 $0x1C40, s17;
	v44 =	vsub.f32 v28, v9;
	v31 =	vmul.f32 v31, v31;
	v19 =	vld [tilespmem:$0xB40];
	v24 =	vadd.f32 v29, v24  }
0x27c: {  	v49 =	vld [tilespmem:s26+$0xC00];
	v29 =	vmul.f32 v21, v16;
	v25 =	vadd.f32 v27, v25  }
0x27d: {  	s24 =	sor.u32 $0x1C20, s17;
	v46 =	vsub.f32 v30, v8;
	v21 =	vld [tilespmem:$0xB50];
	v27 =	vmul.f32 v44, v44;
	v24 =	vadd.f32 v31, v24  }
0x27e: {  	v31 =	vmul.f32 v22, v18;
	v25 =	vadd.f32 v29, v25;
	v29 =	vld [tilespmem:s24+$0xC00]  }
0x27f: {  	s25 =	sor.u32 $0x1C30, s17;
	v33 =	vmul.f32 v46, v46;
	v47 =	vsub.f32 v43, v7;
	v22 =	vld [tilespmem:$0xB60];
	v24 =	vadd.f32 v27, v24  }
0x280: {  	v27 =	vmul.f32 v23, v19;
	v25 =	vadd.f32 v31, v25;
	v31 =	vld [tilespmem:s25+$0xC00]  }
0x281: {  	s28 =	sor.u32 $0x1C50, s17;
	v48 =	vsub.f32 v45, v6;
	v35 =	vmul.f32 v47, v47;
	v23 =	vld [tilespmem:$0xB70];
	v33 =	vadd.f32 v33, v24  }
0x282: {  	v51 =	vld [tilespmem:s28+$0xC00];
	v26 =	vmul.f32 v26, v21;
	v25 =	vadd.f32 v27, v25  }
0x283: {  	v24 =	vld [tilespmem:$0xB80];
	v27 =	vmul.f32 v48, v48;
	v50 =	vsub.f32 v29, v5;
	v33 =	vadd.f32 v35, v33  }
0x284: {  	v0 =	vld [tilespmem:$0x3F0];
	s29 =	sor.u32 $0x1C60, s17;
	v28 =	vmul.f32 v28, v22;
	v26 =	vadd.f32 v26, v25  }
0x285: {  	v52 =	vld [tilespmem:s29+$0xC00];
	v36 =	vmul.f32 v50, v50;
	v38 =	vsub.f32 v31, v4;
	v27 =	vadd.f32 v27, v33  }
0x286: {  	s17 =	sor.u32 $0x1C70, s17;
	v39 =	vsub.f32 v49, v3;
	v25 =	vld [tilespmem:$0xB90];
	v30 =	vmul.f32 v30, v23  }
0x287: {  	v40 =	vld [tilespmem:s17+$0xC00];
	v28 =	vadd.f32 v28, v26;
	v38 =	vmul.f32 v38, v38;
	v36 =	vadd.f32 v36, v27  }
0x288: {  	v53 =	vsub.f32 v51, v2;
	v26 =	vld [tilespmem:$0xBA0];
	v32 =	vmul.f32 v43, v24  }
0x289: {  	v28 =	vadd.f32 v30, v28;
	v30 =	vmul.f32 v39, v39;
	v36 =	vadd.f32 v38, v36  }
0x28a: {  	v55 =	vsub.f32 v52, v1;
	v54 =	vmul.f32 v53, v53;
	v27 =	vld [tilespmem:$0xBB0]  }
0x28b: {  	v34 =	vmul.f32 v45, v25;
	v32 =	vadd.f32 v32, v28;
	v30 =	vadd.f32 v30, v36  }
0x28c: {  	s30 =	simm.s32 $0x10C00;
	v58 =	vsub.f32 v40, v0;
	v57 =	vmul.f32 v55, v55;
	v28 =	vld [tilespmem:$0xBC0]  }
0x28d: {  	v41 =	vld [tilespmem:s30+$0x0];
	v56 =	vmul.f32 v29, v26;
	v32 =	vadd.f32 v34, v32;
	v30 =	vadd.f32 v54, v30  }
0x28e: {  	v60 =	vmul.f32 v58, v58;
	v29 =	vld [tilespmem:$0xBD0]  }
0x28f: {  	v59 =	vmul.f32 v31, v27;
	v32 =	vadd.f32 v56, v32;
	v30 =	vadd.f32 v57, v30  }
0x290: {  	v31 =	vld [tilespmem:$0xBE0]  }
0x291: {  	v61 =	vmul.f32 v49, v28;
	v32 =	vadd.f32 v59, v32;
	v36 =	vadd.f32 v60, v30  }
0x292: {  	v30 =	vld [tilespmem:$0xBF0]  }
0x293: {  	v35 =	vmul.f32 v51, v29;
	v32 =	vadd.f32 v61, v32;
	v62 =	vadd.f32 v36, v41;
	_ =	sdelay $0x1  }
0x294: {  	s21 =	simm.s32 $0x12C00;
	v33 =	vmul.f32 v52, v31;
	v32 =	vadd.f32 v35, v32;
	[tilespmem:s30+$0x0] =	vst v62  }
0x295: {  	v34 =	vld [tilespmem:s21+$0x0]  }
0x296: {  	v32 =	vadd.f32 v33, v32;
	v63 =	vmul.f32 v40, v30;
	_ =	sdelay $0x1  }
0x297: {  	s19 =	simm.s32 $0x400;
	s20 =	simm.s32 $0x1;
	s31 =	simm.s32 $0x80;
	v32 =	vadd.f32 v63, v32  }
0x298: {  	s18 =	simm.s32 $0x10C80;
	s22 =	sand.u32 $0x380, s31;
	s23 =	simm.s32 $0xFFFF8400  }
0x299: {  	s26 =	simm.s32 $0x400;
	s17 =	simm.s32 $0x12C80;
	s25 =	simm.s32 $0x100;
	v32 =	vadd.f32 v34, v32  }
.LBB2_8:
0x29a: {  	s24 =	smov.u32 s25  }
0x29b: {  	s28 =	sand.u32 $0x380, s25;
	s26 =	sand.u32 $0x6000, s26;
	s24 =	sadd.s32 $0x80, s25  }
0x29c: {  	p0 =	sne.s32 s25, $0xF80;
	s26 =	sor.u32 s22, s26;
	s22 =	smov.u32 s28;
	[tilespmem:s21+$0x0] =	vst v32  }
0x29d: {  	s21 =	smov.u32 s17;
	v32 =	vld [tilespmem:s26+$0x2400]  }
0x29e: {  	v33 =	vld [tilespmem:s26+$0x2410]  }
0x29f: {  	v34 =	vld [tilespmem:s26+$0x2420];
	_ =	sdelay $0x1  }
0x2a0: {  	v35 =	vld [tilespmem:s26+$0x2430]  }
0x2a1: {  	v36 =	vsub.f32 v32, v14;
	v32 =	vmul.f32 v32, v20  }
0x2a2: {  	v37 =	vsub.f32 v33, v15;
	v33 =	vmul.f32 v33, v17;
	v38 =	vld [tilespmem:s26+$0x2440]  }
0x2a3: {  	v36 =	vmul.f32 v36, v36;
	v32 =	vadd.f32 $0.0e+00, v32;
	v39 =	vsub.f32 v34, v13  }
0x2a4: {  	v34 =	vmul.f32 v34, v16;
	v37 =	vmul.f32 v37, v37;
	v40 =	vld [tilespmem:s26+$0x2450]  }
0x2a5: {  	v32 =	vadd.f32 v33, v32;
	v33 =	vmul.f32 v39, v39;
	v39 =	vsub.f32 v35, v12  }
0x2a6: {  	s25 =	sand.u32 $0x7, s20;
	v35 =	vmul.f32 v35, v18;
	v36 =	vadd.f32 v37, v36;
	v37 =	vld [tilespmem:s26+$0x2460]  }
0x2a7: {  	s25 =	sshll.u32 s25, $0x7;
	v32 =	vadd.f32 v34, v32;
	v34 =	vmul.f32 v39, v39;
	v39 =	vsub.f32 v38, v11  }
0x2a8: {  	s25 =	sadd.s32 s25, s19;
	v33 =	vadd.f32 v33, v36;
	v36 =	vmul.f32 v38, v19;
	v38 =	vld [tilespmem:s26+$0x2470]  }
0x2a9: {  	s26 =	sor.u32 $0x1C00, s25;
	v32 =	vadd.f32 v35, v32;
	v35 =	vmul.f32 v39, v39;
	v39 =	vsub.f32 v40, v10  }
0x2aa: {  	v33 =	vadd.f32 v34, v33;
	v34 =	vmul.f32 v40, v21;
	v40 =	vld [tilespmem:s26+$0xC00]  }
0x2ab: {  	s26 =	sor.u32 $0x1C10, s25;
	v32 =	vadd.f32 v36, v32;
	v36 =	vmul.f32 v39, v39;
	v39 =	vsub.f32 v37, v9  }
0x2ac: {  	v33 =	vadd.f32 v35, v33;
	v35 =	vmul.f32 v37, v22;
	v37 =	vld [tilespmem:s26+$0xC00]  }
0x2ad: {  	s26 =	sor.u32 $0x1C20, s25;
	v32 =	vadd.f32 v34, v32;
	v34 =	vmul.f32 v39, v39;
	v39 =	vsub.f32 v38, v8  }
0x2ae: {  	v33 =	vadd.f32 v36, v33;
	v36 =	vmul.f32 v38, v23;
	v38 =	vld [tilespmem:s26+$0xC00]  }
0x2af: {  	s26 =	sor.u32 $0x1C30, s25;
	v32 =	vadd.f32 v35, v32;
	v35 =	vmul.f32 v39, v39;
	v39 =	vsub.f32 v40, v7  }
0x2b0: {  	v33 =	vadd.f32 v34, v33;
	v34 =	vmul.f32 v40, v24;
	v40 =	vld [tilespmem:s26+$0xC00]  }
0x2b1: {  	s26 =	sor.u32 $0x1C40, s25;
	v32 =	vadd.f32 v36, v32;
	v36 =	vmul.f32 v39, v39;
	v39 =	vsub.f32 v37, v6  }
0x2b2: {  	v33 =	vadd.f32 v35, v33;
	v35 =	vmul.f32 v37, v25;
	v37 =	vld [tilespmem:s26+$0xC00]  }
0x2b3: {  	s26 =	sor.u32 $0x1C50, s25;
	v32 =	vadd.f32 v34, v32;
	v34 =	vmul.f32 v39, v39;
	v39 =	vsub.f32 v38, v5  }
0x2b4: {  	v33 =	vadd.f32 v36, v33;
	v36 =	vmul.f32 v38, v26;
	v38 =	vld [tilespmem:s26+$0xC00]  }
0x2b5: {  	s26 =	sor.u32 $0x1C60, s25;
	v32 =	vadd.f32 v35, v32;
	v35 =	vmul.f32 v39, v39;
	v39 =	vsub.f32 v40, v4  }
0x2b6: {  	v33 =	vadd.f32 v34, v33;
	v34 =	vmul.f32 v40, v27;
	v40 =	vld [tilespmem:s26+$0xC00]  }
0x2b7: {  	s25 =	sor.u32 $0x1C70, s25;
	v32 =	vadd.f32 v36, v32;
	v36 =	vmul.f32 v39, v39;
	v39 =	vsub.f32 v37, v3  }
0x2b8: {  	v33 =	vadd.f32 v35, v33;
	v35 =	vmul.f32 v37, v28;
	v37 =	vld [tilespmem:s25+$0xC00]  }
0x2b9: {  	v32 =	vadd.f32 v34, v32;
	v34 =	vmul.f32 v39, v39;
	v39 =	vsub.f32 v38, v2  }
0x2ba: {  	v33 =	vadd.f32 v36, v33;
	v36 =	vmul.f32 v38, v29  }
0x2bb: {  	v32 =	vadd.f32 v35, v32;
	v35 =	vmul.f32 v39, v39;
	v38 =	vsub.f32 v40, v1  }
0x2bc: {  	v33 =	vadd.f32 v34, v33;
	v34 =	vmul.f32 v40, v31  }
0x2bd: {  	v32 =	vadd.f32 v36, v32;
	v36 =	vmul.f32 v38, v38;
	v38 =	vsub.f32 v37, v0  }
0x2be: {  	v33 =	vadd.f32 v35, v33;
	v35 =	vld [tilespmem:s18+$0x0]  }
0x2bf: {  	v32 =	vadd.f32 v34, v32;
	v34 =	vmul.f32 v38, v38  }
0x2c0: {  	v33 =	vadd.f32 v36, v33;
	_ =	sdelay $0x1  }
0x2c1: {  	v33 =	vadd.f32 v34, v33;
	_ =	sdelay $0x1  }
0x2c2: {  	v33 =	vadd.f32 v33, v35;
	_ =	sdelay $0x1  }
0x2c3: {  	[tilespmem:s18+$0x0] =	vst v33  }
0x2c4: {  	v33 =	vmul.f32 v37, v30;
	v34 =	vld [tilespmem:s17+$0x0]  }
.Ltmp3:
0x2c5: {  	(pc) =	sbr.rel @p0 .LBB2_8-.Ltmp3, $4  }
0x2c6: {  	v32 =	vadd.f32 v33, v32  }
0x2c7: {  	s23 =	sadd.s32 $0x400, s23  }
0x2c8: {  	s20 =	sadd.s32 $0x1, s20;
	s19 =	sadd.s32 $0x400, s19;
	s26 =	sadd.s32 $0x8000, s23  }
0x2c9: {  	s25 =	smov.u32 s24;
	s18 =	sadd.s32 $0x80, s18;
	s17 =	sadd.s32 $0x80, s17;
	v32 =	vadd.f32 v34, v32  }
0x2ca: {  	s23 =	sand.u32 $0x6000, s26  }
0x2cb: {  	s22 =	sor.u32 s22, s23;
	[tilespmem:s21+$0x0] =	vst v32  }
0x2cc: {  	v32 =	vld [tilespmem:s22+$0x2400]  }
0x2cd: {  	v33 =	vld [tilespmem:s22+$0x2410];
	_ =	sdelay $0x1  }
0x2ce: {  	v34 =	vld [tilespmem:s22+$0x2420];
	_ =	sdelay $0x1  }
0x2cf: {  	v35 =	vld [tilespmem:s22+$0x2430]  }
0x2d0: {  	v14 =	vsub.f32 v32, v14;
	v15 =	vsub.f32 v33, v15  }
0x2d1: {  	v36 =	vld [tilespmem:s22+$0x2440]  }
0x2d2: {  	v13 =	vsub.f32 v34, v13;
	v14 =	vmul.f32 v14, v14;
	v15 =	vmul.f32 v15, v15  }
0x2d3: {  	v37 =	vld [tilespmem:s22+$0x2450]  }
0x2d4: {  	v12 =	vsub.f32 v35, v12;
	v13 =	vmul.f32 v13, v13;
	v14 =	vadd.f32 v15, v14  }
0x2d5: {  	s20 =	sand.u32 $0x7, s20;
	v15 =	vld [tilespmem:s22+$0x2460]  }
0x2d6: {  	s20 =	sshll.u32 s20, $0x7;
	v11 =	vsub.f32 v36, v11;
	v12 =	vmul.f32 v12, v12;
	v13 =	vadd.f32 v13, v14  }
0x2d7: {  	s19 =	sadd.s32 s20, s19;
	v14 =	vmul.f32 v32, v20;
	v20 =	vld [tilespmem:s22+$0x2470]  }
0x2d8: {  	s20 =	sor.u32 $0x1C00, s19;
	v10 =	vsub.f32 v37, v10;
	v11 =	vmul.f32 v11, v11;
	v12 =	vadd.f32 v12, v13  }
0x2d9: {  	v13 =	vmul.f32 v33, v17;
	v14 =	vadd.f32 $0.0e+00, v14;
	v17 =	vld [tilespmem:s20+$0xC00]  }
0x2da: {  	s21 =	sor.u32 $0x1C10, s19;
	v10 =	vmul.f32 v10, v10;
	v9 =	vsub.f32 v15, v9;
	v11 =	vadd.f32 v11, v12  }
0x2db: {  	v12 =	vmul.f32 v34, v16;
	v13 =	vadd.f32 v13, v14;
	v14 =	vld [tilespmem:s21+$0xC00]  }
0x2dc: {  	s22 =	sor.u32 $0x1C20, s19;
	v9 =	vmul.f32 v9, v9;
	v8 =	vsub.f32 v20, v8;
	v10 =	vadd.f32 v10, v11  }
0x2dd: {  	v11 =	vmul.f32 v35, v18;
	v12 =	vadd.f32 v12, v13;
	v13 =	vld [tilespmem:s22+$0xC00]  }
0x2de: {  	s23 =	sor.u32 $0x1C30, s19;
	v8 =	vmul.f32 v8, v8;
	v7 =	vsub.f32 v17, v7;
	v9 =	vadd.f32 v9, v10  }
0x2df: {  	v10 =	vmul.f32 v36, v19;
	v11 =	vadd.f32 v11, v12;
	v12 =	vld [tilespmem:s23+$0xC00]  }
0x2e0: {  	s24 =	sor.u32 $0x1C40, s19;
	v7 =	vmul.f32 v7, v7;
	v6 =	vsub.f32 v14, v6;
	v8 =	vadd.f32 v8, v9  }
0x2e1: {  	v9 =	vmul.f32 v37, v21;
	v10 =	vadd.f32 v10, v11;
	v11 =	vld [tilespmem:s24+$0xC00]  }
0x2e2: {  	s25 =	sor.u32 $0x1C50, s19;
	v6 =	vmul.f32 v6, v6;
	v5 =	vsub.f32 v13, v5;
	v7 =	vadd.f32 v7, v8  }
0x2e3: {  	v8 =	vmul.f32 v15, v22;
	v9 =	vadd.f32 v9, v10;
	v10 =	vld [tilespmem:s25+$0xC00]  }
0x2e4: {  	s26 =	sor.u32 $0x1C60, s19;
	v5 =	vmul.f32 v5, v5;
	v4 =	vsub.f32 v12, v4;
	v6 =	vadd.f32 v6, v7  }
0x2e5: {  	v7 =	vmul.f32 v20, v23;
	v8 =	vadd.f32 v8, v9;
	v9 =	vld [tilespmem:s26+$0xC00]  }
0x2e6: {  	s19 =	sor.u32 $0x1C70, s19;
	v4 =	vmul.f32 v4, v4;
	v3 =	vsub.f32 v11, v3;
	v5 =	vadd.f32 v5, v6  }
0x2e7: {  	v6 =	vmul.f32 v17, v24;
	v7 =	vadd.f32 v7, v8;
	v8 =	vld [tilespmem:s19+$0xC00]  }
0x2e8: {  	v3 =	vmul.f32 v3, v3;
	v2 =	vsub.f32 v10, v2;
	v4 =	vadd.f32 v4, v5  }
0x2e9: {  	v5 =	vmul.f32 v14, v25;
	v6 =	vadd.f32 v6, v7  }
0x2ea: {  	v2 =	vmul.f32 v2, v2;
	v1 =	vsub.f32 v9, v1;
	v3 =	vadd.f32 v3, v4  }
0x2eb: {  	v4 =	vmul.f32 v13, v26;
	v5 =	vadd.f32 v5, v6  }
0x2ec: {  	v1 =	vmul.f32 v1, v1;
	v0 =	vsub.f32 v8, v0;
	v2 =	vadd.f32 v2, v3  }
0x2ed: {  	v6 =	vld [tilespmem:s18+$0x0];
	v3 =	vmul.f32 v12, v27  }
0x2ee: {  	v4 =	vadd.f32 v4, v5;
	v0 =	vmul.f32 v0, v0;
	v1 =	vadd.f32 v1, v2;
	_ =	sdelay $0x1  }
0x2ef: {  	v2 =	vmul.f32 v11, v28;
	v3 =	vadd.f32 v3, v4;
	v0 =	vadd.f32 v0, v1;
	_ =	sdelay $0x1  }
0x2f0: {  	v1 =	vmul.f32 v10, v29;
	v2 =	vadd.f32 v2, v3;
	v0 =	vadd.f32 v0, v6;
	_ =	sdelay $0x1  }
0x2f1: {  	v3 =	vmul.f32 v9, v31;
	v1 =	vadd.f32 v1, v2;
	[tilespmem:s18+$0x0] =	vst v0  }
0x2f2: {  	v0 =	vld [tilespmem:s17+$0x0]  }
0x2f3: {  	v2 =	vmul.f32 v8, v30;
	v1 =	vadd.f32 v3, v1;
	_ =	sdelay $0x1  }
0x2f4: {  	v1 =	vadd.f32 v2, v1;
	_ =	sdelay $0x1  }
0x2f5: {  	v0 =	vadd.f32 v0, v1;
	_ =	sdelay $0x1  }
0x2f6: {  	s28 =	simm.s32 $0x0;
	[tilespmem:s17+$0x0] =	vst v0  }
0x2f7: {  	[tilespmem:s10], [sflag:$0x1] =	stream.linear.gather [hbm4b:s5+s28], $0x8000, $0x38;
	[tilespmem:$0x14C00] =	vst v63  }
0x2f8: {  	_ =	swait.ge [sflag:s13], $0x8000  }
0x2f9: {  	[sflag:s13] =	ssyncset.done $0x0  }
0x2fa: {  	[sflag:s13] =	ssyncadd.s32 $0xFFFF8000  }
0x2fb: {  	v14 =	vld [tilespmem:$0x0]  }
0x2fc: {  	v15 =	vld [tilespmem:$0x10]  }
0x2fd: {  	v13 =	vld [tilespmem:$0x20]  }
0x2fe: {  	v12 =	vld [tilespmem:$0x30]  }
0x2ff: {  	v11 =	vld [tilespmem:$0x40]  }
0x300: {  	v10 =	vld [tilespmem:$0x50]  }
0x301: {  	v9 =	vld [tilespmem:$0x60]  }
0x302: {  	v8 =	vld [tilespmem:$0x70]  }
0x303: {  	v7 =	vld [tilespmem:$0x80]  }
0x304: {  	v6 =	vld [tilespmem:$0x90]  }
0x305: {  	v5 =	vld [tilespmem:$0xA0]  }
0x306: {  	v4 =	vld [tilespmem:$0xB0]  }
0x307: {  	v3 =	vld [tilespmem:$0xC0]  }
0x308: {  	v2 =	vld [tilespmem:$0xD0]  }
0x309: {  	s29 =	sand.u32 $0x6000, s28;
	s17 =	sand.u32 $0x380, s28;
	v1 =	vld [tilespmem:$0xE0]  }
0x30a: {  	s17 =	sor.u32 s17, s29;
	v0 =	vld [tilespmem:$0xF0]  }
0x30b: {  	v16 =	vld [tilespmem:s17+$0x8C00]  }
0x30c: {  	v18 =	vld [tilespmem:s17+$0x8C10]  }
0x30d: {  	v26 =	vld [tilespmem:$0x800]  }
0x30e: {  	v19 =	vld [tilespmem:s17+$0x8C20]  }
0x30f: {  	v22 =	vld [tilespmem:$0x810]  }
0x310: {  	v20 =	vld [tilespmem:s17+$0x8C30]  }
0x311: {  	v17 =	vld [tilespmem:$0x820];
	v21 =	vsub.f32 v16, v14;
	v23 =	vsub.f32 v18, v15  }
0x312: {  	v25 =	vld [tilespmem:s17+$0x8C40];
	v24 =	vmul.f32 v16, v26  }
0x313: {  	v16 =	vld [tilespmem:$0x830];
	v27 =	vsub.f32 v19, v13;
	v21 =	vmul.f32 v21, v21;
	v23 =	vmul.f32 v23, v23  }
0x314: {  	v29 =	vld [tilespmem:s17+$0x8C50];
	v28 =	vmul.f32 v18, v22;
	v24 =	vadd.f32 $0.0e+00, v24  }
0x315: {  	v18 =	vld [tilespmem:$0x840];
	v21 =	vadd.f32 v23, v21;
	v23 =	vmul.f32 v27, v27;
	v27 =	vsub.f32 v20, v12  }
0x316: {  	v30 =	vmul.f32 v19, v17;
	v24 =	vadd.f32 v28, v24;
	v28 =	vld [tilespmem:s17+$0x8C60]  }
0x317: {  	v19 =	vld [tilespmem:$0x850];
	v21 =	vadd.f32 v23, v21;
	v23 =	vmul.f32 v27, v27;
	v27 =	vsub.f32 v25, v11  }
0x318: {  	v31 =	vmul.f32 v20, v16;
	v24 =	vadd.f32 v30, v24;
	v30 =	vld [tilespmem:s17+$0x8C70]  }
0x319: {  	v43 =	vsub.f32 v29, v10;
	v20 =	vld [tilespmem:$0x860];
	v23 =	vadd.f32 v23, v21;
	v27 =	vmul.f32 v27, v27  }
0x31a: {  	v25 =	vmul.f32 v25, v18;
	v24 =	vadd.f32 v31, v24;
	v31 =	vld [tilespmem:s17+$0x9000]  }
0x31b: {  	v32 =	vmul.f32 v43, v43;
	v21 =	vld [tilespmem:$0x870];
	v44 =	vsub.f32 v28, v9;
	v27 =	vadd.f32 v27, v23  }
0x31c: {  	v45 =	vld [tilespmem:s17+$0x9010];
	v29 =	vmul.f32 v29, v19;
	v24 =	vadd.f32 v25, v24  }
0x31d: {  	v23 =	vld [tilespmem:$0x880];
	v46 =	vsub.f32 v30, v8;
	v25 =	vadd.f32 v32, v27;
	v27 =	vmul.f32 v44, v44  }
0x31e: {  	v47 =	vld [tilespmem:s17+$0x9020];
	v28 =	vmul.f32 v28, v20;
	v29 =	vadd.f32 v29, v24  }
0x31f: {  	v24 =	vld [tilespmem:$0x890];
	v32 =	vmul.f32 v46, v46;
	v48 =	vsub.f32 v31, v7;
	v27 =	vadd.f32 v27, v25  }
0x320: {  	v49 =	vld [tilespmem:s17+$0x9030];
	v30 =	vmul.f32 v30, v21;
	v28 =	vadd.f32 v28, v29  }
0x321: {  	v51 =	vsub.f32 v45, v6;
	v25 =	vld [tilespmem:$0x8A0];
	v50 =	vmul.f32 v48, v48;
	v29 =	vadd.f32 v32, v27  }
0x322: {  	v52 =	vld [tilespmem:s17+$0x9040];
	v31 =	vmul.f32 v31, v23;
	v28 =	vadd.f32 v30, v28  }
0x323: {  	v53 =	vsub.f32 v47, v5;
	v27 =	vld [tilespmem:$0x8B0];
	v30 =	vmul.f32 v51, v51;
	v29 =	vadd.f32 v50, v29  }
0x324: {  	v54 =	vld [tilespmem:s17+$0x9050];
	v34 =	vmul.f32 v45, v24;
	v31 =	vadd.f32 v31, v28  }
0x325: {  	v38 =	vsub.f32 v49, v4;
	v32 =	vmul.f32 v53, v53;
	v28 =	vld [tilespmem:$0x8C0];
	v30 =	vadd.f32 v30, v29  }
0x326: {  	v55 =	vld [tilespmem:s17+$0x9060];
	v33 =	vmul.f32 v47, v25;
	v31 =	vadd.f32 v34, v31  }
0x327: {  	v39 =	vsub.f32 v52, v3;
	v38 =	vmul.f32 v38, v38;
	v29 =	vld [tilespmem:$0x8D0];
	v32 =	vadd.f32 v32, v30  }
0x328: {  	v56 =	vld [tilespmem:s17+$0x9070];
	v36 =	vmul.f32 v49, v27;
	v31 =	vadd.f32 v33, v31  }
0x329: {  	v58 =	vsub.f32 v54, v2;
	v57 =	vmul.f32 v39, v39;
	v30 =	vld [tilespmem:$0x8E0];
	v32 =	vadd.f32 v38, v32  }
0x32a: {  	v37 =	vmul.f32 v52, v28;
	v36 =	vadd.f32 v36, v31  }
0x32b: {  	v60 =	vsub.f32 v55, v1;
	v59 =	vmul.f32 v58, v58;
	v31 =	vld [tilespmem:$0x8F0];
	v32 =	vadd.f32 v57, v32  }
0x32c: {  	v35 =	vmul.f32 v54, v29;
	v36 =	vadd.f32 v37, v36  }
0x32d: {  	v62 =	vsub.f32 v56, v0;
	v61 =	vmul.f32 v60, v60;
	v32 =	vadd.f32 v59, v32  }
0x32e: {  	v34 =	vmul.f32 v55, v30;
	v35 =	vadd.f32 v35, v36  }
0x32f: {  	v63 =	vmul.f32 v62, v62;
	v32 =	vadd.f32 v61, v32  }
0x330: {  	v33 =	vmul.f32 v56, v31;
	v34 =	vadd.f32 v34, v35  }
0x331: {  	v32 =	vadd.f32 v63, v32  }
0x332: {  	s30 =	simm.s32 $0x400;
	s20 =	simm.s32 $0x80;
	s17 =	simm.s32 $0x11C00;
	v33 =	vadd.f32 v33, v34  }
0x333: {  	s31 =	sand.u32 $0x380, s20;
	s19 =	sand.u32 $0x6000, s30;
	s18 =	simm.s32 $0x13C00;
	[tilespmem:s17+$0x0] =	vst v32  }
0x334: {  	s19 =	sor.u32 s31, s19;
	[tilespmem:s18+$0x0] =	vst v33  }
0x335: {  	s21 =	simm.s32 $0x800;
	v32 =	vld [tilespmem:s19+$0x8C00]  }
.LBB2_10:
0x336: {  	p0 =	sne.s32 s21, $0x7C00;
	v33 =	vld [tilespmem:s19+$0x8C10];
	_ =	sdelay $0x1  }
0x337: {  	v34 =	vld [tilespmem:s19+$0x8C20];
	_ =	sdelay $0x1  }
0x338: {  	v35 =	vmul.f32 v32, v26;
	v36 =	vld [tilespmem:s19+$0x8C30]  }
0x339: {  	v32 =	vsub.f32 v32, v14;
	v37 =	vsub.f32 v33, v15;
	v33 =	vmul.f32 v33, v22  }
0x33a: {  	v38 =	vld [tilespmem:s19+$0x8C40]  }
0x33b: {  	v32 =	vmul.f32 v32, v32;
	v37 =	vmul.f32 v37, v37;
	v39 =	vsub.f32 v34, v13  }
0x33c: {  	v35 =	vadd.f32 $0.0e+00, v35;
	v34 =	vmul.f32 v34, v17;
	v40 =	vld [tilespmem:s19+$0x8C50]  }
0x33d: {  	v32 =	vadd.f32 v37, v32;
	v37 =	vmul.f32 v39, v39;
	v39 =	vsub.f32 v36, v12  }
0x33e: {  	v33 =	vadd.f32 v33, v35;
	v35 =	vmul.f32 v36, v16;
	v36 =	vld [tilespmem:s19+$0x8C60]  }
0x33f: {  	v32 =	vadd.f32 v37, v32;
	v37 =	vmul.f32 v39, v39;
	v39 =	vsub.f32 v38, v11  }
0x340: {  	v33 =	vadd.f32 v34, v33;
	v34 =	vmul.f32 v38, v18;
	v38 =	vld [tilespmem:s19+$0x8C70]  }
0x341: {  	v32 =	vadd.f32 v37, v32;
	v37 =	vmul.f32 v39, v39;
	v39 =	vsub.f32 v40, v10  }
0x342: {  	v33 =	vadd.f32 v35, v33;
	v35 =	vmul.f32 v40, v19;
	v40 =	vld [tilespmem:s19+$0x9000]  }
0x343: {  	v32 =	vadd.f32 v37, v32;
	v37 =	vmul.f32 v39, v39;
	v39 =	vsub.f32 v36, v9  }
0x344: {  	v33 =	vadd.f32 v34, v33;
	v34 =	vmul.f32 v36, v20;
	v36 =	vld [tilespmem:s19+$0x9010]  }
0x345: {  	v32 =	vadd.f32 v37, v32;
	v37 =	vmul.f32 v39, v39;
	v39 =	vsub.f32 v38, v8  }
0x346: {  	v33 =	vadd.f32 v35, v33;
	v35 =	vmul.f32 v38, v21;
	v38 =	vld [tilespmem:s19+$0x9020]  }
0x347: {  	v32 =	vadd.f32 v37, v32;
	v37 =	vmul.f32 v39, v39;
	v39 =	vsub.f32 v40, v7  }
0x348: {  	v33 =	vadd.f32 v34, v33;
	v34 =	vmul.f32 v40, v23;
	v40 =	vld [tilespmem:s19+$0x9030]  }
0x349: {  	v32 =	vadd.f32 v37, v32;
	v37 =	vmul.f32 v39, v39;
	v39 =	vsub.f32 v36, v6  }
0x34a: {  	v33 =	vadd.f32 v35, v33;
	v35 =	vmul.f32 v36, v24;
	v36 =	vld [tilespmem:s19+$0x9040]  }
0x34b: {  	v32 =	vadd.f32 v37, v32;
	v37 =	vmul.f32 v39, v39;
	v39 =	vsub.f32 v38, v5  }
0x34c: {  	v33 =	vadd.f32 v34, v33;
	v34 =	vmul.f32 v38, v25;
	v38 =	vld [tilespmem:s19+$0x9050]  }
0x34d: {  	v32 =	vadd.f32 v37, v32;
	v37 =	vmul.f32 v39, v39;
	v39 =	vsub.f32 v40, v4  }
0x34e: {  	v33 =	vadd.f32 v35, v33;
	v35 =	vmul.f32 v40, v27;
	v40 =	vld [tilespmem:s19+$0x9060]  }
0x34f: {  	v32 =	vadd.f32 v37, v32;
	v37 =	vmul.f32 v39, v39;
	v39 =	vsub.f32 v36, v3  }
0x350: {  	v33 =	vadd.f32 v34, v33;
	v34 =	vmul.f32 v36, v28;
	v36 =	vld [tilespmem:s19+$0x9070]  }
0x351: {  	v32 =	vadd.f32 v37, v32;
	v37 =	vmul.f32 v39, v39;
	v39 =	vsub.f32 v38, v2  }
0x352: {  	v33 =	vadd.f32 v35, v33;
	v35 =	vmul.f32 v38, v29  }
0x353: {  	v32 =	vadd.f32 v37, v32;
	v37 =	vmul.f32 v39, v39;
	v38 =	vsub.f32 v40, v1  }
0x354: {  	v33 =	vadd.f32 v34, v33;
	v34 =	vmul.f32 v40, v30  }
0x355: {  	v32 =	vadd.f32 v37, v32;
	v37 =	vmul.f32 v38, v38;
	v38 =	vsub.f32 v36, v0  }
0x356: {  	v33 =	vadd.f32 v35, v33;
	v35 =	vmul.f32 v36, v31  }
0x357: {  	v32 =	vadd.f32 v37, v32;
	v36 =	vmul.f32 v38, v38  }
0x358: {  	v33 =	vadd.f32 v34, v33  }
.Ltmp4:
0x359: {  	v32 =	vadd.f32 v36, v32;
	(pc) =	sbr.rel @p0 .LBB2_10-.Ltmp4, $4  }
0x35a: {  	s20 =	sadd.s32 $0x80, s20;
	s17 =	sadd.s32 $0x80, s17;
	v33 =	vadd.f32 v35, v33  }
0x35b: {  	s18 =	sadd.s32 $0x80, s18;
	s22 =	sand.u32 $0x380, s20;
	s19 =	sand.u32 $0x6000, s21;
	[tilespmem:s17+$0x0] =	vst v32  }
0x35c: {  	s19 =	sor.u32 s22, s19;
	[tilespmem:s18+$0x0] =	vst v33  }
0x35d: {  	s21 =	sadd.s32 $0x400, s21;
	v32 =	vld [tilespmem:s19+$0x8C00]  }
0x35e: {  	v33 =	vld [tilespmem:s19+$0x8C10];
	_ =	sdelay $0x1  }
0x35f: {  	v34 =	vld [tilespmem:s19+$0x8C20];
	_ =	sdelay $0x1  }
0x360: {  	v35 =	vld [tilespmem:s19+$0x8C30]  }
0x361: {  	v14 =	vsub.f32 v32, v14;
	v15 =	vsub.f32 v33, v15  }
0x362: {  	v47 =	vld [tilespmem:s19+$0x8C40];
	v26 =	vmul.f32 v32, v26  }
0x363: {  	v13 =	vsub.f32 v34, v13;
	v14 =	vmul.f32 v14, v14;
	v15 =	vmul.f32 v15, v15  }
0x364: {  	v48 =	vld [tilespmem:s19+$0x8C50];
	v22 =	vmul.f32 v33, v22;
	v26 =	vadd.f32 $0.0e+00, v26  }
0x365: {  	v12 =	vsub.f32 v35, v12;
	v13 =	vmul.f32 v13, v13;
	v14 =	vadd.f32 v15, v14  }
0x366: {  	v15 =	vmul.f32 v34, v17;
	v17 =	vadd.f32 v22, v26;
	v22 =	vld [tilespmem:s19+$0x8C60]  }
0x367: {  	v11 =	vsub.f32 v47, v11;
	v12 =	vmul.f32 v12, v12;
	v13 =	vadd.f32 v13, v14  }
0x368: {  	v14 =	vmul.f32 v35, v16;
	v15 =	vadd.f32 v15, v17;
	v16 =	vld [tilespmem:s19+$0x8C70]  }
0x369: {  	v10 =	vsub.f32 v48, v10;
	v11 =	vmul.f32 v11, v11;
	v12 =	vadd.f32 v12, v13  }
0x36a: {  	v13 =	vmul.f32 v47, v18;
	v14 =	vadd.f32 v14, v15;
	v15 =	vld [tilespmem:s19+$0x9000]  }
0x36b: {  	v10 =	vmul.f32 v10, v10;
	v9 =	vsub.f32 v22, v9;
	v11 =	vadd.f32 v11, v12  }
0x36c: {  	v12 =	vmul.f32 v48, v19;
	v13 =	vadd.f32 v13, v14;
	v14 =	vld [tilespmem:s19+$0x9010]  }
0x36d: {  	v9 =	vmul.f32 v9, v9;
	v8 =	vsub.f32 v16, v8;
	v10 =	vadd.f32 v10, v11  }
0x36e: {  	v11 =	vmul.f32 v22, v20;
	v12 =	vadd.f32 v12, v13;
	v13 =	vld [tilespmem:s19+$0x9020]  }
0x36f: {  	v8 =	vmul.f32 v8, v8;
	v7 =	vsub.f32 v15, v7;
	v9 =	vadd.f32 v9, v10  }
0x370: {  	v10 =	vmul.f32 v16, v21;
	v11 =	vadd.f32 v11, v12;
	v12 =	vld [tilespmem:s19+$0x9030]  }
0x371: {  	v7 =	vmul.f32 v7, v7;
	v6 =	vsub.f32 v14, v6;
	v8 =	vadd.f32 v8, v9  }
0x372: {  	v9 =	vmul.f32 v15, v23;
	v10 =	vadd.f32 v10, v11;
	v11 =	vld [tilespmem:s19+$0x9040]  }
0x373: {  	v6 =	vmul.f32 v6, v6;
	v5 =	vsub.f32 v13, v5;
	v7 =	vadd.f32 v7, v8  }
0x374: {  	v8 =	vmul.f32 v14, v24;
	v9 =	vadd.f32 v9, v10;
	v10 =	vld [tilespmem:s19+$0x9050]  }
0x375: {  	v5 =	vmul.f32 v5, v5;
	v4 =	vsub.f32 v12, v4;
	v6 =	vadd.f32 v6, v7  }
0x376: {  	v7 =	vmul.f32 v13, v25;
	v8 =	vadd.f32 v8, v9;
	v9 =	vld [tilespmem:s19+$0x9060]  }
0x377: {  	v4 =	vmul.f32 v4, v4;
	v3 =	vsub.f32 v11, v3;
	v5 =	vadd.f32 v5, v6  }
0x378: {  	v6 =	vmul.f32 v12, v27;
	v7 =	vadd.f32 v7, v8;
	v8 =	vld [tilespmem:s19+$0x9070]  }
0x379: {  	v3 =	vmul.f32 v3, v3;
	v2 =	vsub.f32 v10, v2;
	v4 =	vadd.f32 v4, v5  }
0x37a: {  	v5 =	vmul.f32 v11, v28;
	v6 =	vadd.f32 v6, v7  }
0x37b: {  	v2 =	vmul.f32 v2, v2;
	v1 =	vsub.f32 v9, v1;
	v3 =	vadd.f32 v3, v4  }
0x37c: {  	v4 =	vmul.f32 v10, v29;
	v5 =	vadd.f32 v5, v6  }
0x37d: {  	v1 =	vmul.f32 v1, v1;
	v0 =	vsub.f32 v8, v0;
	v2 =	vadd.f32 v2, v3  }
0x37e: {  	v3 =	vmul.f32 v9, v30;
	v4 =	vadd.f32 v4, v5  }
0x37f: {  	v0 =	vmul.f32 v0, v0;
	v1 =	vadd.f32 v1, v2  }
0x380: {  	v2 =	vmul.f32 v8, v31;
	v3 =	vadd.f32 v3, v4  }
0x381: {  	v0 =	vadd.f32 v0, v1  }
0x382: {  	s17 =	sadd.s32 $0x80, s17;
	v1 =	vadd.f32 v2, v3  }
0x383: {  	s26 =	sadd.s32 $0x80, s18;
	[tilespmem:s17+$0x0] =	vst v0  }
0x384: {  	[tilespmem:s26+$0x0] =	vst v1  }
0x385: {  	v14 =	vld [tilespmem:$0x100]  }
0x386: {  	v15 =	vld [tilespmem:$0x110]  }
0x387: {  	v13 =	vld [tilespmem:$0x120]  }
0x388: {  	v12 =	vld [tilespmem:$0x130]  }
0x389: {  	v11 =	vld [tilespmem:$0x140]  }
0x38a: {  	v10 =	vld [tilespmem:$0x150]  }
0x38b: {  	v9 =	vld [tilespmem:$0x160]  }
0x38c: {  	v8 =	vld [tilespmem:$0x170]  }
0x38d: {  	v7 =	vld [tilespmem:$0x180]  }
0x38e: {  	v6 =	vld [tilespmem:$0x190]  }
0x38f: {  	s28 =	simm.s32 $0x0;
	v5 =	vld [tilespmem:$0x1A0]  }
0x390: {  	s29 =	sand.u32 $0x6000, s28;
	s17 =	sand.u32 $0x380, s28;
	v4 =	vld [tilespmem:$0x1B0]  }
0x391: {  	s17 =	sor.u32 s17, s29;
	v3 =	vld [tilespmem:$0x1C0]  }
0x392: {  	v19 =	vld [tilespmem:s17+$0x9410]  }
0x393: {  	v17 =	vld [tilespmem:s17+$0x9400]  }
0x394: {  	v2 =	vld [tilespmem:$0x1D0]  }
0x395: {  	v21 =	vld [tilespmem:s17+$0x9420]  }
0x396: {  	v1 =	vld [tilespmem:$0x1E0]  }
0x397: {  	v22 =	vld [tilespmem:s17+$0x9430]  }
0x398: {  	v23 =	vld [tilespmem:s17+$0x9440];
	v16 =	vsub.f32 v19, v15;
	v18 =	vsub.f32 v17, v14  }
0x399: {  	v20 =	vld [tilespmem:$0x900]  }
0x39a: {  	v26 =	vld [tilespmem:s17+$0x9450];
	v24 =	vsub.f32 v21, v13;
	v16 =	vmul.f32 v16, v16;
	v25 =	vmul.f32 v18, v18  }
0x39b: {  	v28 =	vld [tilespmem:s17+$0x9460]  }
0x39c: {  	v27 =	vsub.f32 v22, v12;
	v18 =	vld [tilespmem:$0x910];
	v24 =	vmul.f32 v24, v24;
	v25 =	vadd.f32 v16, v25  }
0x39d: {  	v30 =	vld [tilespmem:s17+$0x9470]  }
0x39e: {  	v29 =	vsub.f32 v23, v11;
	v27 =	vmul.f32 v27, v27;
	v16 =	vld [tilespmem:$0x920];
	v24 =	vadd.f32 v24, v25  }
0x39f: {  	v49 =	vld [tilespmem:s17+$0x9800];
	v25 =	vmul.f32 v17, v20  }
0x3a0: {  	v31 =	vsub.f32 v26, v10;
	v29 =	vmul.f32 v29, v29;
	v17 =	vld [tilespmem:$0x930];
	v24 =	vadd.f32 v27, v24  }
0x3a1: {  	v53 =	vld [tilespmem:s17+$0x9830];
	v25 =	vadd.f32 $0.0e+00, v25;
	v27 =	vmul.f32 v19, v18  }
0x3a2: {  	v50 =	vsub.f32 v28, v9;
	v31 =	vmul.f32 v31, v31;
	v19 =	vld [tilespmem:$0x940];
	v24 =	vadd.f32 v29, v24  }
0x3a3: {  	v25 =	vadd.f32 v27, v25;
	v27 =	vmul.f32 v21, v16;
	v29 =	vld [tilespmem:s17+$0x9810]  }
0x3a4: {  	v51 =	vsub.f32 v30, v8;
	v33 =	vmul.f32 v50, v50;
	v21 =	vld [tilespmem:$0x950];
	v24 =	vadd.f32 v31, v24  }
0x3a5: {  	v25 =	vadd.f32 v27, v25;
	v27 =	vmul.f32 v22, v17;
	v31 =	vld [tilespmem:s17+$0x9820]  }
0x3a6: {  	v52 =	vsub.f32 v49, v7;
	v34 =	vmul.f32 v51, v51;
	v22 =	vld [tilespmem:$0x960];
	v24 =	vadd.f32 v33, v24  }
0x3a7: {  	v0 =	vld [tilespmem:$0x1F0];
	v25 =	vadd.f32 v27, v25;
	v27 =	vmul.f32 v23, v19  }
0x3a8: {  	v37 =	vld [tilespmem:s17+$0x9840];
	v35 =	vmul.f32 v52, v52;
	v36 =	vsub.f32 v29, v6;
	v34 =	vadd.f32 v34, v24  }
0x3a9: {  	v23 =	vld [tilespmem:$0x970];
	v26 =	vmul.f32 v26, v21;
	v25 =	vadd.f32 v27, v25  }
0x3aa: {  	v55 =	vld [tilespmem:s17+$0x9850];
	v27 =	vmul.f32 v36, v36;
	v54 =	vsub.f32 v31, v5;
	v34 =	vadd.f32 v35, v34  }
0x3ab: {  	v38 =	vsub.f32 v53, v4;
	v24 =	vld [tilespmem:$0x980];
	v28 =	vmul.f32 v28, v22  }
0x3ac: {  	v56 =	vld [tilespmem:s17+$0x9860];
	v26 =	vadd.f32 v26, v25;
	v36 =	vmul.f32 v54, v54;
	v27 =	vadd.f32 v27, v34  }
0x3ad: {  	v39 =	vsub.f32 v37, v3;
	v38 =	vmul.f32 v38, v38;
	v25 =	vld [tilespmem:$0x990]  }
0x3ae: {  	v57 =	vld [tilespmem:s17+$0x9870];
	v30 =	vmul.f32 v30, v23;
	v28 =	vadd.f32 v28, v26;
	v27 =	vadd.f32 v36, v27  }
0x3af: {  	v59 =	vsub.f32 v55, v2;
	v58 =	vmul.f32 v39, v39;
	v26 =	vld [tilespmem:$0x9A0]  }
0x3b0: {  	v28 =	vadd.f32 v30, v28;
	v30 =	vmul.f32 v49, v24;
	v38 =	vadd.f32 v38, v27  }
0x3b1: {  	v40 =	vsub.f32 v56, v1;
	v39 =	vmul.f32 v59, v59;
	v27 =	vld [tilespmem:$0x9B0]  }
0x3b2: {  	v29 =	vmul.f32 v29, v25;
	v30 =	vadd.f32 v30, v28;
	v36 =	vadd.f32 v58, v38  }
0x3b3: {  	s30 =	simm.s32 $0x11C00;
	v61 =	vsub.f32 v57, v0;
	v60 =	vmul.f32 v40, v40;
	v28 =	vld [tilespmem:$0x9C0]  }
0x3b4: {  	v62 =	vld [tilespmem:s30+$0x0];
	v31 =	vmul.f32 v31, v26;
	v30 =	vadd.f32 v29, v30;
	v36 =	vadd.f32 v39, v36  }
0x3b5: {  	v40 =	vmul.f32 v61, v61;
	v29 =	vld [tilespmem:$0x9D0]  }
0x3b6: {  	v31 =	vadd.f32 v31, v30;
	v33 =	vmul.f32 v53, v27;
	v36 =	vadd.f32 v60, v36  }
0x3b7: {  	v30 =	vld [tilespmem:$0x9E0]  }
0x3b8: {  	v37 =	vmul.f32 v37, v28;
	v33 =	vadd.f32 v33, v31;
	v36 =	vadd.f32 v40, v36  }
0x3b9: {  	v31 =	vld [tilespmem:$0x9F0]  }
0x3ba: {  	v35 =	vmul.f32 v55, v29;
	v33 =	vadd.f32 v37, v33;
	v36 =	vadd.f32 v36, v62;
	_ =	sdelay $0x1  }
0x3bb: {  	s19 =	simm.s32 $0x13C00;
	v34 =	vmul.f32 v56, v30;
	v33 =	vadd.f32 v35, v33;
	[tilespmem:s30+$0x0] =	vst v36  }
0x3bc: {  	v63 =	vld [tilespmem:s19+$0x0]  }
0x3bd: {  	v32 =	vmul.f32 v57, v31;
	v33 =	vadd.f32 v34, v33;
	_ =	sdelay $0x1  }
0x3be: {  	v32 =	vadd.f32 v32, v33  }
0x3bf: {  	s31 =	simm.s32 $0x400;
	s23 =	simm.s32 $0x800;
	s18 =	simm.s32 $0x11C80  }
0x3c0: {  	s21 =	simm.s32 $0x80;
	s20 =	sand.u32 $0x6000, s31;
	s17 =	simm.s32 $0x13C80;
	v32 =	vadd.f32 v63, v32  }
.LBB2_12:
0x3c1: {  	s22 =	smov.u32 s23  }
0x3c2: {  	s24 =	sand.u32 $0x6000, s23;
	s25 =	sand.u32 $0x380, s21;
	s22 =	sadd.s32 $0x400, s23  }
0x3c3: {  	p0 =	sne.s32 s23, $0x7C00;
	s23 =	sor.u32 s25, s20;
	s20 =	smov.u32 s24;
	[tilespmem:s19+$0x0] =	vst v32  }
0x3c4: {  	s19 =	smov.u32 s17;
	v32 =	vld [tilespmem:s23+$0x9410]  }
0x3c5: {  	v33 =	vld [tilespmem:s23+$0x9400]  }
0x3c6: {  	v34 =	vld [tilespmem:s23+$0x9420];
	_ =	sdelay $0x1  }
0x3c7: {  	v35 =	vld [tilespmem:s23+$0x9430]  }
0x3c8: {  	v36 =	vsub.f32 v32, v15  }
0x3c9: {  	v37 =	vsub.f32 v33, v14;
	v33 =	vmul.f32 v33, v20;
	v38 =	vld [tilespmem:s23+$0x9440]  }
0x3ca: {  	v36 =	vmul.f32 v36, v36;
	v39 =	vsub.f32 v34, v13  }
0x3cb: {  	v32 =	vmul.f32 v32, v18;
	v37 =	vmul.f32 v37, v37;
	v33 =	vadd.f32 $0.0e+00, v33;
	v40 =	vld [tilespmem:s23+$0x9450]  }
0x3cc: {  	v39 =	vmul.f32 v39, v39;
	v41 =	vsub.f32 v35, v12  }
0x3cd: {  	v36 =	vadd.f32 v36, v37;
	v32 =	vadd.f32 v32, v33;
	v33 =	vmul.f32 v34, v16;
	v34 =	vld [tilespmem:s23+$0x9460]  }
0x3ce: {  	v37 =	vmul.f32 v41, v41;
	v41 =	vsub.f32 v38, v11  }
0x3cf: {  	v36 =	vadd.f32 v39, v36;
	v32 =	vadd.f32 v33, v32;
	v33 =	vmul.f32 v35, v17;
	v35 =	vld [tilespmem:s23+$0x9470]  }
0x3d0: {  	v39 =	vmul.f32 v41, v41;
	v41 =	vsub.f32 v40, v10  }
0x3d1: {  	v36 =	vadd.f32 v37, v36;
	v32 =	vadd.f32 v33, v32;
	v33 =	vmul.f32 v38, v19;
	v37 =	vld [tilespmem:s23+$0x9800]  }
0x3d2: {  	v38 =	vmul.f32 v41, v41;
	v41 =	vsub.f32 v34, v9  }
0x3d3: {  	v36 =	vadd.f32 v39, v36;
	v32 =	vadd.f32 v33, v32;
	v33 =	vmul.f32 v40, v21;
	v39 =	vld [tilespmem:s23+$0x9810]  }
0x3d4: {  	v40 =	vmul.f32 v41, v41;
	v41 =	vsub.f32 v35, v8  }
0x3d5: {  	v36 =	vadd.f32 v38, v36;
	v32 =	vadd.f32 v33, v32;
	v33 =	vmul.f32 v34, v22;
	v34 =	vld [tilespmem:s23+$0x9820]  }
0x3d6: {  	v38 =	vmul.f32 v41, v41;
	v41 =	vsub.f32 v37, v7  }
0x3d7: {  	v36 =	vadd.f32 v40, v36;
	v32 =	vadd.f32 v33, v32;
	v33 =	vmul.f32 v35, v23;
	v35 =	vld [tilespmem:s23+$0x9830]  }
0x3d8: {  	v40 =	vmul.f32 v41, v41;
	v41 =	vsub.f32 v39, v6  }
0x3d9: {  	v36 =	vadd.f32 v38, v36;
	v32 =	vadd.f32 v33, v32;
	v33 =	vmul.f32 v37, v24;
	v37 =	vld [tilespmem:s23+$0x9840]  }
0x3da: {  	v38 =	vmul.f32 v41, v41;
	v41 =	vsub.f32 v34, v5  }
0x3db: {  	v36 =	vadd.f32 v40, v36;
	v32 =	vadd.f32 v33, v32;
	v33 =	vmul.f32 v39, v25;
	v39 =	vld [tilespmem:s23+$0x9850]  }
0x3dc: {  	v40 =	vmul.f32 v41, v41;
	v41 =	vsub.f32 v35, v4  }
0x3dd: {  	v36 =	vadd.f32 v38, v36;
	v32 =	vadd.f32 v33, v32;
	v33 =	vmul.f32 v34, v26;
	v34 =	vld [tilespmem:s23+$0x9860]  }
0x3de: {  	v38 =	vmul.f32 v41, v41;
	v41 =	vsub.f32 v37, v3  }
0x3df: {  	v36 =	vadd.f32 v40, v36;
	v32 =	vadd.f32 v33, v32;
	v33 =	vmul.f32 v35, v27;
	v35 =	vld [tilespmem:s23+$0x9870]  }
0x3e0: {  	v40 =	vmul.f32 v41, v41;
	v41 =	vsub.f32 v39, v2  }
0x3e1: {  	v36 =	vadd.f32 v38, v36;
	v32 =	vadd.f32 v33, v32;
	v33 =	vmul.f32 v37, v28  }
0x3e2: {  	v37 =	vmul.f32 v41, v41;
	v38 =	vsub.f32 v34, v1  }
0x3e3: {  	v36 =	vadd.f32 v40, v36;
	v32 =	vadd.f32 v33, v32;
	v33 =	vmul.f32 v39, v29  }
0x3e4: {  	v38 =	vmul.f32 v38, v38;
	v39 =	vsub.f32 v35, v0  }
0x3e5: {  	v36 =	vadd.f32 v37, v36;
	v32 =	vadd.f32 v33, v32;
	v33 =	vmul.f32 v34, v30;
	v34 =	vld [tilespmem:s18+$0x0]  }
0x3e6: {  	v37 =	vmul.f32 v39, v39  }
0x3e7: {  	v36 =	vadd.f32 v38, v36;
	v32 =	vadd.f32 v33, v32;
	_ =	sdelay $0x1  }
0x3e8: {  	v33 =	vadd.f32 v37, v36;
	_ =	sdelay $0x1  }
0x3e9: {  	v33 =	vadd.f32 v33, v34;
	_ =	sdelay $0x1  }
0x3ea: {  	[tilespmem:s18+$0x0] =	vst v33  }
0x3eb: {  	v33 =	vmul.f32 v35, v31;
	v34 =	vld [tilespmem:s17+$0x0]  }
.Ltmp5:
0x3ec: {  	(pc) =	sbr.rel @p0 .LBB2_12-.Ltmp5, $3  }
0x3ed: {  	v32 =	vadd.f32 v33, v32;
	_ =	sdelay $0x1  }
0x3ee: {  	s21 =	sadd.s32 $0x80, s21  }
0x3ef: {  	s23 =	smov.u32 s22;
	s18 =	sadd.s32 $0x80, s18;
	s17 =	sadd.s32 $0x80, s17;
	v32 =	vadd.f32 v34, v32  }
0x3f0: {  	s21 =	sand.u32 $0x380, s21  }
0x3f1: {  	s20 =	sor.u32 s21, s20;
	[tilespmem:s19+$0x0] =	vst v32  }
0x3f2: {  	v32 =	vld [tilespmem:s20+$0x9410]  }
0x3f3: {  	v33 =	vld [tilespmem:s20+$0x9400];
	_ =	sdelay $0x1  }
0x3f4: {  	v34 =	vld [tilespmem:s20+$0x9420];
	_ =	sdelay $0x1  }
0x3f5: {  	v35 =	vld [tilespmem:s20+$0x9430]  }
0x3f6: {  	v15 =	vsub.f32 v32, v15;
	v14 =	vsub.f32 v33, v14  }
0x3f7: {  	v36 =	vld [tilespmem:s20+$0x9440]  }
0x3f8: {  	v13 =	vsub.f32 v34, v13;
	v15 =	vmul.f32 v15, v15;
	v14 =	vmul.f32 v14, v14  }
0x3f9: {  	v37 =	vld [tilespmem:s20+$0x9450]  }
0x3fa: {  	v12 =	vsub.f32 v35, v12;
	v13 =	vmul.f32 v13, v13;
	v14 =	vadd.f32 v15, v14  }
0x3fb: {  	v15 =	vld [tilespmem:s20+$0x9460]  }
0x3fc: {  	v11 =	vsub.f32 v36, v11;
	v12 =	vmul.f32 v12, v12;
	v13 =	vadd.f32 v13, v14  }
0x3fd: {  	v14 =	vmul.f32 v33, v20;
	v20 =	vld [tilespmem:s20+$0x9470]  }
0x3fe: {  	v10 =	vsub.f32 v37, v10;
	v11 =	vmul.f32 v11, v11;
	v12 =	vadd.f32 v12, v13  }
0x3ff: {  	v13 =	vadd.f32 $0.0e+00, v14;
	v14 =	vmul.f32 v32, v18;
	v18 =	vld [tilespmem:s20+$0x9800]  }
0x400: {  	v10 =	vmul.f32 v10, v10;
	v9 =	vsub.f32 v15, v9;
	v11 =	vadd.f32 v11, v12  }
0x401: {  	v12 =	vadd.f32 v14, v13;
	v13 =	vmul.f32 v34, v16;
	v14 =	vld [tilespmem:s20+$0x9810]  }
0x402: {  	v9 =	vmul.f32 v9, v9;
	v8 =	vsub.f32 v20, v8;
	v10 =	vadd.f32 v10, v11  }
0x403: {  	v11 =	vadd.f32 v13, v12;
	v12 =	vmul.f32 v35, v17;
	v13 =	vld [tilespmem:s20+$0x9820]  }
0x404: {  	v8 =	vmul.f32 v8, v8;
	v7 =	vsub.f32 v18, v7;
	v9 =	vadd.f32 v9, v10  }
0x405: {  	v10 =	vadd.f32 v12, v11;
	v11 =	vmul.f32 v36, v19;
	v12 =	vld [tilespmem:s20+$0x9830]  }
0x406: {  	v7 =	vmul.f32 v7, v7;
	v6 =	vsub.f32 v14, v6;
	v8 =	vadd.f32 v8, v9  }
0x407: {  	v9 =	vadd.f32 v11, v10;
	v10 =	vmul.f32 v37, v21;
	v11 =	vld [tilespmem:s20+$0x9840]  }
0x408: {  	v6 =	vmul.f32 v6, v6;
	v5 =	vsub.f32 v13, v5;
	v7 =	vadd.f32 v7, v8  }
0x409: {  	v8 =	vadd.f32 v10, v9;
	v9 =	vmul.f32 v15, v22;
	v10 =	vld [tilespmem:s20+$0x9850]  }
0x40a: {  	v5 =	vmul.f32 v5, v5;
	v4 =	vsub.f32 v12, v4;
	v6 =	vadd.f32 v6, v7  }
0x40b: {  	v7 =	vadd.f32 v9, v8;
	v8 =	vmul.f32 v20, v23;
	v9 =	vld [tilespmem:s20+$0x9860]  }
0x40c: {  	v4 =	vmul.f32 v4, v4;
	v3 =	vsub.f32 v11, v3;
	v5 =	vadd.f32 v5, v6  }
0x40d: {  	v6 =	vadd.f32 v8, v7;
	v7 =	vmul.f32 v18, v24;
	v8 =	vld [tilespmem:s20+$0x9870]  }
0x40e: {  	v3 =	vmul.f32 v3, v3;
	v2 =	vsub.f32 v10, v2;
	v4 =	vadd.f32 v4, v5  }
0x40f: {  	v5 =	vadd.f32 v7, v6;
	v6 =	vmul.f32 v14, v25  }
0x410: {  	v2 =	vmul.f32 v2, v2;
	v1 =	vsub.f32 v9, v1;
	v3 =	vadd.f32 v3, v4  }
0x411: {  	v4 =	vadd.f32 v6, v5;
	v5 =	vmul.f32 v13, v26  }
0x412: {  	v1 =	vmul.f32 v1, v1;
	v0 =	vsub.f32 v8, v0;
	v2 =	vadd.f32 v2, v3  }
0x413: {  	v3 =	vadd.f32 v5, v4;
	v4 =	vld [tilespmem:s18+$0x0]  }
0x414: {  	v5 =	vmul.f32 v12, v27;
	v0 =	vmul.f32 v0, v0;
	v1 =	vadd.f32 v1, v2;
	_ =	sdelay $0x1  }
0x415: {  	v2 =	vadd.f32 v5, v3;
	v3 =	vmul.f32 v11, v28;
	v0 =	vadd.f32 v0, v1;
	_ =	sdelay $0x1  }
0x416: {  	v1 =	vadd.f32 v3, v2;
	v2 =	vmul.f32 v10, v29;
	v0 =	vadd.f32 v0, v4;
	_ =	sdelay $0x1  }
0x417: {  	v1 =	vadd.f32 v2, v1;
	v2 =	vmul.f32 v9, v30;
	[tilespmem:s18+$0x0] =	vst v0  }
0x418: {  	v0 =	vld [tilespmem:s17+$0x0]  }
0x419: {  	v1 =	vadd.f32 v2, v1;
	v2 =	vmul.f32 v8, v31;
	_ =	sdelay $0x1  }
0x41a: {  	v1 =	vadd.f32 v2, v1;
	_ =	sdelay $0x1  }
0x41b: {  	v0 =	vadd.f32 v0, v1;
	_ =	sdelay $0x1  }
0x41c: {  	[tilespmem:s17+$0x0] =	vst v0  }
0x41d: {  	v14 =	vld [tilespmem:$0x200]  }
0x41e: {  	v15 =	vld [tilespmem:$0x210]  }
0x41f: {  	v13 =	vld [tilespmem:$0x220]  }
0x420: {  	v12 =	vld [tilespmem:$0x230]  }
0x421: {  	v11 =	vld [tilespmem:$0x240]  }
0x422: {  	v10 =	vld [tilespmem:$0x250]  }
0x423: {  	v9 =	vld [tilespmem:$0x260]  }
0x424: {  	v8 =	vld [tilespmem:$0x270]  }
0x425: {  	v7 =	vld [tilespmem:$0x280]  }
0x426: {  	v6 =	vld [tilespmem:$0x290]  }
0x427: {  	s28 =	simm.s32 $0x0;
	v5 =	vld [tilespmem:$0x2A0]  }
0x428: {  	s29 =	sand.u32 $0x6000, s28;
	s17 =	sand.u32 $0x380, s28;
	v4 =	vld [tilespmem:$0x2B0]  }
0x429: {  	v3 =	vld [tilespmem:$0x2C0];
	s17 =	sor.u32 s17, s29  }
0x42a: {  	v19 =	vld [tilespmem:s17+$0x9C10]  }
0x42b: {  	v17 =	vld [tilespmem:s17+$0x9C00]  }
0x42c: {  	v2 =	vld [tilespmem:$0x2D0]  }
0x42d: {  	v21 =	vld [tilespmem:s17+$0x9C20]  }
0x42e: {  	v1 =	vld [tilespmem:$0x2E0]  }
0x42f: {  	v22 =	vld [tilespmem:s17+$0x9C30]  }
0x430: {  	v20 =	vld [tilespmem:$0xA00];
	v16 =	vsub.f32 v19, v15;
	v18 =	vsub.f32 v17, v14  }
0x431: {  	v23 =	vld [tilespmem:s17+$0x9C40]  }
0x432: {  	v26 =	vld [tilespmem:s17+$0x9C50];
	v24 =	vsub.f32 v21, v13;
	v16 =	vmul.f32 v16, v16;
	v25 =	vmul.f32 v18, v18  }
0x433: {  	v28 =	vld [tilespmem:s17+$0x9C60]  }
0x434: {  	v27 =	vsub.f32 v22, v12;
	v18 =	vld [tilespmem:$0xA10];
	v24 =	vmul.f32 v24, v24;
	v25 =	vadd.f32 v16, v25  }
0x435: {  	v30 =	vld [tilespmem:s17+$0x9C70]  }
0x436: {  	v29 =	vsub.f32 v23, v11;
	v27 =	vmul.f32 v27, v27;
	v16 =	vld [tilespmem:$0xA20];
	v24 =	vadd.f32 v24, v25  }
0x437: {  	v47 =	vld [tilespmem:s17+$0xA000];
	v25 =	vmul.f32 v17, v20  }
0x438: {  	v31 =	vsub.f32 v26, v10;
	v29 =	vmul.f32 v29, v29;
	v17 =	vld [tilespmem:$0xA30];
	v24 =	vadd.f32 v27, v24  }
0x439: {  	v51 =	vld [tilespmem:s17+$0xA030];
	v25 =	vadd.f32 $0.0e+00, v25;
	v27 =	vmul.f32 v19, v18  }
0x43a: {  	v48 =	vsub.f32 v28, v9;
	v31 =	vmul.f32 v31, v31;
	v19 =	vld [tilespmem:$0xA40];
	v24 =	vadd.f32 v29, v24  }
0x43b: {  	v25 =	vadd.f32 v27, v25;
	v27 =	vmul.f32 v21, v16;
	v29 =	vld [tilespmem:s17+$0xA010]  }
0x43c: {  	v49 =	vsub.f32 v30, v8;
	v33 =	vmul.f32 v48, v48;
	v21 =	vld [tilespmem:$0xA50];
	v24 =	vadd.f32 v31, v24  }
0x43d: {  	v25 =	vadd.f32 v27, v25;
	v27 =	vmul.f32 v22, v17;
	v31 =	vld [tilespmem:s17+$0xA020]  }
0x43e: {  	v50 =	vsub.f32 v47, v7;
	v34 =	vmul.f32 v49, v49;
	v22 =	vld [tilespmem:$0xA60];
	v24 =	vadd.f32 v33, v24  }
0x43f: {  	v0 =	vld [tilespmem:$0x2F0];
	v25 =	vadd.f32 v27, v25;
	v27 =	vmul.f32 v23, v19  }
0x440: {  	v53 =	vld [tilespmem:s17+$0xA040];
	v35 =	vmul.f32 v50, v50;
	v52 =	vsub.f32 v29, v6;
	v34 =	vadd.f32 v34, v24  }
0x441: {  	v23 =	vld [tilespmem:$0xA70];
	v26 =	vmul.f32 v26, v21;
	v25 =	vadd.f32 v27, v25  }
0x442: {  	v55 =	vld [tilespmem:s17+$0xA050];
	v27 =	vmul.f32 v52, v52;
	v54 =	vsub.f32 v31, v5;
	v34 =	vadd.f32 v35, v34  }
0x443: {  	v38 =	vsub.f32 v51, v4;
	v24 =	vld [tilespmem:$0xA80];
	v28 =	vmul.f32 v28, v22  }
0x444: {  	v56 =	vld [tilespmem:s17+$0xA060];
	v26 =	vadd.f32 v26, v25;
	v36 =	vmul.f32 v54, v54;
	v27 =	vadd.f32 v27, v34  }
0x445: {  	v39 =	vsub.f32 v53, v3;
	v38 =	vmul.f32 v38, v38;
	v25 =	vld [tilespmem:$0xA90]  }
0x446: {  	v57 =	vld [tilespmem:s17+$0xA070];
	v30 =	vmul.f32 v30, v23;
	v28 =	vadd.f32 v28, v26;
	v27 =	vadd.f32 v36, v27  }
0x447: {  	v59 =	vsub.f32 v55, v2;
	v58 =	vmul.f32 v39, v39;
	v26 =	vld [tilespmem:$0xAA0]  }
0x448: {  	v28 =	vadd.f32 v30, v28;
	v30 =	vmul.f32 v47, v24;
	v38 =	vadd.f32 v38, v27  }
0x449: {  	v40 =	vsub.f32 v56, v1;
	v39 =	vmul.f32 v59, v59;
	v27 =	vld [tilespmem:$0xAB0]  }
0x44a: {  	v29 =	vmul.f32 v29, v25;
	v30 =	vadd.f32 v30, v28;
	v36 =	vadd.f32 v58, v38  }
0x44b: {  	s30 =	simm.s32 $0x11C00;
	v61 =	vsub.f32 v57, v0;
	v60 =	vmul.f32 v40, v40;
	v28 =	vld [tilespmem:$0xAC0]  }
0x44c: {  	v62 =	vld [tilespmem:s30+$0x0];
	v31 =	vmul.f32 v31, v26;
	v30 =	vadd.f32 v29, v30;
	v36 =	vadd.f32 v39, v36  }
0x44d: {  	v40 =	vmul.f32 v61, v61;
	v29 =	vld [tilespmem:$0xAD0]  }
0x44e: {  	v31 =	vadd.f32 v31, v30;
	v33 =	vmul.f32 v51, v27;
	v36 =	vadd.f32 v60, v36  }
0x44f: {  	v30 =	vld [tilespmem:$0xAE0]  }
0x450: {  	v37 =	vmul.f32 v53, v28;
	v33 =	vadd.f32 v33, v31;
	v36 =	vadd.f32 v40, v36  }
0x451: {  	v31 =	vld [tilespmem:$0xAF0]  }
0x452: {  	v35 =	vmul.f32 v55, v29;
	v33 =	vadd.f32 v37, v33;
	v36 =	vadd.f32 v36, v62;
	_ =	sdelay $0x1  }
0x453: {  	s19 =	simm.s32 $0x13C00;
	v34 =	vmul.f32 v56, v30;
	v33 =	vadd.f32 v35, v33;
	[tilespmem:s30+$0x0] =	vst v36  }
0x454: {  	v63 =	vld [tilespmem:s19+$0x0]  }
0x455: {  	v32 =	vmul.f32 v57, v31;
	v33 =	vadd.f32 v34, v33;
	_ =	sdelay $0x1  }
0x456: {  	v32 =	vadd.f32 v32, v33  }
0x457: {  	s31 =	simm.s32 $0x400;
	s23 =	simm.s32 $0x800;
	s21 =	simm.s32 $0x80  }
0x458: {  	s20 =	sand.u32 $0x6000, s31;
	s18 =	simm.s32 $0x11C80;
	s17 =	simm.s32 $0x13C80;
	v32 =	vadd.f32 v63, v32  }
.LBB2_14:
0x459: {  	s22 =	smov.u32 s23  }
0x45a: {  	s24 =	sand.u32 $0x6000, s23;
	s25 =	sand.u32 $0x380, s21;
	s22 =	sadd.s32 $0x400, s23  }
0x45b: {  	p0 =	sne.s32 s23, $0x7C00;
	s23 =	sor.u32 s25, s20;
	s20 =	smov.u32 s24;
	[tilespmem:s19+$0x0] =	vst v32  }
0x45c: {  	s19 =	smov.u32 s17;
	v32 =	vld [tilespmem:s23+$0x9C10]  }
0x45d: {  	v33 =	vld [tilespmem:s23+$0x9C00]  }
0x45e: {  	v34 =	vld [tilespmem:s23+$0x9C20];
	_ =	sdelay $0x1  }
0x45f: {  	v35 =	vld [tilespmem:s23+$0x9C30]  }
0x460: {  	v36 =	vsub.f32 v32, v15  }
0x461: {  	v37 =	vsub.f32 v33, v14;
	v33 =	vmul.f32 v33, v20;
	v38 =	vld [tilespmem:s23+$0x9C40]  }
0x462: {  	v36 =	vmul.f32 v36, v36;
	v39 =	vsub.f32 v34, v13  }
0x463: {  	v32 =	vmul.f32 v32, v18;
	v37 =	vmul.f32 v37, v37;
	v33 =	vadd.f32 $0.0e+00, v33;
	v40 =	vld [tilespmem:s23+$0x9C50]  }
0x464: {  	v39 =	vmul.f32 v39, v39;
	v41 =	vsub.f32 v35, v12  }
0x465: {  	v36 =	vadd.f32 v36, v37;
	v32 =	vadd.f32 v32, v33;
	v33 =	vmul.f32 v34, v16;
	v34 =	vld [tilespmem:s23+$0x9C60]  }
0x466: {  	v37 =	vmul.f32 v41, v41;
	v41 =	vsub.f32 v38, v11  }
0x467: {  	v36 =	vadd.f32 v39, v36;
	v32 =	vadd.f32 v33, v32;
	v33 =	vmul.f32 v35, v17;
	v35 =	vld [tilespmem:s23+$0x9C70]  }
0x468: {  	v39 =	vmul.f32 v41, v41;
	v41 =	vsub.f32 v40, v10  }
0x469: {  	v36 =	vadd.f32 v37, v36;
	v32 =	vadd.f32 v33, v32;
	v33 =	vmul.f32 v38, v19;
	v37 =	vld [tilespmem:s23+$0xA000]  }
0x46a: {  	v38 =	vmul.f32 v41, v41;
	v41 =	vsub.f32 v34, v9  }
0x46b: {  	v36 =	vadd.f32 v39, v36;
	v32 =	vadd.f32 v33, v32;
	v33 =	vmul.f32 v40, v21;
	v39 =	vld [tilespmem:s23+$0xA010]  }
0x46c: {  	v40 =	vmul.f32 v41, v41;
	v41 =	vsub.f32 v35, v8  }
0x46d: {  	v36 =	vadd.f32 v38, v36;
	v32 =	vadd.f32 v33, v32;
	v33 =	vmul.f32 v34, v22;
	v34 =	vld [tilespmem:s23+$0xA020]  }
0x46e: {  	v38 =	vmul.f32 v41, v41;
	v41 =	vsub.f32 v37, v7  }
0x46f: {  	v36 =	vadd.f32 v40, v36;
	v32 =	vadd.f32 v33, v32;
	v33 =	vmul.f32 v35, v23;
	v35 =	vld [tilespmem:s23+$0xA030]  }
0x470: {  	v40 =	vmul.f32 v41, v41;
	v41 =	vsub.f32 v39, v6  }
0x471: {  	v36 =	vadd.f32 v38, v36;
	v32 =	vadd.f32 v33, v32;
	v33 =	vmul.f32 v37, v24;
	v37 =	vld [tilespmem:s23+$0xA040]  }
0x472: {  	v38 =	vmul.f32 v41, v41;
	v41 =	vsub.f32 v34, v5  }
0x473: {  	v36 =	vadd.f32 v40, v36;
	v32 =	vadd.f32 v33, v32;
	v33 =	vmul.f32 v39, v25;
	v39 =	vld [tilespmem:s23+$0xA050]  }
0x474: {  	v40 =	vmul.f32 v41, v41;
	v41 =	vsub.f32 v35, v4  }
0x475: {  	v36 =	vadd.f32 v38, v36;
	v32 =	vadd.f32 v33, v32;
	v33 =	vmul.f32 v34, v26;
	v34 =	vld [tilespmem:s23+$0xA060]  }
0x476: {  	v38 =	vmul.f32 v41, v41;
	v41 =	vsub.f32 v37, v3  }
0x477: {  	v36 =	vadd.f32 v40, v36;
	v32 =	vadd.f32 v33, v32;
	v33 =	vmul.f32 v35, v27;
	v35 =	vld [tilespmem:s23+$0xA070]  }
0x478: {  	v40 =	vmul.f32 v41, v41;
	v41 =	vsub.f32 v39, v2  }
0x479: {  	v36 =	vadd.f32 v38, v36;
	v32 =	vadd.f32 v33, v32;
	v33 =	vmul.f32 v37, v28  }
0x47a: {  	v37 =	vmul.f32 v41, v41;
	v38 =	vsub.f32 v34, v1  }
0x47b: {  	v36 =	vadd.f32 v40, v36;
	v32 =	vadd.f32 v33, v32;
	v33 =	vmul.f32 v39, v29  }
0x47c: {  	v38 =	vmul.f32 v38, v38;
	v39 =	vsub.f32 v35, v0  }
0x47d: {  	v36 =	vadd.f32 v37, v36;
	v32 =	vadd.f32 v33, v32;
	v33 =	vmul.f32 v34, v30;
	v34 =	vld [tilespmem:s18+$0x0]  }
0x47e: {  	v37 =	vmul.f32 v39, v39  }
0x47f: {  	v36 =	vadd.f32 v38, v36;
	v32 =	vadd.f32 v33, v32;
	_ =	sdelay $0x1  }
0x480: {  	v33 =	vadd.f32 v37, v36;
	_ =	sdelay $0x1  }
0x481: {  	v33 =	vadd.f32 v33, v34;
	_ =	sdelay $0x1  }
0x482: {  	[tilespmem:s18+$0x0] =	vst v33  }
0x483: {  	v33 =	vmul.f32 v35, v31;
	v34 =	vld [tilespmem:s17+$0x0]  }
.Ltmp6:
0x484: {  	(pc) =	sbr.rel @p0 .LBB2_14-.Ltmp6, $3  }
0x485: {  	v32 =	vadd.f32 v33, v32;
	_ =	sdelay $0x1  }
0x486: {  	s21 =	sadd.s32 $0x80, s21  }
0x487: {  	s23 =	smov.u32 s22;
	s18 =	sadd.s32 $0x80, s18;
	s17 =	sadd.s32 $0x80, s17;
	v32 =	vadd.f32 v34, v32  }
0x488: {  	s21 =	sand.u32 $0x380, s21  }
0x489: {  	s20 =	sor.u32 s21, s20;
	[tilespmem:s19+$0x0] =	vst v32  }
0x48a: {  	v32 =	vld [tilespmem:s20+$0x9C10]  }
0x48b: {  	v33 =	vld [tilespmem:s20+$0x9C00];
	_ =	sdelay $0x1  }
0x48c: {  	v34 =	vld [tilespmem:s20+$0x9C20];
	_ =	sdelay $0x1  }
0x48d: {  	v35 =	vld [tilespmem:s20+$0x9C30]  }
0x48e: {  	v15 =	vsub.f32 v32, v15;
	v14 =	vsub.f32 v33, v14  }
0x48f: {  	v36 =	vld [tilespmem:s20+$0x9C40]  }
0x490: {  	v13 =	vsub.f32 v34, v13;
	v15 =	vmul.f32 v15, v15;
	v14 =	vmul.f32 v14, v14  }
0x491: {  	v37 =	vld [tilespmem:s20+$0x9C50]  }
0x492: {  	v12 =	vsub.f32 v35, v12;
	v13 =	vmul.f32 v13, v13;
	v14 =	vadd.f32 v15, v14  }
0x493: {  	v15 =	vld [tilespmem:s20+$0x9C60]  }
0x494: {  	v11 =	vsub.f32 v36, v11;
	v12 =	vmul.f32 v12, v12;
	v13 =	vadd.f32 v13, v14  }
0x495: {  	v14 =	vmul.f32 v33, v20;
	v20 =	vld [tilespmem:s20+$0x9C70]  }
0x496: {  	v10 =	vsub.f32 v37, v10;
	v11 =	vmul.f32 v11, v11;
	v12 =	vadd.f32 v12, v13  }
0x497: {  	v13 =	vadd.f32 $0.0e+00, v14;
	v14 =	vmul.f32 v32, v18;
	v18 =	vld [tilespmem:s20+$0xA000]  }
0x498: {  	v10 =	vmul.f32 v10, v10;
	v9 =	vsub.f32 v15, v9;
	v11 =	vadd.f32 v11, v12  }
0x499: {  	v12 =	vadd.f32 v14, v13;
	v13 =	vmul.f32 v34, v16;
	v14 =	vld [tilespmem:s20+$0xA010]  }
0x49a: {  	v9 =	vmul.f32 v9, v9;
	v8 =	vsub.f32 v20, v8;
	v10 =	vadd.f32 v10, v11  }
0x49b: {  	v11 =	vadd.f32 v13, v12;
	v12 =	vmul.f32 v35, v17;
	v13 =	vld [tilespmem:s20+$0xA020]  }
0x49c: {  	v8 =	vmul.f32 v8, v8;
	v7 =	vsub.f32 v18, v7;
	v9 =	vadd.f32 v9, v10  }
0x49d: {  	v10 =	vadd.f32 v12, v11;
	v11 =	vmul.f32 v36, v19;
	v12 =	vld [tilespmem:s20+$0xA030]  }
0x49e: {  	v7 =	vmul.f32 v7, v7;
	v6 =	vsub.f32 v14, v6;
	v8 =	vadd.f32 v8, v9  }
0x49f: {  	v9 =	vadd.f32 v11, v10;
	v10 =	vmul.f32 v37, v21;
	v11 =	vld [tilespmem:s20+$0xA040]  }
0x4a0: {  	v6 =	vmul.f32 v6, v6;
	v5 =	vsub.f32 v13, v5;
	v7 =	vadd.f32 v7, v8  }
0x4a1: {  	v8 =	vadd.f32 v10, v9;
	v9 =	vmul.f32 v15, v22;
	v10 =	vld [tilespmem:s20+$0xA050]  }
0x4a2: {  	v5 =	vmul.f32 v5, v5;
	v4 =	vsub.f32 v12, v4;
	v6 =	vadd.f32 v6, v7  }
0x4a3: {  	v7 =	vadd.f32 v9, v8;
	v8 =	vmul.f32 v20, v23;
	v9 =	vld [tilespmem:s20+$0xA060]  }
0x4a4: {  	v4 =	vmul.f32 v4, v4;
	v3 =	vsub.f32 v11, v3;
	v5 =	vadd.f32 v5, v6  }
0x4a5: {  	v6 =	vadd.f32 v8, v7;
	v7 =	vmul.f32 v18, v24;
	v8 =	vld [tilespmem:s20+$0xA070]  }
0x4a6: {  	v3 =	vmul.f32 v3, v3;
	v2 =	vsub.f32 v10, v2;
	v4 =	vadd.f32 v4, v5  }
0x4a7: {  	v5 =	vadd.f32 v7, v6;
	v6 =	vmul.f32 v14, v25  }
0x4a8: {  	v2 =	vmul.f32 v2, v2;
	v1 =	vsub.f32 v9, v1;
	v3 =	vadd.f32 v3, v4  }
0x4a9: {  	v4 =	vadd.f32 v6, v5;
	v5 =	vmul.f32 v13, v26  }
0x4aa: {  	v1 =	vmul.f32 v1, v1;
	v0 =	vsub.f32 v8, v0;
	v2 =	vadd.f32 v2, v3  }
0x4ab: {  	v3 =	vadd.f32 v5, v4;
	v4 =	vld [tilespmem:s18+$0x0]  }
0x4ac: {  	v5 =	vmul.f32 v12, v27;
	v0 =	vmul.f32 v0, v0;
	v1 =	vadd.f32 v1, v2;
	_ =	sdelay $0x1  }
0x4ad: {  	v2 =	vadd.f32 v5, v3;
	v3 =	vmul.f32 v11, v28;
	v0 =	vadd.f32 v0, v1;
	_ =	sdelay $0x1  }
0x4ae: {  	v1 =	vadd.f32 v3, v2;
	v2 =	vmul.f32 v10, v29;
	v0 =	vadd.f32 v0, v4;
	_ =	sdelay $0x1  }
0x4af: {  	v1 =	vadd.f32 v2, v1;
	v2 =	vmul.f32 v9, v30;
	[tilespmem:s18+$0x0] =	vst v0  }
0x4b0: {  	v0 =	vld [tilespmem:s17+$0x0]  }
0x4b1: {  	v1 =	vadd.f32 v2, v1;
	v2 =	vmul.f32 v8, v31;
	_ =	sdelay $0x1  }
0x4b2: {  	v1 =	vadd.f32 v2, v1;
	_ =	sdelay $0x1  }
0x4b3: {  	v0 =	vadd.f32 v0, v1;
	_ =	sdelay $0x1  }
0x4b4: {  	[tilespmem:s17+$0x0] =	vst v0  }
0x4b5: {  	v14 =	vld [tilespmem:$0x300]  }
0x4b6: {  	v15 =	vld [tilespmem:$0x310]  }
0x4b7: {  	v13 =	vld [tilespmem:$0x320]  }
0x4b8: {  	v12 =	vld [tilespmem:$0x330]  }
0x4b9: {  	v11 =	vld [tilespmem:$0x340]  }
0x4ba: {  	v10 =	vld [tilespmem:$0x350]  }
0x4bb: {  	v9 =	vld [tilespmem:$0x360]  }
0x4bc: {  	v8 =	vld [tilespmem:$0x370]  }
0x4bd: {  	v7 =	vld [tilespmem:$0x380]  }
0x4be: {  	v6 =	vld [tilespmem:$0x390]  }
0x4bf: {  	s31 =	simm.s32 $0x0;
	s20 =	simm.s32 $0x0;
	v5 =	vld [tilespmem:$0x3A0]  }
0x4c0: {  	s21 =	sand.u32 $0x380, s31;
	s18 =	sand.u32 $0x6000, s20;
	v4 =	vld [tilespmem:$0x3B0]  }
0x4c1: {  	s18 =	sor.u32 s21, s18;
	v3 =	vld [tilespmem:$0x3C0]  }
0x4c2: {  	v18 =	vld [tilespmem:s18+$0xA400]  }
0x4c3: {  	v19 =	vld [tilespmem:s18+$0xA410]  }
0x4c4: {  	v2 =	vld [tilespmem:$0x3D0]  }
0x4c5: {  	v21 =	vld [tilespmem:s18+$0xA420]  }
0x4c6: {  	v1 =	vld [tilespmem:$0x3E0]  }
0x4c7: {  	v22 =	vld [tilespmem:s18+$0xA430]  }
0x4c8: {  	v23 =	vld [tilespmem:s18+$0xA440];
	v16 =	vsub.f32 v18, v14;
	v17 =	vsub.f32 v19, v15  }
0x4c9: {  	v20 =	vld [tilespmem:$0xB00]  }
0x4ca: {  	v26 =	vld [tilespmem:s18+$0xA450];
	v24 =	vsub.f32 v21, v13;
	v16 =	vmul.f32 v16, v16;
	v25 =	vmul.f32 v17, v17  }
0x4cb: {  	s17 =	sand.u32 $0x7, s31;
	v28 =	vld [tilespmem:s18+$0xA460]  }
0x4cc: {  	s17 =	sshll.u32 s17, $0x7;
	v27 =	vsub.f32 v22, v12;
	v17 =	vld [tilespmem:$0xB10];
	v24 =	vmul.f32 v24, v24;
	v25 =	vadd.f32 v25, v16  }
0x4cd: {  	v30 =	vld [tilespmem:s18+$0xA470];
	s17 =	sadd.s32 $0x0, s17  }
0x4ce: {  	s22 =	sor.u32 $0x1C00, s17;
	v29 =	vsub.f32 v23, v11;
	v27 =	vmul.f32 v27, v27;
	v16 =	vld [tilespmem:$0xB20];
	v24 =	vadd.f32 v24, v25  }
0x4cf: {  	v43 =	vld [tilespmem:s22+$0x8C00];
	v25 =	vmul.f32 v18, v20  }
0x4d0: {  	s23 =	sor.u32 $0x1C10, s17;
	v31 =	vsub.f32 v26, v10;
	v29 =	vmul.f32 v29, v29;
	v18 =	vld [tilespmem:$0xB30];
	v24 =	vadd.f32 v27, v24  }
0x4d1: {  	v45 =	vld [tilespmem:s23+$0x8C00];
	v27 =	vmul.f32 v19, v17;
	v25 =	vadd.f32 $0.0e+00, v25  }
0x4d2: {  	s26 =	sor.u32 $0x1C40, s17;
	v44 =	vsub.f32 v28, v9;
	v31 =	vmul.f32 v31, v31;
	v19 =	vld [tilespmem:$0xB40];
	v24 =	vadd.f32 v29, v24  }
0x4d3: {  	v49 =	vld [tilespmem:s26+$0x8C00];
	v29 =	vmul.f32 v21, v16;
	v25 =	vadd.f32 v27, v25  }
0x4d4: {  	s24 =	sor.u32 $0x1C20, s17;
	v46 =	vsub.f32 v30, v8;
	v21 =	vld [tilespmem:$0xB50];
	v27 =	vmul.f32 v44, v44;
	v24 =	vadd.f32 v31, v24  }
0x4d5: {  	v31 =	vmul.f32 v22, v18;
	v25 =	vadd.f32 v29, v25;
	v29 =	vld [tilespmem:s24+$0x8C00]  }
0x4d6: {  	s25 =	sor.u32 $0x1C30, s17;
	v33 =	vmul.f32 v46, v46;
	v47 =	vsub.f32 v43, v7;
	v22 =	vld [tilespmem:$0xB60];
	v24 =	vadd.f32 v27, v24  }
0x4d7: {  	v27 =	vmul.f32 v23, v19;
	v25 =	vadd.f32 v31, v25;
	v31 =	vld [tilespmem:s25+$0x8C00]  }
0x4d8: {  	s28 =	sor.u32 $0x1C50, s17;
	v48 =	vsub.f32 v45, v6;
	v35 =	vmul.f32 v47, v47;
	v23 =	vld [tilespmem:$0xB70];
	v33 =	vadd.f32 v33, v24  }
0x4d9: {  	v51 =	vld [tilespmem:s28+$0x8C00];
	v26 =	vmul.f32 v26, v21;
	v25 =	vadd.f32 v27, v25  }
0x4da: {  	v24 =	vld [tilespmem:$0xB80];
	v27 =	vmul.f32 v48, v48;
	v50 =	vsub.f32 v29, v5;
	v33 =	vadd.f32 v35, v33  }
0x4db: {  	v0 =	vld [tilespmem:$0x3F0];
	s29 =	sor.u32 $0x1C60, s17;
	v28 =	vmul.f32 v28, v22;
	v26 =	vadd.f32 v26, v25  }
0x4dc: {  	v52 =	vld [tilespmem:s29+$0x8C00];
	v36 =	vmul.f32 v50, v50;
	v38 =	vsub.f32 v31, v4;
	v27 =	vadd.f32 v27, v33  }
0x4dd: {  	s17 =	sor.u32 $0x1C70, s17;
	v39 =	vsub.f32 v49, v3;
	v25 =	vld [tilespmem:$0xB90];
	v30 =	vmul.f32 v30, v23  }
0x4de: {  	v40 =	vld [tilespmem:s17+$0x8C00];
	v28 =	vadd.f32 v28, v26;
	v38 =	vmul.f32 v38, v38;
	v36 =	vadd.f32 v36, v27  }
0x4df: {  	v53 =	vsub.f32 v51, v2;
	v26 =	vld [tilespmem:$0xBA0];
	v32 =	vmul.f32 v43, v24  }
0x4e0: {  	v28 =	vadd.f32 v30, v28;
	v30 =	vmul.f32 v39, v39;
	v36 =	vadd.f32 v38, v36  }
0x4e1: {  	v55 =	vsub.f32 v52, v1;
	v54 =	vmul.f32 v53, v53;
	v27 =	vld [tilespmem:$0xBB0]  }
0x4e2: {  	v34 =	vmul.f32 v45, v25;
	v32 =	vadd.f32 v32, v28;
	v30 =	vadd.f32 v30, v36  }
0x4e3: {  	s30 =	simm.s32 $0x11C00;
	v58 =	vsub.f32 v40, v0;
	v57 =	vmul.f32 v55, v55;
	v28 =	vld [tilespmem:$0xBC0]  }
0x4e4: {  	v41 =	vld [tilespmem:s30+$0x0];
	v56 =	vmul.f32 v29, v26;
	v32 =	vadd.f32 v34, v32;
	v30 =	vadd.f32 v54, v30  }
0x4e5: {  	v60 =	vmul.f32 v58, v58;
	v29 =	vld [tilespmem:$0xBD0]  }
0x4e6: {  	v59 =	vmul.f32 v31, v27;
	v32 =	vadd.f32 v56, v32;
	v30 =	vadd.f32 v57, v30  }
0x4e7: {  	v31 =	vld [tilespmem:$0xBE0]  }
0x4e8: {  	v61 =	vmul.f32 v49, v28;
	v32 =	vadd.f32 v59, v32;
	v36 =	vadd.f32 v60, v30  }
0x4e9: {  	v30 =	vld [tilespmem:$0xBF0]  }
0x4ea: {  	v35 =	vmul.f32 v51, v29;
	v32 =	vadd.f32 v61, v32;
	v62 =	vadd.f32 v36, v41;
	_ =	sdelay $0x1  }
0x4eb: {  	s21 =	simm.s32 $0x13C00;
	v33 =	vmul.f32 v52, v31;
	v32 =	vadd.f32 v35, v32;
	[tilespmem:s30+$0x0] =	vst v62  }
0x4ec: {  	v34 =	vld [tilespmem:s21+$0x0]  }
0x4ed: {  	v32 =	vadd.f32 v33, v32;
	v63 =	vmul.f32 v40, v30;
	_ =	sdelay $0x1  }
0x4ee: {  	s19 =	simm.s32 $0x400;
	s20 =	simm.s32 $0x1;
	s31 =	simm.s32 $0x80;
	v32 =	vadd.f32 v63, v32  }
0x4ef: {  	s18 =	simm.s32 $0x11C80;
	s22 =	sand.u32 $0x380, s31;
	s23 =	simm.s32 $0xFFFF8400  }
0x4f0: {  	s26 =	simm.s32 $0x400;
	s17 =	simm.s32 $0x13C80;
	s25 =	simm.s32 $0x100;
	v32 =	vadd.f32 v34, v32  }
.LBB2_16:
0x4f1: {  	s24 =	smov.u32 s25  }
0x4f2: {  	s28 =	sand.u32 $0x380, s25;
	s26 =	sand.u32 $0x6000, s26;
	s24 =	sadd.s32 $0x80, s25  }
0x4f3: {  	p0 =	sne.s32 s25, $0xF80;
	s26 =	sor.u32 s22, s26;
	s22 =	smov.u32 s28;
	[tilespmem:s21+$0x0] =	vst v32  }
0x4f4: {  	s21 =	smov.u32 s17;
	v32 =	vld [tilespmem:s26+$0xA400]  }
0x4f5: {  	v33 =	vld [tilespmem:s26+$0xA410]  }
0x4f6: {  	v34 =	vld [tilespmem:s26+$0xA420];
	_ =	sdelay $0x1  }
0x4f7: {  	v35 =	vld [tilespmem:s26+$0xA430]  }
0x4f8: {  	v36 =	vsub.f32 v32, v14;
	v32 =	vmul.f32 v32, v20  }
0x4f9: {  	v37 =	vsub.f32 v33, v15;
	v33 =	vmul.f32 v33, v17;
	v38 =	vld [tilespmem:s26+$0xA440]  }
0x4fa: {  	v36 =	vmul.f32 v36, v36;
	v32 =	vadd.f32 $0.0e+00, v32;
	v39 =	vsub.f32 v34, v13  }
0x4fb: {  	v34 =	vmul.f32 v34, v16;
	v37 =	vmul.f32 v37, v37;
	v40 =	vld [tilespmem:s26+$0xA450]  }
0x4fc: {  	v32 =	vadd.f32 v33, v32;
	v33 =	vmul.f32 v39, v39;
	v39 =	vsub.f32 v35, v12  }
0x4fd: {  	s25 =	sand.u32 $0x7, s20;
	v35 =	vmul.f32 v35, v18;
	v36 =	vadd.f32 v37, v36;
	v37 =	vld [tilespmem:s26+$0xA460]  }
0x4fe: {  	s25 =	sshll.u32 s25, $0x7;
	v32 =	vadd.f32 v34, v32;
	v34 =	vmul.f32 v39, v39;
	v39 =	vsub.f32 v38, v11  }
0x4ff: {  	s25 =	sadd.s32 s25, s19;
	v33 =	vadd.f32 v33, v36;
	v36 =	vmul.f32 v38, v19;
	v38 =	vld [tilespmem:s26+$0xA470]  }
0x500: {  	s26 =	sor.u32 $0x1C00, s25;
	v32 =	vadd.f32 v35, v32;
	v35 =	vmul.f32 v39, v39;
	v39 =	vsub.f32 v40, v10  }
0x501: {  	v33 =	vadd.f32 v34, v33;
	v34 =	vmul.f32 v40, v21;
	v40 =	vld [tilespmem:s26+$0x8C00]  }
0x502: {  	s26 =	sor.u32 $0x1C10, s25;
	v32 =	vadd.f32 v36, v32;
	v36 =	vmul.f32 v39, v39;
	v39 =	vsub.f32 v37, v9  }
0x503: {  	v33 =	vadd.f32 v35, v33;
	v35 =	vmul.f32 v37, v22;
	v37 =	vld [tilespmem:s26+$0x8C00]  }
0x504: {  	s26 =	sor.u32 $0x1C20, s25;
	v32 =	vadd.f32 v34, v32;
	v34 =	vmul.f32 v39, v39;
	v39 =	vsub.f32 v38, v8  }
0x505: {  	v33 =	vadd.f32 v36, v33;
	v36 =	vmul.f32 v38, v23;
	v38 =	vld [tilespmem:s26+$0x8C00]  }
0x506: {  	s26 =	sor.u32 $0x1C30, s25;
	v32 =	vadd.f32 v35, v32;
	v35 =	vmul.f32 v39, v39;
	v39 =	vsub.f32 v40, v7  }
0x507: {  	v33 =	vadd.f32 v34, v33;
	v34 =	vmul.f32 v40, v24;
	v40 =	vld [tilespmem:s26+$0x8C00]  }
0x508: {  	s26 =	sor.u32 $0x1C40, s25;
	v32 =	vadd.f32 v36, v32;
	v36 =	vmul.f32 v39, v39;
	v39 =	vsub.f32 v37, v6  }
0x509: {  	v33 =	vadd.f32 v35, v33;
	v35 =	vmul.f32 v37, v25;
	v37 =	vld [tilespmem:s26+$0x8C00]  }
0x50a: {  	s26 =	sor.u32 $0x1C50, s25;
	v32 =	vadd.f32 v34, v32;
	v34 =	vmul.f32 v39, v39;
	v39 =	vsub.f32 v38, v5  }
0x50b: {  	v33 =	vadd.f32 v36, v33;
	v36 =	vmul.f32 v38, v26;
	v38 =	vld [tilespmem:s26+$0x8C00]  }
0x50c: {  	s26 =	sor.u32 $0x1C60, s25;
	v32 =	vadd.f32 v35, v32;
	v35 =	vmul.f32 v39, v39;
	v39 =	vsub.f32 v40, v4  }
0x50d: {  	v33 =	vadd.f32 v34, v33;
	v34 =	vmul.f32 v40, v27;
	v40 =	vld [tilespmem:s26+$0x8C00]  }
0x50e: {  	s25 =	sor.u32 $0x1C70, s25;
	v32 =	vadd.f32 v36, v32;
	v36 =	vmul.f32 v39, v39;
	v39 =	vsub.f32 v37, v3  }
0x50f: {  	v33 =	vadd.f32 v35, v33;
	v35 =	vmul.f32 v37, v28;
	v37 =	vld [tilespmem:s25+$0x8C00]  }
0x510: {  	v32 =	vadd.f32 v34, v32;
	v34 =	vmul.f32 v39, v39;
	v39 =	vsub.f32 v38, v2  }
0x511: {  	v33 =	vadd.f32 v36, v33;
	v36 =	vmul.f32 v38, v29  }
0x512: {  	v32 =	vadd.f32 v35, v32;
	v35 =	vmul.f32 v39, v39;
	v38 =	vsub.f32 v40, v1  }
0x513: {  	v33 =	vadd.f32 v34, v33;
	v34 =	vmul.f32 v40, v31  }
0x514: {  	v32 =	vadd.f32 v36, v32;
	v36 =	vmul.f32 v38, v38;
	v38 =	vsub.f32 v37, v0  }
0x515: {  	v33 =	vadd.f32 v35, v33;
	v35 =	vld [tilespmem:s18+$0x0]  }
0x516: {  	v32 =	vadd.f32 v34, v32;
	v34 =	vmul.f32 v38, v38  }
0x517: {  	v33 =	vadd.f32 v36, v33;
	_ =	sdelay $0x1  }
0x518: {  	v33 =	vadd.f32 v34, v33;
	_ =	sdelay $0x1  }
0x519: {  	v33 =	vadd.f32 v33, v35;
	_ =	sdelay $0x1  }
0x51a: {  	[tilespmem:s18+$0x0] =	vst v33  }
0x51b: {  	v33 =	vmul.f32 v37, v30;
	v34 =	vld [tilespmem:s17+$0x0]  }
.Ltmp7:
0x51c: {  	(pc) =	sbr.rel @p0 .LBB2_16-.Ltmp7, $4  }
0x51d: {  	v32 =	vadd.f32 v33, v32  }
0x51e: {  	s23 =	sadd.s32 $0x400, s23  }
0x51f: {  	s20 =	sadd.s32 $0x1, s20;
	s19 =	sadd.s32 $0x400, s19;
	s26 =	sadd.s32 $0x8000, s23  }
0x520: {  	s25 =	smov.u32 s24;
	s18 =	sadd.s32 $0x80, s18;
	s17 =	sadd.s32 $0x80, s17;
	v32 =	vadd.f32 v34, v32  }
0x521: {  	s23 =	sand.u32 $0x6000, s26  }
0x522: {  	s22 =	sor.u32 s22, s23;
	[tilespmem:s21+$0x0] =	vst v32  }
0x523: {  	v32 =	vld [tilespmem:s22+$0xA400]  }
0x524: {  	v33 =	vld [tilespmem:s22+$0xA410];
	_ =	sdelay $0x1  }
0x525: {  	v34 =	vld [tilespmem:s22+$0xA420];
	_ =	sdelay $0x1  }
0x526: {  	v35 =	vld [tilespmem:s22+$0xA430]  }
0x527: {  	v14 =	vsub.f32 v32, v14;
	v15 =	vsub.f32 v33, v15  }
0x528: {  	v36 =	vld [tilespmem:s22+$0xA440]  }
0x529: {  	v13 =	vsub.f32 v34, v13;
	v14 =	vmul.f32 v14, v14;
	v15 =	vmul.f32 v15, v15  }
0x52a: {  	v37 =	vld [tilespmem:s22+$0xA450]  }
0x52b: {  	s20 =	sand.u32 $0x7, s20;
	v63 =	vld [tilespmem:s22+$0xA460];
	v12 =	vsub.f32 v35, v12;
	v13 =	vmul.f32 v13, v13;
	v14 =	vadd.f32 v15, v14  }
0x52c: {  	s20 =	sshll.u32 s20, $0x7  }
0x52d: {  	s19 =	sadd.s32 s20, s19;
	v39 =	vld [tilespmem:s22+$0xA470];
	v11 =	vsub.f32 v36, v11;
	v12 =	vmul.f32 v12, v12;
	v13 =	vadd.f32 v13, v14  }
0x52e: {  	s20 =	sor.u32 $0x1C00, s19;
	v38 =	vmul.f32 v32, v20  }
0x52f: {  	v41 =	vld [tilespmem:s20+$0x8C00];
	v10 =	vsub.f32 v37, v10;
	v11 =	vmul.f32 v11, v11;
	v12 =	vadd.f32 v12, v13  }
0x530: {  	s25 =	sor.u32 $0x1C10, s19;
	v40 =	vmul.f32 v33, v17;
	v9 =	vsub.f32 v63, v9  }
0x531: {  	v43 =	vld [tilespmem:s25+$0x8C00];
	v10 =	vmul.f32 v10, v10;
	v14 =	vadd.f32 $0.0e+00, v38;
	v11 =	vadd.f32 v11, v12  }
0x532: {  	s26 =	sor.u32 $0x1C20, s19;
	v42 =	vmul.f32 v34, v16;
	v8 =	vsub.f32 v39, v8  }
0x533: {  	v45 =	vld [tilespmem:s26+$0x8C00];
	v9 =	vmul.f32 v9, v9;
	v13 =	vadd.f32 v40, v14;
	v10 =	vadd.f32 v10, v11  }
0x534: {  	s28 =	sor.u32 $0x1C30, s19;
	v44 =	vmul.f32 v35, v18;
	v7 =	vsub.f32 v41, v7  }
0x535: {  	v47 =	vld [tilespmem:s28+$0x8C00];
	v8 =	vmul.f32 v8, v8;
	v12 =	vadd.f32 v42, v13;
	v9 =	vadd.f32 v9, v10  }
0x536: {  	s29 =	sor.u32 $0x1C40, s19;
	v46 =	vmul.f32 v36, v19;
	v6 =	vsub.f32 v43, v6  }
0x537: {  	v49 =	vld [tilespmem:s29+$0x8C00];
	v7 =	vmul.f32 v7, v7;
	v11 =	vadd.f32 v44, v12;
	v8 =	vadd.f32 v8, v9  }
0x538: {  	s30 =	sor.u32 $0x1C50, s19;
	v48 =	vmul.f32 v37, v21;
	v5 =	vsub.f32 v45, v5  }
0x539: {  	v51 =	vld [tilespmem:s30+$0x8C00];
	v6 =	vmul.f32 v6, v6;
	v10 =	vadd.f32 v46, v11;
	v7 =	vadd.f32 v7, v8  }
0x53a: {  	s31 =	sor.u32 $0x1C60, s19;
	v50 =	vmul.f32 v63, v22;
	v4 =	vsub.f32 v47, v4  }
0x53b: {  	v53 =	vld [tilespmem:s31+$0x8C00];
	v5 =	vmul.f32 v5, v5;
	v9 =	vadd.f32 v48, v10;
	v6 =	vadd.f32 v6, v7  }
0x53c: {  	s19 =	sor.u32 $0x1C70, s19;
	v52 =	vmul.f32 v39, v23;
	v3 =	vsub.f32 v49, v3  }
0x53d: {  	v55 =	vld [tilespmem:s19+$0x8C00];
	v4 =	vmul.f32 v4, v4;
	v8 =	vadd.f32 v50, v9;
	v5 =	vadd.f32 v5, v6  }
0x53e: {  	v54 =	vmul.f32 v41, v24;
	v2 =	vsub.f32 v51, v2  }
0x53f: {  	v3 =	vmul.f32 v3, v3;
	v7 =	vadd.f32 v52, v8;
	v4 =	vadd.f32 v4, v5  }
0x540: {  	v56 =	vmul.f32 v43, v25;
	v1 =	vsub.f32 v53, v1  }
0x541: {  	v2 =	vmul.f32 v2, v2;
	v6 =	vadd.f32 v54, v7;
	v3 =	vadd.f32 v3, v4  }
0x542: {  	v57 =	vmul.f32 v45, v26;
	v0 =	vsub.f32 v55, v0  }
0x543: {  	v1 =	vmul.f32 v1, v1;
	v5 =	vadd.f32 v56, v6;
	v2 =	vadd.f32 v2, v3  }
0x544: {  	v59 =	vld [tilespmem:s18+$0x0];
	v58 =	vmul.f32 v47, v27  }
0x545: {  	v0 =	vmul.f32 v0, v0;
	v4 =	vadd.f32 v57, v5;
	v1 =	vadd.f32 v1, v2;
	_ =	sdelay $0x1  }
0x546: {  	v60 =	vmul.f32 v49, v28;
	v3 =	vadd.f32 v58, v4;
	v0 =	vadd.f32 v0, v1;
	_ =	sdelay $0x1  }
0x547: {  	v61 =	vmul.f32 v51, v29;
	v2 =	vadd.f32 v60, v3;
	v0 =	vadd.f32 v0, v59;
	_ =	sdelay $0x1  }
0x548: {  	v62 =	vmul.f32 v53, v31;
	v1 =	vadd.f32 v61, v2;
	[tilespmem:s18+$0x0] =	vst v0  }
0x549: {  	v0 =	vld [tilespmem:s17+$0x0]  }
0x54a: {  	v63 =	vmul.f32 v55, v30;
	v1 =	vadd.f32 v62, v1;
	_ =	sdelay $0x1  }
0x54b: {  	v1 =	vadd.f32 v63, v1;
	_ =	sdelay $0x1  }
0x54c: {  	v0 =	vadd.f32 v0, v1;
	_ =	sdelay $0x1  }
0x54d: {  	[tilespmem:s17+$0x0] =	vst v0  }
0x54e: {  	_ =	swait.ge [sflag:s12], $0x8000  }
0x54f: {  	[sflag:s12] =	ssyncset.done $0x0  }
0x550: {  	[sflag:s12] =	ssyncadd.s32 $0xFFFF8000  }
0x551: {  	[hbm4b:s6+s2] =	stream.linear.scatter [tilespmem:s14], [sflag:$0x3], $0x2000, $0x38;
	[tilespmem:$0x14C00] =	vst v63  }
0x552: {  	s16 =	sadd.s32 $0x1, s16;
	_ =	swait.ge [sflag:s9], $0x2000  }
0x553: {  	p0 =	sne.s32 s16, s8;
	[sflag:s9] =	ssyncset.done $0x0  }
.Ltmp8:
0x554: {  	[sflag:s9] =	ssyncadd.s32 $0xFFFFE000;
	(pc) =	sbr.rel @p0 .LBB2_1-.Ltmp8, $4  }
0x555: {  	[hbm4b:s7+s2] =	stream.linear.scatter [tilespmem:s15], [sflag:$0x3], $0x2000, $0x38;
	[tilespmem:$0x14C00] =	vst v63  }
0x556: {  	_ =	swait.ge [sflag:s9], $0x2000  }
0x557: {  	[sflag:s9] =	ssyncset.done $0x0  }
0x558: {  	[sflag:s9] =	ssyncadd.s32 $0xFFFFE000  }
0x559: {  	_ =	sfence.sel $0x180000  }
0x55a: {  	[bflag:$0x0] =	sbarrier.arrive $0xFFFF  }
0x55b: {  	p0 =	sne.s32 s1, $0x0;
	_ =	strace $0x90000047  }
0x55c: {  	s0 =	sadd.s32 @!p0 $0x100000, s0;
	[bflag:$0x2] =	sbarrier.arrive $0xFFFF  }
0x55d: {  	[sflag:s0] =	ssyncadd.tile.s32 @!p0 $0x1;
	_ =	shalt  }
.Lfunc_end2:
_tile_overlayer_lowered:
.L_overlay_start_2:
0x55e: {  	(tag) =	ssettag $0x2  }
0x55f: {  	s0 =	rddreg [dreg:$0x0];
	s2 =	stileid.u32  }
0x560: {  	s1 =	rddreg [dreg:$0x1];
	p0 =	sne.s32 s2, $0x0  }
0x561: {  	s3 =	rddreg [dreg:$0x2];
	[bflag:$0x3] =	sbarrier.arrive $0xFFFF;
	s2 =	simm.s32 @!p0 $0x1C03  }
0x562: {  	[timem:s3], [sflag:s2] =	dma.local @!p0 [hbm:s0], s1  }
0x563: {  	s0 =	simm.s32 @!p0 $0x3  }
0x564: {  	_ =	swait.ge @!p0 [sflag:s0], s1  }
0x565: {  	s1 =	ssub.s32 @!p0 $0x0, s1;
	[sflag:s0] =	ssyncset.done @!p0 $0x0  }
0x566: {  	[sflag:s0] =	ssyncadd.s32 @!p0 s1  }
0x567: {  	[bflag:$0x3] =	sbarrier.arrive $0xFFFF  }
0x568: {  	_ =	shalt  }

</sc_bundles>
